<compile_context>
chip_gen: v7x
topology: tpu7x:2x2x1
jax: 0.10.2.dev20260603
libtpu: 0.0.44.dev20260713+nightly
codegen_flags: <defaults>
</compile_context>

<pallas_src>
import jax
import jax.numpy as jnp
from jax import lax
from jax.experimental import pallas as pl
from jax.experimental.pallas import tpu as pltpu
from jax.experimental.pallas import tpu_sc as plsc

VOCAB = 1000000
EMB = 64
OUT = 64
B = 4096
L = 200

NC = 2
NS = 16
NW = NC * NS
E_PER_W = B // NW
IDX_PER_W = E_PER_W * L
LPAD = 224

SLOT = 512000
CROWS = SLOT
PBLK = 4096
NBLK = SLOT // PBLK

CHUNKS = ((0, 120), (120, 80))
UNROLL = 8
NSLICE = (L + 15) // 16

MASK_HI = -65536
ROUND = 0x8000


def _widen_body(t0, t1, w_ref, o_ref):
    dn = (((0,), (0,)), ((), ()))
    p0 = lax.dot_general(t0[...], w_ref[...], dn,
                         preferred_element_type=jnp.float32)
    p1 = lax.dot_general(t1[...], w_ref[...], dn,
                         preferred_element_type=jnp.float32)
    o_ref[...] = jnp.concatenate([p0, p1], axis=1)


def _widen(table_t, W):
    in_specs = [
        pl.BlockSpec((EMB, PBLK),
                     (lambda s: lambda i: (0, jnp.minimum(i + s * NBLK,
                                                          VOCAB // PBLK)))(s))
        for s in range(2)
    ] + [pl.BlockSpec((EMB, OUT), lambda i: (0, 0))]
    return pl.pallas_call(
        _widen_body,
        grid=(NBLK,),
        in_specs=in_specs,
        out_specs=pl.BlockSpec((PBLK, 2 * EMB), lambda i: (i, 0)),
        out_shape=jax.ShapeDtypeStruct((CROWS, 2 * EMB), jnp.float32),
    )(table_t, table_t, W)


def _pool_body(x_hbm, t2_hbm, b_hbm, out_hbm, idx_v, pidx0_v, pidx1_v,
               rows_v, pooled_v, b_v, sem0, sem1):
    c = lax.axis_index("c")
    s = lax.axis_index("s")
    wid = s * NC + c
    base_e = wid * E_PER_W
    sems = (sem0, sem1)
    pidxs = (pidx0_v, pidx1_v)
    last = jnp.int32(E_PER_W - 1)
    lanes = lax.iota(jnp.int32, 16)
    tail_valid = lanes < (L - (NSLICE - 1) * 16)

    pltpu.sync_copy(x_hbm.at[pl.ds(base_e * L, IDX_PER_W)],
                    idx_v.at[pl.ds(0, IDX_PER_W)])
    pltpu.sync_copy(b_hbm, b_v)

    def prep(e, buf):
        ebase = e * L
        ptr = jnp.zeros((16,), jnp.int32)
        n1 = jnp.int32(0)
        dst = pidxs[buf]
        for want in range(2):
            for u in range(NSLICE):
                v = idx_v[pl.ds(ebase + u * 16, 16)]
                hi = v >= SLOT
                h = jnp.where(hi, v - SLOT, v)
                m = hi if want else jnp.logical_not(hi)
                if u == NSLICE - 1:
                    m = jnp.logical_and(m, tail_valid)
                pos = ptr + plsc.cumsum(m.astype(jnp.int32)) - 1
                plsc.store_scatter(dst, [pos], h, mask=m)
                ptr = ptr + plsc.all_reduce_population_count(m)
            if want == 0:
                n1 = ptr[0]
        return (n1,)

    def copies(buf):
        return [
            pltpu.make_async_copy(
                t2_hbm.at[pidxs[buf].at[pl.ds(off, n)]],
                rows_v.at[buf].at[pl.ds(off, n)],
                sems[buf],
            )
            for off, n in CHUNKS
        ]

    def fire(buf):
        for cp in copies(buf):
            cp.start()

    def wait(buf):
        for cp in copies(buf):
            cp.wait()

    def reduce_into(e, buf, cuts):
        (n1,) = cuts

        def red(i, accs):
            r = i * UNROLL
            out = list(accs)
            for rr in range(UNROLL):
                rg = r + rr
                off = jnp.where(rg < n1, 0, EMB)
                for j in range(4):
                    out[j] = out[j] + rows_v[buf, rg,
                                             pl.ds(off + j * 16, 16)]
            return tuple(out)

        z = jnp.zeros((16,), jnp.float32)
        acc = lax.fori_loop(0, L // UNROLL, red, (z,) * 4, unroll=1)
        scale = jnp.float32(1.0 / L)
        for j in range(4):
            pooled_v[e, pl.ds(j * 16, 16)] = (acc[j] * scale
                                              + b_v[pl.ds(j * 16, 16)])

    cuts0 = prep(jnp.int32(0), 0)
    fire(0)
    cuts1 = prep(jnp.int32(1), 1)
    fire(1)

    def pair(i, carry):
        cuts0 = carry[0:1]
        cuts1 = carry[1:2]
        e0 = 2 * i
        wait(0)
        reduce_into(e0, 0, cuts0)
        cuts0n = prep(jnp.minimum(e0 + 2, last), 0)
        fire(0)
        wait(1)
        reduce_into(e0 + 1, 1, cuts1)
        cuts1n = prep(jnp.minimum(e0 + 3, last), 1)
        fire(1)
        return cuts0n + cuts1n

    lax.fori_loop(0, E_PER_W // 2, pair, cuts0 + cuts1)
    wait(0)
    wait(1)
    pltpu.sync_copy(pooled_v, out_hbm.at[pl.ds(base_e, E_PER_W)])


@jax.jit
def _pool(x_flat, table2, b):
    mesh = plsc.VectorSubcoreMesh(core_axis_name="c", subcore_axis_name="s")
    return pl.kernel(
        _pool_body,
        out_type=jax.ShapeDtypeStruct((B, EMB), jnp.float32),
        mesh=mesh,
        scratch_types=[
            pltpu.VMEM((IDX_PER_W + 16,), jnp.int32),
            pltpu.VMEM((LPAD,), jnp.int32),
            pltpu.VMEM((LPAD,), jnp.int32),
            pltpu.VMEM((2, L, 2 * EMB), jnp.float32),
            pltpu.VMEM((E_PER_W, EMB), jnp.float32),
            pltpu.VMEM((EMB,), jnp.float32),
            pltpu.SemaphoreType.DMA,
            pltpu.SemaphoreType.DMA,
        ],
        compiler_params=pltpu.CompilerParams(needs_layout_passes=False),
    )(x_flat, table2, b)


def kernel(x, table, W, b):
    x_flat = x.reshape(-1).astype(jnp.int32)
    table2 = _widen(table.T, W)
    return _pool(x_flat, table2, b)

# --- scband reference (transcript-rebuilt; emitter-appended) ---
"""Pipeline reference for scband-my-model-23124103922183 (READ-ONLY COPY).

The authoritative reference and input builder live on the scoring server;
editing this copy changes nothing except your own understanding.
"""

import jax, jax.numpy as jnp
import numpy as np

VOCAB = 1000000
EMB = 64
OUT = 64
B = 4096
L = 200

def setup_inputs(seed: int = 0) -> dict:
    key = jax.random.key(seed)
    k1, k2, k3, k4 = jax.random.split(key, 4)
    x = jax.random.randint(k1, (B, L), 0, VOCAB, dtype=jnp.int64) if jax.config.jax_enable_x64 else jax.random.randint(k1, (B, L), 0, VOCAB, dtype=jnp.int32)
    table = jax.random.normal(k2, (VOCAB, EMB), dtype=jnp.float32)
    W = jax.random.normal(k3, (EMB, OUT), dtype=jnp.float32) * (1.0 / np.sqrt(EMB))
    b = jax.random.normal(k4, (OUT,), dtype=jnp.float32) * 0.01
    return {"x": x, "table": table, "W": W, "b": b}

def reference(x, table, W, b):
    # embedding lookup: gather rows of table
    embedded = jnp.take(table, x, axis=0)          # [B, L, EMB]
    pooled = jnp.mean(embedded, axis=1)             # [B, EMB]
    output = pooled @ W + b                          # [B, OUT]
    return output

if __name__ == "__main__":
    import jax
    _d = setup_inputs()
    print(jax.jit(kernel)(*tuple(_d.values())))

</pallas_src>

<mosaic_0001>
#map = affine_map<(d0, d1) -> (0)>
#map1 = affine_map<(d0, d1) -> (0, 0)>
module attributes {stable_mosaic.version = 14 : i64} {
  func.func @_pool_body(%arg0: i32, %arg1: i32, %arg2: memref<819200xi32, #tpu.memory_space<hbm>>, %arg3: memref<512000x128xf32, #tpu.memory_space<hbm>>, %arg4: memref<64xf32, #tpu.memory_space<hbm>>, %arg5: memref<4096x64xf32, #tpu.memory_space<hbm>>, %arg6: memref<25616xi32, #tpu.memory_space<vmem>>, %arg7: memref<224xi32, #tpu.memory_space<vmem>>, %arg8: memref<224xi32, #tpu.memory_space<vmem>>, %arg9: memref<2x200x128xf32, #tpu.memory_space<vmem>>, %arg10: memref<128x64xf32, #tpu.memory_space<vmem>>, %arg11: memref<64xf32, #tpu.memory_space<vmem>>, %arg12: memref<!tpu.dma_semaphore, #tpu.memory_space<semaphore_mem>>, %arg13: memref<!tpu.dma_semaphore, #tpu.memory_space<semaphore_mem>>) attributes {dimension_semantics = [#tpu.dimension_semantics<core_parallel>, #tpu.dimension_semantics<subcore_parallel>], iteration_bounds = array<i64: 2, 16>, scalar_prefetch = 0 : i64, scratch_operands = 8 : i64, tpu.core_type = #tpu.core_type<sc_vector_subcore>, window_params = [{transform_indices = #map}, {transform_indices = #map1}, {transform_indices = #map}, {transform_indices = #map1}]} {
    %mul3A = arith.constant 2 : i32
    %mul3A_0 = arith.muli %arg1, %mul3A : i32
    %add3A = arith.addi %mul3A_0, %arg0 : i32
    %mul3A_1 = arith.constant 128 : i32
    %mul3A_2 = arith.muli %add3A, %mul3A_1 : i32
    %iota3A = tpu.iota {dimensions = array<i32: 0>} : vector<16xi32>
    %lt3A = arith.constant 8 : i32
    %lt3A_3 = vector.broadcast %lt3A : i32 to vector<16xi32>
    %lt3A_4 = arith.cmpi slt, %iota3A, %lt3A_3 : vector<16xi32>
    %mul3A_5 = arith.constant 200 : i32
    %mul3A_6 = arith.muli %mul3A_2, %mul3A_5 : i32
    "tpu.region"() ({
      %run_scoped3A = tpu.sem_alloc : memref<!tpu.dma_semaphore, #tpu.memory_space<semaphore_mem>>
      %dma_start3A_1265 = arith.constant 0 : i32
      %dma_start3A_1266 = tpu.memref_slice %arg6[%dma_start3A_1265] : memref<25616xi32, #tpu.memory_space<vmem>> -> memref<25600xi32, #tpu.memory_space<vmem>>
      %dma_start3A_1267 = tpu.memref_slice %arg2[%mul3A_6] : memref<819200xi32, #tpu.memory_space<hbm>> -> memref<25600xi32, #tpu.memory_space<hbm>>
      %dma_start3A_1268 = arith.constant 0 : i32
      %dma_start3A_1269 = tpu.memref_slice %arg6[%dma_start3A_1268] : memref<25616xi32, #tpu.memory_space<vmem>> -> memref<25600xi32, #tpu.memory_space<vmem>>
      %dma_start3A_1270 = tpu.memref_slice %arg2[%mul3A_6] : memref<819200xi32, #tpu.memory_space<hbm>> -> memref<25600xi32, #tpu.memory_space<hbm>>
      tpu.enqueue_dma source(%dma_start3A_1270 : memref<25600xi32, #tpu.memory_space<hbm>>) target(%dma_start3A_1269 : memref<25600xi32, #tpu.memory_space<vmem>>) target_semaphore(%run_scoped3A : memref<!tpu.dma_semaphore, #tpu.memory_space<semaphore_mem>>)
      %dma_wait3A_1271 = arith.constant 0 : i32
      %dma_wait3A_1272 = tpu.memref_slice %arg6[%dma_wait3A_1271] : memref<25616xi32, #tpu.memory_space<vmem>> -> memref<25600xi32, #tpu.memory_space<vmem>>
      %dma_wait3A_1273 = tpu.memref_slice %arg2[%mul3A_6] : memref<819200xi32, #tpu.memory_space<hbm>> -> memref<25600xi32, #tpu.memory_space<hbm>>
      %dma_wait3A_1274 = arith.constant 0 : i32
      %dma_wait3A_1275 = tpu.memref_slice %arg6[%dma_wait3A_1274] : memref<25616xi32, #tpu.memory_space<vmem>> -> memref<25600xi32, #tpu.memory_space<vmem>>
      %dma_wait3A_1276 = tpu.memref_slice %arg2[%mul3A_6] : memref<819200xi32, #tpu.memory_space<hbm>> -> memref<25600xi32, #tpu.memory_space<hbm>>
      tpu.wait_dma2 semaphore(%run_scoped3A : memref<!tpu.dma_semaphore, #tpu.memory_space<semaphore_mem>>) src(%dma_wait3A_1276 : memref<25600xi32, #tpu.memory_space<hbm>>) dst(%dma_wait3A_1275 : memref<25600xi32, #tpu.memory_space<vmem>>)
      tpu.yield
    }) : () -> ()
    "tpu.region"() ({
      %run_scoped3A = tpu.sem_alloc : memref<!tpu.dma_semaphore, #tpu.memory_space<semaphore_mem>>
      tpu.enqueue_dma source(%arg4 : memref<64xf32, #tpu.memory_space<hbm>>) target(%arg11 : memref<64xf32, #tpu.memory_space<vmem>>) target_semaphore(%run_scoped3A : memref<!tpu.dma_semaphore, #tpu.memory_space<semaphore_mem>>)
      tpu.wait_dma2 semaphore(%run_scoped3A : memref<!tpu.dma_semaphore, #tpu.memory_space<semaphore_mem>>) src(%arg4 : memref<64xf32, #tpu.memory_space<hbm>>) dst(%arg11 : memref<64xf32, #tpu.memory_space<vmem>>)
      tpu.yield
    }) : () -> ()
    %mul3A_7 = arith.constant 0 : i32
    %mul3A_8 = arith.constant 200 : i32
    %mul3A_9 = arith.muli %mul3A_7, %mul3A_8 : i32
    %broadcast_in_dim3A = arith.constant 0 : i32
    %broadcast_in_dim3A_10 = vector.broadcast %broadcast_in_dim3A : i32 to vector<16xi32>
    %add3A_11 = arith.constant 0 : i32
    %add3A_12 = arith.addi %mul3A_9, %add3A_11 : i32
    %get3A = arith.index_cast %add3A_12 : i32 to index
    %get3A_13 = tpu.vector_load %arg6[%get3A] {strides = array<i32>} : memref<25616xi32, #tpu.memory_space<vmem>>, vector<16xi32>,
    %ge3A = arith.constant 512000 : i32
    %ge3A_14 = vector.broadcast %ge3A : i32 to vector<16xi32>
    %ge3A_15 = arith.cmpi sge, %get3A_13, %ge3A_14 : vector<16xi32>
    %sub3A = arith.constant 512000 : i32
    %sub3A_16 = vector.broadcast %sub3A : i32 to vector<16xi32>
    %sub3A_17 = arith.subi %get3A_13, %sub3A_16 : vector<16xi32>
    %select_n3A = arith.select %ge3A_15, %sub3A_17, %get3A_13 : vector<16xi1>, vector<16xi32>
    %not3A = arith.constant dense<true> : vector<16xi1>
    %not3A_18 = arith.xori %ge3A_15, %not3A : vector<16xi1>
    %convert_element_type3A = arith.extui %not3A_18 : vector<16xi1> to vector<16xi32>
    %broadcast_in_dim3A_19 = arith.constant true
    %broadcast_in_dim3A_20 = vector.broadcast %broadcast_in_dim3A_19 : i1 to vector<16xi1>
    %masked_cumsum3A = tpu.scan <sum>, %convert_element_type3A masked %broadcast_in_dim3A_20 : vector<16xi32>, vector<16xi1> -> vector<16xi32>
    %add3A_21 = arith.addi %broadcast_in_dim3A_10, %masked_cumsum3A : vector<16xi32>
    %sub3A_22 = arith.constant 1 : i32
    %sub3A_23 = vector.broadcast %sub3A_22 : i32 to vector<16xi32>
    %sub3A_24 = arith.subi %add3A_21, %sub3A_23 : vector<16xi32>
    tpu.vector_store_idx %arg7[%sub3A_24], %select_n3A masked %not3A_18 : memref<224xi32, #tpu.memory_space<vmem>>[vector<16xi32>], vector<16xi32>, vector<16xi1>
    %all_reduce_population_count3A = tpu.all_reduce %not3A_18 {dim = 0 : i64, kind = #tpu.reduction_kind<sum>} : vector<16xi1> -> vector<16xi32>
    %add3A_25 = arith.addi %broadcast_in_dim3A_10, %all_reduce_population_count3A : vector<16xi32>
    %add3A_26 = arith.constant 16 : i32
    %add3A_27 = arith.addi %mul3A_9, %add3A_26 : i32
    %get3A_28 = arith.index_cast %add3A_27 : i32 to index
    %get3A_29 = tpu.vector_load %arg6[%get3A_28] {strides = array<i32>} : memref<25616xi32, #tpu.memory_space<vmem>>, vector<16xi32>,
    %ge3A_30 = arith.constant 512000 : i32
    %ge3A_31 = vector.broadcast %ge3A_30 : i32 to vector<16xi32>
    %ge3A_32 = arith.cmpi sge, %get3A_29, %ge3A_31 : vector<16xi32>
    %sub3A_33 = arith.constant 512000 : i32
    %sub3A_34 = vector.broadcast %sub3A_33 : i32 to vector<16xi32>
    %sub3A_35 = arith.subi %get3A_29, %sub3A_34 : vector<16xi32>
    %select_n3A_36 = arith.select %ge3A_32, %sub3A_35, %get3A_29 : vector<16xi1>, vector<16xi32>
    %not3A_37 = arith.constant dense<true> : vector<16xi1>
    %not3A_38 = arith.xori %ge3A_32, %not3A_37 : vector<16xi1>
    %convert_element_type3A_39 = arith.extui %not3A_38 : vector<16xi1> to vector<16xi32>
    %broadcast_in_dim3A_40 = arith.constant true
    %broadcast_in_dim3A_41 = vector.broadcast %broadcast_in_dim3A_40 : i1 to vector<16xi1>
    %masked_cumsum3A_42 = tpu.scan <sum>, %convert_element_type3A_39 masked %broadcast_in_dim3A_41 : vector<16xi32>, vector<16xi1> -> vector<16xi32>
    %add3A_43 = arith.addi %add3A_25, %masked_cumsum3A_42 : vector<16xi32>
    %sub3A_44 = arith.constant 1 : i32
    %sub3A_45 = vector.broadcast %sub3A_44 : i32 to vector<16xi32>
    %sub3A_46 = arith.subi %add3A_43, %sub3A_45 : vector<16xi32>
    tpu.vector_store_idx %arg7[%sub3A_46], %select_n3A_36 masked %not3A_38 : memref<224xi32, #tpu.memory_space<vmem>>[vector<16xi32>], vector<16xi32>, vector<16xi1>
    %all_reduce_population_count3A_47 = tpu.all_reduce %not3A_38 {dim = 0 : i64, kind = #tpu.reduction_kind<sum>} : vector<16xi1> -> vector<16xi32>
    %add3A_48 = arith.addi %add3A_25, %all_reduce_population_count3A_47 : vector<16xi32>
    %add3A_49 = arith.constant 32 : i32
    %add3A_50 = arith.addi %mul3A_9, %add3A_49 : i32
    %get3A_51 = arith.index_cast %add3A_50 : i32 to index
    %get3A_52 = tpu.vector_load %arg6[%get3A_51] {strides = array<i32>} : memref<25616xi32, #tpu.memory_space<vmem>>, vector<16xi32>,
    %ge3A_53 = arith.constant 512000 : i32
    %ge3A_54 = vector.broadcast %ge3A_53 : i32 to vector<16xi32>
    %ge3A_55 = arith.cmpi sge, %get3A_52, %ge3A_54 : vector<16xi32>
    %sub3A_56 = arith.constant 512000 : i32
    %sub3A_57 = vector.broadcast %sub3A_56 : i32 to vector<16xi32>
    %sub3A_58 = arith.subi %get3A_52, %sub3A_57 : vector<16xi32>
    %select_n3A_59 = arith.select %ge3A_55, %sub3A_58, %get3A_52 : vector<16xi1>, vector<16xi32>
    %not3A_60 = arith.constant dense<true> : vector<16xi1>
    %not3A_61 = arith.xori %ge3A_55, %not3A_60 : vector<16xi1>
    %convert_element_type3A_62 = arith.extui %not3A_61 : vector<16xi1> to vector<16xi32>
    %broadcast_in_dim3A_63 = arith.constant true
    %broadcast_in_dim3A_64 = vector.broadcast %broadcast_in_dim3A_63 : i1 to vector<16xi1>
    %masked_cumsum3A_65 = tpu.scan <sum>, %convert_element_type3A_62 masked %broadcast_in_dim3A_64 : vector<16xi32>, vector<16xi1> -> vector<16xi32>
    %add3A_66 = arith.addi %add3A_48, %masked_cumsum3A_65 : vector<16xi32>
    %sub3A_67 = arith.constant 1 : i32
    %sub3A_68 = vector.broadcast %sub3A_67 : i32 to vector<16xi32>
    %sub3A_69 = arith.subi %add3A_66, %sub3A_68 : vector<16xi32>
    tpu.vector_store_idx %arg7[%sub3A_69], %select_n3A_59 masked %not3A_61 : memref<224xi32, #tpu.memory_space<vmem>>[vector<16xi32>], vector<16xi32>, vector<16xi1>
    %all_reduce_population_count3A_70 = tpu.all_reduce %not3A_61 {dim = 0 : i64, kind = #tpu.reduction_kind<sum>} : vector<16xi1> -> vector<16xi32>
    %add3A_71 = arith.addi %add3A_48, %all_reduce_population_count3A_70 : vector<16xi32>
    %add3A_72 = arith.constant 48 : i32
    %add3A_73 = arith.addi %mul3A_9, %add3A_72 : i32
    %get3A_74 = arith.index_cast %add3A_73 : i32 to index
    %get3A_75 = tpu.vector_load %arg6[%get3A_74] {strides = array<i32>} : memref<25616xi32, #tpu.memory_space<vmem>>, vector<16xi32>,
    %ge3A_76 = arith.constant 512000 : i32
    %ge3A_77 = vector.broadcast %ge3A_76 : i32 to vector<16xi32>
    %ge3A_78 = arith.cmpi sge, %get3A_75, %ge3A_77 : vector<16xi32>
    %sub3A_79 = arith.constant 512000 : i32
    %sub3A_80 = vector.broadcast %sub3A_79 : i32 to vector<16xi32>
    %sub3A_81 = arith.subi %get3A_75, %sub3A_80 : vector<16xi32>
    %select_n3A_82 = arith.select %ge3A_78, %sub3A_81, %get3A_75 : vector<16xi1>, vector<16xi32>
    %not3A_83 = arith.constant dense<true> : vector<16xi1>
    %not3A_84 = arith.xori %ge3A_78, %not3A_83 : vector<16xi1>
    %convert_element_type3A_85 = arith.extui %not3A_84 : vector<16xi1> to vector<16xi32>
    %broadcast_in_dim3A_86 = arith.constant true
    %broadcast_in_dim3A_87 = vector.broadcast %broadcast_in_dim3A_86 : i1 to vector<16xi1>
    %masked_cumsum3A_88 = tpu.scan <sum>, %convert_element_type3A_85 masked %broadcast_in_dim3A_87 : vector<16xi32>, vector<16xi1> -> vector<16xi32>
    %add3A_89 = arith.addi %add3A_71, %masked_cumsum3A_88 : vector<16xi32>
    %sub3A_90 = arith.constant 1 : i32
    %sub3A_91 = vector.broadcast %sub3A_90 : i32 to vector<16xi32>
    %sub3A_92 = arith.subi %add3A_89, %sub3A_91 : vector<16xi32>
    tpu.vector_store_idx %arg7[%sub3A_92], %select_n3A_82 masked %not3A_84 : memref<224xi32, #tpu.memory_space<vmem>>[vector<16xi32>], vector<16xi32>, vector<16xi1>
    %all_reduce_population_count3A_93 = tpu.all_reduce %not3A_84 {dim = 0 : i64, kind = #tpu.reduction_kind<sum>} : vector<16xi1> -> vector<16xi32>
    %add3A_94 = arith.addi %add3A_71, %all_reduce_population_count3A_93 : vector<16xi32>
    %add3A_95 = arith.constant 64 : i32
    %add3A_96 = arith.addi %mul3A_9, %add3A_95 : i32
    %get3A_97 = arith.index_cast %add3A_96 : i32 to index
    %get3A_98 = tpu.vector_load %arg6[%get3A_97] {strides = array<i32>} : memref<25616xi32, #tpu.memory_space<vmem>>, vector<16xi32>,
    %ge3A_99 = arith.constant 512000 : i32
    %ge3A_100 = vector.broadcast %ge3A_99 : i32 to vector<16xi32>
    %ge3A_101 = arith.cmpi sge, %get3A_98, %ge3A_100 : vector<16xi32>
    %sub3A_102 = arith.constant 512000 : i32
    %sub3A_103 = vector.broadcast %sub3A_102 : i32 to vector<16xi32>
    %sub3A_104 = arith.subi %get3A_98, %sub3A_103 : vector<16xi32>
    %select_n3A_105 = arith.select %ge3A_101, %sub3A_104, %get3A_98 : vector<16xi1>, vector<16xi32>
    %not3A_106 = arith.constant dense<true> : vector<16xi1>
    %not3A_107 = arith.xori %ge3A_101, %not3A_106 : vector<16xi1>
    %convert_element_type3A_108 = arith.extui %not3A_107 : vector<16xi1> to vector<16xi32>
    %broadcast_in_dim3A_109 = arith.constant true
    %broadcast_in_dim3A_110 = vector.broadcast %broadcast_in_dim3A_109 : i1 to vector<16xi1>
    %masked_cumsum3A_111 = tpu.scan <sum>, %convert_element_type3A_108 masked %broadcast_in_dim3A_110 : vector<16xi32>, vector<16xi1> -> vector<16xi32>
    %add3A_112 = arith.addi %add3A_94, %masked_cumsum3A_111 : vector<16xi32>
    %sub3A_113 = arith.constant 1 : i32
    %sub3A_114 = vector.broadcast %sub3A_113 : i32 to vector<16xi32>
    %sub3A_115 = arith.subi %add3A_112, %sub3A_114 : vector<16xi32>
    tpu.vector_store_idx %arg7[%sub3A_115], %select_n3A_105 masked %not3A_107 : memref<224xi32, #tpu.memory_space<vmem>>[vector<16xi32>], vector<16xi32>, vector<16xi1>
    %all_reduce_population_count3A_116 = tpu.all_reduce %not3A_107 {dim = 0 : i64, kind = #tpu.reduction_kind<sum>} : vector<16xi1> -> vector<16xi32>
    %add3A_117 = arith.addi %add3A_94, %all_reduce_population_count3A_116 : vector<16xi32>
    %add3A_118 = arith.constant 80 : i32
    %add3A_119 = arith.addi %mul3A_9, %add3A_118 : i32
    %get3A_120 = arith.index_cast %add3A_119 : i32 to index
    %get3A_121 = tpu.vector_load %arg6[%get3A_120] {strides = array<i32>} : memref<25616xi32, #tpu.memory_space<vmem>>, vector<16xi32>,
    %ge3A_122 = arith.constant 512000 : i32
    %ge3A_123 = vector.broadcast %ge3A_122 : i32 to vector<16xi32>
    %ge3A_124 = arith.cmpi sge, %get3A_121, %ge3A_123 : vector<16xi32>
    %sub3A_125 = arith.constant 512000 : i32
    %sub3A_126 = vector.broadcast %sub3A_125 : i32 to vector<16xi32>
    %sub3A_127 = arith.subi %get3A_121, %sub3A_126 : vector<16xi32>
    %select_n3A_128 = arith.select %ge3A_124, %sub3A_127, %get3A_121 : vector<16xi1>, vector<16xi32>
    %not3A_129 = arith.constant dense<true> : vector<16xi1>
    %not3A_130 = arith.xori %ge3A_124, %not3A_129 : vector<16xi1>
    %convert_element_type3A_131 = arith.extui %not3A_130 : vector<16xi1> to vector<16xi32>
    %broadcast_in_dim3A_132 = arith.constant true
    %broadcast_in_dim3A_133 = vector.broadcast %broadcast_in_dim3A_132 : i1 to vector<16xi1>
    %masked_cumsum3A_134 = tpu.scan <sum>, %convert_element_type3A_131 masked %broadcast_in_dim3A_133 : vector<16xi32>, vector<16xi1> -> vector<16xi32>
    %add3A_135 = arith.addi %add3A_117, %masked_cumsum3A_134 : vector<16xi32>
    %sub3A_136 = arith.constant 1 : i32
    %sub3A_137 = vector.broadcast %sub3A_136 : i32 to vector<16xi32>
    %sub3A_138 = arith.subi %add3A_135, %sub3A_137 : vector<16xi32>
    tpu.vector_store_idx %arg7[%sub3A_138], %select_n3A_128 masked %not3A_130 : memref<224xi32, #tpu.memory_space<vmem>>[vector<16xi32>], vector<16xi32>, vector<16xi1>
    %all_reduce_population_count3A_139 = tpu.all_reduce %not3A_130 {dim = 0 : i64, kind = #tpu.reduction_kind<sum>} : vector<16xi1> -> vector<16xi32>
    %add3A_140 = arith.addi %add3A_117, %all_reduce_population_count3A_139 : vector<16xi32>
    %add3A_141 = arith.constant 96 : i32
    %add3A_142 = arith.addi %mul3A_9, %add3A_141 : i32
    %get3A_143 = arith.index_cast %add3A_142 : i32 to index
    %get3A_144 = tpu.vector_load %arg6[%get3A_143] {strides = array<i32>} : memref<25616xi32, #tpu.memory_space<vmem>>, vector<16xi32>,
    %ge3A_145 = arith.constant 512000 : i32
    %ge3A_146 = vector.broadcast %ge3A_145 : i32 to vector<16xi32>
    %ge3A_147 = arith.cmpi sge, %get3A_144, %ge3A_146 : vector<16xi32>
    %sub3A_148 = arith.constant 512000 : i32
    %sub3A_149 = vector.broadcast %sub3A_148 : i32 to vector<16xi32>
    %sub3A_150 = arith.subi %get3A_144, %sub3A_149 : vector<16xi32>
    %select_n3A_151 = arith.select %ge3A_147, %sub3A_150, %get3A_144 : vector<16xi1>, vector<16xi32>
    %not3A_152 = arith.constant dense<true> : vector<16xi1>
    %not3A_153 = arith.xori %ge3A_147, %not3A_152 : vector<16xi1>
    %convert_element_type3A_154 = arith.extui %not3A_153 : vector<16xi1> to vector<16xi32>
    %broadcast_in_dim3A_155 = arith.constant true
    %broadcast_in_dim3A_156 = vector.broadcast %broadcast_in_dim3A_155 : i1 to vector<16xi1>
    %masked_cumsum3A_157 = tpu.scan <sum>, %convert_element_type3A_154 masked %broadcast_in_dim3A_156 : vector<16xi32>, vector<16xi1> -> vector<16xi32>
    %add3A_158 = arith.addi %add3A_140, %masked_cumsum3A_157 : vector<16xi32>
    %sub3A_159 = arith.constant 1 : i32
    %sub3A_160 = vector.broadcast %sub3A_159 : i32 to vector<16xi32>
    %sub3A_161 = arith.subi %add3A_158, %sub3A_160 : vector<16xi32>
    tpu.vector_store_idx %arg7[%sub3A_161], %select_n3A_151 masked %not3A_153 : memref<224xi32, #tpu.memory_space<vmem>>[vector<16xi32>], vector<16xi32>, vector<16xi1>
    %all_reduce_population_count3A_162 = tpu.all_reduce %not3A_153 {dim = 0 : i64, kind = #tpu.reduction_kind<sum>} : vector<16xi1> -> vector<16xi32>
    %add3A_163 = arith.addi %add3A_140, %all_reduce_population_count3A_162 : vector<16xi32>
    %add3A_164 = arith.constant 112 : i32
    %add3A_165 = arith.addi %mul3A_9, %add3A_164 : i32
    %get3A_166 = arith.index_cast %add3A_165 : i32 to index
    %get3A_167 = tpu.vector_load %arg6[%get3A_166] {strides = array<i32>} : memref<25616xi32, #tpu.memory_space<vmem>>, vector<16xi32>,
    %ge3A_168 = arith.constant 512000 : i32
    %ge3A_169 = vector.broadcast %ge3A_168 : i32 to vector<16xi32>
    %ge3A_170 = arith.cmpi sge, %get3A_167, %ge3A_169 : vector<16xi32>
    %sub3A_171 = arith.constant 512000 : i32
    %sub3A_172 = vector.broadcast %sub3A_171 : i32 to vector<16xi32>
    %sub3A_173 = arith.subi %get3A_167, %sub3A_172 : vector<16xi32>
    %select_n3A_174 = arith.select %ge3A_170, %sub3A_173, %get3A_167 : vector<16xi1>, vector<16xi32>
    %not3A_175 = arith.constant dense<true> : vector<16xi1>
    %not3A_176 = arith.xori %ge3A_170, %not3A_175 : vector<16xi1>
    %convert_element_type3A_177 = arith.extui %not3A_176 : vector<16xi1> to vector<16xi32>
    %broadcast_in_dim3A_178 = arith.constant true
    %broadcast_in_dim3A_179 = vector.broadcast %broadcast_in_dim3A_178 : i1 to vector<16xi1>
    %masked_cumsum3A_180 = tpu.scan <sum>, %convert_element_type3A_177 masked %broadcast_in_dim3A_179 : vector<16xi32>, vector<16xi1> -> vector<16xi32>
    %add3A_181 = arith.addi %add3A_163, %masked_cumsum3A_180 : vector<16xi32>
    %sub3A_182 = arith.constant 1 : i32
    %sub3A_183 = vector.broadcast %sub3A_182 : i32 to vector<16xi32>
    %sub3A_184 = arith.subi %add3A_181, %sub3A_183 : vector<16xi32>
    tpu.vector_store_idx %arg7[%sub3A_184], %select_n3A_174 masked %not3A_176 : memref<224xi32, #tpu.memory_space<vmem>>[vector<16xi32>], vector<16xi32>, vector<16xi1>
    %all_reduce_population_count3A_185 = tpu.all_reduce %not3A_176 {dim = 0 : i64, kind = #tpu.reduction_kind<sum>} : vector<16xi1> -> vector<16xi32>
    %add3A_186 = arith.addi %add3A_163, %all_reduce_population_count3A_185 : vector<16xi32>
    %add3A_187 = arith.constant 128 : i32
    %add3A_188 = arith.addi %mul3A_9, %add3A_187 : i32
    %get3A_189 = arith.index_cast %add3A_188 : i32 to index
    %get3A_190 = tpu.vector_load %arg6[%get3A_189] {strides = array<i32>} : memref<25616xi32, #tpu.memory_space<vmem>>, vector<16xi32>,
    %ge3A_191 = arith.constant 512000 : i32
    %ge3A_192 = vector.broadcast %ge3A_191 : i32 to vector<16xi32>
    %ge3A_193 = arith.cmpi sge, %get3A_190, %ge3A_192 : vector<16xi32>
    %sub3A_194 = arith.constant 512000 : i32
    %sub3A_195 = vector.broadcast %sub3A_194 : i32 to vector<16xi32>
    %sub3A_196 = arith.subi %get3A_190, %sub3A_195 : vector<16xi32>
    %select_n3A_197 = arith.select %ge3A_193, %sub3A_196, %get3A_190 : vector<16xi1>, vector<16xi32>
    %not3A_198 = arith.constant dense<true> : vector<16xi1>
    %not3A_199 = arith.xori %ge3A_193, %not3A_198 : vector<16xi1>
    %convert_element_type3A_200 = arith.extui %not3A_199 : vector<16xi1> to vector<16xi32>
    %broadcast_in_dim3A_201 = arith.constant true
    %broadcast_in_dim3A_202 = vector.broadcast %broadcast_in_dim3A_201 : i1 to vector<16xi1>
    %masked_cumsum3A_203 = tpu.scan <sum>, %convert_element_type3A_200 masked %broadcast_in_dim3A_202 : vector<16xi32>, vector<16xi1> -> vector<16xi32>
    %add3A_204 = arith.addi %add3A_186, %masked_cumsum3A_203 : vector<16xi32>
    %sub3A_205 = arith.constant 1 : i32
    %sub3A_206 = vector.broadcast %sub3A_205 : i32 to vector<16xi32>
    %sub3A_207 = arith.subi %add3A_204, %sub3A_206 : vector<16xi32>
    tpu.vector_store_idx %arg7[%sub3A_207], %select_n3A_197 masked %not3A_199 : memref<224xi32, #tpu.memory_space<vmem>>[vector<16xi32>], vector<16xi32>, vector<16xi1>
    %all_reduce_population_count3A_208 = tpu.all_reduce %not3A_199 {dim = 0 : i64, kind = #tpu.reduction_kind<sum>} : vector<16xi1> -> vector<16xi32>
    %add3A_209 = arith.addi %add3A_186, %all_reduce_population_count3A_208 : vector<16xi32>
    %add3A_210 = arith.constant 144 : i32
    %add3A_211 = arith.addi %mul3A_9, %add3A_210 : i32
    %get3A_212 = arith.index_cast %add3A_211 : i32 to index
    %get3A_213 = tpu.vector_load %arg6[%get3A_212] {strides = array<i32>} : memref<25616xi32, #tpu.memory_space<vmem>>, vector<16xi32>,
    %ge3A_214 = arith.constant 512000 : i32
    %ge3A_215 = vector.broadcast %ge3A_214 : i32 to vector<16xi32>
    %ge3A_216 = arith.cmpi sge, %get3A_213, %ge3A_215 : vector<16xi32>
    %sub3A_217 = arith.constant 512000 : i32
    %sub3A_218 = vector.broadcast %sub3A_217 : i32 to vector<16xi32>
    %sub3A_219 = arith.subi %get3A_213, %sub3A_218 : vector<16xi32>
    %select_n3A_220 = arith.select %ge3A_216, %sub3A_219, %get3A_213 : vector<16xi1>, vector<16xi32>
    %not3A_221 = arith.constant dense<true> : vector<16xi1>
    %not3A_222 = arith.xori %ge3A_216, %not3A_221 : vector<16xi1>
    %convert_element_type3A_223 = arith.extui %not3A_222 : vector<16xi1> to vector<16xi32>
    %broadcast_in_dim3A_224 = arith.constant true
    %broadcast_in_dim3A_225 = vector.broadcast %broadcast_in_dim3A_224 : i1 to vector<16xi1>
    %masked_cumsum3A_226 = tpu.scan <sum>, %convert_element_type3A_223 masked %broadcast_in_dim3A_225 : vector<16xi32>, vector<16xi1> -> vector<16xi32>
    %add3A_227 = arith.addi %add3A_209, %masked_cumsum3A_226 : vector<16xi32>
    %sub3A_228 = arith.constant 1 : i32
    %sub3A_229 = vector.broadcast %sub3A_228 : i32 to vector<16xi32>
    %sub3A_230 = arith.subi %add3A_227, %sub3A_229 : vector<16xi32>
    tpu.vector_store_idx %arg7[%sub3A_230], %select_n3A_220 masked %not3A_222 : memref<224xi32, #tpu.memory_space<vmem>>[vector<16xi32>], vector<16xi32>, vector<16xi1>
    %all_reduce_population_count3A_231 = tpu.all_reduce %not3A_222 {dim = 0 : i64, kind = #tpu.reduction_kind<sum>} : vector<16xi1> -> vector<16xi32>
    %add3A_232 = arith.addi %add3A_209, %all_reduce_population_count3A_231 : vector<16xi32>
    %add3A_233 = arith.constant 160 : i32
    %add3A_234 = arith.addi %mul3A_9, %add3A_233 : i32
    %get3A_235 = arith.index_cast %add3A_234 : i32 to index
    %get3A_236 = tpu.vector_load %arg6[%get3A_235] {strides = array<i32>} : memref<25616xi32, #tpu.memory_space<vmem>>, vector<16xi32>,
    %ge3A_237 = arith.constant 512000 : i32
    %ge3A_238 = vector.broadcast %ge3A_237 : i32 to vector<16xi32>
    %ge3A_239 = arith.cmpi sge, %get3A_236, %ge3A_238 : vector<16xi32>
    %sub3A_240 = arith.constant 512000 : i32
    %sub3A_241 = vector.broadcast %sub3A_240 : i32 to vector<16xi32>
    %sub3A_242 = arith.subi %get3A_236, %sub3A_241 : vector<16xi32>
    %select_n3A_243 = arith.select %ge3A_239, %sub3A_242, %get3A_236 : vector<16xi1>, vector<16xi32>
    %not3A_244 = arith.constant dense<true> : vector<16xi1>
    %not3A_245 = arith.xori %ge3A_239, %not3A_244 : vector<16xi1>
    %convert_element_type3A_246 = arith.extui %not3A_245 : vector<16xi1> to vector<16xi32>
    %broadcast_in_dim3A_247 = arith.constant true
    %broadcast_in_dim3A_248 = vector.broadcast %broadcast_in_dim3A_247 : i1 to vector<16xi1>
    %masked_cumsum3A_249 = tpu.scan <sum>, %convert_element_type3A_246 masked %broadcast_in_dim3A_248 : vector<16xi32>, vector<16xi1> -> vector<16xi32>
    %add3A_250 = arith.addi %add3A_232, %masked_cumsum3A_249 : vector<16xi32>
    %sub3A_251 = arith.constant 1 : i32
    %sub3A_252 = vector.broadcast %sub3A_251 : i32 to vector<16xi32>
    %sub3A_253 = arith.subi %add3A_250, %sub3A_252 : vector<16xi32>
    tpu.vector_store_idx %arg7[%sub3A_253], %select_n3A_243 masked %not3A_245 : memref<224xi32, #tpu.memory_space<vmem>>[vector<16xi32>], vector<16xi32>, vector<16xi1>
    %all_reduce_population_count3A_254 = tpu.all_reduce %not3A_245 {dim = 0 : i64, kind = #tpu.reduction_kind<sum>} : vector<16xi1> -> vector<16xi32>
    %add3A_255 = arith.addi %add3A_232, %all_reduce_population_count3A_254 : vector<16xi32>
    %add3A_256 = arith.constant 176 : i32
    %add3A_257 = arith.addi %mul3A_9, %add3A_256 : i32
    %get3A_258 = arith.index_cast %add3A_257 : i32 to index
    %get3A_259 = tpu.vector_load %arg6[%get3A_258] {strides = array<i32>} : memref<25616xi32, #tpu.memory_space<vmem>>, vector<16xi32>,
    %ge3A_260 = arith.constant 512000 : i32
    %ge3A_261 = vector.broadcast %ge3A_260 : i32 to vector<16xi32>
    %ge3A_262 = arith.cmpi sge, %get3A_259, %ge3A_261 : vector<16xi32>
    %sub3A_263 = arith.constant 512000 : i32
    %sub3A_264 = vector.broadcast %sub3A_263 : i32 to vector<16xi32>
    %sub3A_265 = arith.subi %get3A_259, %sub3A_264 : vector<16xi32>
    %select_n3A_266 = arith.select %ge3A_262, %sub3A_265, %get3A_259 : vector<16xi1>, vector<16xi32>
    %not3A_267 = arith.constant dense<true> : vector<16xi1>
    %not3A_268 = arith.xori %ge3A_262, %not3A_267 : vector<16xi1>
    %convert_element_type3A_269 = arith.extui %not3A_268 : vector<16xi1> to vector<16xi32>
    %broadcast_in_dim3A_270 = arith.constant true
    %broadcast_in_dim3A_271 = vector.broadcast %broadcast_in_dim3A_270 : i1 to vector<16xi1>
    %masked_cumsum3A_272 = tpu.scan <sum>, %convert_element_type3A_269 masked %broadcast_in_dim3A_271 : vector<16xi32>, vector<16xi1> -> vector<16xi32>
    %add3A_273 = arith.addi %add3A_255, %masked_cumsum3A_272 : vector<16xi32>
    %sub3A_274 = arith.constant 1 : i32
    %sub3A_275 = vector.broadcast %sub3A_274 : i32 to vector<16xi32>
    %sub3A_276 = arith.subi %add3A_273, %sub3A_275 : vector<16xi32>
    tpu.vector_store_idx %arg7[%sub3A_276], %select_n3A_266 masked %not3A_268 : memref<224xi32, #tpu.memory_space<vmem>>[vector<16xi32>], vector<16xi32>, vector<16xi1>
    %all_reduce_population_count3A_277 = tpu.all_reduce %not3A_268 {dim = 0 : i64, kind = #tpu.reduction_kind<sum>} : vector<16xi1> -> vector<16xi32>
    %add3A_278 = arith.addi %add3A_255, %all_reduce_population_count3A_277 : vector<16xi32>
    %add3A_279 = arith.constant 192 : i32
    %add3A_280 = arith.addi %mul3A_9, %add3A_279 : i32
    %get3A_281 = arith.index_cast %add3A_280 : i32 to index
    %get3A_282 = tpu.vector_load %arg6[%get3A_281] {strides = array<i32>} : memref<25616xi32, #tpu.memory_space<vmem>>, vector<16xi32>,
    %ge3A_283 = arith.constant 512000 : i32
    %ge3A_284 = vector.broadcast %ge3A_283 : i32 to vector<16xi32>
    %ge3A_285 = arith.cmpi sge, %get3A_282, %ge3A_284 : vector<16xi32>
    %sub3A_286 = arith.constant 512000 : i32
    %sub3A_287 = vector.broadcast %sub3A_286 : i32 to vector<16xi32>
    %sub3A_288 = arith.subi %get3A_282, %sub3A_287 : vector<16xi32>
    %select_n3A_289 = arith.select %ge3A_285, %sub3A_288, %get3A_282 : vector<16xi1>, vector<16xi32>
    %not3A_290 = arith.constant dense<true> : vector<16xi1>
    %not3A_291 = arith.xori %ge3A_285, %not3A_290 : vector<16xi1>
    %and3A = arith.andi %not3A_291, %lt3A_4 : vector<16xi1>
    %convert_element_type3A_292 = arith.extui %and3A : vector<16xi1> to vector<16xi32>
    %broadcast_in_dim3A_293 = arith.constant true
    %broadcast_in_dim3A_294 = vector.broadcast %broadcast_in_dim3A_293 : i1 to vector<16xi1>
    %masked_cumsum3A_295 = tpu.scan <sum>, %convert_element_type3A_292 masked %broadcast_in_dim3A_294 : vector<16xi32>, vector<16xi1> -> vector<16xi32>
    %add3A_296 = arith.addi %add3A_278, %masked_cumsum3A_295 : vector<16xi32>
    %sub3A_297 = arith.constant 1 : i32
    %sub3A_298 = vector.broadcast %sub3A_297 : i32 to vector<16xi32>
    %sub3A_299 = arith.subi %add3A_296, %sub3A_298 : vector<16xi32>
    tpu.vector_store_idx %arg7[%sub3A_299], %select_n3A_289 masked %and3A : memref<224xi32, #tpu.memory_space<vmem>>[vector<16xi32>], vector<16xi32>, vector<16xi1>
    %all_reduce_population_count3A_300 = tpu.all_reduce %and3A {dim = 0 : i64, kind = #tpu.reduction_kind<sum>} : vector<16xi1> -> vector<16xi32>
    %add3A_301 = arith.addi %add3A_278, %all_reduce_population_count3A_300 : vector<16xi32>
    %slice3A = vector.extract_strided_slice %add3A_301 {offsets = [0], sizes = [1], strides = [1]} : vector<16xi32> to vector<1xi32>
    %squeeze3A = vector.extract %slice3A[0] : i32 from vector<1xi32>
    %add3A_302 = arith.constant 0 : i32
    %add3A_303 = arith.addi %mul3A_9, %add3A_302 : i32
    %get3A_304 = arith.index_cast %add3A_303 : i32 to index
    %get3A_305 = tpu.vector_load %arg6[%get3A_304] {strides = array<i32>} : memref<25616xi32, #tpu.memory_space<vmem>>, vector<16xi32>,
    %ge3A_306 = arith.constant 512000 : i32
    %ge3A_307 = vector.broadcast %ge3A_306 : i32 to vector<16xi32>
    %ge3A_308 = arith.cmpi sge, %get3A_305, %ge3A_307 : vector<16xi32>
    %sub3A_309 = arith.constant 512000 : i32
    %sub3A_310 = vector.broadcast %sub3A_309 : i32 to vector<16xi32>
    %sub3A_311 = arith.subi %get3A_305, %sub3A_310 : vector<16xi32>
    %select_n3A_312 = arith.select %ge3A_308, %sub3A_311, %get3A_305 : vector<16xi1>, vector<16xi32>
    %convert_element_type3A_313 = arith.extui %ge3A_308 : vector<16xi1> to vector<16xi32>
    %broadcast_in_dim3A_314 = arith.constant true
    %broadcast_in_dim3A_315 = vector.broadcast %broadcast_in_dim3A_314 : i1 to vector<16xi1>
    %masked_cumsum3A_316 = tpu.scan <sum>, %convert_element_type3A_313 masked %broadcast_in_dim3A_315 : vector<16xi32>, vector<16xi1> -> vector<16xi32>
    %add3A_317 = arith.addi %add3A_301, %masked_cumsum3A_316 : vector<16xi32>
    %sub3A_318 = arith.constant 1 : i32
    %sub3A_319 = vector.broadcast %sub3A_318 : i32 to vector<16xi32>
    %sub3A_320 = arith.subi %add3A_317, %sub3A_319 : vector<16xi32>
    tpu.vector_store_idx %arg7[%sub3A_320], %select_n3A_312 masked %ge3A_308 : memref<224xi32, #tpu.memory_space<vmem>>[vector<16xi32>], vector<16xi32>, vector<16xi1>
    %all_reduce_population_count3A_321 = tpu.all_reduce %ge3A_308 {dim = 0 : i64, kind = #tpu.reduction_kind<sum>} : vector<16xi1> -> vector<16xi32>
    %add3A_322 = arith.addi %add3A_301, %all_reduce_population_count3A_321 : vector<16xi32>
    %add3A_323 = arith.constant 16 : i32
    %add3A_324 = arith.addi %mul3A_9, %add3A_323 : i32
    %get3A_325 = arith.index_cast %add3A_324 : i32 to index
    %get3A_326 = tpu.vector_load %arg6[%get3A_325] {strides = array<i32>} : memref<25616xi32, #tpu.memory_space<vmem>>, vector<16xi32>,
    %ge3A_327 = arith.constant 512000 : i32
    %ge3A_328 = vector.broadcast %ge3A_327 : i32 to vector<16xi32>
    %ge3A_329 = arith.cmpi sge, %get3A_326, %ge3A_328 : vector<16xi32>
    %sub3A_330 = arith.constant 512000 : i32
    %sub3A_331 = vector.broadcast %sub3A_330 : i32 to vector<16xi32>
    %sub3A_332 = arith.subi %get3A_326, %sub3A_331 : vector<16xi32>
    %select_n3A_333 = arith.select %ge3A_329, %sub3A_332, %get3A_326 : vector<16xi1>, vector<16xi32>
    %convert_element_type3A_334 = arith.extui %ge3A_329 : vector<16xi1> to vector<16xi32>
    %broadcast_in_dim3A_335 = arith.constant true
    %broadcast_in_dim3A_336 = vector.broadcast %broadcast_in_dim3A_335 : i1 to vector<16xi1>
    %masked_cumsum3A_337 = tpu.scan <sum>, %convert_element_type3A_334 masked %broadcast_in_dim3A_336 : vector<16xi32>, vector<16xi1> -> vector<16xi32>
    %add3A_338 = arith.addi %add3A_322, %masked_cumsum3A_337 : vector<16xi32>
    %sub3A_339 = arith.constant 1 : i32
    %sub3A_340 = vector.broadcast %sub3A_339 : i32 to vector<16xi32>
    %sub3A_341 = arith.subi %add3A_338, %sub3A_340 : vector<16xi32>
    tpu.vector_store_idx %arg7[%sub3A_341], %select_n3A_333 masked %ge3A_329 : memref<224xi32, #tpu.memory_space<vmem>>[vector<16xi32>], vector<16xi32>, vector<16xi1>
    %all_reduce_population_count3A_342 = tpu.all_reduce %ge3A_329 {dim = 0 : i64, kind = #tpu.reduction_kind<sum>} : vector<16xi1> -> vector<16xi32>
    %add3A_343 = arith.addi %add3A_322, %all_reduce_population_count3A_342 : vector<16xi32>
    %add3A_344 = arith.constant 32 : i32
    %add3A_345 = arith.addi %mul3A_9, %add3A_344 : i32
    %get3A_346 = arith.index_cast %add3A_345 : i32 to index
    %get3A_347 = tpu.vector_load %arg6[%get3A_346] {strides = array<i32>} : memref<25616xi32, #tpu.memory_space<vmem>>, vector<16xi32>,
    %ge3A_348 = arith.constant 512000 : i32
    %ge3A_349 = vector.broadcast %ge3A_348 : i32 to vector<16xi32>
    %ge3A_350 = arith.cmpi sge, %get3A_347, %ge3A_349 : vector<16xi32>
    %sub3A_351 = arith.constant 512000 : i32
    %sub3A_352 = vector.broadcast %sub3A_351 : i32 to vector<16xi32>
    %sub3A_353 = arith.subi %get3A_347, %sub3A_352 : vector<16xi32>
    %select_n3A_354 = arith.select %ge3A_350, %sub3A_353, %get3A_347 : vector<16xi1>, vector<16xi32>
    %convert_element_type3A_355 = arith.extui %ge3A_350 : vector<16xi1> to vector<16xi32>
    %broadcast_in_dim3A_356 = arith.constant true
    %broadcast_in_dim3A_357 = vector.broadcast %broadcast_in_dim3A_356 : i1 to vector<16xi1>
    %masked_cumsum3A_358 = tpu.scan <sum>, %convert_element_type3A_355 masked %broadcast_in_dim3A_357 : vector<16xi32>, vector<16xi1> -> vector<16xi32>
    %add3A_359 = arith.addi %add3A_343, %masked_cumsum3A_358 : vector<16xi32>
    %sub3A_360 = arith.constant 1 : i32
    %sub3A_361 = vector.broadcast %sub3A_360 : i32 to vector<16xi32>
    %sub3A_362 = arith.subi %add3A_359, %sub3A_361 : vector<16xi32>
    tpu.vector_store_idx %arg7[%sub3A_362], %select_n3A_354 masked %ge3A_350 : memref<224xi32, #tpu.memory_space<vmem>>[vector<16xi32>], vector<16xi32>, vector<16xi1>
    %all_reduce_population_count3A_363 = tpu.all_reduce %ge3A_350 {dim = 0 : i64, kind = #tpu.reduction_kind<sum>} : vector<16xi1> -> vector<16xi32>
    %add3A_364 = arith.addi %add3A_343, %all_reduce_population_count3A_363 : vector<16xi32>
    %add3A_365 = arith.constant 48 : i32
    %add3A_366 = arith.addi %mul3A_9, %add3A_365 : i32
    %get3A_367 = arith.index_cast %add3A_366 : i32 to index
    %get3A_368 = tpu.vector_load %arg6[%get3A_367] {strides = array<i32>} : memref<25616xi32, #tpu.memory_space<vmem>>, vector<16xi32>,
    %ge3A_369 = arith.constant 512000 : i32
    %ge3A_370 = vector.broadcast %ge3A_369 : i32 to vector<16xi32>
    %ge3A_371 = arith.cmpi sge, %get3A_368, %ge3A_370 : vector<16xi32>
    %sub3A_372 = arith.constant 512000 : i32
    %sub3A_373 = vector.broadcast %sub3A_372 : i32 to vector<16xi32>
    %sub3A_374 = arith.subi %get3A_368, %sub3A_373 : vector<16xi32>
    %select_n3A_375 = arith.select %ge3A_371, %sub3A_374, %get3A_368 : vector<16xi1>, vector<16xi32>
    %convert_element_type3A_376 = arith.extui %ge3A_371 : vector<16xi1> to vector<16xi32>
    %broadcast_in_dim3A_377 = arith.constant true
    %broadcast_in_dim3A_378 = vector.broadcast %broadcast_in_dim3A_377 : i1 to vector<16xi1>
    %masked_cumsum3A_379 = tpu.scan <sum>, %convert_element_type3A_376 masked %broadcast_in_dim3A_378 : vector<16xi32>, vector<16xi1> -> vector<16xi32>
    %add3A_380 = arith.addi %add3A_364, %masked_cumsum3A_379 : vector<16xi32>
    %sub3A_381 = arith.constant 1 : i32
    %sub3A_382 = vector.broadcast %sub3A_381 : i32 to vector<16xi32>
    %sub3A_383 = arith.subi %add3A_380, %sub3A_382 : vector<16xi32>
    tpu.vector_store_idx %arg7[%sub3A_383], %select_n3A_375 masked %ge3A_371 : memref<224xi32, #tpu.memory_space<vmem>>[vector<16xi32>], vector<16xi32>, vector<16xi1>
    %all_reduce_population_count3A_384 = tpu.all_reduce %ge3A_371 {dim = 0 : i64, kind = #tpu.reduction_kind<sum>} : vector<16xi1> -> vector<16xi32>
    %add3A_385 = arith.addi %add3A_364, %all_reduce_population_count3A_384 : vector<16xi32>
    %add3A_386 = arith.constant 64 : i32
    %add3A_387 = arith.addi %mul3A_9, %add3A_386 : i32
    %get3A_388 = arith.index_cast %add3A_387 : i32 to index
    %get3A_389 = tpu.vector_load %arg6[%get3A_388] {strides = array<i32>} : memref<25616xi32, #tpu.memory_space<vmem>>, vector<16xi32>,
    %ge3A_390 = arith.constant 512000 : i32
    %ge3A_391 = vector.broadcast %ge3A_390 : i32 to vector<16xi32>
    %ge3A_392 = arith.cmpi sge, %get3A_389, %ge3A_391 : vector<16xi32>
    %sub3A_393 = arith.constant 512000 : i32
    %sub3A_394 = vector.broadcast %sub3A_393 : i32 to vector<16xi32>
    %sub3A_395 = arith.subi %get3A_389, %sub3A_394 : vector<16xi32>
    %select_n3A_396 = arith.select %ge3A_392, %sub3A_395, %get3A_389 : vector<16xi1>, vector<16xi32>
    %convert_element_type3A_397 = arith.extui %ge3A_392 : vector<16xi1> to vector<16xi32>
    %broadcast_in_dim3A_398 = arith.constant true
    %broadcast_in_dim3A_399 = vector.broadcast %broadcast_in_dim3A_398 : i1 to vector<16xi1>
    %masked_cumsum3A_400 = tpu.scan <sum>, %convert_element_type3A_397 masked %broadcast_in_dim3A_399 : vector<16xi32>, vector<16xi1> -> vector<16xi32>
    %add3A_401 = arith.addi %add3A_385, %masked_cumsum3A_400 : vector<16xi32>
    %sub3A_402 = arith.constant 1 : i32
    %sub3A_403 = vector.broadcast %sub3A_402 : i32 to vector<16xi32>
    %sub3A_404 = arith.subi %add3A_401, %sub3A_403 : vector<16xi32>
    tpu.vector_store_idx %arg7[%sub3A_404], %select_n3A_396 masked %ge3A_392 : memref<224xi32, #tpu.memory_space<vmem>>[vector<16xi32>], vector<16xi32>, vector<16xi1>
    %all_reduce_population_count3A_405 = tpu.all_reduce %ge3A_392 {dim = 0 : i64, kind = #tpu.reduction_kind<sum>} : vector<16xi1> -> vector<16xi32>
    %add3A_406 = arith.addi %add3A_385, %all_reduce_population_count3A_405 : vector<16xi32>
    %add3A_407 = arith.constant 80 : i32
    %add3A_408 = arith.addi %mul3A_9, %add3A_407 : i32
    %get3A_409 = arith.index_cast %add3A_408 : i32 to index
    %get3A_410 = tpu.vector_load %arg6[%get3A_409] {strides = array<i32>} : memref<25616xi32, #tpu.memory_space<vmem>>, vector<16xi32>,
    %ge3A_411 = arith.constant 512000 : i32
    %ge3A_412 = vector.broadcast %ge3A_411 : i32 to vector<16xi32>
    %ge3A_413 = arith.cmpi sge, %get3A_410, %ge3A_412 : vector<16xi32>
    %sub3A_414 = arith.constant 512000 : i32
    %sub3A_415 = vector.broadcast %sub3A_414 : i32 to vector<16xi32>
    %sub3A_416 = arith.subi %get3A_410, %sub3A_415 : vector<16xi32>
    %select_n3A_417 = arith.select %ge3A_413, %sub3A_416, %get3A_410 : vector<16xi1>, vector<16xi32>
    %convert_element_type3A_418 = arith.extui %ge3A_413 : vector<16xi1> to vector<16xi32>
    %broadcast_in_dim3A_419 = arith.constant true
    %broadcast_in_dim3A_420 = vector.broadcast %broadcast_in_dim3A_419 : i1 to vector<16xi1>
    %masked_cumsum3A_421 = tpu.scan <sum>, %convert_element_type3A_418 masked %broadcast_in_dim3A_420 : vector<16xi32>, vector<16xi1> -> vector<16xi32>
    %add3A_422 = arith.addi %add3A_406, %masked_cumsum3A_421 : vector<16xi32>
    %sub3A_423 = arith.constant 1 : i32
    %sub3A_424 = vector.broadcast %sub3A_423 : i32 to vector<16xi32>
    %sub3A_425 = arith.subi %add3A_422, %sub3A_424 : vector<16xi32>
    tpu.vector_store_idx %arg7[%sub3A_425], %select_n3A_417 masked %ge3A_413 : memref<224xi32, #tpu.memory_space<vmem>>[vector<16xi32>], vector<16xi32>, vector<16xi1>
    %all_reduce_population_count3A_426 = tpu.all_reduce %ge3A_413 {dim = 0 : i64, kind = #tpu.reduction_kind<sum>} : vector<16xi1> -> vector<16xi32>
    %add3A_427 = arith.addi %add3A_406, %all_reduce_population_count3A_426 : vector<16xi32>
    %add3A_428 = arith.constant 96 : i32
    %add3A_429 = arith.addi %mul3A_9, %add3A_428 : i32
    %get3A_430 = arith.index_cast %add3A_429 : i32 to index
    %get3A_431 = tpu.vector_load %arg6[%get3A_430] {strides = array<i32>} : memref<25616xi32, #tpu.memory_space<vmem>>, vector<16xi32>,
    %ge3A_432 = arith.constant 512000 : i32
    %ge3A_433 = vector.broadcast %ge3A_432 : i32 to vector<16xi32>
    %ge3A_434 = arith.cmpi sge, %get3A_431, %ge3A_433 : vector<16xi32>
    %sub3A_435 = arith.constant 512000 : i32
    %sub3A_436 = vector.broadcast %sub3A_435 : i32 to vector<16xi32>
    %sub3A_437 = arith.subi %get3A_431, %sub3A_436 : vector<16xi32>
    %select_n3A_438 = arith.select %ge3A_434, %sub3A_437, %get3A_431 : vector<16xi1>, vector<16xi32>
    %convert_element_type3A_439 = arith.extui %ge3A_434 : vector<16xi1> to vector<16xi32>
    %broadcast_in_dim3A_440 = arith.constant true
    %broadcast_in_dim3A_441 = vector.broadcast %broadcast_in_dim3A_440 : i1 to vector<16xi1>
    %masked_cumsum3A_442 = tpu.scan <sum>, %convert_element_type3A_439 masked %broadcast_in_dim3A_441 : vector<16xi32>, vector<16xi1> -> vector<16xi32>
    %add3A_443 = arith.addi %add3A_427, %masked_cumsum3A_442 : vector<16xi32>
    %sub3A_444 = arith.constant 1 : i32
    %sub3A_445 = vector.broadcast %sub3A_444 : i32 to vector<16xi32>
    %sub3A_446 = arith.subi %add3A_443, %sub3A_445 : vector<16xi32>
    tpu.vector_store_idx %arg7[%sub3A_446], %select_n3A_438 masked %ge3A_434 : memref<224xi32, #tpu.memory_space<vmem>>[vector<16xi32>], vector<16xi32>, vector<16xi1>
    %all_reduce_population_count3A_447 = tpu.all_reduce %ge3A_434 {dim = 0 : i64, kind = #tpu.reduction_kind<sum>} : vector<16xi1> -> vector<16xi32>
    %add3A_448 = arith.addi %add3A_427, %all_reduce_population_count3A_447 : vector<16xi32>
    %add3A_449 = arith.constant 112 : i32
    %add3A_450 = arith.addi %mul3A_9, %add3A_449 : i32
    %get3A_451 = arith.index_cast %add3A_450 : i32 to index
    %get3A_452 = tpu.vector_load %arg6[%get3A_451] {strides = array<i32>} : memref<25616xi32, #tpu.memory_space<vmem>>, vector<16xi32>,
    %ge3A_453 = arith.constant 512000 : i32
    %ge3A_454 = vector.broadcast %ge3A_453 : i32 to vector<16xi32>
    %ge3A_455 = arith.cmpi sge, %get3A_452, %ge3A_454 : vector<16xi32>
    %sub3A_456 = arith.constant 512000 : i32
    %sub3A_457 = vector.broadcast %sub3A_456 : i32 to vector<16xi32>
    %sub3A_458 = arith.subi %get3A_452, %sub3A_457 : vector<16xi32>
    %select_n3A_459 = arith.select %ge3A_455, %sub3A_458, %get3A_452 : vector<16xi1>, vector<16xi32>
    %convert_element_type3A_460 = arith.extui %ge3A_455 : vector<16xi1> to vector<16xi32>
    %broadcast_in_dim3A_461 = arith.constant true
    %broadcast_in_dim3A_462 = vector.broadcast %broadcast_in_dim3A_461 : i1 to vector<16xi1>
    %masked_cumsum3A_463 = tpu.scan <sum>, %convert_element_type3A_460 masked %broadcast_in_dim3A_462 : vector<16xi32>, vector<16xi1> -> vector<16xi32>
    %add3A_464 = arith.addi %add3A_448, %masked_cumsum3A_463 : vector<16xi32>
    %sub3A_465 = arith.constant 1 : i32
    %sub3A_466 = vector.broadcast %sub3A_465 : i32 to vector<16xi32>
    %sub3A_467 = arith.subi %add3A_464, %sub3A_466 : vector<16xi32>
    tpu.vector_store_idx %arg7[%sub3A_467], %select_n3A_459 masked %ge3A_455 : memref<224xi32, #tpu.memory_space<vmem>>[vector<16xi32>], vector<16xi32>, vector<16xi1>
    %all_reduce_population_count3A_468 = tpu.all_reduce %ge3A_455 {dim = 0 : i64, kind = #tpu.reduction_kind<sum>} : vector<16xi1> -> vector<16xi32>
    %add3A_469 = arith.addi %add3A_448, %all_reduce_population_count3A_468 : vector<16xi32>
    %add3A_470 = arith.constant 128 : i32
    %add3A_471 = arith.addi %mul3A_9, %add3A_470 : i32
    %get3A_472 = arith.index_cast %add3A_471 : i32 to index
    %get3A_473 = tpu.vector_load %arg6[%get3A_472] {strides = array<i32>} : memref<25616xi32, #tpu.memory_space<vmem>>, vector<16xi32>,
    %ge3A_474 = arith.constant 512000 : i32
    %ge3A_475 = vector.broadcast %ge3A_474 : i32 to vector<16xi32>
    %ge3A_476 = arith.cmpi sge, %get3A_473, %ge3A_475 : vector<16xi32>
    %sub3A_477 = arith.constant 512000 : i32
    %sub3A_478 = vector.broadcast %sub3A_477 : i32 to vector<16xi32>
    %sub3A_479 = arith.subi %get3A_473, %sub3A_478 : vector<16xi32>
    %select_n3A_480 = arith.select %ge3A_476, %sub3A_479, %get3A_473 : vector<16xi1>, vector<16xi32>
    %convert_element_type3A_481 = arith.extui %ge3A_476 : vector<16xi1> to vector<16xi32>
    %broadcast_in_dim3A_482 = arith.constant true
    %broadcast_in_dim3A_483 = vector.broadcast %broadcast_in_dim3A_482 : i1 to vector<16xi1>
    %masked_cumsum3A_484 = tpu.scan <sum>, %convert_element_type3A_481 masked %broadcast_in_dim3A_483 : vector<16xi32>, vector<16xi1> -> vector<16xi32>
    %add3A_485 = arith.addi %add3A_469, %masked_cumsum3A_484 : vector<16xi32>
    %sub3A_486 = arith.constant 1 : i32
    %sub3A_487 = vector.broadcast %sub3A_486 : i32 to vector<16xi32>
    %sub3A_488 = arith.subi %add3A_485, %sub3A_487 : vector<16xi32>
    tpu.vector_store_idx %arg7[%sub3A_488], %select_n3A_480 masked %ge3A_476 : memref<224xi32, #tpu.memory_space<vmem>>[vector<16xi32>], vector<16xi32>, vector<16xi1>
    %all_reduce_population_count3A_489 = tpu.all_reduce %ge3A_476 {dim = 0 : i64, kind = #tpu.reduction_kind<sum>} : vector<16xi1> -> vector<16xi32>
    %add3A_490 = arith.addi %add3A_469, %all_reduce_population_count3A_489 : vector<16xi32>
    %add3A_491 = arith.constant 144 : i32
    %add3A_492 = arith.addi %mul3A_9, %add3A_491 : i32
    %get3A_493 = arith.index_cast %add3A_492 : i32 to index
    %get3A_494 = tpu.vector_load %arg6[%get3A_493] {strides = array<i32>} : memref<25616xi32, #tpu.memory_space<vmem>>, vector<16xi32>,
    %ge3A_495 = arith.constant 512000 : i32
    %ge3A_496 = vector.broadcast %ge3A_495 : i32 to vector<16xi32>
    %ge3A_497 = arith.cmpi sge, %get3A_494, %ge3A_496 : vector<16xi32>
    %sub3A_498 = arith.constant 512000 : i32
    %sub3A_499 = vector.broadcast %sub3A_498 : i32 to vector<16xi32>
    %sub3A_500 = arith.subi %get3A_494, %sub3A_499 : vector<16xi32>
    %select_n3A_501 = arith.select %ge3A_497, %sub3A_500, %get3A_494 : vector<16xi1>, vector<16xi32>
    %convert_element_type3A_502 = arith.extui %ge3A_497 : vector<16xi1> to vector<16xi32>
    %broadcast_in_dim3A_503 = arith.constant true
    %broadcast_in_dim3A_504 = vector.broadcast %broadcast_in_dim3A_503 : i1 to vector<16xi1>
    %masked_cumsum3A_505 = tpu.scan <sum>, %convert_element_type3A_502 masked %broadcast_in_dim3A_504 : vector<16xi32>, vector<16xi1> -> vector<16xi32>
    %add3A_506 = arith.addi %add3A_490, %masked_cumsum3A_505 : vector<16xi32>
    %sub3A_507 = arith.constant 1 : i32
    %sub3A_508 = vector.broadcast %sub3A_507 : i32 to vector<16xi32>
    %sub3A_509 = arith.subi %add3A_506, %sub3A_508 : vector<16xi32>
    tpu.vector_store_idx %arg7[%sub3A_509], %select_n3A_501 masked %ge3A_497 : memref<224xi32, #tpu.memory_space<vmem>>[vector<16xi32>], vector<16xi32>, vector<16xi1>
    %all_reduce_population_count3A_510 = tpu.all_reduce %ge3A_497 {dim = 0 : i64, kind = #tpu.reduction_kind<sum>} : vector<16xi1> -> vector<16xi32>
    %add3A_511 = arith.addi %add3A_490, %all_reduce_population_count3A_510 : vector<16xi32>
    %add3A_512 = arith.constant 160 : i32
    %add3A_513 = arith.addi %mul3A_9, %add3A_512 : i32
    %get3A_514 = arith.index_cast %add3A_513 : i32 to index
    %get3A_515 = tpu.vector_load %arg6[%get3A_514] {strides = array<i32>} : memref<25616xi32, #tpu.memory_space<vmem>>, vector<16xi32>,
    %ge3A_516 = arith.constant 512000 : i32
    %ge3A_517 = vector.broadcast %ge3A_516 : i32 to vector<16xi32>
    %ge3A_518 = arith.cmpi sge, %get3A_515, %ge3A_517 : vector<16xi32>
    %sub3A_519 = arith.constant 512000 : i32
    %sub3A_520 = vector.broadcast %sub3A_519 : i32 to vector<16xi32>
    %sub3A_521 = arith.subi %get3A_515, %sub3A_520 : vector<16xi32>
    %select_n3A_522 = arith.select %ge3A_518, %sub3A_521, %get3A_515 : vector<16xi1>, vector<16xi32>
    %convert_element_type3A_523 = arith.extui %ge3A_518 : vector<16xi1> to vector<16xi32>
    %broadcast_in_dim3A_524 = arith.constant true
    %broadcast_in_dim3A_525 = vector.broadcast %broadcast_in_dim3A_524 : i1 to vector<16xi1>
    %masked_cumsum3A_526 = tpu.scan <sum>, %convert_element_type3A_523 masked %broadcast_in_dim3A_525 : vector<16xi32>, vector<16xi1> -> vector<16xi32>
    %add3A_527 = arith.addi %add3A_511, %masked_cumsum3A_526 : vector<16xi32>
    %sub3A_528 = arith.constant 1 : i32
    %sub3A_529 = vector.broadcast %sub3A_528 : i32 to vector<16xi32>
    %sub3A_530 = arith.subi %add3A_527, %sub3A_529 : vector<16xi32>
    tpu.vector_store_idx %arg7[%sub3A_530], %select_n3A_522 masked %ge3A_518 : memref<224xi32, #tpu.memory_space<vmem>>[vector<16xi32>], vector<16xi32>, vector<16xi1>
    %all_reduce_population_count3A_531 = tpu.all_reduce %ge3A_518 {dim = 0 : i64, kind = #tpu.reduction_kind<sum>} : vector<16xi1> -> vector<16xi32>
    %add3A_532 = arith.addi %add3A_511, %all_reduce_population_count3A_531 : vector<16xi32>
    %add3A_533 = arith.constant 176 : i32
    %add3A_534 = arith.addi %mul3A_9, %add3A_533 : i32
    %get3A_535 = arith.index_cast %add3A_534 : i32 to index
    %get3A_536 = tpu.vector_load %arg6[%get3A_535] {strides = array<i32>} : memref<25616xi32, #tpu.memory_space<vmem>>, vector<16xi32>,
    %ge3A_537 = arith.constant 512000 : i32
    %ge3A_538 = vector.broadcast %ge3A_537 : i32 to vector<16xi32>
    %ge3A_539 = arith.cmpi sge, %get3A_536, %ge3A_538 : vector<16xi32>
    %sub3A_540 = arith.constant 512000 : i32
    %sub3A_541 = vector.broadcast %sub3A_540 : i32 to vector<16xi32>
    %sub3A_542 = arith.subi %get3A_536, %sub3A_541 : vector<16xi32>
    %select_n3A_543 = arith.select %ge3A_539, %sub3A_542, %get3A_536 : vector<16xi1>, vector<16xi32>
    %convert_element_type3A_544 = arith.extui %ge3A_539 : vector<16xi1> to vector<16xi32>
    %broadcast_in_dim3A_545 = arith.constant true
    %broadcast_in_dim3A_546 = vector.broadcast %broadcast_in_dim3A_545 : i1 to vector<16xi1>
    %masked_cumsum3A_547 = tpu.scan <sum>, %convert_element_type3A_544 masked %broadcast_in_dim3A_546 : vector<16xi32>, vector<16xi1> -> vector<16xi32>
    %add3A_548 = arith.addi %add3A_532, %masked_cumsum3A_547 : vector<16xi32>
    %sub3A_549 = arith.constant 1 : i32
    %sub3A_550 = vector.broadcast %sub3A_549 : i32 to vector<16xi32>
    %sub3A_551 = arith.subi %add3A_548, %sub3A_550 : vector<16xi32>
    tpu.vector_store_idx %arg7[%sub3A_551], %select_n3A_543 masked %ge3A_539 : memref<224xi32, #tpu.memory_space<vmem>>[vector<16xi32>], vector<16xi32>, vector<16xi1>
    %all_reduce_population_count3A_552 = tpu.all_reduce %ge3A_539 {dim = 0 : i64, kind = #tpu.reduction_kind<sum>} : vector<16xi1> -> vector<16xi32>
    %add3A_553 = arith.addi %add3A_532, %all_reduce_population_count3A_552 : vector<16xi32>
    %add3A_554 = arith.constant 192 : i32
    %add3A_555 = arith.addi %mul3A_9, %add3A_554 : i32
    %get3A_556 = arith.index_cast %add3A_555 : i32 to index
    %get3A_557 = tpu.vector_load %arg6[%get3A_556] {strides = array<i32>} : memref<25616xi32, #tpu.memory_space<vmem>>, vector<16xi32>,
    %ge3A_558 = arith.constant 512000 : i32
    %ge3A_559 = vector.broadcast %ge3A_558 : i32 to vector<16xi32>
    %ge3A_560 = arith.cmpi sge, %get3A_557, %ge3A_559 : vector<16xi32>
    %sub3A_561 = arith.constant 512000 : i32
    %sub3A_562 = vector.broadcast %sub3A_561 : i32 to vector<16xi32>
    %sub3A_563 = arith.subi %get3A_557, %sub3A_562 : vector<16xi32>
    %select_n3A_564 = arith.select %ge3A_560, %sub3A_563, %get3A_557 : vector<16xi1>, vector<16xi32>
    %and3A_565 = arith.andi %ge3A_560, %lt3A_4 : vector<16xi1>
    %convert_element_type3A_566 = arith.extui %and3A_565 : vector<16xi1> to vector<16xi32>
    %broadcast_in_dim3A_567 = arith.constant true
    %broadcast_in_dim3A_568 = vector.broadcast %broadcast_in_dim3A_567 : i1 to vector<16xi1>
    %masked_cumsum3A_569 = tpu.scan <sum>, %convert_element_type3A_566 masked %broadcast_in_dim3A_568 : vector<16xi32>, vector<16xi1> -> vector<16xi32>
    %add3A_570 = arith.addi %add3A_553, %masked_cumsum3A_569 : vector<16xi32>
    %sub3A_571 = arith.constant 1 : i32
    %sub3A_572 = vector.broadcast %sub3A_571 : i32 to vector<16xi32>
    %sub3A_573 = arith.subi %add3A_570, %sub3A_572 : vector<16xi32>
    tpu.vector_store_idx %arg7[%sub3A_573], %select_n3A_564 masked %and3A_565 : memref<224xi32, #tpu.memory_space<vmem>>[vector<16xi32>], vector<16xi32>, vector<16xi1>
    %all_reduce_population_count3A_574 = tpu.all_reduce %and3A_565 {dim = 0 : i64, kind = #tpu.reduction_kind<sum>} : vector<16xi1> -> vector<16xi32>
    %add3A_575 = arith.addi %add3A_553, %all_reduce_population_count3A_574 : vector<16xi32>
    %dma_start3A = arith.constant 0 : i32
    %dma_start3A_576 = arith.constant 0 : i32
    %dma_start3A_577 = arith.constant 0 : i32
    %dma_start3A_578 = tpu.memref_slice %arg9[%dma_start3A, %dma_start3A_576, %dma_start3A_577] : memref<2x200x128xf32, #tpu.memory_space<vmem>> -> memref<1x200x128xf32, #tpu.memory_space<vmem>>
    %dma_start3A_579 = tpu.memref_squeeze %dma_start3A_578 : memref<1x200x128xf32, #tpu.memory_space<vmem>> -> memref<200x128xf32, #tpu.memory_space<vmem>>
    %dma_start3A_580 = arith.constant 0 : i32
    %dma_start3A_581 = arith.constant 0 : i32
    %dma_start3A_582 = tpu.memref_slice %dma_start3A_579[%dma_start3A_580, %dma_start3A_581] : memref<200x128xf32, #tpu.memory_space<vmem>> -> memref<120x128xf32, #tpu.memory_space<vmem>>
    %dma_start3A_583 = arith.constant 0 : i32
    %dma_start3A_584 = tpu.memref_slice %arg7[%dma_start3A_583] : memref<224xi32, #tpu.memory_space<vmem>> -> memref<120xi32, #tpu.memory_space<vmem>>
    %dma_start3A_585 = arith.constant 0 : i32
    %dma_start3A_586 = arith.constant 0 : i32
    %dma_start3A_587 = tpu.memref_slice %arg3[%dma_start3A_585, %dma_start3A_586] : memref<512000x128xf32, #tpu.memory_space<hbm>> -> memref<512000x128xf32, #tpu.memory_space<hbm>>
    tpu.enqueue_indirect_dma source(%dma_start3A_587 : memref<512000x128xf32, #tpu.memory_space<hbm>>) target(%dma_start3A_582 : memref<120x128xf32, #tpu.memory_space<vmem>>) offsets(%dma_start3A_584 : memref<120xi32, #tpu.memory_space<vmem>>) semaphore(%arg12 : memref<!tpu.dma_semaphore, #tpu.memory_space<semaphore_mem>>)
    %dma_start3A_588 = arith.constant 0 : i32
    %dma_start3A_589 = arith.constant 0 : i32
    %dma_start3A_590 = arith.constant 0 : i32
    %dma_start3A_591 = tpu.memref_slice %arg9[%dma_start3A_588, %dma_start3A_589, %dma_start3A_590] : memref<2x200x128xf32, #tpu.memory_space<vmem>> -> memref<1x200x128xf32, #tpu.memory_space<vmem>>
    %dma_start3A_592 = tpu.memref_squeeze %dma_start3A_591 : memref<1x200x128xf32, #tpu.memory_space<vmem>> -> memref<200x128xf32, #tpu.memory_space<vmem>>
    %dma_start3A_593 = arith.constant 120 : i32
    %dma_start3A_594 = arith.constant 0 : i32
    %dma_start3A_595 = tpu.memref_slice %dma_start3A_592[%dma_start3A_593, %dma_start3A_594] : memref<200x128xf32, #tpu.memory_space<vmem>> -> memref<80x128xf32, #tpu.memory_space<vmem>>
    %dma_start3A_596 = arith.constant 120 : i32
    %dma_start3A_597 = tpu.memref_slice %arg7[%dma_start3A_596] : memref<224xi32, #tpu.memory_space<vmem>> -> memref<80xi32, #tpu.memory_space<vmem>>
    %dma_start3A_598 = arith.constant 0 : i32
    %dma_start3A_599 = arith.constant 0 : i32
    %dma_start3A_600 = tpu.memref_slice %arg3[%dma_start3A_598, %dma_start3A_599] : memref<512000x128xf32, #tpu.memory_space<hbm>> -> memref<512000x128xf32, #tpu.memory_space<hbm>>
    tpu.enqueue_indirect_dma source(%dma_start3A_600 : memref<512000x128xf32, #tpu.memory_space<hbm>>) target(%dma_start3A_595 : memref<80x128xf32, #tpu.memory_space<vmem>>) offsets(%dma_start3A_597 : memref<80xi32, #tpu.memory_space<vmem>>) semaphore(%arg12 : memref<!tpu.dma_semaphore, #tpu.memory_space<semaphore_mem>>)
    %mul3A_601 = arith.constant 1 : i32
    %mul3A_602 = arith.constant 200 : i32
    %mul3A_603 = arith.muli %mul3A_601, %mul3A_602 : i32
    %broadcast_in_dim3A_604 = arith.constant 0 : i32
    %broadcast_in_dim3A_605 = vector.broadcast %broadcast_in_dim3A_604 : i32 to vector<16xi32>
    %add3A_606 = arith.constant 0 : i32
    %add3A_607 = arith.addi %mul3A_603, %add3A_606 : i32
    %get3A_608 = arith.index_cast %add3A_607 : i32 to index
    %get3A_609 = tpu.vector_load %arg6[%get3A_608] {strides = array<i32>} : memref<25616xi32, #tpu.memory_space<vmem>>, vector<16xi32>,
    %ge3A_610 = arith.constant 512000 : i32
    %ge3A_611 = vector.broadcast %ge3A_610 : i32 to vector<16xi32>
    %ge3A_612 = arith.cmpi sge, %get3A_609, %ge3A_611 : vector<16xi32>
    %sub3A_613 = arith.constant 512000 : i32
    %sub3A_614 = vector.broadcast %sub3A_613 : i32 to vector<16xi32>
    %sub3A_615 = arith.subi %get3A_609, %sub3A_614 : vector<16xi32>
    %select_n3A_616 = arith.select %ge3A_612, %sub3A_615, %get3A_609 : vector<16xi1>, vector<16xi32>
    %not3A_617 = arith.constant dense<true> : vector<16xi1>
    %not3A_618 = arith.xori %ge3A_612, %not3A_617 : vector<16xi1>
    %convert_element_type3A_619 = arith.extui %not3A_618 : vector<16xi1> to vector<16xi32>
    %broadcast_in_dim3A_620 = arith.constant true
    %broadcast_in_dim3A_621 = vector.broadcast %broadcast_in_dim3A_620 : i1 to vector<16xi1>
    %masked_cumsum3A_622 = tpu.scan <sum>, %convert_element_type3A_619 masked %broadcast_in_dim3A_621 : vector<16xi32>, vector<16xi1> -> vector<16xi32>
    %add3A_623 = arith.addi %broadcast_in_dim3A_605, %masked_cumsum3A_622 : vector<16xi32>
    %sub3A_624 = arith.constant 1 : i32
    %sub3A_625 = vector.broadcast %sub3A_624 : i32 to vector<16xi32>
    %sub3A_626 = arith.subi %add3A_623, %sub3A_625 : vector<16xi32>
    tpu.vector_store_idx %arg8[%sub3A_626], %select_n3A_616 masked %not3A_618 : memref<224xi32, #tpu.memory_space<vmem>>[vector<16xi32>], vector<16xi32>, vector<16xi1>
    %all_reduce_population_count3A_627 = tpu.all_reduce %not3A_618 {dim = 0 : i64, kind = #tpu.reduction_kind<sum>} : vector<16xi1> -> vector<16xi32>
    %add3A_628 = arith.addi %broadcast_in_dim3A_605, %all_reduce_population_count3A_627 : vector<16xi32>
    %add3A_629 = arith.constant 16 : i32
    %add3A_630 = arith.addi %mul3A_603, %add3A_629 : i32
    %get3A_631 = arith.index_cast %add3A_630 : i32 to index
    %get3A_632 = tpu.vector_load %arg6[%get3A_631] {strides = array<i32>} : memref<25616xi32, #tpu.memory_space<vmem>>, vector<16xi32>,
    %ge3A_633 = arith.constant 512000 : i32
    %ge3A_634 = vector.broadcast %ge3A_633 : i32 to vector<16xi32>
    %ge3A_635 = arith.cmpi sge, %get3A_632, %ge3A_634 : vector<16xi32>
    %sub3A_636 = arith.constant 512000 : i32
    %sub3A_637 = vector.broadcast %sub3A_636 : i32 to vector<16xi32>
    %sub3A_638 = arith.subi %get3A_632, %sub3A_637 : vector<16xi32>
    %select_n3A_639 = arith.select %ge3A_635, %sub3A_638, %get3A_632 : vector<16xi1>, vector<16xi32>
    %not3A_640 = arith.constant dense<true> : vector<16xi1>
    %not3A_641 = arith.xori %ge3A_635, %not3A_640 : vector<16xi1>
    %convert_element_type3A_642 = arith.extui %not3A_641 : vector<16xi1> to vector<16xi32>
    %broadcast_in_dim3A_643 = arith.constant true
    %broadcast_in_dim3A_644 = vector.broadcast %broadcast_in_dim3A_643 : i1 to vector<16xi1>
    %masked_cumsum3A_645 = tpu.scan <sum>, %convert_element_type3A_642 masked %broadcast_in_dim3A_644 : vector<16xi32>, vector<16xi1> -> vector<16xi32>
    %add3A_646 = arith.addi %add3A_628, %masked_cumsum3A_645 : vector<16xi32>
    %sub3A_647 = arith.constant 1 : i32
    %sub3A_648 = vector.broadcast %sub3A_647 : i32 to vector<16xi32>
    %sub3A_649 = arith.subi %add3A_646, %sub3A_648 : vector<16xi32>
    tpu.vector_store_idx %arg8[%sub3A_649], %select_n3A_639 masked %not3A_641 : memref<224xi32, #tpu.memory_space<vmem>>[vector<16xi32>], vector<16xi32>, vector<16xi1>
    %all_reduce_population_count3A_650 = tpu.all_reduce %not3A_641 {dim = 0 : i64, kind = #tpu.reduction_kind<sum>} : vector<16xi1> -> vector<16xi32>
    %add3A_651 = arith.addi %add3A_628, %all_reduce_population_count3A_650 : vector<16xi32>
    %add3A_652 = arith.constant 32 : i32
    %add3A_653 = arith.addi %mul3A_603, %add3A_652 : i32
    %get3A_654 = arith.index_cast %add3A_653 : i32 to index
    %get3A_655 = tpu.vector_load %arg6[%get3A_654] {strides = array<i32>} : memref<25616xi32, #tpu.memory_space<vmem>>, vector<16xi32>,
    %ge3A_656 = arith.constant 512000 : i32
    %ge3A_657 = vector.broadcast %ge3A_656 : i32 to vector<16xi32>
    %ge3A_658 = arith.cmpi sge, %get3A_655, %ge3A_657 : vector<16xi32>
    %sub3A_659 = arith.constant 512000 : i32
    %sub3A_660 = vector.broadcast %sub3A_659 : i32 to vector<16xi32>
    %sub3A_661 = arith.subi %get3A_655, %sub3A_660 : vector<16xi32>
    %select_n3A_662 = arith.select %ge3A_658, %sub3A_661, %get3A_655 : vector<16xi1>, vector<16xi32>
    %not3A_663 = arith.constant dense<true> : vector<16xi1>
    %not3A_664 = arith.xori %ge3A_658, %not3A_663 : vector<16xi1>
    %convert_element_type3A_665 = arith.extui %not3A_664 : vector<16xi1> to vector<16xi32>
    %broadcast_in_dim3A_666 = arith.constant true
    %broadcast_in_dim3A_667 = vector.broadcast %broadcast_in_dim3A_666 : i1 to vector<16xi1>
    %masked_cumsum3A_668 = tpu.scan <sum>, %convert_element_type3A_665 masked %broadcast_in_dim3A_667 : vector<16xi32>, vector<16xi1> -> vector<16xi32>
    %add3A_669 = arith.addi %add3A_651, %masked_cumsum3A_668 : vector<16xi32>
    %sub3A_670 = arith.constant 1 : i32
    %sub3A_671 = vector.broadcast %sub3A_670 : i32 to vector<16xi32>
    %sub3A_672 = arith.subi %add3A_669, %sub3A_671 : vector<16xi32>
    tpu.vector_store_idx %arg8[%sub3A_672], %select_n3A_662 masked %not3A_664 : memref<224xi32, #tpu.memory_space<vmem>>[vector<16xi32>], vector<16xi32>, vector<16xi1>
    %all_reduce_population_count3A_673 = tpu.all_reduce %not3A_664 {dim = 0 : i64, kind = #tpu.reduction_kind<sum>} : vector<16xi1> -> vector<16xi32>
    %add3A_674 = arith.addi %add3A_651, %all_reduce_population_count3A_673 : vector<16xi32>
    %add3A_675 = arith.constant 48 : i32
    %add3A_676 = arith.addi %mul3A_603, %add3A_675 : i32
    %get3A_677 = arith.index_cast %add3A_676 : i32 to index
    %get3A_678 = tpu.vector_load %arg6[%get3A_677] {strides = array<i32>} : memref<25616xi32, #tpu.memory_space<vmem>>, vector<16xi32>,
    %ge3A_679 = arith.constant 512000 : i32
    %ge3A_680 = vector.broadcast %ge3A_679 : i32 to vector<16xi32>
    %ge3A_681 = arith.cmpi sge, %get3A_678, %ge3A_680 : vector<16xi32>
    %sub3A_682 = arith.constant 512000 : i32
    %sub3A_683 = vector.broadcast %sub3A_682 : i32 to vector<16xi32>
    %sub3A_684 = arith.subi %get3A_678, %sub3A_683 : vector<16xi32>
    %select_n3A_685 = arith.select %ge3A_681, %sub3A_684, %get3A_678 : vector<16xi1>, vector<16xi32>
    %not3A_686 = arith.constant dense<true> : vector<16xi1>
    %not3A_687 = arith.xori %ge3A_681, %not3A_686 : vector<16xi1>
    %convert_element_type3A_688 = arith.extui %not3A_687 : vector<16xi1> to vector<16xi32>
    %broadcast_in_dim3A_689 = arith.constant true
    %broadcast_in_dim3A_690 = vector.broadcast %broadcast_in_dim3A_689 : i1 to vector<16xi1>
    %masked_cumsum3A_691 = tpu.scan <sum>, %convert_element_type3A_688 masked %broadcast_in_dim3A_690 : vector<16xi32>, vector<16xi1> -> vector<16xi32>
    %add3A_692 = arith.addi %add3A_674, %masked_cumsum3A_691 : vector<16xi32>
    %sub3A_693 = arith.constant 1 : i32
    %sub3A_694 = vector.broadcast %sub3A_693 : i32 to vector<16xi32>
    %sub3A_695 = arith.subi %add3A_692, %sub3A_694 : vector<16xi32>
    tpu.vector_store_idx %arg8[%sub3A_695], %select_n3A_685 masked %not3A_687 : memref<224xi32, #tpu.memory_space<vmem>>[vector<16xi32>], vector<16xi32>, vector<16xi1>
    %all_reduce_population_count3A_696 = tpu.all_reduce %not3A_687 {dim = 0 : i64, kind = #tpu.reduction_kind<sum>} : vector<16xi1> -> vector<16xi32>
    %add3A_697 = arith.addi %add3A_674, %all_reduce_population_count3A_696 : vector<16xi32>
    %add3A_698 = arith.constant 64 : i32
    %add3A_699 = arith.addi %mul3A_603, %add3A_698 : i32
    %get3A_700 = arith.index_cast %add3A_699 : i32 to index
    %get3A_701 = tpu.vector_load %arg6[%get3A_700] {strides = array<i32>} : memref<25616xi32, #tpu.memory_space<vmem>>, vector<16xi32>,
    %ge3A_702 = arith.constant 512000 : i32
    %ge3A_703 = vector.broadcast %ge3A_702 : i32 to vector<16xi32>
    %ge3A_704 = arith.cmpi sge, %get3A_701, %ge3A_703 : vector<16xi32>
    %sub3A_705 = arith.constant 512000 : i32
    %sub3A_706 = vector.broadcast %sub3A_705 : i32 to vector<16xi32>
    %sub3A_707 = arith.subi %get3A_701, %sub3A_706 : vector<16xi32>
    %select_n3A_708 = arith.select %ge3A_704, %sub3A_707, %get3A_701 : vector<16xi1>, vector<16xi32>
    %not3A_709 = arith.constant dense<true> : vector<16xi1>
    %not3A_710 = arith.xori %ge3A_704, %not3A_709 : vector<16xi1>
    %convert_element_type3A_711 = arith.extui %not3A_710 : vector<16xi1> to vector<16xi32>
    %broadcast_in_dim3A_712 = arith.constant true
    %broadcast_in_dim3A_713 = vector.broadcast %broadcast_in_dim3A_712 : i1 to vector<16xi1>
    %masked_cumsum3A_714 = tpu.scan <sum>, %convert_element_type3A_711 masked %broadcast_in_dim3A_713 : vector<16xi32>, vector<16xi1> -> vector<16xi32>
    %add3A_715 = arith.addi %add3A_697, %masked_cumsum3A_714 : vector<16xi32>
    %sub3A_716 = arith.constant 1 : i32
    %sub3A_717 = vector.broadcast %sub3A_716 : i32 to vector<16xi32>
    %sub3A_718 = arith.subi %add3A_715, %sub3A_717 : vector<16xi32>
    tpu.vector_store_idx %arg8[%sub3A_718], %select_n3A_708 masked %not3A_710 : memref<224xi32, #tpu.memory_space<vmem>>[vector<16xi32>], vector<16xi32>, vector<16xi1>
    %all_reduce_population_count3A_719 = tpu.all_reduce %not3A_710 {dim = 0 : i64, kind = #tpu.reduction_kind<sum>} : vector<16xi1> -> vector<16xi32>
    %add3A_720 = arith.addi %add3A_697, %all_reduce_population_count3A_719 : vector<16xi32>
    %add3A_721 = arith.constant 80 : i32
    %add3A_722 = arith.addi %mul3A_603, %add3A_721 : i32
    %get3A_723 = arith.index_cast %add3A_722 : i32 to index
    %get3A_724 = tpu.vector_load %arg6[%get3A_723] {strides = array<i32>} : memref<25616xi32, #tpu.memory_space<vmem>>, vector<16xi32>,
    %ge3A_725 = arith.constant 512000 : i32
    %ge3A_726 = vector.broadcast %ge3A_725 : i32 to vector<16xi32>
    %ge3A_727 = arith.cmpi sge, %get3A_724, %ge3A_726 : vector<16xi32>
    %sub3A_728 = arith.constant 512000 : i32
    %sub3A_729 = vector.broadcast %sub3A_728 : i32 to vector<16xi32>
    %sub3A_730 = arith.subi %get3A_724, %sub3A_729 : vector<16xi32>
    %select_n3A_731 = arith.select %ge3A_727, %sub3A_730, %get3A_724 : vector<16xi1>, vector<16xi32>
    %not3A_732 = arith.constant dense<true> : vector<16xi1>
    %not3A_733 = arith.xori %ge3A_727, %not3A_732 : vector<16xi1>
    %convert_element_type3A_734 = arith.extui %not3A_733 : vector<16xi1> to vector<16xi32>
    %broadcast_in_dim3A_735 = arith.constant true
    %broadcast_in_dim3A_736 = vector.broadcast %broadcast_in_dim3A_735 : i1 to vector<16xi1>
    %masked_cumsum3A_737 = tpu.scan <sum>, %convert_element_type3A_734 masked %broadcast_in_dim3A_736 : vector<16xi32>, vector<16xi1> -> vector<16xi32>
    %add3A_738 = arith.addi %add3A_720, %masked_cumsum3A_737 : vector<16xi32>
    %sub3A_739 = arith.constant 1 : i32
    %sub3A_740 = vector.broadcast %sub3A_739 : i32 to vector<16xi32>
    %sub3A_741 = arith.subi %add3A_738, %sub3A_740 : vector<16xi32>
    tpu.vector_store_idx %arg8[%sub3A_741], %select_n3A_731 masked %not3A_733 : memref<224xi32, #tpu.memory_space<vmem>>[vector<16xi32>], vector<16xi32>, vector<16xi1>
    %all_reduce_population_count3A_742 = tpu.all_reduce %not3A_733 {dim = 0 : i64, kind = #tpu.reduction_kind<sum>} : vector<16xi1> -> vector<16xi32>
    %add3A_743 = arith.addi %add3A_720, %all_reduce_population_count3A_742 : vector<16xi32>
    %add3A_744 = arith.constant 96 : i32
    %add3A_745 = arith.addi %mul3A_603, %add3A_744 : i32
    %get3A_746 = arith.index_cast %add3A_745 : i32 to index
    %get3A_747 = tpu.vector_load %arg6[%get3A_746] {strides = array<i32>} : memref<25616xi32, #tpu.memory_space<vmem>>, vector<16xi32>,
    %ge3A_748 = arith.constant 512000 : i32
    %ge3A_749 = vector.broadcast %ge3A_748 : i32 to vector<16xi32>
    %ge3A_750 = arith.cmpi sge, %get3A_747, %ge3A_749 : vector<16xi32>
    %sub3A_751 = arith.constant 512000 : i32
    %sub3A_752 = vector.broadcast %sub3A_751 : i32 to vector<16xi32>
    %sub3A_753 = arith.subi %get3A_747, %sub3A_752 : vector<16xi32>
    %select_n3A_754 = arith.select %ge3A_750, %sub3A_753, %get3A_747 : vector<16xi1>, vector<16xi32>
    %not3A_755 = arith.constant dense<true> : vector<16xi1>
    %not3A_756 = arith.xori %ge3A_750, %not3A_755 : vector<16xi1>
    %convert_element_type3A_757 = arith.extui %not3A_756 : vector<16xi1> to vector<16xi32>
    %broadcast_in_dim3A_758 = arith.constant true
    %broadcast_in_dim3A_759 = vector.broadcast %broadcast_in_dim3A_758 : i1 to vector<16xi1>
    %masked_cumsum3A_760 = tpu.scan <sum>, %convert_element_type3A_757 masked %broadcast_in_dim3A_759 : vector<16xi32>, vector<16xi1> -> vector<16xi32>
    %add3A_761 = arith.addi %add3A_743, %masked_cumsum3A_760 : vector<16xi32>
    %sub3A_762 = arith.constant 1 : i32
    %sub3A_763 = vector.broadcast %sub3A_762 : i32 to vector<16xi32>
    %sub3A_764 = arith.subi %add3A_761, %sub3A_763 : vector<16xi32>
    tpu.vector_store_idx %arg8[%sub3A_764], %select_n3A_754 masked %not3A_756 : memref<224xi32, #tpu.memory_space<vmem>>[vector<16xi32>], vector<16xi32>, vector<16xi1>
    %all_reduce_population_count3A_765 = tpu.all_reduce %not3A_756 {dim = 0 : i64, kind = #tpu.reduction_kind<sum>} : vector<16xi1> -> vector<16xi32>
    %add3A_766 = arith.addi %add3A_743, %all_reduce_population_count3A_765 : vector<16xi32>
    %add3A_767 = arith.constant 112 : i32
    %add3A_768 = arith.addi %mul3A_603, %add3A_767 : i32
    %get3A_769 = arith.index_cast %add3A_768 : i32 to index
    %get3A_770 = tpu.vector_load %arg6[%get3A_769] {strides = array<i32>} : memref<25616xi32, #tpu.memory_space<vmem>>, vector<16xi32>,
    %ge3A_771 = arith.constant 512000 : i32
    %ge3A_772 = vector.broadcast %ge3A_771 : i32 to vector<16xi32>
    %ge3A_773 = arith.cmpi sge, %get3A_770, %ge3A_772 : vector<16xi32>
    %sub3A_774 = arith.constant 512000 : i32
    %sub3A_775 = vector.broadcast %sub3A_774 : i32 to vector<16xi32>
    %sub3A_776 = arith.subi %get3A_770, %sub3A_775 : vector<16xi32>
    %select_n3A_777 = arith.select %ge3A_773, %sub3A_776, %get3A_770 : vector<16xi1>, vector<16xi32>
    %not3A_778 = arith.constant dense<true> : vector<16xi1>
    %not3A_779 = arith.xori %ge3A_773, %not3A_778 : vector<16xi1>
    %convert_element_type3A_780 = arith.extui %not3A_779 : vector<16xi1> to vector<16xi32>
    %broadcast_in_dim3A_781 = arith.constant true
    %broadcast_in_dim3A_782 = vector.broadcast %broadcast_in_dim3A_781 : i1 to vector<16xi1>
    %masked_cumsum3A_783 = tpu.scan <sum>, %convert_element_type3A_780 masked %broadcast_in_dim3A_782 : vector<16xi32>, vector<16xi1> -> vector<16xi32>
    %add3A_784 = arith.addi %add3A_766, %masked_cumsum3A_783 : vector<16xi32>
    %sub3A_785 = arith.constant 1 : i32
    %sub3A_786 = vector.broadcast %sub3A_785 : i32 to vector<16xi32>
    %sub3A_787 = arith.subi %add3A_784, %sub3A_786 : vector<16xi32>
    tpu.vector_store_idx %arg8[%sub3A_787], %select_n3A_777 masked %not3A_779 : memref<224xi32, #tpu.memory_space<vmem>>[vector<16xi32>], vector<16xi32>, vector<16xi1>
    %all_reduce_population_count3A_788 = tpu.all_reduce %not3A_779 {dim = 0 : i64, kind = #tpu.reduction_kind<sum>} : vector<16xi1> -> vector<16xi32>
    %add3A_789 = arith.addi %add3A_766, %all_reduce_population_count3A_788 : vector<16xi32>
    %add3A_790 = arith.constant 128 : i32
    %add3A_791 = arith.addi %mul3A_603, %add3A_790 : i32
    %get3A_792 = arith.index_cast %add3A_791 : i32 to index
    %get3A_793 = tpu.vector_load %arg6[%get3A_792] {strides = array<i32>} : memref<25616xi32, #tpu.memory_space<vmem>>, vector<16xi32>,
    %ge3A_794 = arith.constant 512000 : i32
    %ge3A_795 = vector.broadcast %ge3A_794 : i32 to vector<16xi32>
    %ge3A_796 = arith.cmpi sge, %get3A_793, %ge3A_795 : vector<16xi32>
    %sub3A_797 = arith.constant 512000 : i32
    %sub3A_798 = vector.broadcast %sub3A_797 : i32 to vector<16xi32>
    %sub3A_799 = arith.subi %get3A_793, %sub3A_798 : vector<16xi32>
    %select_n3A_800 = arith.select %ge3A_796, %sub3A_799, %get3A_793 : vector<16xi1>, vector<16xi32>
    %not3A_801 = arith.constant dense<true> : vector<16xi1>
    %not3A_802 = arith.xori %ge3A_796, %not3A_801 : vector<16xi1>
    %convert_element_type3A_803 = arith.extui %not3A_802 : vector<16xi1> to vector<16xi32>
    %broadcast_in_dim3A_804 = arith.constant true
    %broadcast_in_dim3A_805 = vector.broadcast %broadcast_in_dim3A_804 : i1 to vector<16xi1>
    %masked_cumsum3A_806 = tpu.scan <sum>, %convert_element_type3A_803 masked %broadcast_in_dim3A_805 : vector<16xi32>, vector<16xi1> -> vector<16xi32>
    %add3A_807 = arith.addi %add3A_789, %masked_cumsum3A_806 : vector<16xi32>
    %sub3A_808 = arith.constant 1 : i32
    %sub3A_809 = vector.broadcast %sub3A_808 : i32 to vector<16xi32>
    %sub3A_810 = arith.subi %add3A_807, %sub3A_809 : vector<16xi32>
    tpu.vector_store_idx %arg8[%sub3A_810], %select_n3A_800 masked %not3A_802 : memref<224xi32, #tpu.memory_space<vmem>>[vector<16xi32>], vector<16xi32>, vector<16xi1>
    %all_reduce_population_count3A_811 = tpu.all_reduce %not3A_802 {dim = 0 : i64, kind = #tpu.reduction_kind<sum>} : vector<16xi1> -> vector<16xi32>
    %add3A_812 = arith.addi %add3A_789, %all_reduce_population_count3A_811 : vector<16xi32>
    %add3A_813 = arith.constant 144 : i32
    %add3A_814 = arith.addi %mul3A_603, %add3A_813 : i32
    %get3A_815 = arith.index_cast %add3A_814 : i32 to index
    %get3A_816 = tpu.vector_load %arg6[%get3A_815] {strides = array<i32>} : memref<25616xi32, #tpu.memory_space<vmem>>, vector<16xi32>,
    %ge3A_817 = arith.constant 512000 : i32
    %ge3A_818 = vector.broadcast %ge3A_817 : i32 to vector<16xi32>
    %ge3A_819 = arith.cmpi sge, %get3A_816, %ge3A_818 : vector<16xi32>
    %sub3A_820 = arith.constant 512000 : i32
    %sub3A_821 = vector.broadcast %sub3A_820 : i32 to vector<16xi32>
    %sub3A_822 = arith.subi %get3A_816, %sub3A_821 : vector<16xi32>
    %select_n3A_823 = arith.select %ge3A_819, %sub3A_822, %get3A_816 : vector<16xi1>, vector<16xi32>
    %not3A_824 = arith.constant dense<true> : vector<16xi1>
    %not3A_825 = arith.xori %ge3A_819, %not3A_824 : vector<16xi1>
    %convert_element_type3A_826 = arith.extui %not3A_825 : vector<16xi1> to vector<16xi32>
    %broadcast_in_dim3A_827 = arith.constant true
    %broadcast_in_dim3A_828 = vector.broadcast %broadcast_in_dim3A_827 : i1 to vector<16xi1>
    %masked_cumsum3A_829 = tpu.scan <sum>, %convert_element_type3A_826 masked %broadcast_in_dim3A_828 : vector<16xi32>, vector<16xi1> -> vector<16xi32>
    %add3A_830 = arith.addi %add3A_812, %masked_cumsum3A_829 : vector<16xi32>
    %sub3A_831 = arith.constant 1 : i32
    %sub3A_832 = vector.broadcast %sub3A_831 : i32 to vector<16xi32>
    %sub3A_833 = arith.subi %add3A_830, %sub3A_832 : vector<16xi32>
    tpu.vector_store_idx %arg8[%sub3A_833], %select_n3A_823 masked %not3A_825 : memref<224xi32, #tpu.memory_space<vmem>>[vector<16xi32>], vector<16xi32>, vector<16xi1>
    %all_reduce_population_count3A_834 = tpu.all_reduce %not3A_825 {dim = 0 : i64, kind = #tpu.reduction_kind<sum>} : vector<16xi1> -> vector<16xi32>
    %add3A_835 = arith.addi %add3A_812, %all_reduce_population_count3A_834 : vector<16xi32>
    %add3A_836 = arith.constant 160 : i32
    %add3A_837 = arith.addi %mul3A_603, %add3A_836 : i32
    %get3A_838 = arith.index_cast %add3A_837 : i32 to index
    %get3A_839 = tpu.vector_load %arg6[%get3A_838] {strides = array<i32>} : memref<25616xi32, #tpu.memory_space<vmem>>, vector<16xi32>,
    %ge3A_840 = arith.constant 512000 : i32
    %ge3A_841 = vector.broadcast %ge3A_840 : i32 to vector<16xi32>
    %ge3A_842 = arith.cmpi sge, %get3A_839, %ge3A_841 : vector<16xi32>
    %sub3A_843 = arith.constant 512000 : i32
    %sub3A_844 = vector.broadcast %sub3A_843 : i32 to vector<16xi32>
    %sub3A_845 = arith.subi %get3A_839, %sub3A_844 : vector<16xi32>
    %select_n3A_846 = arith.select %ge3A_842, %sub3A_845, %get3A_839 : vector<16xi1>, vector<16xi32>
    %not3A_847 = arith.constant dense<true> : vector<16xi1>
    %not3A_848 = arith.xori %ge3A_842, %not3A_847 : vector<16xi1>
    %convert_element_type3A_849 = arith.extui %not3A_848 : vector<16xi1> to vector<16xi32>
    %broadcast_in_dim3A_850 = arith.constant true
    %broadcast_in_dim3A_851 = vector.broadcast %broadcast_in_dim3A_850 : i1 to vector<16xi1>
    %masked_cumsum3A_852 = tpu.scan <sum>, %convert_element_type3A_849 masked %broadcast_in_dim3A_851 : vector<16xi32>, vector<16xi1> -> vector<16xi32>
    %add3A_853 = arith.addi %add3A_835, %masked_cumsum3A_852 : vector<16xi32>
    %sub3A_854 = arith.constant 1 : i32
    %sub3A_855 = vector.broadcast %sub3A_854 : i32 to vector<16xi32>
    %sub3A_856 = arith.subi %add3A_853, %sub3A_855 : vector<16xi32>
    tpu.vector_store_idx %arg8[%sub3A_856], %select_n3A_846 masked %not3A_848 : memref<224xi32, #tpu.memory_space<vmem>>[vector<16xi32>], vector<16xi32>, vector<16xi1>
    %all_reduce_population_count3A_857 = tpu.all_reduce %not3A_848 {dim = 0 : i64, kind = #tpu.reduction_kind<sum>} : vector<16xi1> -> vector<16xi32>
    %add3A_858 = arith.addi %add3A_835, %all_reduce_population_count3A_857 : vector<16xi32>
    %add3A_859 = arith.constant 176 : i32
    %add3A_860 = arith.addi %mul3A_603, %add3A_859 : i32
    %get3A_861 = arith.index_cast %add3A_860 : i32 to index
    %get3A_862 = tpu.vector_load %arg6[%get3A_861] {strides = array<i32>} : memref<25616xi32, #tpu.memory_space<vmem>>, vector<16xi32>,
    %ge3A_863 = arith.constant 512000 : i32
    %ge3A_864 = vector.broadcast %ge3A_863 : i32 to vector<16xi32>
    %ge3A_865 = arith.cmpi sge, %get3A_862, %ge3A_864 : vector<16xi32>
    %sub3A_866 = arith.constant 512000 : i32
    %sub3A_867 = vector.broadcast %sub3A_866 : i32 to vector<16xi32>
    %sub3A_868 = arith.subi %get3A_862, %sub3A_867 : vector<16xi32>
    %select_n3A_869 = arith.select %ge3A_865, %sub3A_868, %get3A_862 : vector<16xi1>, vector<16xi32>
    %not3A_870 = arith.constant dense<true> : vector<16xi1>
    %not3A_871 = arith.xori %ge3A_865, %not3A_870 : vector<16xi1>
    %convert_element_type3A_872 = arith.extui %not3A_871 : vector<16xi1> to vector<16xi32>
    %broadcast_in_dim3A_873 = arith.constant true
    %broadcast_in_dim3A_874 = vector.broadcast %broadcast_in_dim3A_873 : i1 to vector<16xi1>
    %masked_cumsum3A_875 = tpu.scan <sum>, %convert_element_type3A_872 masked %broadcast_in_dim3A_874 : vector<16xi32>, vector<16xi1> -> vector<16xi32>
    %add3A_876 = arith.addi %add3A_858, %masked_cumsum3A_875 : vector<16xi32>
    %sub3A_877 = arith.constant 1 : i32
    %sub3A_878 = vector.broadcast %sub3A_877 : i32 to vector<16xi32>
    %sub3A_879 = arith.subi %add3A_876, %sub3A_878 : vector<16xi32>
    tpu.vector_store_idx %arg8[%sub3A_879], %select_n3A_869 masked %not3A_871 : memref<224xi32, #tpu.memory_space<vmem>>[vector<16xi32>], vector<16xi32>, vector<16xi1>
    %all_reduce_population_count3A_880 = tpu.all_reduce %not3A_871 {dim = 0 : i64, kind = #tpu.reduction_kind<sum>} : vector<16xi1> -> vector<16xi32>
    %add3A_881 = arith.addi %add3A_858, %all_reduce_population_count3A_880 : vector<16xi32>
    %add3A_882 = arith.constant 192 : i32
    %add3A_883 = arith.addi %mul3A_603, %add3A_882 : i32
    %get3A_884 = arith.index_cast %add3A_883 : i32 to index
    %get3A_885 = tpu.vector_load %arg6[%get3A_884] {strides = array<i32>} : memref<25616xi32, #tpu.memory_space<vmem>>, vector<16xi32>,
    %ge3A_886 = arith.constant 512000 : i32
    %ge3A_887 = vector.broadcast %ge3A_886 : i32 to vector<16xi32>
    %ge3A_888 = arith.cmpi sge, %get3A_885, %ge3A_887 : vector<16xi32>
    %sub3A_889 = arith.constant 512000 : i32
    %sub3A_890 = vector.broadcast %sub3A_889 : i32 to vector<16xi32>
    %sub3A_891 = arith.subi %get3A_885, %sub3A_890 : vector<16xi32>
    %select_n3A_892 = arith.select %ge3A_888, %sub3A_891, %get3A_885 : vector<16xi1>, vector<16xi32>
    %not3A_893 = arith.constant dense<true> : vector<16xi1>
    %not3A_894 = arith.xori %ge3A_888, %not3A_893 : vector<16xi1>
    %and3A_895 = arith.andi %not3A_894, %lt3A_4 : vector<16xi1>
    %convert_element_type3A_896 = arith.extui %and3A_895 : vector<16xi1> to vector<16xi32>
    %broadcast_in_dim3A_897 = arith.constant true
    %broadcast_in_dim3A_898 = vector.broadcast %broadcast_in_dim3A_897 : i1 to vector<16xi1>
    %masked_cumsum3A_899 = tpu.scan <sum>, %convert_element_type3A_896 masked %broadcast_in_dim3A_898 : vector<16xi32>, vector<16xi1> -> vector<16xi32>
    %add3A_900 = arith.addi %add3A_881, %masked_cumsum3A_899 : vector<16xi32>
    %sub3A_901 = arith.constant 1 : i32
    %sub3A_902 = vector.broadcast %sub3A_901 : i32 to vector<16xi32>
    %sub3A_903 = arith.subi %add3A_900, %sub3A_902 : vector<16xi32>
    tpu.vector_store_idx %arg8[%sub3A_903], %select_n3A_892 masked %and3A_895 : memref<224xi32, #tpu.memory_space<vmem>>[vector<16xi32>], vector<16xi32>, vector<16xi1>
    %all_reduce_population_count3A_904 = tpu.all_reduce %and3A_895 {dim = 0 : i64, kind = #tpu.reduction_kind<sum>} : vector<16xi1> -> vector<16xi32>
    %add3A_905 = arith.addi %add3A_881, %all_reduce_population_count3A_904 : vector<16xi32>
    %slice3A_906 = vector.extract_strided_slice %add3A_905 {offsets = [0], sizes = [1], strides = [1]} : vector<16xi32> to vector<1xi32>
    %squeeze3A_907 = vector.extract %slice3A_906[0] : i32 from vector<1xi32>
    %add3A_908 = arith.constant 0 : i32
    %add3A_909 = arith.addi %mul3A_603, %add3A_908 : i32
    %get3A_910 = arith.index_cast %add3A_909 : i32 to index
    %get3A_911 = tpu.vector_load %arg6[%get3A_910] {strides = array<i32>} : memref<25616xi32, #tpu.memory_space<vmem>>, vector<16xi32>,
    %ge3A_912 = arith.constant 512000 : i32
    %ge3A_913 = vector.broadcast %ge3A_912 : i32 to vector<16xi32>
    %ge3A_914 = arith.cmpi sge, %get3A_911, %ge3A_913 : vector<16xi32>
    %sub3A_915 = arith.constant 512000 : i32
    %sub3A_916 = vector.broadcast %sub3A_915 : i32 to vector<16xi32>
    %sub3A_917 = arith.subi %get3A_911, %sub3A_916 : vector<16xi32>
    %select_n3A_918 = arith.select %ge3A_914, %sub3A_917, %get3A_911 : vector<16xi1>, vector<16xi32>
    %convert_element_type3A_919 = arith.extui %ge3A_914 : vector<16xi1> to vector<16xi32>
    %broadcast_in_dim3A_920 = arith.constant true
    %broadcast_in_dim3A_921 = vector.broadcast %broadcast_in_dim3A_920 : i1 to vector<16xi1>
    %masked_cumsum3A_922 = tpu.scan <sum>, %convert_element_type3A_919 masked %broadcast_in_dim3A_921 : vector<16xi32>, vector<16xi1> -> vector<16xi32>
    %add3A_923 = arith.addi %add3A_905, %masked_cumsum3A_922 : vector<16xi32>
    %sub3A_924 = arith.constant 1 : i32
    %sub3A_925 = vector.broadcast %sub3A_924 : i32 to vector<16xi32>
    %sub3A_926 = arith.subi %add3A_923, %sub3A_925 : vector<16xi32>
    tpu.vector_store_idx %arg8[%sub3A_926], %select_n3A_918 masked %ge3A_914 : memref<224xi32, #tpu.memory_space<vmem>>[vector<16xi32>], vector<16xi32>, vector<16xi1>
    %all_reduce_population_count3A_927 = tpu.all_reduce %ge3A_914 {dim = 0 : i64, kind = #tpu.reduction_kind<sum>} : vector<16xi1> -> vector<16xi32>
    %add3A_928 = arith.addi %add3A_905, %all_reduce_population_count3A_927 : vector<16xi32>
    %add3A_929 = arith.constant 16 : i32
    %add3A_930 = arith.addi %mul3A_603, %add3A_929 : i32
    %get3A_931 = arith.index_cast %add3A_930 : i32 to index
    %get3A_932 = tpu.vector_load %arg6[%get3A_931] {strides = array<i32>} : memref<25616xi32, #tpu.memory_space<vmem>>, vector<16xi32>,
    %ge3A_933 = arith.constant 512000 : i32
    %ge3A_934 = vector.broadcast %ge3A_933 : i32 to vector<16xi32>
    %ge3A_935 = arith.cmpi sge, %get3A_932, %ge3A_934 : vector<16xi32>
    %sub3A_936 = arith.constant 512000 : i32
    %sub3A_937 = vector.broadcast %sub3A_936 : i32 to vector<16xi32>
    %sub3A_938 = arith.subi %get3A_932, %sub3A_937 : vector<16xi32>
    %select_n3A_939 = arith.select %ge3A_935, %sub3A_938, %get3A_932 : vector<16xi1>, vector<16xi32>
    %convert_element_type3A_940 = arith.extui %ge3A_935 : vector<16xi1> to vector<16xi32>
    %broadcast_in_dim3A_941 = arith.constant true
    %broadcast_in_dim3A_942 = vector.broadcast %broadcast_in_dim3A_941 : i1 to vector<16xi1>
    %masked_cumsum3A_943 = tpu.scan <sum>, %convert_element_type3A_940 masked %broadcast_in_dim3A_942 : vector<16xi32>, vector<16xi1> -> vector<16xi32>
    %add3A_944 = arith.addi %add3A_928, %masked_cumsum3A_943 : vector<16xi32>
    %sub3A_945 = arith.constant 1 : i32
    %sub3A_946 = vector.broadcast %sub3A_945 : i32 to vector<16xi32>
    %sub3A_947 = arith.subi %add3A_944, %sub3A_946 : vector<16xi32>
    tpu.vector_store_idx %arg8[%sub3A_947], %select_n3A_939 masked %ge3A_935 : memref<224xi32, #tpu.memory_space<vmem>>[vector<16xi32>], vector<16xi32>, vector<16xi1>
    %all_reduce_population_count3A_948 = tpu.all_reduce %ge3A_935 {dim = 0 : i64, kind = #tpu.reduction_kind<sum>} : vector<16xi1> -> vector<16xi32>
    %add3A_949 = arith.addi %add3A_928, %all_reduce_population_count3A_948 : vector<16xi32>
    %add3A_950 = arith.constant 32 : i32
    %add3A_951 = arith.addi %mul3A_603, %add3A_950 : i32
    %get3A_952 = arith.index_cast %add3A_951 : i32 to index
    %get3A_953 = tpu.vector_load %arg6[%get3A_952] {strides = array<i32>} : memref<25616xi32, #tpu.memory_space<vmem>>, vector<16xi32>,
    %ge3A_954 = arith.constant 512000 : i32
    %ge3A_955 = vector.broadcast %ge3A_954 : i32 to vector<16xi32>
    %ge3A_956 = arith.cmpi sge, %get3A_953, %ge3A_955 : vector<16xi32>
    %sub3A_957 = arith.constant 512000 : i32
    %sub3A_958 = vector.broadcast %sub3A_957 : i32 to vector<16xi32>
    %sub3A_959 = arith.subi %get3A_953, %sub3A_958 : vector<16xi32>
    %select_n3A_960 = arith.select %ge3A_956, %sub3A_959, %get3A_953 : vector<16xi1>, vector<16xi32>
    %convert_element_type3A_961 = arith.extui %ge3A_956 : vector<16xi1> to vector<16xi32>
    %broadcast_in_dim3A_962 = arith.constant true
    %broadcast_in_dim3A_963 = vector.broadcast %broadcast_in_dim3A_962 : i1 to vector<16xi1>
    %masked_cumsum3A_964 = tpu.scan <sum>, %convert_element_type3A_961 masked %broadcast_in_dim3A_963 : vector<16xi32>, vector<16xi1> -> vector<16xi32>
    %add3A_965 = arith.addi %add3A_949, %masked_cumsum3A_964 : vector<16xi32>
    %sub3A_966 = arith.constant 1 : i32
    %sub3A_967 = vector.broadcast %sub3A_966 : i32 to vector<16xi32>
    %sub3A_968 = arith.subi %add3A_965, %sub3A_967 : vector<16xi32>
    tpu.vector_store_idx %arg8[%sub3A_968], %select_n3A_960 masked %ge3A_956 : memref<224xi32, #tpu.memory_space<vmem>>[vector<16xi32>], vector<16xi32>, vector<16xi1>
    %all_reduce_population_count3A_969 = tpu.all_reduce %ge3A_956 {dim = 0 : i64, kind = #tpu.reduction_kind<sum>} : vector<16xi1> -> vector<16xi32>
    %add3A_970 = arith.addi %add3A_949, %all_reduce_population_count3A_969 : vector<16xi32>
    %add3A_971 = arith.constant 48 : i32
    %add3A_972 = arith.addi %mul3A_603, %add3A_971 : i32
    %get3A_973 = arith.index_cast %add3A_972 : i32 to index
    %get3A_974 = tpu.vector_load %arg6[%get3A_973] {strides = array<i32>} : memref<25616xi32, #tpu.memory_space<vmem>>, vector<16xi32>,
    %ge3A_975 = arith.constant 512000 : i32
    %ge3A_976 = vector.broadcast %ge3A_975 : i32 to vector<16xi32>
    %ge3A_977 = arith.cmpi sge, %get3A_974, %ge3A_976 : vector<16xi32>
    %sub3A_978 = arith.constant 512000 : i32
    %sub3A_979 = vector.broadcast %sub3A_978 : i32 to vector<16xi32>
    %sub3A_980 = arith.subi %get3A_974, %sub3A_979 : vector<16xi32>
    %select_n3A_981 = arith.select %ge3A_977, %sub3A_980, %get3A_974 : vector<16xi1>, vector<16xi32>
    %convert_element_type3A_982 = arith.extui %ge3A_977 : vector<16xi1> to vector<16xi32>
    %broadcast_in_dim3A_983 = arith.constant true
    %broadcast_in_dim3A_984 = vector.broadcast %broadcast_in_dim3A_983 : i1 to vector<16xi1>
    %masked_cumsum3A_985 = tpu.scan <sum>, %convert_element_type3A_982 masked %broadcast_in_dim3A_984 : vector<16xi32>, vector<16xi1> -> vector<16xi32>
    %add3A_986 = arith.addi %add3A_970, %masked_cumsum3A_985 : vector<16xi32>
    %sub3A_987 = arith.constant 1 : i32
    %sub3A_988 = vector.broadcast %sub3A_987 : i32 to vector<16xi32>
    %sub3A_989 = arith.subi %add3A_986, %sub3A_988 : vector<16xi32>
    tpu.vector_store_idx %arg8[%sub3A_989], %select_n3A_981 masked %ge3A_977 : memref<224xi32, #tpu.memory_space<vmem>>[vector<16xi32>], vector<16xi32>, vector<16xi1>
    %all_reduce_population_count3A_990 = tpu.all_reduce %ge3A_977 {dim = 0 : i64, kind = #tpu.reduction_kind<sum>} : vector<16xi1> -> vector<16xi32>
    %add3A_991 = arith.addi %add3A_970, %all_reduce_population_count3A_990 : vector<16xi32>
    %add3A_992 = arith.constant 64 : i32
    %add3A_993 = arith.addi %mul3A_603, %add3A_992 : i32
    %get3A_994 = arith.index_cast %add3A_993 : i32 to index
    %get3A_995 = tpu.vector_load %arg6[%get3A_994] {strides = array<i32>} : memref<25616xi32, #tpu.memory_space<vmem>>, vector<16xi32>,
    %ge3A_996 = arith.constant 512000 : i32
    %ge3A_997 = vector.broadcast %ge3A_996 : i32 to vector<16xi32>
    %ge3A_998 = arith.cmpi sge, %get3A_995, %ge3A_997 : vector<16xi32>
    %sub3A_999 = arith.constant 512000 : i32
    %sub3A_1000 = vector.broadcast %sub3A_999 : i32 to vector<16xi32>
    %sub3A_1001 = arith.subi %get3A_995, %sub3A_1000 : vector<16xi32>
    %select_n3A_1002 = arith.select %ge3A_998, %sub3A_1001, %get3A_995 : vector<16xi1>, vector<16xi32>
    %convert_element_type3A_1003 = arith.extui %ge3A_998 : vector<16xi1> to vector<16xi32>
    %broadcast_in_dim3A_1004 = arith.constant true
    %broadcast_in_dim3A_1005 = vector.broadcast %broadcast_in_dim3A_1004 : i1 to vector<16xi1>
    %masked_cumsum3A_1006 = tpu.scan <sum>, %convert_element_type3A_1003 masked %broadcast_in_dim3A_1005 : vector<16xi32>, vector<16xi1> -> vector<16xi32>
    %add3A_1007 = arith.addi %add3A_991, %masked_cumsum3A_1006 : vector<16xi32>
    %sub3A_1008 = arith.constant 1 : i32
    %sub3A_1009 = vector.broadcast %sub3A_1008 : i32 to vector<16xi32>
    %sub3A_1010 = arith.subi %add3A_1007, %sub3A_1009 : vector<16xi32>
    tpu.vector_store_idx %arg8[%sub3A_1010], %select_n3A_1002 masked %ge3A_998 : memref<224xi32, #tpu.memory_space<vmem>>[vector<16xi32>], vector<16xi32>, vector<16xi1>
    %all_reduce_population_count3A_1011 = tpu.all_reduce %ge3A_998 {dim = 0 : i64, kind = #tpu.reduction_kind<sum>} : vector<16xi1> -> vector<16xi32>
    %add3A_1012 = arith.addi %add3A_991, %all_reduce_population_count3A_1011 : vector<16xi32>
    %add3A_1013 = arith.constant 80 : i32
    %add3A_1014 = arith.addi %mul3A_603, %add3A_1013 : i32
    %get3A_1015 = arith.index_cast %add3A_1014 : i32 to index
    %get3A_1016 = tpu.vector_load %arg6[%get3A_1015] {strides = array<i32>} : memref<25616xi32, #tpu.memory_space<vmem>>, vector<16xi32>,
    %ge3A_1017 = arith.constant 512000 : i32
    %ge3A_1018 = vector.broadcast %ge3A_1017 : i32 to vector<16xi32>
    %ge3A_1019 = arith.cmpi sge, %get3A_1016, %ge3A_1018 : vector<16xi32>
    %sub3A_1020 = arith.constant 512000 : i32
    %sub3A_1021 = vector.broadcast %sub3A_1020 : i32 to vector<16xi32>
    %sub3A_1022 = arith.subi %get3A_1016, %sub3A_1021 : vector<16xi32>
    %select_n3A_1023 = arith.select %ge3A_1019, %sub3A_1022, %get3A_1016 : vector<16xi1>, vector<16xi32>
    %convert_element_type3A_1024 = arith.extui %ge3A_1019 : vector<16xi1> to vector<16xi32>
    %broadcast_in_dim3A_1025 = arith.constant true
    %broadcast_in_dim3A_1026 = vector.broadcast %broadcast_in_dim3A_1025 : i1 to vector<16xi1>
    %masked_cumsum3A_1027 = tpu.scan <sum>, %convert_element_type3A_1024 masked %broadcast_in_dim3A_1026 : vector<16xi32>, vector<16xi1> -> vector<16xi32>
    %add3A_1028 = arith.addi %add3A_1012, %masked_cumsum3A_1027 : vector<16xi32>
    %sub3A_1029 = arith.constant 1 : i32
    %sub3A_1030 = vector.broadcast %sub3A_1029 : i32 to vector<16xi32>
    %sub3A_1031 = arith.subi %add3A_1028, %sub3A_1030 : vector<16xi32>
    tpu.vector_store_idx %arg8[%sub3A_1031], %select_n3A_1023 masked %ge3A_1019 : memref<224xi32, #tpu.memory_space<vmem>>[vector<16xi32>], vector<16xi32>, vector<16xi1>
    %all_reduce_population_count3A_1032 = tpu.all_reduce %ge3A_1019 {dim = 0 : i64, kind = #tpu.reduction_kind<sum>} : vector<16xi1> -> vector<16xi32>
    %add3A_1033 = arith.addi %add3A_1012, %all_reduce_population_count3A_1032 : vector<16xi32>
    %add3A_1034 = arith.constant 96 : i32
    %add3A_1035 = arith.addi %mul3A_603, %add3A_1034 : i32
    %get3A_1036 = arith.index_cast %add3A_1035 : i32 to index
    %get3A_1037 = tpu.vector_load %arg6[%get3A_1036] {strides = array<i32>} : memref<25616xi32, #tpu.memory_space<vmem>>, vector<16xi32>,
    %ge3A_1038 = arith.constant 512000 : i32
    %ge3A_1039 = vector.broadcast %ge3A_1038 : i32 to vector<16xi32>
    %ge3A_1040 = arith.cmpi sge, %get3A_1037, %ge3A_1039 : vector<16xi32>
    %sub3A_1041 = arith.constant 512000 : i32
    %sub3A_1042 = vector.broadcast %sub3A_1041 : i32 to vector<16xi32>
    %sub3A_1043 = arith.subi %get3A_1037, %sub3A_1042 : vector<16xi32>
    %select_n3A_1044 = arith.select %ge3A_1040, %sub3A_1043, %get3A_1037 : vector<16xi1>, vector<16xi32>
    %convert_element_type3A_1045 = arith.extui %ge3A_1040 : vector<16xi1> to vector<16xi32>
    %broadcast_in_dim3A_1046 = arith.constant true
    %broadcast_in_dim3A_1047 = vector.broadcast %broadcast_in_dim3A_1046 : i1 to vector<16xi1>
    %masked_cumsum3A_1048 = tpu.scan <sum>, %convert_element_type3A_1045 masked %broadcast_in_dim3A_1047 : vector<16xi32>, vector<16xi1> -> vector<16xi32>
    %add3A_1049 = arith.addi %add3A_1033, %masked_cumsum3A_1048 : vector<16xi32>
    %sub3A_1050 = arith.constant 1 : i32
    %sub3A_1051 = vector.broadcast %sub3A_1050 : i32 to vector<16xi32>
    %sub3A_1052 = arith.subi %add3A_1049, %sub3A_1051 : vector<16xi32>
    tpu.vector_store_idx %arg8[%sub3A_1052], %select_n3A_1044 masked %ge3A_1040 : memref<224xi32, #tpu.memory_space<vmem>>[vector<16xi32>], vector<16xi32>, vector<16xi1>
    %all_reduce_population_count3A_1053 = tpu.all_reduce %ge3A_1040 {dim = 0 : i64, kind = #tpu.reduction_kind<sum>} : vector<16xi1> -> vector<16xi32>
    %add3A_1054 = arith.addi %add3A_1033, %all_reduce_population_count3A_1053 : vector<16xi32>
    %add3A_1055 = arith.constant 112 : i32
    %add3A_1056 = arith.addi %mul3A_603, %add3A_1055 : i32
    %get3A_1057 = arith.index_cast %add3A_1056 : i32 to index
    %get3A_1058 = tpu.vector_load %arg6[%get3A_1057] {strides = array<i32>} : memref<25616xi32, #tpu.memory_space<vmem>>, vector<16xi32>,
    %ge3A_1059 = arith.constant 512000 : i32
    %ge3A_1060 = vector.broadcast %ge3A_1059 : i32 to vector<16xi32>
    %ge3A_1061 = arith.cmpi sge, %get3A_1058, %ge3A_1060 : vector<16xi32>
    %sub3A_1062 = arith.constant 512000 : i32
    %sub3A_1063 = vector.broadcast %sub3A_1062 : i32 to vector<16xi32>
    %sub3A_1064 = arith.subi %get3A_1058, %sub3A_1063 : vector<16xi32>
    %select_n3A_1065 = arith.select %ge3A_1061, %sub3A_1064, %get3A_1058 : vector<16xi1>, vector<16xi32>
    %convert_element_type3A_1066 = arith.extui %ge3A_1061 : vector<16xi1> to vector<16xi32>
    %broadcast_in_dim3A_1067 = arith.constant true
    %broadcast_in_dim3A_1068 = vector.broadcast %broadcast_in_dim3A_1067 : i1 to vector<16xi1>
    %masked_cumsum3A_1069 = tpu.scan <sum>, %convert_element_type3A_1066 masked %broadcast_in_dim3A_1068 : vector<16xi32>, vector<16xi1> -> vector<16xi32>
    %add3A_1070 = arith.addi %add3A_1054, %masked_cumsum3A_1069 : vector<16xi32>
    %sub3A_1071 = arith.constant 1 : i32
    %sub3A_1072 = vector.broadcast %sub3A_1071 : i32 to vector<16xi32>
    %sub3A_1073 = arith.subi %add3A_1070, %sub3A_1072 : vector<16xi32>
    tpu.vector_store_idx %arg8[%sub3A_1073], %select_n3A_1065 masked %ge3A_1061 : memref<224xi32, #tpu.memory_space<vmem>>[vector<16xi32>], vector<16xi32>, vector<16xi1>
    %all_reduce_population_count3A_1074 = tpu.all_reduce %ge3A_1061 {dim = 0 : i64, kind = #tpu.reduction_kind<sum>} : vector<16xi1> -> vector<16xi32>
    %add3A_1075 = arith.addi %add3A_1054, %all_reduce_population_count3A_1074 : vector<16xi32>
    %add3A_1076 = arith.constant 128 : i32
    %add3A_1077 = arith.addi %mul3A_603, %add3A_1076 : i32
    %get3A_1078 = arith.index_cast %add3A_1077 : i32 to index
    %get3A_1079 = tpu.vector_load %arg6[%get3A_1078] {strides = array<i32>} : memref<25616xi32, #tpu.memory_space<vmem>>, vector<16xi32>,
    %ge3A_1080 = arith.constant 512000 : i32
    %ge3A_1081 = vector.broadcast %ge3A_1080 : i32 to vector<16xi32>
    %ge3A_1082 = arith.cmpi sge, %get3A_1079, %ge3A_1081 : vector<16xi32>
    %sub3A_1083 = arith.constant 512000 : i32
    %sub3A_1084 = vector.broadcast %sub3A_1083 : i32 to vector<16xi32>
    %sub3A_1085 = arith.subi %get3A_1079, %sub3A_1084 : vector<16xi32>
    %select_n3A_1086 = arith.select %ge3A_1082, %sub3A_1085, %get3A_1079 : vector<16xi1>, vector<16xi32>
    %convert_element_type3A_1087 = arith.extui %ge3A_1082 : vector<16xi1> to vector<16xi32>
    %broadcast_in_dim3A_1088 = arith.constant true
    %broadcast_in_dim3A_1089 = vector.broadcast %broadcast_in_dim3A_1088 : i1 to vector<16xi1>
    %masked_cumsum3A_1090 = tpu.scan <sum>, %convert_element_type3A_1087 masked %broadcast_in_dim3A_1089 : vector<16xi32>, vector<16xi1> -> vector<16xi32>
    %add3A_1091 = arith.addi %add3A_1075, %masked_cumsum3A_1090 : vector<16xi32>
    %sub3A_1092 = arith.constant 1 : i32
    %sub3A_1093 = vector.broadcast %sub3A_1092 : i32 to vector<16xi32>
    %sub3A_1094 = arith.subi %add3A_1091, %sub3A_1093 : vector<16xi32>
    tpu.vector_store_idx %arg8[%sub3A_1094], %select_n3A_1086 masked %ge3A_1082 : memref<224xi32, #tpu.memory_space<vmem>>[vector<16xi32>], vector<16xi32>, vector<16xi1>
    %all_reduce_population_count3A_1095 = tpu.all_reduce %ge3A_1082 {dim = 0 : i64, kind = #tpu.reduction_kind<sum>} : vector<16xi1> -> vector<16xi32>
    %add3A_1096 = arith.addi %add3A_1075, %all_reduce_population_count3A_1095 : vector<16xi32>
    %add3A_1097 = arith.constant 144 : i32
    %add3A_1098 = arith.addi %mul3A_603, %add3A_1097 : i32
    %get3A_1099 = arith.index_cast %add3A_1098 : i32 to index
    %get3A_1100 = tpu.vector_load %arg6[%get3A_1099] {strides = array<i32>} : memref<25616xi32, #tpu.memory_space<vmem>>, vector<16xi32>,
    %ge3A_1101 = arith.constant 512000 : i32
    %ge3A_1102 = vector.broadcast %ge3A_1101 : i32 to vector<16xi32>
    %ge3A_1103 = arith.cmpi sge, %get3A_1100, %ge3A_1102 : vector<16xi32>
    %sub3A_1104 = arith.constant 512000 : i32
    %sub3A_1105 = vector.broadcast %sub3A_1104 : i32 to vector<16xi32>
    %sub3A_1106 = arith.subi %get3A_1100, %sub3A_1105 : vector<16xi32>
    %select_n3A_1107 = arith.select %ge3A_1103, %sub3A_1106, %get3A_1100 : vector<16xi1>, vector<16xi32>
    %convert_element_type3A_1108 = arith.extui %ge3A_1103 : vector<16xi1> to vector<16xi32>
    %broadcast_in_dim3A_1109 = arith.constant true
    %broadcast_in_dim3A_1110 = vector.broadcast %broadcast_in_dim3A_1109 : i1 to vector<16xi1>
    %masked_cumsum3A_1111 = tpu.scan <sum>, %convert_element_type3A_1108 masked %broadcast_in_dim3A_1110 : vector<16xi32>, vector<16xi1> -> vector<16xi32>
    %add3A_1112 = arith.addi %add3A_1096, %masked_cumsum3A_1111 : vector<16xi32>
    %sub3A_1113 = arith.constant 1 : i32
    %sub3A_1114 = vector.broadcast %sub3A_1113 : i32 to vector<16xi32>
    %sub3A_1115 = arith.subi %add3A_1112, %sub3A_1114 : vector<16xi32>
    tpu.vector_store_idx %arg8[%sub3A_1115], %select_n3A_1107 masked %ge3A_1103 : memref<224xi32, #tpu.memory_space<vmem>>[vector<16xi32>], vector<16xi32>, vector<16xi1>
    %all_reduce_population_count3A_1116 = tpu.all_reduce %ge3A_1103 {dim = 0 : i64, kind = #tpu.reduction_kind<sum>} : vector<16xi1> -> vector<16xi32>
    %add3A_1117 = arith.addi %add3A_1096, %all_reduce_population_count3A_1116 : vector<16xi32>
    %add3A_1118 = arith.constant 160 : i32
    %add3A_1119 = arith.addi %mul3A_603, %add3A_1118 : i32
    %get3A_1120 = arith.index_cast %add3A_1119 : i32 to index
    %get3A_1121 = tpu.vector_load %arg6[%get3A_1120] {strides = array<i32>} : memref<25616xi32, #tpu.memory_space<vmem>>, vector<16xi32>,
    %ge3A_1122 = arith.constant 512000 : i32
    %ge3A_1123 = vector.broadcast %ge3A_1122 : i32 to vector<16xi32>
    %ge3A_1124 = arith.cmpi sge, %get3A_1121, %ge3A_1123 : vector<16xi32>
    %sub3A_1125 = arith.constant 512000 : i32
    %sub3A_1126 = vector.broadcast %sub3A_1125 : i32 to vector<16xi32>
    %sub3A_1127 = arith.subi %get3A_1121, %sub3A_1126 : vector<16xi32>
    %select_n3A_1128 = arith.select %ge3A_1124, %sub3A_1127, %get3A_1121 : vector<16xi1>, vector<16xi32>
    %convert_element_type3A_1129 = arith.extui %ge3A_1124 : vector<16xi1> to vector<16xi32>
    %broadcast_in_dim3A_1130 = arith.constant true
    %broadcast_in_dim3A_1131 = vector.broadcast %broadcast_in_dim3A_1130 : i1 to vector<16xi1>
    %masked_cumsum3A_1132 = tpu.scan <sum>, %convert_element_type3A_1129 masked %broadcast_in_dim3A_1131 : vector<16xi32>, vector<16xi1> -> vector<16xi32>
    %add3A_1133 = arith.addi %add3A_1117, %masked_cumsum3A_1132 : vector<16xi32>
    %sub3A_1134 = arith.constant 1 : i32
    %sub3A_1135 = vector.broadcast %sub3A_1134 : i32 to vector<16xi32>
    %sub3A_1136 = arith.subi %add3A_1133, %sub3A_1135 : vector<16xi32>
    tpu.vector_store_idx %arg8[%sub3A_1136], %select_n3A_1128 masked %ge3A_1124 : memref<224xi32, #tpu.memory_space<vmem>>[vector<16xi32>], vector<16xi32>, vector<16xi1>
    %all_reduce_population_count3A_1137 = tpu.all_reduce %ge3A_1124 {dim = 0 : i64, kind = #tpu.reduction_kind<sum>} : vector<16xi1> -> vector<16xi32>
    %add3A_1138 = arith.addi %add3A_1117, %all_reduce_population_count3A_1137 : vector<16xi32>
    %add3A_1139 = arith.constant 176 : i32
    %add3A_1140 = arith.addi %mul3A_603, %add3A_1139 : i32
    %get3A_1141 = arith.index_cast %add3A_1140 : i32 to index
    %get3A_1142 = tpu.vector_load %arg6[%get3A_1141] {strides = array<i32>} : memref<25616xi32, #tpu.memory_space<vmem>>, vector<16xi32>,
    %ge3A_1143 = arith.constant 512000 : i32
    %ge3A_1144 = vector.broadcast %ge3A_1143 : i32 to vector<16xi32>
    %ge3A_1145 = arith.cmpi sge, %get3A_1142, %ge3A_1144 : vector<16xi32>
    %sub3A_1146 = arith.constant 512000 : i32
    %sub3A_1147 = vector.broadcast %sub3A_1146 : i32 to vector<16xi32>
    %sub3A_1148 = arith.subi %get3A_1142, %sub3A_1147 : vector<16xi32>
    %select_n3A_1149 = arith.select %ge3A_1145, %sub3A_1148, %get3A_1142 : vector<16xi1>, vector<16xi32>
    %convert_element_type3A_1150 = arith.extui %ge3A_1145 : vector<16xi1> to vector<16xi32>
    %broadcast_in_dim3A_1151 = arith.constant true
    %broadcast_in_dim3A_1152 = vector.broadcast %broadcast_in_dim3A_1151 : i1 to vector<16xi1>
    %masked_cumsum3A_1153 = tpu.scan <sum>, %convert_element_type3A_1150 masked %broadcast_in_dim3A_1152 : vector<16xi32>, vector<16xi1> -> vector<16xi32>
    %add3A_1154 = arith.addi %add3A_1138, %masked_cumsum3A_1153 : vector<16xi32>
    %sub3A_1155 = arith.constant 1 : i32
    %sub3A_1156 = vector.broadcast %sub3A_1155 : i32 to vector<16xi32>
    %sub3A_1157 = arith.subi %add3A_1154, %sub3A_1156 : vector<16xi32>
    tpu.vector_store_idx %arg8[%sub3A_1157], %select_n3A_1149 masked %ge3A_1145 : memref<224xi32, #tpu.memory_space<vmem>>[vector<16xi32>], vector<16xi32>, vector<16xi1>
    %all_reduce_population_count3A_1158 = tpu.all_reduce %ge3A_1145 {dim = 0 : i64, kind = #tpu.reduction_kind<sum>} : vector<16xi1> -> vector<16xi32>
    %add3A_1159 = arith.addi %add3A_1138, %all_reduce_population_count3A_1158 : vector<16xi32>
    %add3A_1160 = arith.constant 192 : i32
    %add3A_1161 = arith.addi %mul3A_603, %add3A_1160 : i32
    %get3A_1162 = arith.index_cast %add3A_1161 : i32 to index
    %get3A_1163 = tpu.vector_load %arg6[%get3A_1162] {strides = array<i32>} : memref<25616xi32, #tpu.memory_space<vmem>>, vector<16xi32>,
    %ge3A_1164 = arith.constant 512000 : i32
    %ge3A_1165 = vector.broadcast %ge3A_1164 : i32 to vector<16xi32>
    %ge3A_1166 = arith.cmpi sge, %get3A_1163, %ge3A_1165 : vector<16xi32>
    %sub3A_1167 = arith.constant 512000 : i32
    %sub3A_1168 = vector.broadcast %sub3A_1167 : i32 to vector<16xi32>
    %sub3A_1169 = arith.subi %get3A_1163, %sub3A_1168 : vector<16xi32>
    %select_n3A_1170 = arith.select %ge3A_1166, %sub3A_1169, %get3A_1163 : vector<16xi1>, vector<16xi32>
    %and3A_1171 = arith.andi %ge3A_1166, %lt3A_4 : vector<16xi1>
    %convert_element_type3A_1172 = arith.extui %and3A_1171 : vector<16xi1> to vector<16xi32>
    %broadcast_in_dim3A_1173 = arith.constant true
    %broadcast_in_dim3A_1174 = vector.broadcast %broadcast_in_dim3A_1173 : i1 to vector<16xi1>
    %masked_cumsum3A_1175 = tpu.scan <sum>, %convert_element_type3A_1172 masked %broadcast_in_dim3A_1174 : vector<16xi32>, vector<16xi1> -> vector<16xi32>
    %add3A_1176 = arith.addi %add3A_1159, %masked_cumsum3A_1175 : vector<16xi32>
    %sub3A_1177 = arith.constant 1 : i32
    %sub3A_1178 = vector.broadcast %sub3A_1177 : i32 to vector<16xi32>
    %sub3A_1179 = arith.subi %add3A_1176, %sub3A_1178 : vector<16xi32>
    tpu.vector_store_idx %arg8[%sub3A_1179], %select_n3A_1170 masked %and3A_1171 : memref<224xi32, #tpu.memory_space<vmem>>[vector<16xi32>], vector<16xi32>, vector<16xi1>
    %all_reduce_population_count3A_1180 = tpu.all_reduce %and3A_1171 {dim = 0 : i64, kind = #tpu.reduction_kind<sum>} : vector<16xi1> -> vector<16xi32>
    %add3A_1181 = arith.addi %add3A_1159, %all_reduce_population_count3A_1180 : vector<16xi32>
    %dma_start3A_1182 = arith.constant 1 : i32
    %dma_start3A_1183 = arith.constant 0 : i32
    %dma_start3A_1184 = arith.constant 0 : i32
    %dma_start3A_1185 = tpu.memref_slice %arg9[%dma_start3A_1182, %dma_start3A_1183, %dma_start3A_1184] : memref<2x200x128xf32, #tpu.memory_space<vmem>> -> memref<1x200x128xf32, #tpu.memory_space<vmem>>
    %dma_start3A_1186 = tpu.memref_squeeze %dma_start3A_1185 : memref<1x200x128xf32, #tpu.memory_space<vmem>> -> memref<200x128xf32, #tpu.memory_space<vmem>>
    %dma_start3A_1187 = arith.constant 0 : i32
    %dma_start3A_1188 = arith.constant 0 : i32
    %dma_start3A_1189 = tpu.memref_slice %dma_start3A_1186[%dma_start3A_1187, %dma_start3A_1188] : memref<200x128xf32, #tpu.memory_space<vmem>> -> memref<120x128xf32, #tpu.memory_space<vmem>>
    %dma_start3A_1190 = arith.constant 0 : i32
    %dma_start3A_1191 = tpu.memref_slice %arg8[%dma_start3A_1190] : memref<224xi32, #tpu.memory_space<vmem>> -> memref<120xi32, #tpu.memory_space<vmem>>
    %dma_start3A_1192 = arith.constant 0 : i32
    %dma_start3A_1193 = arith.constant 0 : i32
    %dma_start3A_1194 = tpu.memref_slice %arg3[%dma_start3A_1192, %dma_start3A_1193] : memref<512000x128xf32, #tpu.memory_space<hbm>> -> memref<512000x128xf32, #tpu.memory_space<hbm>>
    tpu.enqueue_indirect_dma source(%dma_start3A_1194 : memref<512000x128xf32, #tpu.memory_space<hbm>>) target(%dma_start3A_1189 : memref<120x128xf32, #tpu.memory_space<vmem>>) offsets(%dma_start3A_1191 : memref<120xi32, #tpu.memory_space<vmem>>) semaphore(%arg13 : memref<!tpu.dma_semaphore, #tpu.memory_space<semaphore_mem>>)
    %dma_start3A_1195 = arith.constant 1 : i32
    %dma_start3A_1196 = arith.constant 0 : i32
    %dma_start3A_1197 = arith.constant 0 : i32
    %dma_start3A_1198 = tpu.memref_slice %arg9[%dma_start3A_1195, %dma_start3A_1196, %dma_start3A_1197] : memref<2x200x128xf32, #tpu.memory_space<vmem>> -> memref<1x200x128xf32, #tpu.memory_space<vmem>>
    %dma_start3A_1199 = tpu.memref_squeeze %dma_start3A_1198 : memref<1x200x128xf32, #tpu.memory_space<vmem>> -> memref<200x128xf32, #tpu.memory_space<vmem>>
    %dma_start3A_1200 = arith.constant 120 : i32
    %dma_start3A_1201 = arith.constant 0 : i32
    %dma_start3A_1202 = tpu.memref_slice %dma_start3A_1199[%dma_start3A_1200, %dma_start3A_1201] : memref<200x128xf32, #tpu.memory_space<vmem>> -> memref<80x128xf32, #tpu.memory_space<vmem>>
    %dma_start3A_1203 = arith.constant 120 : i32
    %dma_start3A_1204 = tpu.memref_slice %arg8[%dma_start3A_1203] : memref<224xi32, #tpu.memory_space<vmem>> -> memref<80xi32, #tpu.memory_space<vmem>>
    %dma_start3A_1205 = arith.constant 0 : i32
    %dma_start3A_1206 = arith.constant 0 : i32
    %dma_start3A_1207 = tpu.memref_slice %arg3[%dma_start3A_1205, %dma_start3A_1206] : memref<512000x128xf32, #tpu.memory_space<hbm>> -> memref<512000x128xf32, #tpu.memory_space<hbm>>
    tpu.enqueue_indirect_dma source(%dma_start3A_1207 : memref<512000x128xf32, #tpu.memory_space<hbm>>) target(%dma_start3A_1202 : memref<80x128xf32, #tpu.memory_space<vmem>>) offsets(%dma_start3A_1204 : memref<80xi32, #tpu.memory_space<vmem>>) semaphore(%arg13 : memref<!tpu.dma_semaphore, #tpu.memory_space<semaphore_mem>>)
    %scan3A = arith.constant 127 : i32
    %scan3A_1208 = arith.constant 0 : i32
    %scan3A_1209 = arith.constant 64 : i32
    %scan3A_1210 = arith.addi %scan3A_1208, %scan3A_1209 : i32
    %scan3A_1211 = arith.constant 1 : i32
    %scan3A_1212:2 = scf.for %scan3A_1265 = %scan3A_1208 to %scan3A_1210 step %scan3A_1211 iter_args(%scan3A_1266 = %squeeze3A, %scan3A_1267 = %squeeze3A_907) -> (i32, i32)  : i32 {
      %mul3A_1268 = arith.constant 2 : i32
      %mul3A_1269 = arith.muli %mul3A_1268, %scan3A_1265 : i32
      %dma_wait3A_1270 = arith.constant 0 : i32
      %dma_wait3A_1271 = arith.constant 0 : i32
      %dma_wait3A_1272 = arith.constant 0 : i32
      %dma_wait3A_1273 = tpu.memref_slice %arg9[%dma_wait3A_1270, %dma_wait3A_1271, %dma_wait3A_1272] : memref<2x200x128xf32, #tpu.memory_space<vmem>> -> memref<1x200x128xf32, #tpu.memory_space<vmem>>
      %dma_wait3A_1274 = tpu.memref_squeeze %dma_wait3A_1273 : memref<1x200x128xf32, #tpu.memory_space<vmem>> -> memref<200x128xf32, #tpu.memory_space<vmem>>
      %dma_wait3A_1275 = arith.constant 0 : i32
      %dma_wait3A_1276 = arith.constant 0 : i32
      %dma_wait3A_1277 = tpu.memref_slice %dma_wait3A_1274[%dma_wait3A_1275, %dma_wait3A_1276] : memref<200x128xf32, #tpu.memory_space<vmem>> -> memref<120x128xf32, #tpu.memory_space<vmem>>
      %dma_wait3A_1278 = arith.constant 0 : i32
      %dma_wait3A_1279 = tpu.memref_slice %arg7[%dma_wait3A_1278] : memref<224xi32, #tpu.memory_space<vmem>> -> memref<120xi32, #tpu.memory_space<vmem>>
      %dma_wait3A_1280 = arith.constant 0 : i32
      %dma_wait3A_1281 = arith.constant 0 : i32
      %dma_wait3A_1282 = tpu.memref_slice %arg3[%dma_wait3A_1280, %dma_wait3A_1281] : memref<512000x128xf32, #tpu.memory_space<hbm>> -> memref<512000x128xf32, #tpu.memory_space<hbm>>
      tpu.wait_indirect_dma semaphore(%arg12 : memref<!tpu.dma_semaphore, #tpu.memory_space<semaphore_mem>>) src(%dma_wait3A_1282 : memref<512000x128xf32, #tpu.memory_space<hbm>>) dst(%dma_wait3A_1277 : memref<120x128xf32, #tpu.memory_space<vmem>>)
      %dma_wait3A_1283 = arith.constant 0 : i32
      %dma_wait3A_1284 = arith.constant 0 : i32
      %dma_wait3A_1285 = arith.constant 0 : i32
      %dma_wait3A_1286 = tpu.memref_slice %arg9[%dma_wait3A_1283, %dma_wait3A_1284, %dma_wait3A_1285] : memref<2x200x128xf32, #tpu.memory_space<vmem>> -> memref<1x200x128xf32, #tpu.memory_space<vmem>>
      %dma_wait3A_1287 = tpu.memref_squeeze %dma_wait3A_1286 : memref<1x200x128xf32, #tpu.memory_space<vmem>> -> memref<200x128xf32, #tpu.memory_space<vmem>>
      %dma_wait3A_1288 = arith.constant 120 : i32
      %dma_wait3A_1289 = arith.constant 0 : i32
      %dma_wait3A_1290 = tpu.memref_slice %dma_wait3A_1287[%dma_wait3A_1288, %dma_wait3A_1289] : memref<200x128xf32, #tpu.memory_space<vmem>> -> memref<80x128xf32, #tpu.memory_space<vmem>>
      %dma_wait3A_1291 = arith.constant 120 : i32
      %dma_wait3A_1292 = tpu.memref_slice %arg7[%dma_wait3A_1291] : memref<224xi32, #tpu.memory_space<vmem>> -> memref<80xi32, #tpu.memory_space<vmem>>
      %dma_wait3A_1293 = arith.constant 0 : i32
      %dma_wait3A_1294 = arith.constant 0 : i32
      %dma_wait3A_1295 = tpu.memref_slice %arg3[%dma_wait3A_1293, %dma_wait3A_1294] : memref<512000x128xf32, #tpu.memory_space<hbm>> -> memref<512000x128xf32, #tpu.memory_space<hbm>>
      tpu.wait_indirect_dma semaphore(%arg12 : memref<!tpu.dma_semaphore, #tpu.memory_space<semaphore_mem>>) src(%dma_wait3A_1295 : memref<512000x128xf32, #tpu.memory_space<hbm>>) dst(%dma_wait3A_1290 : memref<80x128xf32, #tpu.memory_space<vmem>>)
      %broadcast_in_dim3A_1296 = arith.constant 0.000000e+00 : f32
      %broadcast_in_dim3A_1297 = vector.broadcast %broadcast_in_dim3A_1296 : f32 to vector<16xf32>
      %scan3A_1298 = arith.constant 0 : i32
      %scan3A_1299 = arith.constant 25 : i32
      %scan3A_1300 = arith.addi %scan3A_1298, %scan3A_1299 : i32
      %scan3A_1301 = arith.constant 1 : i32
      %scan3A_1302:4 = scf.for %scan3A_2628 = %scan3A_1298 to %scan3A_1300 step %scan3A_1301 iter_args(%scan3A_2629 = %broadcast_in_dim3A_1297, %scan3A_2630 = %broadcast_in_dim3A_1297, %scan3A_2631 = %broadcast_in_dim3A_1297, %scan3A_2632 = %broadcast_in_dim3A_1297) -> (vector<16xf32>, vector<16xf32>, vector<16xf32>, vector<16xf32>)  : i32 {
        %mul3A_2633 = arith.constant 8 : i32
        %mul3A_2634 = arith.muli %scan3A_2628, %mul3A_2633 : i32
        %add3A_2635 = arith.constant 0 : i32
        %add3A_2636 = arith.addi %mul3A_2634, %add3A_2635 : i32
        %lt3A_2637 = arith.cmpi slt, %add3A_2636, %scan3A_1266 : i32
        %jit3A = arith.constant 0 : i32
        %jit3A_2638 = arith.constant 64 : i32
        %select_n3A_2639 = arith.select %lt3A_2637, %jit3A, %jit3A_2638 : i32
        %add3A_2640 = arith.constant 0 : i32
        %add3A_2641 = arith.addi %select_n3A_2639, %add3A_2640 : i32
        %get3A_2642 = arith.constant 0 : i32
        %get3A_2643 = arith.index_cast %get3A_2642 : i32 to index
        %get3A_2644 = arith.index_cast %add3A_2636 : i32 to index
        %get3A_2645 = arith.index_cast %add3A_2641 : i32 to index
        %get3A_2646 = tpu.vector_load %arg9[%get3A_2643, %get3A_2644, %get3A_2645] {strides = array<i32>} : memref<2x200x128xf32, #tpu.memory_space<vmem>>, vector<16xf32>,
        %add3A_2647 = arith.addf %scan3A_2629, %get3A_2646 : vector<16xf32>
        %add3A_2648 = arith.constant 16 : i32
        %add3A_2649 = arith.addi %select_n3A_2639, %add3A_2648 : i32
        %get3A_2650 = arith.constant 0 : i32
        %get3A_2651 = arith.index_cast %get3A_2650 : i32 to index
        %get3A_2652 = arith.index_cast %add3A_2636 : i32 to index
        %get3A_2653 = arith.index_cast %add3A_2649 : i32 to index
        %get3A_2654 = tpu.vector_load %arg9[%get3A_2651, %get3A_2652, %get3A_2653] {strides = array<i32>} : memref<2x200x128xf32, #tpu.memory_space<vmem>>, vector<16xf32>,
        %add3A_2655 = arith.addf %scan3A_2630, %get3A_2654 : vector<16xf32>
        %add3A_2656 = arith.constant 32 : i32
        %add3A_2657 = arith.addi %select_n3A_2639, %add3A_2656 : i32
        %get3A_2658 = arith.constant 0 : i32
        %get3A_2659 = arith.index_cast %get3A_2658 : i32 to index
        %get3A_2660 = arith.index_cast %add3A_2636 : i32 to index
        %get3A_2661 = arith.index_cast %add3A_2657 : i32 to index
        %get3A_2662 = tpu.vector_load %arg9[%get3A_2659, %get3A_2660, %get3A_2661] {strides = array<i32>} : memref<2x200x128xf32, #tpu.memory_space<vmem>>, vector<16xf32>,
        %add3A_2663 = arith.addf %scan3A_2631, %get3A_2662 : vector<16xf32>
        %add3A_2664 = arith.constant 48 : i32
        %add3A_2665 = arith.addi %select_n3A_2639, %add3A_2664 : i32
        %get3A_2666 = arith.constant 0 : i32
        %get3A_2667 = arith.index_cast %get3A_2666 : i32 to index
        %get3A_2668 = arith.index_cast %add3A_2636 : i32 to index
        %get3A_2669 = arith.index_cast %add3A_2665 : i32 to index
        %get3A_2670 = tpu.vector_load %arg9[%get3A_2667, %get3A_2668, %get3A_2669] {strides = array<i32>} : memref<2x200x128xf32, #tpu.memory_space<vmem>>, vector<16xf32>,
        %add3A_2671 = arith.addf %scan3A_2632, %get3A_2670 : vector<16xf32>
        %add3A_2672 = arith.constant 1 : i32
        %add3A_2673 = arith.addi %mul3A_2634, %add3A_2672 : i32
        %lt3A_2674 = arith.cmpi slt, %add3A_2673, %scan3A_1266 : i32
        %jit3A_2675 = arith.constant 0 : i32
        %jit3A_2676 = arith.constant 64 : i32
        %select_n3A_2677 = arith.select %lt3A_2674, %jit3A_2675, %jit3A_2676 : i32
        %add3A_2678 = arith.constant 0 : i32
        %add3A_2679 = arith.addi %select_n3A_2677, %add3A_2678 : i32
        %get3A_2680 = arith.constant 0 : i32
        %get3A_2681 = arith.index_cast %get3A_2680 : i32 to index
        %get3A_2682 = arith.index_cast %add3A_2673 : i32 to index
        %get3A_2683 = arith.index_cast %add3A_2679 : i32 to index
        %get3A_2684 = tpu.vector_load %arg9[%get3A_2681, %get3A_2682, %get3A_2683] {strides = array<i32>} : memref<2x200x128xf32, #tpu.memory_space<vmem>>, vector<16xf32>,
        %add3A_2685 = arith.addf %add3A_2647, %get3A_2684 : vector<16xf32>
        %add3A_2686 = arith.constant 16 : i32
        %add3A_2687 = arith.addi %select_n3A_2677, %add3A_2686 : i32
        %get3A_2688 = arith.constant 0 : i32
        %get3A_2689 = arith.index_cast %get3A_2688 : i32 to index
        %get3A_2690 = arith.index_cast %add3A_2673 : i32 to index
        %get3A_2691 = arith.index_cast %add3A_2687 : i32 to index
        %get3A_2692 = tpu.vector_load %arg9[%get3A_2689, %get3A_2690, %get3A_2691] {strides = array<i32>} : memref<2x200x128xf32, #tpu.memory_space<vmem>>, vector<16xf32>,
        %add3A_2693 = arith.addf %add3A_2655, %get3A_2692 : vector<16xf32>
        %add3A_2694 = arith.constant 32 : i32
        %add3A_2695 = arith.addi %select_n3A_2677, %add3A_2694 : i32
        %get3A_2696 = arith.constant 0 : i32
        %get3A_2697 = arith.index_cast %get3A_2696 : i32 to index
        %get3A_2698 = arith.index_cast %add3A_2673 : i32 to index
        %get3A_2699 = arith.index_cast %add3A_2695 : i32 to index
        %get3A_2700 = tpu.vector_load %arg9[%get3A_2697, %get3A_2698, %get3A_2699] {strides = array<i32>} : memref<2x200x128xf32, #tpu.memory_space<vmem>>, vector<16xf32>,
        %add3A_2701 = arith.addf %add3A_2663, %get3A_2700 : vector<16xf32>
        %add3A_2702 = arith.constant 48 : i32
        %add3A_2703 = arith.addi %select_n3A_2677, %add3A_2702 : i32
        %get3A_2704 = arith.constant 0 : i32
        %get3A_2705 = arith.index_cast %get3A_2704 : i32 to index
        %get3A_2706 = arith.index_cast %add3A_2673 : i32 to index
        %get3A_2707 = arith.index_cast %add3A_2703 : i32 to index
        %get3A_2708 = tpu.vector_load %arg9[%get3A_2705, %get3A_2706, %get3A_2707] {strides = array<i32>} : memref<2x200x128xf32, #tpu.memory_space<vmem>>, vector<16xf32>,
        %add3A_2709 = arith.addf %add3A_2671, %get3A_2708 : vector<16xf32>
        %add3A_2710 = arith.constant 2 : i32
        %add3A_2711 = arith.addi %mul3A_2634, %add3A_2710 : i32
        %lt3A_2712 = arith.cmpi slt, %add3A_2711, %scan3A_1266 : i32
        %jit3A_2713 = arith.constant 0 : i32
        %jit3A_2714 = arith.constant 64 : i32
        %select_n3A_2715 = arith.select %lt3A_2712, %jit3A_2713, %jit3A_2714 : i32
        %add3A_2716 = arith.constant 0 : i32
        %add3A_2717 = arith.addi %select_n3A_2715, %add3A_2716 : i32
        %get3A_2718 = arith.constant 0 : i32
        %get3A_2719 = arith.index_cast %get3A_2718 : i32 to index
        %get3A_2720 = arith.index_cast %add3A_2711 : i32 to index
        %get3A_2721 = arith.index_cast %add3A_2717 : i32 to index
        %get3A_2722 = tpu.vector_load %arg9[%get3A_2719, %get3A_2720, %get3A_2721] {strides = array<i32>} : memref<2x200x128xf32, #tpu.memory_space<vmem>>, vector<16xf32>,
        %add3A_2723 = arith.addf %add3A_2685, %get3A_2722 : vector<16xf32>
        %add3A_2724 = arith.constant 16 : i32
        %add3A_2725 = arith.addi %select_n3A_2715, %add3A_2724 : i32
        %get3A_2726 = arith.constant 0 : i32
        %get3A_2727 = arith.index_cast %get3A_2726 : i32 to index
        %get3A_2728 = arith.index_cast %add3A_2711 : i32 to index
        %get3A_2729 = arith.index_cast %add3A_2725 : i32 to index
        %get3A_2730 = tpu.vector_load %arg9[%get3A_2727, %get3A_2728, %get3A_2729] {strides = array<i32>} : memref<2x200x128xf32, #tpu.memory_space<vmem>>, vector<16xf32>,
        %add3A_2731 = arith.addf %add3A_2693, %get3A_2730 : vector<16xf32>
        %add3A_2732 = arith.constant 32 : i32
        %add3A_2733 = arith.addi %select_n3A_2715, %add3A_2732 : i32
        %get3A_2734 = arith.constant 0 : i32
        %get3A_2735 = arith.index_cast %get3A_2734 : i32 to index
        %get3A_2736 = arith.index_cast %add3A_2711 : i32 to index
        %get3A_2737 = arith.index_cast %add3A_2733 : i32 to index
        %get3A_2738 = tpu.vector_load %arg9[%get3A_2735, %get3A_2736, %get3A_2737] {strides = array<i32>} : memref<2x200x128xf32, #tpu.memory_space<vmem>>, vector<16xf32>,
        %add3A_2739 = arith.addf %add3A_2701, %get3A_2738 : vector<16xf32>
        %add3A_2740 = arith.constant 48 : i32
        %add3A_2741 = arith.addi %select_n3A_2715, %add3A_2740 : i32
        %get3A_2742 = arith.constant 0 : i32
        %get3A_2743 = arith.index_cast %get3A_2742 : i32 to index
        %get3A_2744 = arith.index_cast %add3A_2711 : i32 to index
        %get3A_2745 = arith.index_cast %add3A_2741 : i32 to index
        %get3A_2746 = tpu.vector_load %arg9[%get3A_2743, %get3A_2744, %get3A_2745] {strides = array<i32>} : memref<2x200x128xf32, #tpu.memory_space<vmem>>, vector<16xf32>,
        %add3A_2747 = arith.addf %add3A_2709, %get3A_2746 : vector<16xf32>
        %add3A_2748 = arith.constant 3 : i32
        %add3A_2749 = arith.addi %mul3A_2634, %add3A_2748 : i32
        %lt3A_2750 = arith.cmpi slt, %add3A_2749, %scan3A_1266 : i32
        %jit3A_2751 = arith.constant 0 : i32
        %jit3A_2752 = arith.constant 64 : i32
        %select_n3A_2753 = arith.select %lt3A_2750, %jit3A_2751, %jit3A_2752 : i32
        %add3A_2754 = arith.constant 0 : i32
        %add3A_2755 = arith.addi %select_n3A_2753, %add3A_2754 : i32
        %get3A_2756 = arith.constant 0 : i32
        %get3A_2757 = arith.index_cast %get3A_2756 : i32 to index
        %get3A_2758 = arith.index_cast %add3A_2749 : i32 to index
        %get3A_2759 = arith.index_cast %add3A_2755 : i32 to index
        %get3A_2760 = tpu.vector_load %arg9[%get3A_2757, %get3A_2758, %get3A_2759] {strides = array<i32>} : memref<2x200x128xf32, #tpu.memory_space<vmem>>, vector<16xf32>,
        %add3A_2761 = arith.addf %add3A_2723, %get3A_2760 : vector<16xf32>
        %add3A_2762 = arith.constant 16 : i32
        %add3A_2763 = arith.addi %select_n3A_2753, %add3A_2762 : i32
        %get3A_2764 = arith.constant 0 : i32
        %get3A_2765 = arith.index_cast %get3A_2764 : i32 to index
        %get3A_2766 = arith.index_cast %add3A_2749 : i32 to index
        %get3A_2767 = arith.index_cast %add3A_2763 : i32 to index
        %get3A_2768 = tpu.vector_load %arg9[%get3A_2765, %get3A_2766, %get3A_2767] {strides = array<i32>} : memref<2x200x128xf32, #tpu.memory_space<vmem>>, vector<16xf32>,
        %add3A_2769 = arith.addf %add3A_2731, %get3A_2768 : vector<16xf32>
        %add3A_2770 = arith.constant 32 : i32
        %add3A_2771 = arith.addi %select_n3A_2753, %add3A_2770 : i32
        %get3A_2772 = arith.constant 0 : i32
        %get3A_2773 = arith.index_cast %get3A_2772 : i32 to index
        %get3A_2774 = arith.index_cast %add3A_2749 : i32 to index
        %get3A_2775 = arith.index_cast %add3A_2771 : i32 to index
        %get3A_2776 = tpu.vector_load %arg9[%get3A_2773, %get3A_2774, %get3A_2775] {strides = array<i32>} : memref<2x200x128xf32, #tpu.memory_space<vmem>>, vector<16xf32>,
        %add3A_2777 = arith.addf %add3A_2739, %get3A_2776 : vector<16xf32>
        %add3A_2778 = arith.constant 48 : i32
        %add3A_2779 = arith.addi %select_n3A_2753, %add3A_2778 : i32
        %get3A_2780 = arith.constant 0 : i32
        %get3A_2781 = arith.index_cast %get3A_2780 : i32 to index
        %get3A_2782 = arith.index_cast %add3A_2749 : i32 to index
        %get3A_2783 = arith.index_cast %add3A_2779 : i32 to index
        %get3A_2784 = tpu.vector_load %arg9[%get3A_2781, %get3A_2782, %get3A_2783] {strides = array<i32>} : memref<2x200x128xf32, #tpu.memory_space<vmem>>, vector<16xf32>,
        %add3A_2785 = arith.addf %add3A_2747, %get3A_2784 : vector<16xf32>
        %add3A_2786 = arith.constant 4 : i32
        %add3A_2787 = arith.addi %mul3A_2634, %add3A_2786 : i32
        %lt3A_2788 = arith.cmpi slt, %add3A_2787, %scan3A_1266 : i32
        %jit3A_2789 = arith.constant 0 : i32
        %jit3A_2790 = arith.constant 64 : i32
        %select_n3A_2791 = arith.select %lt3A_2788, %jit3A_2789, %jit3A_2790 : i32
        %add3A_2792 = arith.constant 0 : i32
        %add3A_2793 = arith.addi %select_n3A_2791, %add3A_2792 : i32
        %get3A_2794 = arith.constant 0 : i32
        %get3A_2795 = arith.index_cast %get3A_2794 : i32 to index
        %get3A_2796 = arith.index_cast %add3A_2787 : i32 to index
        %get3A_2797 = arith.index_cast %add3A_2793 : i32 to index
        %get3A_2798 = tpu.vector_load %arg9[%get3A_2795, %get3A_2796, %get3A_2797] {strides = array<i32>} : memref<2x200x128xf32, #tpu.memory_space<vmem>>, vector<16xf32>,
        %add3A_2799 = arith.addf %add3A_2761, %get3A_2798 : vector<16xf32>
        %add3A_2800 = arith.constant 16 : i32
        %add3A_2801 = arith.addi %select_n3A_2791, %add3A_2800 : i32
        %get3A_2802 = arith.constant 0 : i32
        %get3A_2803 = arith.index_cast %get3A_2802 : i32 to index
        %get3A_2804 = arith.index_cast %add3A_2787 : i32 to index
        %get3A_2805 = arith.index_cast %add3A_2801 : i32 to index
        %get3A_2806 = tpu.vector_load %arg9[%get3A_2803, %get3A_2804, %get3A_2805] {strides = array<i32>} : memref<2x200x128xf32, #tpu.memory_space<vmem>>, vector<16xf32>,
        %add3A_2807 = arith.addf %add3A_2769, %get3A_2806 : vector<16xf32>
        %add3A_2808 = arith.constant 32 : i32
        %add3A_2809 = arith.addi %select_n3A_2791, %add3A_2808 : i32
        %get3A_2810 = arith.constant 0 : i32
        %get3A_2811 = arith.index_cast %get3A_2810 : i32 to index
        %get3A_2812 = arith.index_cast %add3A_2787 : i32 to index
        %get3A_2813 = arith.index_cast %add3A_2809 : i32 to index
        %get3A_2814 = tpu.vector_load %arg9[%get3A_2811, %get3A_2812, %get3A_2813] {strides = array<i32>} : memref<2x200x128xf32, #tpu.memory_space<vmem>>, vector<16xf32>,
        %add3A_2815 = arith.addf %add3A_2777, %get3A_2814 : vector<16xf32>
        %add3A_2816 = arith.constant 48 : i32
        %add3A_2817 = arith.addi %select_n3A_2791, %add3A_2816 : i32
        %get3A_2818 = arith.constant 0 : i32
        %get3A_2819 = arith.index_cast %get3A_2818 : i32 to index
        %get3A_2820 = arith.index_cast %add3A_2787 : i32 to index
        %get3A_2821 = arith.index_cast %add3A_2817 : i32 to index
        %get3A_2822 = tpu.vector_load %arg9[%get3A_2819, %get3A_2820, %get3A_2821] {strides = array<i32>} : memref<2x200x128xf32, #tpu.memory_space<vmem>>, vector<16xf32>,
        %add3A_2823 = arith.addf %add3A_2785, %get3A_2822 : vector<16xf32>
        %add3A_2824 = arith.constant 5 : i32
        %add3A_2825 = arith.addi %mul3A_2634, %add3A_2824 : i32
        %lt3A_2826 = arith.cmpi slt, %add3A_2825, %scan3A_1266 : i32
        %jit3A_2827 = arith.constant 0 : i32
        %jit3A_2828 = arith.constant 64 : i32
        %select_n3A_2829 = arith.select %lt3A_2826, %jit3A_2827, %jit3A_2828 : i32
        %add3A_2830 = arith.constant 0 : i32
        %add3A_2831 = arith.addi %select_n3A_2829, %add3A_2830 : i32
        %get3A_2832 = arith.constant 0 : i32
        %get3A_2833 = arith.index_cast %get3A_2832 : i32 to index
        %get3A_2834 = arith.index_cast %add3A_2825 : i32 to index
        %get3A_2835 = arith.index_cast %add3A_2831 : i32 to index
        %get3A_2836 = tpu.vector_load %arg9[%get3A_2833, %get3A_2834, %get3A_2835] {strides = array<i32>} : memref<2x200x128xf32, #tpu.memory_space<vmem>>, vector<16xf32>,
        %add3A_2837 = arith.addf %add3A_2799, %get3A_2836 : vector<16xf32>
        %add3A_2838 = arith.constant 16 : i32
        %add3A_2839 = arith.addi %select_n3A_2829, %add3A_2838 : i32
        %get3A_2840 = arith.constant 0 : i32
        %get3A_2841 = arith.index_cast %get3A_2840 : i32 to index
        %get3A_2842 = arith.index_cast %add3A_2825 : i32 to index
        %get3A_2843 = arith.index_cast %add3A_2839 : i32 to index
        %get3A_2844 = tpu.vector_load %arg9[%get3A_2841, %get3A_2842, %get3A_2843] {strides = array<i32>} : memref<2x200x128xf32, #tpu.memory_space<vmem>>, vector<16xf32>,
        %add3A_2845 = arith.addf %add3A_2807, %get3A_2844 : vector<16xf32>
        %add3A_2846 = arith.constant 32 : i32
        %add3A_2847 = arith.addi %select_n3A_2829, %add3A_2846 : i32
        %get3A_2848 = arith.constant 0 : i32
        %get3A_2849 = arith.index_cast %get3A_2848 : i32 to index
        %get3A_2850 = arith.index_cast %add3A_2825 : i32 to index
        %get3A_2851 = arith.index_cast %add3A_2847 : i32 to index
        %get3A_2852 = tpu.vector_load %arg9[%get3A_2849, %get3A_2850, %get3A_2851] {strides = array<i32>} : memref<2x200x128xf32, #tpu.memory_space<vmem>>, vector<16xf32>,
        %add3A_2853 = arith.addf %add3A_2815, %get3A_2852 : vector<16xf32>
        %add3A_2854 = arith.constant 48 : i32
        %add3A_2855 = arith.addi %select_n3A_2829, %add3A_2854 : i32
        %get3A_2856 = arith.constant 0 : i32
        %get3A_2857 = arith.index_cast %get3A_2856 : i32 to index
        %get3A_2858 = arith.index_cast %add3A_2825 : i32 to index
        %get3A_2859 = arith.index_cast %add3A_2855 : i32 to index
        %get3A_2860 = tpu.vector_load %arg9[%get3A_2857, %get3A_2858, %get3A_2859] {strides = array<i32>} : memref<2x200x128xf32, #tpu.memory_space<vmem>>, vector<16xf32>,
        %add3A_2861 = arith.addf %add3A_2823, %get3A_2860 : vector<16xf32>
        %add3A_2862 = arith.constant 6 : i32
        %add3A_2863 = arith.addi %mul3A_2634, %add3A_2862 : i32
        %lt3A_2864 = arith.cmpi slt, %add3A_2863, %scan3A_1266 : i32
        %jit3A_2865 = arith.constant 0 : i32
        %jit3A_2866 = arith.constant 64 : i32
        %select_n3A_2867 = arith.select %lt3A_2864, %jit3A_2865, %jit3A_2866 : i32
        %add3A_2868 = arith.constant 0 : i32
        %add3A_2869 = arith.addi %select_n3A_2867, %add3A_2868 : i32
        %get3A_2870 = arith.constant 0 : i32
        %get3A_2871 = arith.index_cast %get3A_2870 : i32 to index
        %get3A_2872 = arith.index_cast %add3A_2863 : i32 to index
        %get3A_2873 = arith.index_cast %add3A_2869 : i32 to index
        %get3A_2874 = tpu.vector_load %arg9[%get3A_2871, %get3A_2872, %get3A_2873] {strides = array<i32>} : memref<2x200x128xf32, #tpu.memory_space<vmem>>, vector<16xf32>,
        %add3A_2875 = arith.addf %add3A_2837, %get3A_2874 : vector<16xf32>
        %add3A_2876 = arith.constant 16 : i32
        %add3A_2877 = arith.addi %select_n3A_2867, %add3A_2876 : i32
        %get3A_2878 = arith.constant 0 : i32
        %get3A_2879 = arith.index_cast %get3A_2878 : i32 to index
        %get3A_2880 = arith.index_cast %add3A_2863 : i32 to index
        %get3A_2881 = arith.index_cast %add3A_2877 : i32 to index
        %get3A_2882 = tpu.vector_load %arg9[%get3A_2879, %get3A_2880, %get3A_2881] {strides = array<i32>} : memref<2x200x128xf32, #tpu.memory_space<vmem>>, vector<16xf32>,
        %add3A_2883 = arith.addf %add3A_2845, %get3A_2882 : vector<16xf32>
        %add3A_2884 = arith.constant 32 : i32
        %add3A_2885 = arith.addi %select_n3A_2867, %add3A_2884 : i32
        %get3A_2886 = arith.constant 0 : i32
        %get3A_2887 = arith.index_cast %get3A_2886 : i32 to index
        %get3A_2888 = arith.index_cast %add3A_2863 : i32 to index
        %get3A_2889 = arith.index_cast %add3A_2885 : i32 to index
        %get3A_2890 = tpu.vector_load %arg9[%get3A_2887, %get3A_2888, %get3A_2889] {strides = array<i32>} : memref<2x200x128xf32, #tpu.memory_space<vmem>>, vector<16xf32>,
        %add3A_2891 = arith.addf %add3A_2853, %get3A_2890 : vector<16xf32>
        %add3A_2892 = arith.constant 48 : i32
        %add3A_2893 = arith.addi %select_n3A_2867, %add3A_2892 : i32
        %get3A_2894 = arith.constant 0 : i32
        %get3A_2895 = arith.index_cast %get3A_2894 : i32 to index
        %get3A_2896 = arith.index_cast %add3A_2863 : i32 to index
        %get3A_2897 = arith.index_cast %add3A_2893 : i32 to index
        %get3A_2898 = tpu.vector_load %arg9[%get3A_2895, %get3A_2896, %get3A_2897] {strides = array<i32>} : memref<2x200x128xf32, #tpu.memory_space<vmem>>, vector<16xf32>,
        %add3A_2899 = arith.addf %add3A_2861, %get3A_2898 : vector<16xf32>
        %add3A_2900 = arith.constant 7 : i32
        %add3A_2901 = arith.addi %mul3A_2634, %add3A_2900 : i32
        %lt3A_2902 = arith.cmpi slt, %add3A_2901, %scan3A_1266 : i32
        %jit3A_2903 = arith.constant 0 : i32
        %jit3A_2904 = arith.constant 64 : i32
        %select_n3A_2905 = arith.select %lt3A_2902, %jit3A_2903, %jit3A_2904 : i32
        %add3A_2906 = arith.constant 0 : i32
        %add3A_2907 = arith.addi %select_n3A_2905, %add3A_2906 : i32
        %get3A_2908 = arith.constant 0 : i32
        %get3A_2909 = arith.index_cast %get3A_2908 : i32 to index
        %get3A_2910 = arith.index_cast %add3A_2901 : i32 to index
        %get3A_2911 = arith.index_cast %add3A_2907 : i32 to index
        %get3A_2912 = tpu.vector_load %arg9[%get3A_2909, %get3A_2910, %get3A_2911] {strides = array<i32>} : memref<2x200x128xf32, #tpu.memory_space<vmem>>, vector<16xf32>,
        %add3A_2913 = arith.addf %add3A_2875, %get3A_2912 : vector<16xf32>
        %add3A_2914 = arith.constant 16 : i32
        %add3A_2915 = arith.addi %select_n3A_2905, %add3A_2914 : i32
        %get3A_2916 = arith.constant 0 : i32
        %get3A_2917 = arith.index_cast %get3A_2916 : i32 to index
        %get3A_2918 = arith.index_cast %add3A_2901 : i32 to index
        %get3A_2919 = arith.index_cast %add3A_2915 : i32 to index
        %get3A_2920 = tpu.vector_load %arg9[%get3A_2917, %get3A_2918, %get3A_2919] {strides = array<i32>} : memref<2x200x128xf32, #tpu.memory_space<vmem>>, vector<16xf32>,
        %add3A_2921 = arith.addf %add3A_2883, %get3A_2920 : vector<16xf32>
        %add3A_2922 = arith.constant 32 : i32
        %add3A_2923 = arith.addi %select_n3A_2905, %add3A_2922 : i32
        %get3A_2924 = arith.constant 0 : i32
        %get3A_2925 = arith.index_cast %get3A_2924 : i32 to index
        %get3A_2926 = arith.index_cast %add3A_2901 : i32 to index
        %get3A_2927 = arith.index_cast %add3A_2923 : i32 to index
        %get3A_2928 = tpu.vector_load %arg9[%get3A_2925, %get3A_2926, %get3A_2927] {strides = array<i32>} : memref<2x200x128xf32, #tpu.memory_space<vmem>>, vector<16xf32>,
        %add3A_2929 = arith.addf %add3A_2891, %get3A_2928 : vector<16xf32>
        %add3A_2930 = arith.constant 48 : i32
        %add3A_2931 = arith.addi %select_n3A_2905, %add3A_2930 : i32
        %get3A_2932 = arith.constant 0 : i32
        %get3A_2933 = arith.index_cast %get3A_2932 : i32 to index
        %get3A_2934 = arith.index_cast %add3A_2901 : i32 to index
        %get3A_2935 = arith.index_cast %add3A_2931 : i32 to index
        %get3A_2936 = tpu.vector_load %arg9[%get3A_2933, %get3A_2934, %get3A_2935] {strides = array<i32>} : memref<2x200x128xf32, #tpu.memory_space<vmem>>, vector<16xf32>,
        %add3A_2937 = arith.addf %add3A_2899, %get3A_2936 : vector<16xf32>
        scf.yield %add3A_2913, %add3A_2921, %add3A_2929, %add3A_2937 : vector<16xf32>, vector<16xf32>, vector<16xf32>, vector<16xf32>
      }
      %scan3A_1303 = arith.constant 25 : i32
      %mul3A_1304 = arith.constant 5.000000e-03 : f32
      %mul3A_1305 = vector.broadcast %mul3A_1304 : f32 to vector<16xf32>
      %mul3A_1306 = arith.mulf %scan3A_1302#0, %mul3A_1305 : vector<16xf32>
      %get3A_1307 = arith.constant 0 : index
      %get3A_1308 = tpu.vector_load %arg11[%get3A_1307] {strides = array<i32>} : memref<64xf32, #tpu.memory_space<vmem>>, vector<16xf32>,
      %add3A_1309 = arith.addf %mul3A_1306, %get3A_1308 : vector<16xf32>
      %swap3A = arith.index_cast %mul3A_1269 : i32 to index
      %swap3A_1310 = arith.constant 0 : index
      %swap3A_1311 = tpu.vector_load %arg10[%swap3A, %swap3A_1310] {strides = array<i32>} : memref<128x64xf32, #tpu.memory_space<vmem>>, vector<16xf32>,
      tpu.vector_store %arg10[%swap3A, %swap3A_1310], %add3A_1309 {strides = array<i32>} : memref<128x64xf32, #tpu.memory_space<vmem>>, vector<16xf32>,
      %mul3A_1312 = arith.constant 5.000000e-03 : f32
      %mul3A_1313 = vector.broadcast %mul3A_1312 : f32 to vector<16xf32>
      %mul3A_1314 = arith.mulf %scan3A_1302#1, %mul3A_1313 : vector<16xf32>
      %get3A_1315 = arith.constant 16 : index
      %get3A_1316 = tpu.vector_load %arg11[%get3A_1315] {strides = array<i32>} : memref<64xf32, #tpu.memory_space<vmem>>, vector<16xf32>,
      %add3A_1317 = arith.addf %mul3A_1314, %get3A_1316 : vector<16xf32>
      %swap3A_1318 = arith.index_cast %mul3A_1269 : i32 to index
      %swap3A_1319 = arith.constant 16 : index
      %swap3A_1320 = tpu.vector_load %arg10[%swap3A_1318, %swap3A_1319] {strides = array<i32>} : memref<128x64xf32, #tpu.memory_space<vmem>>, vector<16xf32>,
      tpu.vector_store %arg10[%swap3A_1318, %swap3A_1319], %add3A_1317 {strides = array<i32>} : memref<128x64xf32, #tpu.memory_space<vmem>>, vector<16xf32>,
      %mul3A_1321 = arith.constant 5.000000e-03 : f32
      %mul3A_1322 = vector.broadcast %mul3A_1321 : f32 to vector<16xf32>
      %mul3A_1323 = arith.mulf %scan3A_1302#2, %mul3A_1322 : vector<16xf32>
      %get3A_1324 = arith.constant 32 : index
      %get3A_1325 = tpu.vector_load %arg11[%get3A_1324] {strides = array<i32>} : memref<64xf32, #tpu.memory_space<vmem>>, vector<16xf32>,
      %add3A_1326 = arith.addf %mul3A_1323, %get3A_1325 : vector<16xf32>
      %swap3A_1327 = arith.index_cast %mul3A_1269 : i32 to index
      %swap3A_1328 = arith.constant 32 : index
      %swap3A_1329 = tpu.vector_load %arg10[%swap3A_1327, %swap3A_1328] {strides = array<i32>} : memref<128x64xf32, #tpu.memory_space<vmem>>, vector<16xf32>,
      tpu.vector_store %arg10[%swap3A_1327, %swap3A_1328], %add3A_1326 {strides = array<i32>} : memref<128x64xf32, #tpu.memory_space<vmem>>, vector<16xf32>,
      %mul3A_1330 = arith.constant 5.000000e-03 : f32
      %mul3A_1331 = vector.broadcast %mul3A_1330 : f32 to vector<16xf32>
      %mul3A_1332 = arith.mulf %scan3A_1302#3, %mul3A_1331 : vector<16xf32>
      %get3A_1333 = arith.constant 48 : index
      %get3A_1334 = tpu.vector_load %arg11[%get3A_1333] {strides = array<i32>} : memref<64xf32, #tpu.memory_space<vmem>>, vector<16xf32>,
      %add3A_1335 = arith.addf %mul3A_1332, %get3A_1334 : vector<16xf32>
      %swap3A_1336 = arith.index_cast %mul3A_1269 : i32 to index
      %swap3A_1337 = arith.constant 48 : index
      %swap3A_1338 = tpu.vector_load %arg10[%swap3A_1336, %swap3A_1337] {strides = array<i32>} : memref<128x64xf32, #tpu.memory_space<vmem>>, vector<16xf32>,
      tpu.vector_store %arg10[%swap3A_1336, %swap3A_1337], %add3A_1335 {strides = array<i32>} : memref<128x64xf32, #tpu.memory_space<vmem>>, vector<16xf32>,
      %add3A_1339 = arith.constant 2 : i32
      %add3A_1340 = arith.addi %mul3A_1269, %add3A_1339 : i32
      %min3A = arith.minsi %add3A_1340, %scan3A : i32
      %mul3A_1341 = arith.constant 200 : i32
      %mul3A_1342 = arith.muli %min3A, %mul3A_1341 : i32
      %broadcast_in_dim3A_1343 = arith.constant 0 : i32
      %broadcast_in_dim3A_1344 = vector.broadcast %broadcast_in_dim3A_1343 : i32 to vector<16xi32>
      %add3A_1345 = arith.constant 0 : i32
      %add3A_1346 = arith.addi %mul3A_1342, %add3A_1345 : i32
      %get3A_1347 = arith.index_cast %add3A_1346 : i32 to index
      %get3A_1348 = tpu.vector_load %arg6[%get3A_1347] {strides = array<i32>} : memref<25616xi32, #tpu.memory_space<vmem>>, vector<16xi32>,
      %ge3A_1349 = arith.constant 512000 : i32
      %ge3A_1350 = vector.broadcast %ge3A_1349 : i32 to vector<16xi32>
      %ge3A_1351 = arith.cmpi sge, %get3A_1348, %ge3A_1350 : vector<16xi32>
      %sub3A_1352 = arith.constant 512000 : i32
      %sub3A_1353 = vector.broadcast %sub3A_1352 : i32 to vector<16xi32>
      %sub3A_1354 = arith.subi %get3A_1348, %sub3A_1353 : vector<16xi32>
      %select_n3A_1355 = arith.select %ge3A_1351, %sub3A_1354, %get3A_1348 : vector<16xi1>, vector<16xi32>
      %not3A_1356 = arith.constant dense<true> : vector<16xi1>
      %not3A_1357 = arith.xori %ge3A_1351, %not3A_1356 : vector<16xi1>
      %convert_element_type3A_1358 = arith.extui %not3A_1357 : vector<16xi1> to vector<16xi32>
      %broadcast_in_dim3A_1359 = arith.constant true
      %broadcast_in_dim3A_1360 = vector.broadcast %broadcast_in_dim3A_1359 : i1 to vector<16xi1>
      %masked_cumsum3A_1361 = tpu.scan <sum>, %convert_element_type3A_1358 masked %broadcast_in_dim3A_1360 : vector<16xi32>, vector<16xi1> -> vector<16xi32>
      %add3A_1362 = arith.addi %broadcast_in_dim3A_1344, %masked_cumsum3A_1361 : vector<16xi32>
      %sub3A_1363 = arith.constant 1 : i32
      %sub3A_1364 = vector.broadcast %sub3A_1363 : i32 to vector<16xi32>
      %sub3A_1365 = arith.subi %add3A_1362, %sub3A_1364 : vector<16xi32>
      tpu.vector_store_idx %arg7[%sub3A_1365], %select_n3A_1355 masked %not3A_1357 : memref<224xi32, #tpu.memory_space<vmem>>[vector<16xi32>], vector<16xi32>, vector<16xi1>
      %all_reduce_population_count3A_1366 = tpu.all_reduce %not3A_1357 {dim = 0 : i64, kind = #tpu.reduction_kind<sum>} : vector<16xi1> -> vector<16xi32>
      %add3A_1367 = arith.addi %broadcast_in_dim3A_1344, %all_reduce_population_count3A_1366 : vector<16xi32>
      %add3A_1368 = arith.constant 16 : i32
      %add3A_1369 = arith.addi %mul3A_1342, %add3A_1368 : i32
      %get3A_1370 = arith.index_cast %add3A_1369 : i32 to index
      %get3A_1371 = tpu.vector_load %arg6[%get3A_1370] {strides = array<i32>} : memref<25616xi32, #tpu.memory_space<vmem>>, vector<16xi32>,
      %ge3A_1372 = arith.constant 512000 : i32
      %ge3A_1373 = vector.broadcast %ge3A_1372 : i32 to vector<16xi32>
      %ge3A_1374 = arith.cmpi sge, %get3A_1371, %ge3A_1373 : vector<16xi32>
      %sub3A_1375 = arith.constant 512000 : i32
      %sub3A_1376 = vector.broadcast %sub3A_1375 : i32 to vector<16xi32>
      %sub3A_1377 = arith.subi %get3A_1371, %sub3A_1376 : vector<16xi32>
      %select_n3A_1378 = arith.select %ge3A_1374, %sub3A_1377, %get3A_1371 : vector<16xi1>, vector<16xi32>
      %not3A_1379 = arith.constant dense<true> : vector<16xi1>
      %not3A_1380 = arith.xori %ge3A_1374, %not3A_1379 : vector<16xi1>
      %convert_element_type3A_1381 = arith.extui %not3A_1380 : vector<16xi1> to vector<16xi32>
      %broadcast_in_dim3A_1382 = arith.constant true
      %broadcast_in_dim3A_1383 = vector.broadcast %broadcast_in_dim3A_1382 : i1 to vector<16xi1>
      %masked_cumsum3A_1384 = tpu.scan <sum>, %convert_element_type3A_1381 masked %broadcast_in_dim3A_1383 : vector<16xi32>, vector<16xi1> -> vector<16xi32>
      %add3A_1385 = arith.addi %add3A_1367, %masked_cumsum3A_1384 : vector<16xi32>
      %sub3A_1386 = arith.constant 1 : i32
      %sub3A_1387 = vector.broadcast %sub3A_1386 : i32 to vector<16xi32>
      %sub3A_1388 = arith.subi %add3A_1385, %sub3A_1387 : vector<16xi32>
      tpu.vector_store_idx %arg7[%sub3A_1388], %select_n3A_1378 masked %not3A_1380 : memref<224xi32, #tpu.memory_space<vmem>>[vector<16xi32>], vector<16xi32>, vector<16xi1>
      %all_reduce_population_count3A_1389 = tpu.all_reduce %not3A_1380 {dim = 0 : i64, kind = #tpu.reduction_kind<sum>} : vector<16xi1> -> vector<16xi32>
      %add3A_1390 = arith.addi %add3A_1367, %all_reduce_population_count3A_1389 : vector<16xi32>
      %add3A_1391 = arith.constant 32 : i32
      %add3A_1392 = arith.addi %mul3A_1342, %add3A_1391 : i32
      %get3A_1393 = arith.index_cast %add3A_1392 : i32 to index
      %get3A_1394 = tpu.vector_load %arg6[%get3A_1393] {strides = array<i32>} : memref<25616xi32, #tpu.memory_space<vmem>>, vector<16xi32>,
      %ge3A_1395 = arith.constant 512000 : i32
      %ge3A_1396 = vector.broadcast %ge3A_1395 : i32 to vector<16xi32>
      %ge3A_1397 = arith.cmpi sge, %get3A_1394, %ge3A_1396 : vector<16xi32>
      %sub3A_1398 = arith.constant 512000 : i32
      %sub3A_1399 = vector.broadcast %sub3A_1398 : i32 to vector<16xi32>
      %sub3A_1400 = arith.subi %get3A_1394, %sub3A_1399 : vector<16xi32>
      %select_n3A_1401 = arith.select %ge3A_1397, %sub3A_1400, %get3A_1394 : vector<16xi1>, vector<16xi32>
      %not3A_1402 = arith.constant dense<true> : vector<16xi1>
      %not3A_1403 = arith.xori %ge3A_1397, %not3A_1402 : vector<16xi1>
      %convert_element_type3A_1404 = arith.extui %not3A_1403 : vector<16xi1> to vector<16xi32>
      %broadcast_in_dim3A_1405 = arith.constant true
      %broadcast_in_dim3A_1406 = vector.broadcast %broadcast_in_dim3A_1405 : i1 to vector<16xi1>
      %masked_cumsum3A_1407 = tpu.scan <sum>, %convert_element_type3A_1404 masked %broadcast_in_dim3A_1406 : vector<16xi32>, vector<16xi1> -> vector<16xi32>
      %add3A_1408 = arith.addi %add3A_1390, %masked_cumsum3A_1407 : vector<16xi32>
      %sub3A_1409 = arith.constant 1 : i32
      %sub3A_1410 = vector.broadcast %sub3A_1409 : i32 to vector<16xi32>
      %sub3A_1411 = arith.subi %add3A_1408, %sub3A_1410 : vector<16xi32>
      tpu.vector_store_idx %arg7[%sub3A_1411], %select_n3A_1401 masked %not3A_1403 : memref<224xi32, #tpu.memory_space<vmem>>[vector<16xi32>], vector<16xi32>, vector<16xi1>
      %all_reduce_population_count3A_1412 = tpu.all_reduce %not3A_1403 {dim = 0 : i64, kind = #tpu.reduction_kind<sum>} : vector<16xi1> -> vector<16xi32>
      %add3A_1413 = arith.addi %add3A_1390, %all_reduce_population_count3A_1412 : vector<16xi32>
      %add3A_1414 = arith.constant 48 : i32
      %add3A_1415 = arith.addi %mul3A_1342, %add3A_1414 : i32
      %get3A_1416 = arith.index_cast %add3A_1415 : i32 to index
      %get3A_1417 = tpu.vector_load %arg6[%get3A_1416] {strides = array<i32>} : memref<25616xi32, #tpu.memory_space<vmem>>, vector<16xi32>,
      %ge3A_1418 = arith.constant 512000 : i32
      %ge3A_1419 = vector.broadcast %ge3A_1418 : i32 to vector<16xi32>
      %ge3A_1420 = arith.cmpi sge, %get3A_1417, %ge3A_1419 : vector<16xi32>
      %sub3A_1421 = arith.constant 512000 : i32
      %sub3A_1422 = vector.broadcast %sub3A_1421 : i32 to vector<16xi32>
      %sub3A_1423 = arith.subi %get3A_1417, %sub3A_1422 : vector<16xi32>
      %select_n3A_1424 = arith.select %ge3A_1420, %sub3A_1423, %get3A_1417 : vector<16xi1>, vector<16xi32>
      %not3A_1425 = arith.constant dense<true> : vector<16xi1>
      %not3A_1426 = arith.xori %ge3A_1420, %not3A_1425 : vector<16xi1>
      %convert_element_type3A_1427 = arith.extui %not3A_1426 : vector<16xi1> to vector<16xi32>
      %broadcast_in_dim3A_1428 = arith.constant true
      %broadcast_in_dim3A_1429 = vector.broadcast %broadcast_in_dim3A_1428 : i1 to vector<16xi1>
      %masked_cumsum3A_1430 = tpu.scan <sum>, %convert_element_type3A_1427 masked %broadcast_in_dim3A_1429 : vector<16xi32>, vector<16xi1> -> vector<16xi32>
      %add3A_1431 = arith.addi %add3A_1413, %masked_cumsum3A_1430 : vector<16xi32>
      %sub3A_1432 = arith.constant 1 : i32
      %sub3A_1433 = vector.broadcast %sub3A_1432 : i32 to vector<16xi32>
      %sub3A_1434 = arith.subi %add3A_1431, %sub3A_1433 : vector<16xi32>
      tpu.vector_store_idx %arg7[%sub3A_1434], %select_n3A_1424 masked %not3A_1426 : memref<224xi32, #tpu.memory_space<vmem>>[vector<16xi32>], vector<16xi32>, vector<16xi1>
      %all_reduce_population_count3A_1435 = tpu.all_reduce %not3A_1426 {dim = 0 : i64, kind = #tpu.reduction_kind<sum>} : vector<16xi1> -> vector<16xi32>
      %add3A_1436 = arith.addi %add3A_1413, %all_reduce_population_count3A_1435 : vector<16xi32>
      %add3A_1437 = arith.constant 64 : i32
      %add3A_1438 = arith.addi %mul3A_1342, %add3A_1437 : i32
      %get3A_1439 = arith.index_cast %add3A_1438 : i32 to index
      %get3A_1440 = tpu.vector_load %arg6[%get3A_1439] {strides = array<i32>} : memref<25616xi32, #tpu.memory_space<vmem>>, vector<16xi32>,
      %ge3A_1441 = arith.constant 512000 : i32
      %ge3A_1442 = vector.broadcast %ge3A_1441 : i32 to vector<16xi32>
      %ge3A_1443 = arith.cmpi sge, %get3A_1440, %ge3A_1442 : vector<16xi32>
      %sub3A_1444 = arith.constant 512000 : i32
      %sub3A_1445 = vector.broadcast %sub3A_1444 : i32 to vector<16xi32>
      %sub3A_1446 = arith.subi %get3A_1440, %sub3A_1445 : vector<16xi32>
      %select_n3A_1447 = arith.select %ge3A_1443, %sub3A_1446, %get3A_1440 : vector<16xi1>, vector<16xi32>
      %not3A_1448 = arith.constant dense<true> : vector<16xi1>
      %not3A_1449 = arith.xori %ge3A_1443, %not3A_1448 : vector<16xi1>
      %convert_element_type3A_1450 = arith.extui %not3A_1449 : vector<16xi1> to vector<16xi32>
      %broadcast_in_dim3A_1451 = arith.constant true
      %broadcast_in_dim3A_1452 = vector.broadcast %broadcast_in_dim3A_1451 : i1 to vector<16xi1>
      %masked_cumsum3A_1453 = tpu.scan <sum>, %convert_element_type3A_1450 masked %broadcast_in_dim3A_1452 : vector<16xi32>, vector<16xi1> -> vector<16xi32>
      %add3A_1454 = arith.addi %add3A_1436, %masked_cumsum3A_1453 : vector<16xi32>
      %sub3A_1455 = arith.constant 1 : i32
      %sub3A_1456 = vector.broadcast %sub3A_1455 : i32 to vector<16xi32>
      %sub3A_1457 = arith.subi %add3A_1454, %sub3A_1456 : vector<16xi32>
      tpu.vector_store_idx %arg7[%sub3A_1457], %select_n3A_1447 masked %not3A_1449 : memref<224xi32, #tpu.memory_space<vmem>>[vector<16xi32>], vector<16xi32>, vector<16xi1>
      %all_reduce_population_count3A_1458 = tpu.all_reduce %not3A_1449 {dim = 0 : i64, kind = #tpu.reduction_kind<sum>} : vector<16xi1> -> vector<16xi32>
      %add3A_1459 = arith.addi %add3A_1436, %all_reduce_population_count3A_1458 : vector<16xi32>
      %add3A_1460 = arith.constant 80 : i32
      %add3A_1461 = arith.addi %mul3A_1342, %add3A_1460 : i32
      %get3A_1462 = arith.index_cast %add3A_1461 : i32 to index
      %get3A_1463 = tpu.vector_load %arg6[%get3A_1462] {strides = array<i32>} : memref<25616xi32, #tpu.memory_space<vmem>>, vector<16xi32>,
      %ge3A_1464 = arith.constant 512000 : i32
      %ge3A_1465 = vector.broadcast %ge3A_1464 : i32 to vector<16xi32>
      %ge3A_1466 = arith.cmpi sge, %get3A_1463, %ge3A_1465 : vector<16xi32>
      %sub3A_1467 = arith.constant 512000 : i32
      %sub3A_1468 = vector.broadcast %sub3A_1467 : i32 to vector<16xi32>
      %sub3A_1469 = arith.subi %get3A_1463, %sub3A_1468 : vector<16xi32>
      %select_n3A_1470 = arith.select %ge3A_1466, %sub3A_1469, %get3A_1463 : vector<16xi1>, vector<16xi32>
      %not3A_1471 = arith.constant dense<true> : vector<16xi1>
      %not3A_1472 = arith.xori %ge3A_1466, %not3A_1471 : vector<16xi1>
      %convert_element_type3A_1473 = arith.extui %not3A_1472 : vector<16xi1> to vector<16xi32>
      %broadcast_in_dim3A_1474 = arith.constant true
      %broadcast_in_dim3A_1475 = vector.broadcast %broadcast_in_dim3A_1474 : i1 to vector<16xi1>
      %masked_cumsum3A_1476 = tpu.scan <sum>, %convert_element_type3A_1473 masked %broadcast_in_dim3A_1475 : vector<16xi32>, vector<16xi1> -> vector<16xi32>
      %add3A_1477 = arith.addi %add3A_1459, %masked_cumsum3A_1476 : vector<16xi32>
      %sub3A_1478 = arith.constant 1 : i32
      %sub3A_1479 = vector.broadcast %sub3A_1478 : i32 to vector<16xi32>
      %sub3A_1480 = arith.subi %add3A_1477, %sub3A_1479 : vector<16xi32>
      tpu.vector_store_idx %arg7[%sub3A_1480], %select_n3A_1470 masked %not3A_1472 : memref<224xi32, #tpu.memory_space<vmem>>[vector<16xi32>], vector<16xi32>, vector<16xi1>
      %all_reduce_population_count3A_1481 = tpu.all_reduce %not3A_1472 {dim = 0 : i64, kind = #tpu.reduction_kind<sum>} : vector<16xi1> -> vector<16xi32>
      %add3A_1482 = arith.addi %add3A_1459, %all_reduce_population_count3A_1481 : vector<16xi32>
      %add3A_1483 = arith.constant 96 : i32
      %add3A_1484 = arith.addi %mul3A_1342, %add3A_1483 : i32
      %get3A_1485 = arith.index_cast %add3A_1484 : i32 to index
      %get3A_1486 = tpu.vector_load %arg6[%get3A_1485] {strides = array<i32>} : memref<25616xi32, #tpu.memory_space<vmem>>, vector<16xi32>,
      %ge3A_1487 = arith.constant 512000 : i32
      %ge3A_1488 = vector.broadcast %ge3A_1487 : i32 to vector<16xi32>
      %ge3A_1489 = arith.cmpi sge, %get3A_1486, %ge3A_1488 : vector<16xi32>
      %sub3A_1490 = arith.constant 512000 : i32
      %sub3A_1491 = vector.broadcast %sub3A_1490 : i32 to vector<16xi32>
      %sub3A_1492 = arith.subi %get3A_1486, %sub3A_1491 : vector<16xi32>
      %select_n3A_1493 = arith.select %ge3A_1489, %sub3A_1492, %get3A_1486 : vector<16xi1>, vector<16xi32>
      %not3A_1494 = arith.constant dense<true> : vector<16xi1>
      %not3A_1495 = arith.xori %ge3A_1489, %not3A_1494 : vector<16xi1>
      %convert_element_type3A_1496 = arith.extui %not3A_1495 : vector<16xi1> to vector<16xi32>
      %broadcast_in_dim3A_1497 = arith.constant true
      %broadcast_in_dim3A_1498 = vector.broadcast %broadcast_in_dim3A_1497 : i1 to vector<16xi1>
      %masked_cumsum3A_1499 = tpu.scan <sum>, %convert_element_type3A_1496 masked %broadcast_in_dim3A_1498 : vector<16xi32>, vector<16xi1> -> vector<16xi32>
      %add3A_1500 = arith.addi %add3A_1482, %masked_cumsum3A_1499 : vector<16xi32>
      %sub3A_1501 = arith.constant 1 : i32
      %sub3A_1502 = vector.broadcast %sub3A_1501 : i32 to vector<16xi32>
      %sub3A_1503 = arith.subi %add3A_1500, %sub3A_1502 : vector<16xi32>
      tpu.vector_store_idx %arg7[%sub3A_1503], %select_n3A_1493 masked %not3A_1495 : memref<224xi32, #tpu.memory_space<vmem>>[vector<16xi32>], vector<16xi32>, vector<16xi1>
      %all_reduce_population_count3A_1504 = tpu.all_reduce %not3A_1495 {dim = 0 : i64, kind = #tpu.reduction_kind<sum>} : vector<16xi1> -> vector<16xi32>
      %add3A_1505 = arith.addi %add3A_1482, %all_reduce_population_count3A_1504 : vector<16xi32>
      %add3A_1506 = arith.constant 112 : i32
      %add3A_1507 = arith.addi %mul3A_1342, %add3A_1506 : i32
      %get3A_1508 = arith.index_cast %add3A_1507 : i32 to index
      %get3A_1509 = tpu.vector_load %arg6[%get3A_1508] {strides = array<i32>} : memref<25616xi32, #tpu.memory_space<vmem>>, vector<16xi32>,
      %ge3A_1510 = arith.constant 512000 : i32
      %ge3A_1511 = vector.broadcast %ge3A_1510 : i32 to vector<16xi32>
      %ge3A_1512 = arith.cmpi sge, %get3A_1509, %ge3A_1511 : vector<16xi32>
      %sub3A_1513 = arith.constant 512000 : i32
      %sub3A_1514 = vector.broadcast %sub3A_1513 : i32 to vector<16xi32>
      %sub3A_1515 = arith.subi %get3A_1509, %sub3A_1514 : vector<16xi32>
      %select_n3A_1516 = arith.select %ge3A_1512, %sub3A_1515, %get3A_1509 : vector<16xi1>, vector<16xi32>
      %not3A_1517 = arith.constant dense<true> : vector<16xi1>
      %not3A_1518 = arith.xori %ge3A_1512, %not3A_1517 : vector<16xi1>
      %convert_element_type3A_1519 = arith.extui %not3A_1518 : vector<16xi1> to vector<16xi32>
      %broadcast_in_dim3A_1520 = arith.constant true
      %broadcast_in_dim3A_1521 = vector.broadcast %broadcast_in_dim3A_1520 : i1 to vector<16xi1>
      %masked_cumsum3A_1522 = tpu.scan <sum>, %convert_element_type3A_1519 masked %broadcast_in_dim3A_1521 : vector<16xi32>, vector<16xi1> -> vector<16xi32>
      %add3A_1523 = arith.addi %add3A_1505, %masked_cumsum3A_1522 : vector<16xi32>
      %sub3A_1524 = arith.constant 1 : i32
      %sub3A_1525 = vector.broadcast %sub3A_1524 : i32 to vector<16xi32>
      %sub3A_1526 = arith.subi %add3A_1523, %sub3A_1525 : vector<16xi32>
      tpu.vector_store_idx %arg7[%sub3A_1526], %select_n3A_1516 masked %not3A_1518 : memref<224xi32, #tpu.memory_space<vmem>>[vector<16xi32>], vector<16xi32>, vector<16xi1>
      %all_reduce_population_count3A_1527 = tpu.all_reduce %not3A_1518 {dim = 0 : i64, kind = #tpu.reduction_kind<sum>} : vector<16xi1> -> vector<16xi32>
      %add3A_1528 = arith.addi %add3A_1505, %all_reduce_population_count3A_1527 : vector<16xi32>
      %add3A_1529 = arith.constant 128 : i32
      %add3A_1530 = arith.addi %mul3A_1342, %add3A_1529 : i32
      %get3A_1531 = arith.index_cast %add3A_1530 : i32 to index
      %get3A_1532 = tpu.vector_load %arg6[%get3A_1531] {strides = array<i32>} : memref<25616xi32, #tpu.memory_space<vmem>>, vector<16xi32>,
      %ge3A_1533 = arith.constant 512000 : i32
      %ge3A_1534 = vector.broadcast %ge3A_1533 : i32 to vector<16xi32>
      %ge3A_1535 = arith.cmpi sge, %get3A_1532, %ge3A_1534 : vector<16xi32>
      %sub3A_1536 = arith.constant 512000 : i32
      %sub3A_1537 = vector.broadcast %sub3A_1536 : i32 to vector<16xi32>
      %sub3A_1538 = arith.subi %get3A_1532, %sub3A_1537 : vector<16xi32>
      %select_n3A_1539 = arith.select %ge3A_1535, %sub3A_1538, %get3A_1532 : vector<16xi1>, vector<16xi32>
      %not3A_1540 = arith.constant dense<true> : vector<16xi1>
      %not3A_1541 = arith.xori %ge3A_1535, %not3A_1540 : vector<16xi1>
      %convert_element_type3A_1542 = arith.extui %not3A_1541 : vector<16xi1> to vector<16xi32>
      %broadcast_in_dim3A_1543 = arith.constant true
      %broadcast_in_dim3A_1544 = vector.broadcast %broadcast_in_dim3A_1543 : i1 to vector<16xi1>
      %masked_cumsum3A_1545 = tpu.scan <sum>, %convert_element_type3A_1542 masked %broadcast_in_dim3A_1544 : vector<16xi32>, vector<16xi1> -> vector<16xi32>
      %add3A_1546 = arith.addi %add3A_1528, %masked_cumsum3A_1545 : vector<16xi32>
      %sub3A_1547 = arith.constant 1 : i32
      %sub3A_1548 = vector.broadcast %sub3A_1547 : i32 to vector<16xi32>
      %sub3A_1549 = arith.subi %add3A_1546, %sub3A_1548 : vector<16xi32>
      tpu.vector_store_idx %arg7[%sub3A_1549], %select_n3A_1539 masked %not3A_1541 : memref<224xi32, #tpu.memory_space<vmem>>[vector<16xi32>], vector<16xi32>, vector<16xi1>
      %all_reduce_population_count3A_1550 = tpu.all_reduce %not3A_1541 {dim = 0 : i64, kind = #tpu.reduction_kind<sum>} : vector<16xi1> -> vector<16xi32>
      %add3A_1551 = arith.addi %add3A_1528, %all_reduce_population_count3A_1550 : vector<16xi32>
      %add3A_1552 = arith.constant 144 : i32
      %add3A_1553 = arith.addi %mul3A_1342, %add3A_1552 : i32
      %get3A_1554 = arith.index_cast %add3A_1553 : i32 to index
      %get3A_1555 = tpu.vector_load %arg6[%get3A_1554] {strides = array<i32>} : memref<25616xi32, #tpu.memory_space<vmem>>, vector<16xi32>,
      %ge3A_1556 = arith.constant 512000 : i32
      %ge3A_1557 = vector.broadcast %ge3A_1556 : i32 to vector<16xi32>
      %ge3A_1558 = arith.cmpi sge, %get3A_1555, %ge3A_1557 : vector<16xi32>
      %sub3A_1559 = arith.constant 512000 : i32
      %sub3A_1560 = vector.broadcast %sub3A_1559 : i32 to vector<16xi32>
      %sub3A_1561 = arith.subi %get3A_1555, %sub3A_1560 : vector<16xi32>
      %select_n3A_1562 = arith.select %ge3A_1558, %sub3A_1561, %get3A_1555 : vector<16xi1>, vector<16xi32>
      %not3A_1563 = arith.constant dense<true> : vector<16xi1>
      %not3A_1564 = arith.xori %ge3A_1558, %not3A_1563 : vector<16xi1>
      %convert_element_type3A_1565 = arith.extui %not3A_1564 : vector<16xi1> to vector<16xi32>
      %broadcast_in_dim3A_1566 = arith.constant true
      %broadcast_in_dim3A_1567 = vector.broadcast %broadcast_in_dim3A_1566 : i1 to vector<16xi1>
      %masked_cumsum3A_1568 = tpu.scan <sum>, %convert_element_type3A_1565 masked %broadcast_in_dim3A_1567 : vector<16xi32>, vector<16xi1> -> vector<16xi32>
      %add3A_1569 = arith.addi %add3A_1551, %masked_cumsum3A_1568 : vector<16xi32>
      %sub3A_1570 = arith.constant 1 : i32
      %sub3A_1571 = vector.broadcast %sub3A_1570 : i32 to vector<16xi32>
      %sub3A_1572 = arith.subi %add3A_1569, %sub3A_1571 : vector<16xi32>
      tpu.vector_store_idx %arg7[%sub3A_1572], %select_n3A_1562 masked %not3A_1564 : memref<224xi32, #tpu.memory_space<vmem>>[vector<16xi32>], vector<16xi32>, vector<16xi1>
      %all_reduce_population_count3A_1573 = tpu.all_reduce %not3A_1564 {dim = 0 : i64, kind = #tpu.reduction_kind<sum>} : vector<16xi1> -> vector<16xi32>
      %add3A_1574 = arith.addi %add3A_1551, %all_reduce_population_count3A_1573 : vector<16xi32>
      %add3A_1575 = arith.constant 160 : i32
      %add3A_1576 = arith.addi %mul3A_1342, %add3A_1575 : i32
      %get3A_1577 = arith.index_cast %add3A_1576 : i32 to index
      %get3A_1578 = tpu.vector_load %arg6[%get3A_1577] {strides = array<i32>} : memref<25616xi32, #tpu.memory_space<vmem>>, vector<16xi32>,
      %ge3A_1579 = arith.constant 512000 : i32
      %ge3A_1580 = vector.broadcast %ge3A_1579 : i32 to vector<16xi32>
      %ge3A_1581 = arith.cmpi sge, %get3A_1578, %ge3A_1580 : vector<16xi32>
      %sub3A_1582 = arith.constant 512000 : i32
      %sub3A_1583 = vector.broadcast %sub3A_1582 : i32 to vector<16xi32>
      %sub3A_1584 = arith.subi %get3A_1578, %sub3A_1583 : vector<16xi32>
      %select_n3A_1585 = arith.select %ge3A_1581, %sub3A_1584, %get3A_1578 : vector<16xi1>, vector<16xi32>
      %not3A_1586 = arith.constant dense<true> : vector<16xi1>
      %not3A_1587 = arith.xori %ge3A_1581, %not3A_1586 : vector<16xi1>
      %convert_element_type3A_1588 = arith.extui %not3A_1587 : vector<16xi1> to vector<16xi32>
      %broadcast_in_dim3A_1589 = arith.constant true
      %broadcast_in_dim3A_1590 = vector.broadcast %broadcast_in_dim3A_1589 : i1 to vector<16xi1>
      %masked_cumsum3A_1591 = tpu.scan <sum>, %convert_element_type3A_1588 masked %broadcast_in_dim3A_1590 : vector<16xi32>, vector<16xi1> -> vector<16xi32>
      %add3A_1592 = arith.addi %add3A_1574, %masked_cumsum3A_1591 : vector<16xi32>
      %sub3A_1593 = arith.constant 1 : i32
      %sub3A_1594 = vector.broadcast %sub3A_1593 : i32 to vector<16xi32>
      %sub3A_1595 = arith.subi %add3A_1592, %sub3A_1594 : vector<16xi32>
      tpu.vector_store_idx %arg7[%sub3A_1595], %select_n3A_1585 masked %not3A_1587 : memref<224xi32, #tpu.memory_space<vmem>>[vector<16xi32>], vector<16xi32>, vector<16xi1>
      %all_reduce_population_count3A_1596 = tpu.all_reduce %not3A_1587 {dim = 0 : i64, kind = #tpu.reduction_kind<sum>} : vector<16xi1> -> vector<16xi32>
      %add3A_1597 = arith.addi %add3A_1574, %all_reduce_population_count3A_1596 : vector<16xi32>
      %add3A_1598 = arith.constant 176 : i32
      %add3A_1599 = arith.addi %mul3A_1342, %add3A_1598 : i32
      %get3A_1600 = arith.index_cast %add3A_1599 : i32 to index
      %get3A_1601 = tpu.vector_load %arg6[%get3A_1600] {strides = array<i32>} : memref<25616xi32, #tpu.memory_space<vmem>>, vector<16xi32>,
      %ge3A_1602 = arith.constant 512000 : i32
      %ge3A_1603 = vector.broadcast %ge3A_1602 : i32 to vector<16xi32>
      %ge3A_1604 = arith.cmpi sge, %get3A_1601, %ge3A_1603 : vector<16xi32>
      %sub3A_1605 = arith.constant 512000 : i32
      %sub3A_1606 = vector.broadcast %sub3A_1605 : i32 to vector<16xi32>
      %sub3A_1607 = arith.subi %get3A_1601, %sub3A_1606 : vector<16xi32>
      %select_n3A_1608 = arith.select %ge3A_1604, %sub3A_1607, %get3A_1601 : vector<16xi1>, vector<16xi32>
      %not3A_1609 = arith.constant dense<true> : vector<16xi1>
      %not3A_1610 = arith.xori %ge3A_1604, %not3A_1609 : vector<16xi1>
      %convert_element_type3A_1611 = arith.extui %not3A_1610 : vector<16xi1> to vector<16xi32>
      %broadcast_in_dim3A_1612 = arith.constant true
      %broadcast_in_dim3A_1613 = vector.broadcast %broadcast_in_dim3A_1612 : i1 to vector<16xi1>
      %masked_cumsum3A_1614 = tpu.scan <sum>, %convert_element_type3A_1611 masked %broadcast_in_dim3A_1613 : vector<16xi32>, vector<16xi1> -> vector<16xi32>
      %add3A_1615 = arith.addi %add3A_1597, %masked_cumsum3A_1614 : vector<16xi32>
      %sub3A_1616 = arith.constant 1 : i32
      %sub3A_1617 = vector.broadcast %sub3A_1616 : i32 to vector<16xi32>
      %sub3A_1618 = arith.subi %add3A_1615, %sub3A_1617 : vector<16xi32>
      tpu.vector_store_idx %arg7[%sub3A_1618], %select_n3A_1608 masked %not3A_1610 : memref<224xi32, #tpu.memory_space<vmem>>[vector<16xi32>], vector<16xi32>, vector<16xi1>
      %all_reduce_population_count3A_1619 = tpu.all_reduce %not3A_1610 {dim = 0 : i64, kind = #tpu.reduction_kind<sum>} : vector<16xi1> -> vector<16xi32>
      %add3A_1620 = arith.addi %add3A_1597, %all_reduce_population_count3A_1619 : vector<16xi32>
      %add3A_1621 = arith.constant 192 : i32
      %add3A_1622 = arith.addi %mul3A_1342, %add3A_1621 : i32
      %get3A_1623 = arith.index_cast %add3A_1622 : i32 to index
      %get3A_1624 = tpu.vector_load %arg6[%get3A_1623] {strides = array<i32>} : memref<25616xi32, #tpu.memory_space<vmem>>, vector<16xi32>,
      %ge3A_1625 = arith.constant 512000 : i32
      %ge3A_1626 = vector.broadcast %ge3A_1625 : i32 to vector<16xi32>
      %ge3A_1627 = arith.cmpi sge, %get3A_1624, %ge3A_1626 : vector<16xi32>
      %sub3A_1628 = arith.constant 512000 : i32
      %sub3A_1629 = vector.broadcast %sub3A_1628 : i32 to vector<16xi32>
      %sub3A_1630 = arith.subi %get3A_1624, %sub3A_1629 : vector<16xi32>
      %select_n3A_1631 = arith.select %ge3A_1627, %sub3A_1630, %get3A_1624 : vector<16xi1>, vector<16xi32>
      %not3A_1632 = arith.constant dense<true> : vector<16xi1>
      %not3A_1633 = arith.xori %ge3A_1627, %not3A_1632 : vector<16xi1>
      %and3A_1634 = arith.andi %not3A_1633, %lt3A_4 : vector<16xi1>
      %convert_element_type3A_1635 = arith.extui %and3A_1634 : vector<16xi1> to vector<16xi32>
      %broadcast_in_dim3A_1636 = arith.constant true
      %broadcast_in_dim3A_1637 = vector.broadcast %broadcast_in_dim3A_1636 : i1 to vector<16xi1>
      %masked_cumsum3A_1638 = tpu.scan <sum>, %convert_element_type3A_1635 masked %broadcast_in_dim3A_1637 : vector<16xi32>, vector<16xi1> -> vector<16xi32>
      %add3A_1639 = arith.addi %add3A_1620, %masked_cumsum3A_1638 : vector<16xi32>
      %sub3A_1640 = arith.constant 1 : i32
      %sub3A_1641 = vector.broadcast %sub3A_1640 : i32 to vector<16xi32>
      %sub3A_1642 = arith.subi %add3A_1639, %sub3A_1641 : vector<16xi32>
      tpu.vector_store_idx %arg7[%sub3A_1642], %select_n3A_1631 masked %and3A_1634 : memref<224xi32, #tpu.memory_space<vmem>>[vector<16xi32>], vector<16xi32>, vector<16xi1>
      %all_reduce_population_count3A_1643 = tpu.all_reduce %and3A_1634 {dim = 0 : i64, kind = #tpu.reduction_kind<sum>} : vector<16xi1> -> vector<16xi32>
      %add3A_1644 = arith.addi %add3A_1620, %all_reduce_population_count3A_1643 : vector<16xi32>
      %slice3A_1645 = vector.extract_strided_slice %add3A_1644 {offsets = [0], sizes = [1], strides = [1]} : vector<16xi32> to vector<1xi32>
      %squeeze3A_1646 = vector.extract %slice3A_1645[0] : i32 from vector<1xi32>
      %add3A_1647 = arith.constant 0 : i32
      %add3A_1648 = arith.addi %mul3A_1342, %add3A_1647 : i32
      %get3A_1649 = arith.index_cast %add3A_1648 : i32 to index
      %get3A_1650 = tpu.vector_load %arg6[%get3A_1649] {strides = array<i32>} : memref<25616xi32, #tpu.memory_space<vmem>>, vector<16xi32>,
      %ge3A_1651 = arith.constant 512000 : i32
      %ge3A_1652 = vector.broadcast %ge3A_1651 : i32 to vector<16xi32>
      %ge3A_1653 = arith.cmpi sge, %get3A_1650, %ge3A_1652 : vector<16xi32>
      %sub3A_1654 = arith.constant 512000 : i32
      %sub3A_1655 = vector.broadcast %sub3A_1654 : i32 to vector<16xi32>
      %sub3A_1656 = arith.subi %get3A_1650, %sub3A_1655 : vector<16xi32>
      %select_n3A_1657 = arith.select %ge3A_1653, %sub3A_1656, %get3A_1650 : vector<16xi1>, vector<16xi32>
      %convert_element_type3A_1658 = arith.extui %ge3A_1653 : vector<16xi1> to vector<16xi32>
      %broadcast_in_dim3A_1659 = arith.constant true
      %broadcast_in_dim3A_1660 = vector.broadcast %broadcast_in_dim3A_1659 : i1 to vector<16xi1>
      %masked_cumsum3A_1661 = tpu.scan <sum>, %convert_element_type3A_1658 masked %broadcast_in_dim3A_1660 : vector<16xi32>, vector<16xi1> -> vector<16xi32>
      %add3A_1662 = arith.addi %add3A_1644, %masked_cumsum3A_1661 : vector<16xi32>
      %sub3A_1663 = arith.constant 1 : i32
      %sub3A_1664 = vector.broadcast %sub3A_1663 : i32 to vector<16xi32>
      %sub3A_1665 = arith.subi %add3A_1662, %sub3A_1664 : vector<16xi32>
      tpu.vector_store_idx %arg7[%sub3A_1665], %select_n3A_1657 masked %ge3A_1653 : memref<224xi32, #tpu.memory_space<vmem>>[vector<16xi32>], vector<16xi32>, vector<16xi1>
      %all_reduce_population_count3A_1666 = tpu.all_reduce %ge3A_1653 {dim = 0 : i64, kind = #tpu.reduction_kind<sum>} : vector<16xi1> -> vector<16xi32>
      %add3A_1667 = arith.addi %add3A_1644, %all_reduce_population_count3A_1666 : vector<16xi32>
      %add3A_1668 = arith.constant 16 : i32
      %add3A_1669 = arith.addi %mul3A_1342, %add3A_1668 : i32
      %get3A_1670 = arith.index_cast %add3A_1669 : i32 to index
      %get3A_1671 = tpu.vector_load %arg6[%get3A_1670] {strides = array<i32>} : memref<25616xi32, #tpu.memory_space<vmem>>, vector<16xi32>,
      %ge3A_1672 = arith.constant 512000 : i32
      %ge3A_1673 = vector.broadcast %ge3A_1672 : i32 to vector<16xi32>
      %ge3A_1674 = arith.cmpi sge, %get3A_1671, %ge3A_1673 : vector<16xi32>
      %sub3A_1675 = arith.constant 512000 : i32
      %sub3A_1676 = vector.broadcast %sub3A_1675 : i32 to vector<16xi32>
      %sub3A_1677 = arith.subi %get3A_1671, %sub3A_1676 : vector<16xi32>
      %select_n3A_1678 = arith.select %ge3A_1674, %sub3A_1677, %get3A_1671 : vector<16xi1>, vector<16xi32>
      %convert_element_type3A_1679 = arith.extui %ge3A_1674 : vector<16xi1> to vector<16xi32>
      %broadcast_in_dim3A_1680 = arith.constant true
      %broadcast_in_dim3A_1681 = vector.broadcast %broadcast_in_dim3A_1680 : i1 to vector<16xi1>
      %masked_cumsum3A_1682 = tpu.scan <sum>, %convert_element_type3A_1679 masked %broadcast_in_dim3A_1681 : vector<16xi32>, vector<16xi1> -> vector<16xi32>
      %add3A_1683 = arith.addi %add3A_1667, %masked_cumsum3A_1682 : vector<16xi32>
      %sub3A_1684 = arith.constant 1 : i32
      %sub3A_1685 = vector.broadcast %sub3A_1684 : i32 to vector<16xi32>
      %sub3A_1686 = arith.subi %add3A_1683, %sub3A_1685 : vector<16xi32>
      tpu.vector_store_idx %arg7[%sub3A_1686], %select_n3A_1678 masked %ge3A_1674 : memref<224xi32, #tpu.memory_space<vmem>>[vector<16xi32>], vector<16xi32>, vector<16xi1>
      %all_reduce_population_count3A_1687 = tpu.all_reduce %ge3A_1674 {dim = 0 : i64, kind = #tpu.reduction_kind<sum>} : vector<16xi1> -> vector<16xi32>
      %add3A_1688 = arith.addi %add3A_1667, %all_reduce_population_count3A_1687 : vector<16xi32>
      %add3A_1689 = arith.constant 32 : i32
      %add3A_1690 = arith.addi %mul3A_1342, %add3A_1689 : i32
      %get3A_1691 = arith.index_cast %add3A_1690 : i32 to index
      %get3A_1692 = tpu.vector_load %arg6[%get3A_1691] {strides = array<i32>} : memref<25616xi32, #tpu.memory_space<vmem>>, vector<16xi32>,
      %ge3A_1693 = arith.constant 512000 : i32
      %ge3A_1694 = vector.broadcast %ge3A_1693 : i32 to vector<16xi32>
      %ge3A_1695 = arith.cmpi sge, %get3A_1692, %ge3A_1694 : vector<16xi32>
      %sub3A_1696 = arith.constant 512000 : i32
      %sub3A_1697 = vector.broadcast %sub3A_1696 : i32 to vector<16xi32>
      %sub3A_1698 = arith.subi %get3A_1692, %sub3A_1697 : vector<16xi32>
      %select_n3A_1699 = arith.select %ge3A_1695, %sub3A_1698, %get3A_1692 : vector<16xi1>, vector<16xi32>
      %convert_element_type3A_1700 = arith.extui %ge3A_1695 : vector<16xi1> to vector<16xi32>
      %broadcast_in_dim3A_1701 = arith.constant true
      %broadcast_in_dim3A_1702 = vector.broadcast %broadcast_in_dim3A_1701 : i1 to vector<16xi1>
      %masked_cumsum3A_1703 = tpu.scan <sum>, %convert_element_type3A_1700 masked %broadcast_in_dim3A_1702 : vector<16xi32>, vector<16xi1> -> vector<16xi32>
      %add3A_1704 = arith.addi %add3A_1688, %masked_cumsum3A_1703 : vector<16xi32>
      %sub3A_1705 = arith.constant 1 : i32
      %sub3A_1706 = vector.broadcast %sub3A_1705 : i32 to vector<16xi32>
      %sub3A_1707 = arith.subi %add3A_1704, %sub3A_1706 : vector<16xi32>
      tpu.vector_store_idx %arg7[%sub3A_1707], %select_n3A_1699 masked %ge3A_1695 : memref<224xi32, #tpu.memory_space<vmem>>[vector<16xi32>], vector<16xi32>, vector<16xi1>
      %all_reduce_population_count3A_1708 = tpu.all_reduce %ge3A_1695 {dim = 0 : i64, kind = #tpu.reduction_kind<sum>} : vector<16xi1> -> vector<16xi32>
      %add3A_1709 = arith.addi %add3A_1688, %all_reduce_population_count3A_1708 : vector<16xi32>
      %add3A_1710 = arith.constant 48 : i32
      %add3A_1711 = arith.addi %mul3A_1342, %add3A_1710 : i32
      %get3A_1712 = arith.index_cast %add3A_1711 : i32 to index
      %get3A_1713 = tpu.vector_load %arg6[%get3A_1712] {strides = array<i32>} : memref<25616xi32, #tpu.memory_space<vmem>>, vector<16xi32>,
      %ge3A_1714 = arith.constant 512000 : i32
      %ge3A_1715 = vector.broadcast %ge3A_1714 : i32 to vector<16xi32>
      %ge3A_1716 = arith.cmpi sge, %get3A_1713, %ge3A_1715 : vector<16xi32>
      %sub3A_1717 = arith.constant 512000 : i32
      %sub3A_1718 = vector.broadcast %sub3A_1717 : i32 to vector<16xi32>
      %sub3A_1719 = arith.subi %get3A_1713, %sub3A_1718 : vector<16xi32>
      %select_n3A_1720 = arith.select %ge3A_1716, %sub3A_1719, %get3A_1713 : vector<16xi1>, vector<16xi32>
      %convert_element_type3A_1721 = arith.extui %ge3A_1716 : vector<16xi1> to vector<16xi32>
      %broadcast_in_dim3A_1722 = arith.constant true
      %broadcast_in_dim3A_1723 = vector.broadcast %broadcast_in_dim3A_1722 : i1 to vector<16xi1>
      %masked_cumsum3A_1724 = tpu.scan <sum>, %convert_element_type3A_1721 masked %broadcast_in_dim3A_1723 : vector<16xi32>, vector<16xi1> -> vector<16xi32>
      %add3A_1725 = arith.addi %add3A_1709, %masked_cumsum3A_1724 : vector<16xi32>
      %sub3A_1726 = arith.constant 1 : i32
      %sub3A_1727 = vector.broadcast %sub3A_1726 : i32 to vector<16xi32>
      %sub3A_1728 = arith.subi %add3A_1725, %sub3A_1727 : vector<16xi32>
      tpu.vector_store_idx %arg7[%sub3A_1728], %select_n3A_1720 masked %ge3A_1716 : memref<224xi32, #tpu.memory_space<vmem>>[vector<16xi32>], vector<16xi32>, vector<16xi1>
      %all_reduce_population_count3A_1729 = tpu.all_reduce %ge3A_1716 {dim = 0 : i64, kind = #tpu.reduction_kind<sum>} : vector<16xi1> -> vector<16xi32>
      %add3A_1730 = arith.addi %add3A_1709, %all_reduce_population_count3A_1729 : vector<16xi32>
      %add3A_1731 = arith.constant 64 : i32
      %add3A_1732 = arith.addi %mul3A_1342, %add3A_1731 : i32
      %get3A_1733 = arith.index_cast %add3A_1732 : i32 to index
      %get3A_1734 = tpu.vector_load %arg6[%get3A_1733] {strides = array<i32>} : memref<25616xi32, #tpu.memory_space<vmem>>, vector<16xi32>,
      %ge3A_1735 = arith.constant 512000 : i32
      %ge3A_1736 = vector.broadcast %ge3A_1735 : i32 to vector<16xi32>
      %ge3A_1737 = arith.cmpi sge, %get3A_1734, %ge3A_1736 : vector<16xi32>
      %sub3A_1738 = arith.constant 512000 : i32
      %sub3A_1739 = vector.broadcast %sub3A_1738 : i32 to vector<16xi32>
      %sub3A_1740 = arith.subi %get3A_1734, %sub3A_1739 : vector<16xi32>
      %select_n3A_1741 = arith.select %ge3A_1737, %sub3A_1740, %get3A_1734 : vector<16xi1>, vector<16xi32>
      %convert_element_type3A_1742 = arith.extui %ge3A_1737 : vector<16xi1> to vector<16xi32>
      %broadcast_in_dim3A_1743 = arith.constant true
      %broadcast_in_dim3A_1744 = vector.broadcast %broadcast_in_dim3A_1743 : i1 to vector<16xi1>
      %masked_cumsum3A_1745 = tpu.scan <sum>, %convert_element_type3A_1742 masked %broadcast_in_dim3A_1744 : vector<16xi32>, vector<16xi1> -> vector<16xi32>
      %add3A_1746 = arith.addi %add3A_1730, %masked_cumsum3A_1745 : vector<16xi32>
      %sub3A_1747 = arith.constant 1 : i32
      %sub3A_1748 = vector.broadcast %sub3A_1747 : i32 to vector<16xi32>
      %sub3A_1749 = arith.subi %add3A_1746, %sub3A_1748 : vector<16xi32>
      tpu.vector_store_idx %arg7[%sub3A_1749], %select_n3A_1741 masked %ge3A_1737 : memref<224xi32, #tpu.memory_space<vmem>>[vector<16xi32>], vector<16xi32>, vector<16xi1>
      %all_reduce_population_count3A_1750 = tpu.all_reduce %ge3A_1737 {dim = 0 : i64, kind = #tpu.reduction_kind<sum>} : vector<16xi1> -> vector<16xi32>
      %add3A_1751 = arith.addi %add3A_1730, %all_reduce_population_count3A_1750 : vector<16xi32>
      %add3A_1752 = arith.constant 80 : i32
      %add3A_1753 = arith.addi %mul3A_1342, %add3A_1752 : i32
      %get3A_1754 = arith.index_cast %add3A_1753 : i32 to index
      %get3A_1755 = tpu.vector_load %arg6[%get3A_1754] {strides = array<i32>} : memref<25616xi32, #tpu.memory_space<vmem>>, vector<16xi32>,
      %ge3A_1756 = arith.constant 512000 : i32
      %ge3A_1757 = vector.broadcast %ge3A_1756 : i32 to vector<16xi32>
      %ge3A_1758 = arith.cmpi sge, %get3A_1755, %ge3A_1757 : vector<16xi32>
      %sub3A_1759 = arith.constant 512000 : i32
      %sub3A_1760 = vector.broadcast %sub3A_1759 : i32 to vector<16xi32>
      %sub3A_1761 = arith.subi %get3A_1755, %sub3A_1760 : vector<16xi32>
      %select_n3A_1762 = arith.select %ge3A_1758, %sub3A_1761, %get3A_1755 : vector<16xi1>, vector<16xi32>
      %convert_element_type3A_1763 = arith.extui %ge3A_1758 : vector<16xi1> to vector<16xi32>
      %broadcast_in_dim3A_1764 = arith.constant true
      %broadcast_in_dim3A_1765 = vector.broadcast %broadcast_in_dim3A_1764 : i1 to vector<16xi1>
      %masked_cumsum3A_1766 = tpu.scan <sum>, %convert_element_type3A_1763 masked %broadcast_in_dim3A_1765 : vector<16xi32>, vector<16xi1> -> vector<16xi32>
      %add3A_1767 = arith.addi %add3A_1751, %masked_cumsum3A_1766 : vector<16xi32>
      %sub3A_1768 = arith.constant 1 : i32
      %sub3A_1769 = vector.broadcast %sub3A_1768 : i32 to vector<16xi32>
      %sub3A_1770 = arith.subi %add3A_1767, %sub3A_1769 : vector<16xi32>
      tpu.vector_store_idx %arg7[%sub3A_1770], %select_n3A_1762 masked %ge3A_1758 : memref<224xi32, #tpu.memory_space<vmem>>[vector<16xi32>], vector<16xi32>, vector<16xi1>
      %all_reduce_population_count3A_1771 = tpu.all_reduce %ge3A_1758 {dim = 0 : i64, kind = #tpu.reduction_kind<sum>} : vector<16xi1> -> vector<16xi32>
      %add3A_1772 = arith.addi %add3A_1751, %all_reduce_population_count3A_1771 : vector<16xi32>
      %add3A_1773 = arith.constant 96 : i32
      %add3A_1774 = arith.addi %mul3A_1342, %add3A_1773 : i32
      %get3A_1775 = arith.index_cast %add3A_1774 : i32 to index
      %get3A_1776 = tpu.vector_load %arg6[%get3A_1775] {strides = array<i32>} : memref<25616xi32, #tpu.memory_space<vmem>>, vector<16xi32>,
      %ge3A_1777 = arith.constant 512000 : i32
      %ge3A_1778 = vector.broadcast %ge3A_1777 : i32 to vector<16xi32>
      %ge3A_1779 = arith.cmpi sge, %get3A_1776, %ge3A_1778 : vector<16xi32>
      %sub3A_1780 = arith.constant 512000 : i32
      %sub3A_1781 = vector.broadcast %sub3A_1780 : i32 to vector<16xi32>
      %sub3A_1782 = arith.subi %get3A_1776, %sub3A_1781 : vector<16xi32>
      %select_n3A_1783 = arith.select %ge3A_1779, %sub3A_1782, %get3A_1776 : vector<16xi1>, vector<16xi32>
      %convert_element_type3A_1784 = arith.extui %ge3A_1779 : vector<16xi1> to vector<16xi32>
      %broadcast_in_dim3A_1785 = arith.constant true
      %broadcast_in_dim3A_1786 = vector.broadcast %broadcast_in_dim3A_1785 : i1 to vector<16xi1>
      %masked_cumsum3A_1787 = tpu.scan <sum>, %convert_element_type3A_1784 masked %broadcast_in_dim3A_1786 : vector<16xi32>, vector<16xi1> -> vector<16xi32>
      %add3A_1788 = arith.addi %add3A_1772, %masked_cumsum3A_1787 : vector<16xi32>
      %sub3A_1789 = arith.constant 1 : i32
      %sub3A_1790 = vector.broadcast %sub3A_1789 : i32 to vector<16xi32>
      %sub3A_1791 = arith.subi %add3A_1788, %sub3A_1790 : vector<16xi32>
      tpu.vector_store_idx %arg7[%sub3A_1791], %select_n3A_1783 masked %ge3A_1779 : memref<224xi32, #tpu.memory_space<vmem>>[vector<16xi32>], vector<16xi32>, vector<16xi1>
      %all_reduce_population_count3A_1792 = tpu.all_reduce %ge3A_1779 {dim = 0 : i64, kind = #tpu.reduction_kind<sum>} : vector<16xi1> -> vector<16xi32>
      %add3A_1793 = arith.addi %add3A_1772, %all_reduce_population_count3A_1792 : vector<16xi32>
      %add3A_1794 = arith.constant 112 : i32
      %add3A_1795 = arith.addi %mul3A_1342, %add3A_1794 : i32
      %get3A_1796 = arith.index_cast %add3A_1795 : i32 to index
      %get3A_1797 = tpu.vector_load %arg6[%get3A_1796] {strides = array<i32>} : memref<25616xi32, #tpu.memory_space<vmem>>, vector<16xi32>,
      %ge3A_1798 = arith.constant 512000 : i32
      %ge3A_1799 = vector.broadcast %ge3A_1798 : i32 to vector<16xi32>
      %ge3A_1800 = arith.cmpi sge, %get3A_1797, %ge3A_1799 : vector<16xi32>
      %sub3A_1801 = arith.constant 512000 : i32
      %sub3A_1802 = vector.broadcast %sub3A_1801 : i32 to vector<16xi32>
      %sub3A_1803 = arith.subi %get3A_1797, %sub3A_1802 : vector<16xi32>
      %select_n3A_1804 = arith.select %ge3A_1800, %sub3A_1803, %get3A_1797 : vector<16xi1>, vector<16xi32>
      %convert_element_type3A_1805 = arith.extui %ge3A_1800 : vector<16xi1> to vector<16xi32>
      %broadcast_in_dim3A_1806 = arith.constant true
      %broadcast_in_dim3A_1807 = vector.broadcast %broadcast_in_dim3A_1806 : i1 to vector<16xi1>
      %masked_cumsum3A_1808 = tpu.scan <sum>, %convert_element_type3A_1805 masked %broadcast_in_dim3A_1807 : vector<16xi32>, vector<16xi1> -> vector<16xi32>
      %add3A_1809 = arith.addi %add3A_1793, %masked_cumsum3A_1808 : vector<16xi32>
      %sub3A_1810 = arith.constant 1 : i32
      %sub3A_1811 = vector.broadcast %sub3A_1810 : i32 to vector<16xi32>
      %sub3A_1812 = arith.subi %add3A_1809, %sub3A_1811 : vector<16xi32>
      tpu.vector_store_idx %arg7[%sub3A_1812], %select_n3A_1804 masked %ge3A_1800 : memref<224xi32, #tpu.memory_space<vmem>>[vector<16xi32>], vector<16xi32>, vector<16xi1>
      %all_reduce_population_count3A_1813 = tpu.all_reduce %ge3A_1800 {dim = 0 : i64, kind = #tpu.reduction_kind<sum>} : vector<16xi1> -> vector<16xi32>
      %add3A_1814 = arith.addi %add3A_1793, %all_reduce_population_count3A_1813 : vector<16xi32>
      %add3A_1815 = arith.constant 128 : i32
      %add3A_1816 = arith.addi %mul3A_1342, %add3A_1815 : i32
      %get3A_1817 = arith.index_cast %add3A_1816 : i32 to index
      %get3A_1818 = tpu.vector_load %arg6[%get3A_1817] {strides = array<i32>} : memref<25616xi32, #tpu.memory_space<vmem>>, vector<16xi32>,
      %ge3A_1819 = arith.constant 512000 : i32
      %ge3A_1820 = vector.broadcast %ge3A_1819 : i32 to vector<16xi32>
      %ge3A_1821 = arith.cmpi sge, %get3A_1818, %ge3A_1820 : vector<16xi32>
      %sub3A_1822 = arith.constant 512000 : i32
      %sub3A_1823 = vector.broadcast %sub3A_1822 : i32 to vector<16xi32>
      %sub3A_1824 = arith.subi %get3A_1818, %sub3A_1823 : vector<16xi32>
      %select_n3A_1825 = arith.select %ge3A_1821, %sub3A_1824, %get3A_1818 : vector<16xi1>, vector<16xi32>
      %convert_element_type3A_1826 = arith.extui %ge3A_1821 : vector<16xi1> to vector<16xi32>
      %broadcast_in_dim3A_1827 = arith.constant true
      %broadcast_in_dim3A_1828 = vector.broadcast %broadcast_in_dim3A_1827 : i1 to vector<16xi1>
      %masked_cumsum3A_1829 = tpu.scan <sum>, %convert_element_type3A_1826 masked %broadcast_in_dim3A_1828 : vector<16xi32>, vector<16xi1> -> vector<16xi32>
      %add3A_1830 = arith.addi %add3A_1814, %masked_cumsum3A_1829 : vector<16xi32>
      %sub3A_1831 = arith.constant 1 : i32
      %sub3A_1832 = vector.broadcast %sub3A_1831 : i32 to vector<16xi32>
      %sub3A_1833 = arith.subi %add3A_1830, %sub3A_1832 : vector<16xi32>
      tpu.vector_store_idx %arg7[%sub3A_1833], %select_n3A_1825 masked %ge3A_1821 : memref<224xi32, #tpu.memory_space<vmem>>[vector<16xi32>], vector<16xi32>, vector<16xi1>
      %all_reduce_population_count3A_1834 = tpu.all_reduce %ge3A_1821 {dim = 0 : i64, kind = #tpu.reduction_kind<sum>} : vector<16xi1> -> vector<16xi32>
      %add3A_1835 = arith.addi %add3A_1814, %all_reduce_population_count3A_1834 : vector<16xi32>
      %add3A_1836 = arith.constant 144 : i32
      %add3A_1837 = arith.addi %mul3A_1342, %add3A_1836 : i32
      %get3A_1838 = arith.index_cast %add3A_1837 : i32 to index
      %get3A_1839 = tpu.vector_load %arg6[%get3A_1838] {strides = array<i32>} : memref<25616xi32, #tpu.memory_space<vmem>>, vector<16xi32>,
      %ge3A_1840 = arith.constant 512000 : i32
      %ge3A_1841 = vector.broadcast %ge3A_1840 : i32 to vector<16xi32>
      %ge3A_1842 = arith.cmpi sge, %get3A_1839, %ge3A_1841 : vector<16xi32>
      %sub3A_1843 = arith.constant 512000 : i32
      %sub3A_1844 = vector.broadcast %sub3A_1843 : i32 to vector<16xi32>
      %sub3A_1845 = arith.subi %get3A_1839, %sub3A_1844 : vector<16xi32>
      %select_n3A_1846 = arith.select %ge3A_1842, %sub3A_1845, %get3A_1839 : vector<16xi1>, vector<16xi32>
      %convert_element_type3A_1847 = arith.extui %ge3A_1842 : vector<16xi1> to vector<16xi32>
      %broadcast_in_dim3A_1848 = arith.constant true
      %broadcast_in_dim3A_1849 = vector.broadcast %broadcast_in_dim3A_1848 : i1 to vector<16xi1>
      %masked_cumsum3A_1850 = tpu.scan <sum>, %convert_element_type3A_1847 masked %broadcast_in_dim3A_1849 : vector<16xi32>, vector<16xi1> -> vector<16xi32>
      %add3A_1851 = arith.addi %add3A_1835, %masked_cumsum3A_1850 : vector<16xi32>
      %sub3A_1852 = arith.constant 1 : i32
      %sub3A_1853 = vector.broadcast %sub3A_1852 : i32 to vector<16xi32>
      %sub3A_1854 = arith.subi %add3A_1851, %sub3A_1853 : vector<16xi32>
      tpu.vector_store_idx %arg7[%sub3A_1854], %select_n3A_1846 masked %ge3A_1842 : memref<224xi32, #tpu.memory_space<vmem>>[vector<16xi32>], vector<16xi32>, vector<16xi1>
      %all_reduce_population_count3A_1855 = tpu.all_reduce %ge3A_1842 {dim = 0 : i64, kind = #tpu.reduction_kind<sum>} : vector<16xi1> -> vector<16xi32>
      %add3A_1856 = arith.addi %add3A_1835, %all_reduce_population_count3A_1855 : vector<16xi32>
      %add3A_1857 = arith.constant 160 : i32
      %add3A_1858 = arith.addi %mul3A_1342, %add3A_1857 : i32
      %get3A_1859 = arith.index_cast %add3A_1858 : i32 to index
      %get3A_1860 = tpu.vector_load %arg6[%get3A_1859] {strides = array<i32>} : memref<25616xi32, #tpu.memory_space<vmem>>, vector<16xi32>,
      %ge3A_1861 = arith.constant 512000 : i32
      %ge3A_1862 = vector.broadcast %ge3A_1861 : i32 to vector<16xi32>
      %ge3A_1863 = arith.cmpi sge, %get3A_1860, %ge3A_1862 : vector<16xi32>
      %sub3A_1864 = arith.constant 512000 : i32
      %sub3A_1865 = vector.broadcast %sub3A_1864 : i32 to vector<16xi32>
      %sub3A_1866 = arith.subi %get3A_1860, %sub3A_1865 : vector<16xi32>
      %select_n3A_1867 = arith.select %ge3A_1863, %sub3A_1866, %get3A_1860 : vector<16xi1>, vector<16xi32>
      %convert_element_type3A_1868 = arith.extui %ge3A_1863 : vector<16xi1> to vector<16xi32>
      %broadcast_in_dim3A_1869 = arith.constant true
      %broadcast_in_dim3A_1870 = vector.broadcast %broadcast_in_dim3A_1869 : i1 to vector<16xi1>
      %masked_cumsum3A_1871 = tpu.scan <sum>, %convert_element_type3A_1868 masked %broadcast_in_dim3A_1870 : vector<16xi32>, vector<16xi1> -> vector<16xi32>
      %add3A_1872 = arith.addi %add3A_1856, %masked_cumsum3A_1871 : vector<16xi32>
      %sub3A_1873 = arith.constant 1 : i32
      %sub3A_1874 = vector.broadcast %sub3A_1873 : i32 to vector<16xi32>
      %sub3A_1875 = arith.subi %add3A_1872, %sub3A_1874 : vector<16xi32>
      tpu.vector_store_idx %arg7[%sub3A_1875], %select_n3A_1867 masked %ge3A_1863 : memref<224xi32, #tpu.memory_space<vmem>>[vector<16xi32>], vector<16xi32>, vector<16xi1>
      %all_reduce_population_count3A_1876 = tpu.all_reduce %ge3A_1863 {dim = 0 : i64, kind = #tpu.reduction_kind<sum>} : vector<16xi1> -> vector<16xi32>
      %add3A_1877 = arith.addi %add3A_1856, %all_reduce_population_count3A_1876 : vector<16xi32>
      %add3A_1878 = arith.constant 176 : i32
      %add3A_1879 = arith.addi %mul3A_1342, %add3A_1878 : i32
      %get3A_1880 = arith.index_cast %add3A_1879 : i32 to index
      %get3A_1881 = tpu.vector_load %arg6[%get3A_1880] {strides = array<i32>} : memref<25616xi32, #tpu.memory_space<vmem>>, vector<16xi32>,
      %ge3A_1882 = arith.constant 512000 : i32
      %ge3A_1883 = vector.broadcast %ge3A_1882 : i32 to vector<16xi32>
      %ge3A_1884 = arith.cmpi sge, %get3A_1881, %ge3A_1883 : vector<16xi32>
      %sub3A_1885 = arith.constant 512000 : i32
      %sub3A_1886 = vector.broadcast %sub3A_1885 : i32 to vector<16xi32>
      %sub3A_1887 = arith.subi %get3A_1881, %sub3A_1886 : vector<16xi32>
      %select_n3A_1888 = arith.select %ge3A_1884, %sub3A_1887, %get3A_1881 : vector<16xi1>, vector<16xi32>
      %convert_element_type3A_1889 = arith.extui %ge3A_1884 : vector<16xi1> to vector<16xi32>
      %broadcast_in_dim3A_1890 = arith.constant true
      %broadcast_in_dim3A_1891 = vector.broadcast %broadcast_in_dim3A_1890 : i1 to vector<16xi1>
      %masked_cumsum3A_1892 = tpu.scan <sum>, %convert_element_type3A_1889 masked %broadcast_in_dim3A_1891 : vector<16xi32>, vector<16xi1> -> vector<16xi32>
      %add3A_1893 = arith.addi %add3A_1877, %masked_cumsum3A_1892 : vector<16xi32>
      %sub3A_1894 = arith.constant 1 : i32
      %sub3A_1895 = vector.broadcast %sub3A_1894 : i32 to vector<16xi32>
      %sub3A_1896 = arith.subi %add3A_1893, %sub3A_1895 : vector<16xi32>
      tpu.vector_store_idx %arg7[%sub3A_1896], %select_n3A_1888 masked %ge3A_1884 : memref<224xi32, #tpu.memory_space<vmem>>[vector<16xi32>], vector<16xi32>, vector<16xi1>
      %all_reduce_population_count3A_1897 = tpu.all_reduce %ge3A_1884 {dim = 0 : i64, kind = #tpu.reduction_kind<sum>} : vector<16xi1> -> vector<16xi32>
      %add3A_1898 = arith.addi %add3A_1877, %all_reduce_population_count3A_1897 : vector<16xi32>
      %add3A_1899 = arith.constant 192 : i32
      %add3A_1900 = arith.addi %mul3A_1342, %add3A_1899 : i32
      %get3A_1901 = arith.index_cast %add3A_1900 : i32 to index
      %get3A_1902 = tpu.vector_load %arg6[%get3A_1901] {strides = array<i32>} : memref<25616xi32, #tpu.memory_space<vmem>>, vector<16xi32>,
      %ge3A_1903 = arith.constant 512000 : i32
      %ge3A_1904 = vector.broadcast %ge3A_1903 : i32 to vector<16xi32>
      %ge3A_1905 = arith.cmpi sge, %get3A_1902, %ge3A_1904 : vector<16xi32>
      %sub3A_1906 = arith.constant 512000 : i32
      %sub3A_1907 = vector.broadcast %sub3A_1906 : i32 to vector<16xi32>
      %sub3A_1908 = arith.subi %get3A_1902, %sub3A_1907 : vector<16xi32>
      %select_n3A_1909 = arith.select %ge3A_1905, %sub3A_1908, %get3A_1902 : vector<16xi1>, vector<16xi32>
      %and3A_1910 = arith.andi %ge3A_1905, %lt3A_4 : vector<16xi1>
      %convert_element_type3A_1911 = arith.extui %and3A_1910 : vector<16xi1> to vector<16xi32>
      %broadcast_in_dim3A_1912 = arith.constant true
      %broadcast_in_dim3A_1913 = vector.broadcast %broadcast_in_dim3A_1912 : i1 to vector<16xi1>
      %masked_cumsum3A_1914 = tpu.scan <sum>, %convert_element_type3A_1911 masked %broadcast_in_dim3A_1913 : vector<16xi32>, vector<16xi1> -> vector<16xi32>
      %add3A_1915 = arith.addi %add3A_1898, %masked_cumsum3A_1914 : vector<16xi32>
      %sub3A_1916 = arith.constant 1 : i32
      %sub3A_1917 = vector.broadcast %sub3A_1916 : i32 to vector<16xi32>
      %sub3A_1918 = arith.subi %add3A_1915, %sub3A_1917 : vector<16xi32>
      tpu.vector_store_idx %arg7[%sub3A_1918], %select_n3A_1909 masked %and3A_1910 : memref<224xi32, #tpu.memory_space<vmem>>[vector<16xi32>], vector<16xi32>, vector<16xi1>
      %all_reduce_population_count3A_1919 = tpu.all_reduce %and3A_1910 {dim = 0 : i64, kind = #tpu.reduction_kind<sum>} : vector<16xi1> -> vector<16xi32>
      %add3A_1920 = arith.addi %add3A_1898, %all_reduce_population_count3A_1919 : vector<16xi32>
      %dma_start3A_1921 = arith.constant 0 : i32
      %dma_start3A_1922 = arith.constant 0 : i32
      %dma_start3A_1923 = arith.constant 0 : i32
      %dma_start3A_1924 = tpu.memref_slice %arg9[%dma_start3A_1921, %dma_start3A_1922, %dma_start3A_1923] : memref<2x200x128xf32, #tpu.memory_space<vmem>> -> memref<1x200x128xf32, #tpu.memory_space<vmem>>
      %dma_start3A_1925 = tpu.memref_squeeze %dma_start3A_1924 : memref<1x200x128xf32, #tpu.memory_space<vmem>> -> memref<200x128xf32, #tpu.memory_space<vmem>>
      %dma_start3A_1926 = arith.constant 0 : i32
      %dma_start3A_1927 = arith.constant 0 : i32
      %dma_start3A_1928 = tpu.memref_slice %dma_start3A_1925[%dma_start3A_1926, %dma_start3A_1927] : memref<200x128xf32, #tpu.memory_space<vmem>> -> memref<120x128xf32, #tpu.memory_space<vmem>>
      %dma_start3A_1929 = arith.constant 0 : i32
      %dma_start3A_1930 = tpu.memref_slice %arg7[%dma_start3A_1929] : memref<224xi32, #tpu.memory_space<vmem>> -> memref<120xi32, #tpu.memory_space<vmem>>
      %dma_start3A_1931 = arith.constant 0 : i32
      %dma_start3A_1932 = arith.constant 0 : i32
      %dma_start3A_1933 = tpu.memref_slice %arg3[%dma_start3A_1931, %dma_start3A_1932] : memref<512000x128xf32, #tpu.memory_space<hbm>> -> memref<512000x128xf32, #tpu.memory_space<hbm>>
      tpu.enqueue_indirect_dma source(%dma_start3A_1933 : memref<512000x128xf32, #tpu.memory_space<hbm>>) target(%dma_start3A_1928 : memref<120x128xf32, #tpu.memory_space<vmem>>) offsets(%dma_start3A_1930 : memref<120xi32, #tpu.memory_space<vmem>>) semaphore(%arg12 : memref<!tpu.dma_semaphore, #tpu.memory_space<semaphore_mem>>)
      %dma_start3A_1934 = arith.constant 0 : i32
      %dma_start3A_1935 = arith.constant 0 : i32
      %dma_start3A_1936 = arith.constant 0 : i32
      %dma_start3A_1937 = tpu.memref_slice %arg9[%dma_start3A_1934, %dma_start3A_1935, %dma_start3A_1936] : memref<2x200x128xf32, #tpu.memory_space<vmem>> -> memref<1x200x128xf32, #tpu.memory_space<vmem>>
      %dma_start3A_1938 = tpu.memref_squeeze %dma_start3A_1937 : memref<1x200x128xf32, #tpu.memory_space<vmem>> -> memref<200x128xf32, #tpu.memory_space<vmem>>
      %dma_start3A_1939 = arith.constant 120 : i32
      %dma_start3A_1940 = arith.constant 0 : i32
      %dma_start3A_1941 = tpu.memref_slice %dma_start3A_1938[%dma_start3A_1939, %dma_start3A_1940] : memref<200x128xf32, #tpu.memory_space<vmem>> -> memref<80x128xf32, #tpu.memory_space<vmem>>
      %dma_start3A_1942 = arith.constant 120 : i32
      %dma_start3A_1943 = tpu.memref_slice %arg7[%dma_start3A_1942] : memref<224xi32, #tpu.memory_space<vmem>> -> memref<80xi32, #tpu.memory_space<vmem>>
      %dma_start3A_1944 = arith.constant 0 : i32
      %dma_start3A_1945 = arith.constant 0 : i32
      %dma_start3A_1946 = tpu.memref_slice %arg3[%dma_start3A_1944, %dma_start3A_1945] : memref<512000x128xf32, #tpu.memory_space<hbm>> -> memref<512000x128xf32, #tpu.memory_space<hbm>>
      tpu.enqueue_indirect_dma source(%dma_start3A_1946 : memref<512000x128xf32, #tpu.memory_space<hbm>>) target(%dma_start3A_1941 : memref<80x128xf32, #tpu.memory_space<vmem>>) offsets(%dma_start3A_1943 : memref<80xi32, #tpu.memory_space<vmem>>) semaphore(%arg12 : memref<!tpu.dma_semaphore, #tpu.memory_space<semaphore_mem>>)
      %dma_wait3A_1947 = arith.constant 1 : i32
      %dma_wait3A_1948 = arith.constant 0 : i32
      %dma_wait3A_1949 = arith.constant 0 : i32
      %dma_wait3A_1950 = tpu.memref_slice %arg9[%dma_wait3A_1947, %dma_wait3A_1948, %dma_wait3A_1949] : memref<2x200x128xf32, #tpu.memory_space<vmem>> -> memref<1x200x128xf32, #tpu.memory_space<vmem>>
      %dma_wait3A_1951 = tpu.memref_squeeze %dma_wait3A_1950 : memref<1x200x128xf32, #tpu.memory_space<vmem>> -> memref<200x128xf32, #tpu.memory_space<vmem>>
      %dma_wait3A_1952 = arith.constant 0 : i32
      %dma_wait3A_1953 = arith.constant 0 : i32
      %dma_wait3A_1954 = tpu.memref_slice %dma_wait3A_1951[%dma_wait3A_1952, %dma_wait3A_1953] : memref<200x128xf32, #tpu.memory_space<vmem>> -> memref<120x128xf32, #tpu.memory_space<vmem>>
      %dma_wait3A_1955 = arith.constant 0 : i32
      %dma_wait3A_1956 = tpu.memref_slice %arg8[%dma_wait3A_1955] : memref<224xi32, #tpu.memory_space<vmem>> -> memref<120xi32, #tpu.memory_space<vmem>>
      %dma_wait3A_1957 = arith.constant 0 : i32
      %dma_wait3A_1958 = arith.constant 0 : i32
      %dma_wait3A_1959 = tpu.memref_slice %arg3[%dma_wait3A_1957, %dma_wait3A_1958] : memref<512000x128xf32, #tpu.memory_space<hbm>> -> memref<512000x128xf32, #tpu.memory_space<hbm>>
      tpu.wait_indirect_dma semaphore(%arg13 : memref<!tpu.dma_semaphore, #tpu.memory_space<semaphore_mem>>) src(%dma_wait3A_1959 : memref<512000x128xf32, #tpu.memory_space<hbm>>) dst(%dma_wait3A_1954 : memref<120x128xf32, #tpu.memory_space<vmem>>)
      %dma_wait3A_1960 = arith.constant 1 : i32
      %dma_wait3A_1961 = arith.constant 0 : i32
      %dma_wait3A_1962 = arith.constant 0 : i32
      %dma_wait3A_1963 = tpu.memref_slice %arg9[%dma_wait3A_1960, %dma_wait3A_1961, %dma_wait3A_1962] : memref<2x200x128xf32, #tpu.memory_space<vmem>> -> memref<1x200x128xf32, #tpu.memory_space<vmem>>
      %dma_wait3A_1964 = tpu.memref_squeeze %dma_wait3A_1963 : memref<1x200x128xf32, #tpu.memory_space<vmem>> -> memref<200x128xf32, #tpu.memory_space<vmem>>
      %dma_wait3A_1965 = arith.constant 120 : i32
      %dma_wait3A_1966 = arith.constant 0 : i32
      %dma_wait3A_1967 = tpu.memref_slice %dma_wait3A_1964[%dma_wait3A_1965, %dma_wait3A_1966] : memref<200x128xf32, #tpu.memory_space<vmem>> -> memref<80x128xf32, #tpu.memory_space<vmem>>
      %dma_wait3A_1968 = arith.constant 120 : i32
      %dma_wait3A_1969 = tpu.memref_slice %arg8[%dma_wait3A_1968] : memref<224xi32, #tpu.memory_space<vmem>> -> memref<80xi32, #tpu.memory_space<vmem>>
      %dma_wait3A_1970 = arith.constant 0 : i32
      %dma_wait3A_1971 = arith.constant 0 : i32
      %dma_wait3A_1972 = tpu.memref_slice %arg3[%dma_wait3A_1970, %dma_wait3A_1971] : memref<512000x128xf32, #tpu.memory_space<hbm>> -> memref<512000x128xf32, #tpu.memory_space<hbm>>
      tpu.wait_indirect_dma semaphore(%arg13 : memref<!tpu.dma_semaphore, #tpu.memory_space<semaphore_mem>>) src(%dma_wait3A_1972 : memref<512000x128xf32, #tpu.memory_space<hbm>>) dst(%dma_wait3A_1967 : memref<80x128xf32, #tpu.memory_space<vmem>>)
      %add3A_1973 = arith.constant 1 : i32
      %add3A_1974 = arith.addi %mul3A_1269, %add3A_1973 : i32
      %broadcast_in_dim3A_1975 = arith.constant 0.000000e+00 : f32
      %broadcast_in_dim3A_1976 = vector.broadcast %broadcast_in_dim3A_1975 : f32 to vector<16xf32>
      %scan3A_1977 = arith.constant 0 : i32
      %scan3A_1978 = arith.constant 25 : i32
      %scan3A_1979 = arith.addi %scan3A_1977, %scan3A_1978 : i32
      %scan3A_1980 = arith.constant 1 : i32
      %scan3A_1981:4 = scf.for %scan3A_2628 = %scan3A_1977 to %scan3A_1979 step %scan3A_1980 iter_args(%scan3A_2629 = %broadcast_in_dim3A_1976, %scan3A_2630 = %broadcast_in_dim3A_1976, %scan3A_2631 = %broadcast_in_dim3A_1976, %scan3A_2632 = %broadcast_in_dim3A_1976) -> (vector<16xf32>, vector<16xf32>, vector<16xf32>, vector<16xf32>)  : i32 {
        %mul3A_2633 = arith.constant 8 : i32
        %mul3A_2634 = arith.muli %scan3A_2628, %mul3A_2633 : i32
        %add3A_2635 = arith.constant 0 : i32
        %add3A_2636 = arith.addi %mul3A_2634, %add3A_2635 : i32
        %lt3A_2637 = arith.cmpi slt, %add3A_2636, %scan3A_1267 : i32
        %jit3A = arith.constant 0 : i32
        %jit3A_2638 = arith.constant 64 : i32
        %select_n3A_2639 = arith.select %lt3A_2637, %jit3A, %jit3A_2638 : i32
        %add3A_2640 = arith.constant 0 : i32
        %add3A_2641 = arith.addi %select_n3A_2639, %add3A_2640 : i32
        %get3A_2642 = arith.constant 1 : i32
        %get3A_2643 = arith.index_cast %get3A_2642 : i32 to index
        %get3A_2644 = arith.index_cast %add3A_2636 : i32 to index
        %get3A_2645 = arith.index_cast %add3A_2641 : i32 to index
        %get3A_2646 = tpu.vector_load %arg9[%get3A_2643, %get3A_2644, %get3A_2645] {strides = array<i32>} : memref<2x200x128xf32, #tpu.memory_space<vmem>>, vector<16xf32>,
        %add3A_2647 = arith.addf %scan3A_2629, %get3A_2646 : vector<16xf32>
        %add3A_2648 = arith.constant 16 : i32
        %add3A_2649 = arith.addi %select_n3A_2639, %add3A_2648 : i32
        %get3A_2650 = arith.constant 1 : i32
        %get3A_2651 = arith.index_cast %get3A_2650 : i32 to index
        %get3A_2652 = arith.index_cast %add3A_2636 : i32 to index
        %get3A_2653 = arith.index_cast %add3A_2649 : i32 to index
        %get3A_2654 = tpu.vector_load %arg9[%get3A_2651, %get3A_2652, %get3A_2653] {strides = array<i32>} : memref<2x200x128xf32, #tpu.memory_space<vmem>>, vector<16xf32>,
        %add3A_2655 = arith.addf %scan3A_2630, %get3A_2654 : vector<16xf32>
        %add3A_2656 = arith.constant 32 : i32
        %add3A_2657 = arith.addi %select_n3A_2639, %add3A_2656 : i32
        %get3A_2658 = arith.constant 1 : i32
        %get3A_2659 = arith.index_cast %get3A_2658 : i32 to index
        %get3A_2660 = arith.index_cast %add3A_2636 : i32 to index
        %get3A_2661 = arith.index_cast %add3A_2657 : i32 to index
        %get3A_2662 = tpu.vector_load %arg9[%get3A_2659, %get3A_2660, %get3A_2661] {strides = array<i32>} : memref<2x200x128xf32, #tpu.memory_space<vmem>>, vector<16xf32>,
        %add3A_2663 = arith.addf %scan3A_2631, %get3A_2662 : vector<16xf32>
        %add3A_2664 = arith.constant 48 : i32
        %add3A_2665 = arith.addi %select_n3A_2639, %add3A_2664 : i32
        %get3A_2666 = arith.constant 1 : i32
        %get3A_2667 = arith.index_cast %get3A_2666 : i32 to index
        %get3A_2668 = arith.index_cast %add3A_2636 : i32 to index
        %get3A_2669 = arith.index_cast %add3A_2665 : i32 to index
        %get3A_2670 = tpu.vector_load %arg9[%get3A_2667, %get3A_2668, %get3A_2669] {strides = array<i32>} : memref<2x200x128xf32, #tpu.memory_space<vmem>>, vector<16xf32>,
        %add3A_2671 = arith.addf %scan3A_2632, %get3A_2670 : vector<16xf32>
        %add3A_2672 = arith.constant 1 : i32
        %add3A_2673 = arith.addi %mul3A_2634, %add3A_2672 : i32
        %lt3A_2674 = arith.cmpi slt, %add3A_2673, %scan3A_1267 : i32
        %jit3A_2675 = arith.constant 0 : i32
        %jit3A_2676 = arith.constant 64 : i32
        %select_n3A_2677 = arith.select %lt3A_2674, %jit3A_2675, %jit3A_2676 : i32
        %add3A_2678 = arith.constant 0 : i32
        %add3A_2679 = arith.addi %select_n3A_2677, %add3A_2678 : i32
        %get3A_2680 = arith.constant 1 : i32
        %get3A_2681 = arith.index_cast %get3A_2680 : i32 to index
        %get3A_2682 = arith.index_cast %add3A_2673 : i32 to index
        %get3A_2683 = arith.index_cast %add3A_2679 : i32 to index
        %get3A_2684 = tpu.vector_load %arg9[%get3A_2681, %get3A_2682, %get3A_2683] {strides = array<i32>} : memref<2x200x128xf32, #tpu.memory_space<vmem>>, vector<16xf32>,
        %add3A_2685 = arith.addf %add3A_2647, %get3A_2684 : vector<16xf32>
        %add3A_2686 = arith.constant 16 : i32
        %add3A_2687 = arith.addi %select_n3A_2677, %add3A_2686 : i32
        %get3A_2688 = arith.constant 1 : i32
        %get3A_2689 = arith.index_cast %get3A_2688 : i32 to index
        %get3A_2690 = arith.index_cast %add3A_2673 : i32 to index
        %get3A_2691 = arith.index_cast %add3A_2687 : i32 to index
        %get3A_2692 = tpu.vector_load %arg9[%get3A_2689, %get3A_2690, %get3A_2691] {strides = array<i32>} : memref<2x200x128xf32, #tpu.memory_space<vmem>>, vector<16xf32>,
        %add3A_2693 = arith.addf %add3A_2655, %get3A_2692 : vector<16xf32>
        %add3A_2694 = arith.constant 32 : i32
        %add3A_2695 = arith.addi %select_n3A_2677, %add3A_2694 : i32
        %get3A_2696 = arith.constant 1 : i32
        %get3A_2697 = arith.index_cast %get3A_2696 : i32 to index
        %get3A_2698 = arith.index_cast %add3A_2673 : i32 to index
        %get3A_2699 = arith.index_cast %add3A_2695 : i32 to index
        %get3A_2700 = tpu.vector_load %arg9[%get3A_2697, %get3A_2698, %get3A_2699] {strides = array<i32>} : memref<2x200x128xf32, #tpu.memory_space<vmem>>, vector<16xf32>,
        %add3A_2701 = arith.addf %add3A_2663, %get3A_2700 : vector<16xf32>
        %add3A_2702 = arith.constant 48 : i32
        %add3A_2703 = arith.addi %select_n3A_2677, %add3A_2702 : i32
        %get3A_2704 = arith.constant 1 : i32
        %get3A_2705 = arith.index_cast %get3A_2704 : i32 to index
        %get3A_2706 = arith.index_cast %add3A_2673 : i32 to index
        %get3A_2707 = arith.index_cast %add3A_2703 : i32 to index
        %get3A_2708 = tpu.vector_load %arg9[%get3A_2705, %get3A_2706, %get3A_2707] {strides = array<i32>} : memref<2x200x128xf32, #tpu.memory_space<vmem>>, vector<16xf32>,
        %add3A_2709 = arith.addf %add3A_2671, %get3A_2708 : vector<16xf32>
        %add3A_2710 = arith.constant 2 : i32
        %add3A_2711 = arith.addi %mul3A_2634, %add3A_2710 : i32
        %lt3A_2712 = arith.cmpi slt, %add3A_2711, %scan3A_1267 : i32
        %jit3A_2713 = arith.constant 0 : i32
        %jit3A_2714 = arith.constant 64 : i32
        %select_n3A_2715 = arith.select %lt3A_2712, %jit3A_2713, %jit3A_2714 : i32
        %add3A_2716 = arith.constant 0 : i32
        %add3A_2717 = arith.addi %select_n3A_2715, %add3A_2716 : i32
        %get3A_2718 = arith.constant 1 : i32
        %get3A_2719 = arith.index_cast %get3A_2718 : i32 to index
        %get3A_2720 = arith.index_cast %add3A_2711 : i32 to index
        %get3A_2721 = arith.index_cast %add3A_2717 : i32 to index
        %get3A_2722 = tpu.vector_load %arg9[%get3A_2719, %get3A_2720, %get3A_2721] {strides = array<i32>} : memref<2x200x128xf32, #tpu.memory_space<vmem>>, vector<16xf32>,
        %add3A_2723 = arith.addf %add3A_2685, %get3A_2722 : vector<16xf32>
        %add3A_2724 = arith.constant 16 : i32
        %add3A_2725 = arith.addi %select_n3A_2715, %add3A_2724 : i32
        %get3A_2726 = arith.constant 1 : i32
        %get3A_2727 = arith.index_cast %get3A_2726 : i32 to index
        %get3A_2728 = arith.index_cast %add3A_2711 : i32 to index
        %get3A_2729 = arith.index_cast %add3A_2725 : i32 to index
        %get3A_2730 = tpu.vector_load %arg9[%get3A_2727, %get3A_2728, %get3A_2729] {strides = array<i32>} : memref<2x200x128xf32, #tpu.memory_space<vmem>>, vector<16xf32>,
        %add3A_2731 = arith.addf %add3A_2693, %get3A_2730 : vector<16xf32>
        %add3A_2732 = arith.constant 32 : i32
        %add3A_2733 = arith.addi %select_n3A_2715, %add3A_2732 : i32
        %get3A_2734 = arith.constant 1 : i32
        %get3A_2735 = arith.index_cast %get3A_2734 : i32 to index
        %get3A_2736 = arith.index_cast %add3A_2711 : i32 to index
        %get3A_2737 = arith.index_cast %add3A_2733 : i32 to index
        %get3A_2738 = tpu.vector_load %arg9[%get3A_2735, %get3A_2736, %get3A_2737] {strides = array<i32>} : memref<2x200x128xf32, #tpu.memory_space<vmem>>, vector<16xf32>,
        %add3A_2739 = arith.addf %add3A_2701, %get3A_2738 : vector<16xf32>
        %add3A_2740 = arith.constant 48 : i32
        %add3A_2741 = arith.addi %select_n3A_2715, %add3A_2740 : i32
        %get3A_2742 = arith.constant 1 : i32
        %get3A_2743 = arith.index_cast %get3A_2742 : i32 to index
        %get3A_2744 = arith.index_cast %add3A_2711 : i32 to index
        %get3A_2745 = arith.index_cast %add3A_2741 : i32 to index
        %get3A_2746 = tpu.vector_load %arg9[%get3A_2743, %get3A_2744, %get3A_2745] {strides = array<i32>} : memref<2x200x128xf32, #tpu.memory_space<vmem>>, vector<16xf32>,
        %add3A_2747 = arith.addf %add3A_2709, %get3A_2746 : vector<16xf32>
        %add3A_2748 = arith.constant 3 : i32
        %add3A_2749 = arith.addi %mul3A_2634, %add3A_2748 : i32
        %lt3A_2750 = arith.cmpi slt, %add3A_2749, %scan3A_1267 : i32
        %jit3A_2751 = arith.constant 0 : i32
        %jit3A_2752 = arith.constant 64 : i32
        %select_n3A_2753 = arith.select %lt3A_2750, %jit3A_2751, %jit3A_2752 : i32
        %add3A_2754 = arith.constant 0 : i32
        %add3A_2755 = arith.addi %select_n3A_2753, %add3A_2754 : i32
        %get3A_2756 = arith.constant 1 : i32
        %get3A_2757 = arith.index_cast %get3A_2756 : i32 to index
        %get3A_2758 = arith.index_cast %add3A_2749 : i32 to index
        %get3A_2759 = arith.index_cast %add3A_2755 : i32 to index
        %get3A_2760 = tpu.vector_load %arg9[%get3A_2757, %get3A_2758, %get3A_2759] {strides = array<i32>} : memref<2x200x128xf32, #tpu.memory_space<vmem>>, vector<16xf32>,
        %add3A_2761 = arith.addf %add3A_2723, %get3A_2760 : vector<16xf32>
        %add3A_2762 = arith.constant 16 : i32
        %add3A_2763 = arith.addi %select_n3A_2753, %add3A_2762 : i32
        %get3A_2764 = arith.constant 1 : i32
        %get3A_2765 = arith.index_cast %get3A_2764 : i32 to index
        %get3A_2766 = arith.index_cast %add3A_2749 : i32 to index
        %get3A_2767 = arith.index_cast %add3A_2763 : i32 to index
        %get3A_2768 = tpu.vector_load %arg9[%get3A_2765, %get3A_2766, %get3A_2767] {strides = array<i32>} : memref<2x200x128xf32, #tpu.memory_space<vmem>>, vector<16xf32>,
        %add3A_2769 = arith.addf %add3A_2731, %get3A_2768 : vector<16xf32>
        %add3A_2770 = arith.constant 32 : i32
        %add3A_2771 = arith.addi %select_n3A_2753, %add3A_2770 : i32
        %get3A_2772 = arith.constant 1 : i32
        %get3A_2773 = arith.index_cast %get3A_2772 : i32 to index
        %get3A_2774 = arith.index_cast %add3A_2749 : i32 to index
        %get3A_2775 = arith.index_cast %add3A_2771 : i32 to index
        %get3A_2776 = tpu.vector_load %arg9[%get3A_2773, %get3A_2774, %get3A_2775] {strides = array<i32>} : memref<2x200x128xf32, #tpu.memory_space<vmem>>, vector<16xf32>,
        %add3A_2777 = arith.addf %add3A_2739, %get3A_2776 : vector<16xf32>
        %add3A_2778 = arith.constant 48 : i32
        %add3A_2779 = arith.addi %select_n3A_2753, %add3A_2778 : i32
        %get3A_2780 = arith.constant 1 : i32
        %get3A_2781 = arith.index_cast %get3A_2780 : i32 to index
        %get3A_2782 = arith.index_cast %add3A_2749 : i32 to index
        %get3A_2783 = arith.index_cast %add3A_2779 : i32 to index
        %get3A_2784 = tpu.vector_load %arg9[%get3A_2781, %get3A_2782, %get3A_2783] {strides = array<i32>} : memref<2x200x128xf32, #tpu.memory_space<vmem>>, vector<16xf32>,
        %add3A_2785 = arith.addf %add3A_2747, %get3A_2784 : vector<16xf32>
        %add3A_2786 = arith.constant 4 : i32
        %add3A_2787 = arith.addi %mul3A_2634, %add3A_2786 : i32
        %lt3A_2788 = arith.cmpi slt, %add3A_2787, %scan3A_1267 : i32
        %jit3A_2789 = arith.constant 0 : i32
        %jit3A_2790 = arith.constant 64 : i32
        %select_n3A_2791 = arith.select %lt3A_2788, %jit3A_2789, %jit3A_2790 : i32
        %add3A_2792 = arith.constant 0 : i32
        %add3A_2793 = arith.addi %select_n3A_2791, %add3A_2792 : i32
        %get3A_2794 = arith.constant 1 : i32
        %get3A_2795 = arith.index_cast %get3A_2794 : i32 to index
        %get3A_2796 = arith.index_cast %add3A_2787 : i32 to index
        %get3A_2797 = arith.index_cast %add3A_2793 : i32 to index
        %get3A_2798 = tpu.vector_load %arg9[%get3A_2795, %get3A_2796, %get3A_2797] {strides = array<i32>} : memref<2x200x128xf32, #tpu.memory_space<vmem>>, vector<16xf32>,
        %add3A_2799 = arith.addf %add3A_2761, %get3A_2798 : vector<16xf32>
        %add3A_2800 = arith.constant 16 : i32
        %add3A_2801 = arith.addi %select_n3A_2791, %add3A_2800 : i32
        %get3A_2802 = arith.constant 1 : i32
        %get3A_2803 = arith.index_cast %get3A_2802 : i32 to index
        %get3A_2804 = arith.index_cast %add3A_2787 : i32 to index
        %get3A_2805 = arith.index_cast %add3A_2801 : i32 to index
        %get3A_2806 = tpu.vector_load %arg9[%get3A_2803, %get3A_2804, %get3A_2805] {strides = array<i32>} : memref<2x200x128xf32, #tpu.memory_space<vmem>>, vector<16xf32>,
        %add3A_2807 = arith.addf %add3A_2769, %get3A_2806 : vector<16xf32>
        %add3A_2808 = arith.constant 32 : i32
        %add3A_2809 = arith.addi %select_n3A_2791, %add3A_2808 : i32
        %get3A_2810 = arith.constant 1 : i32
        %get3A_2811 = arith.index_cast %get3A_2810 : i32 to index
        %get3A_2812 = arith.index_cast %add3A_2787 : i32 to index
        %get3A_2813 = arith.index_cast %add3A_2809 : i32 to index
        %get3A_2814 = tpu.vector_load %arg9[%get3A_2811, %get3A_2812, %get3A_2813] {strides = array<i32>} : memref<2x200x128xf32, #tpu.memory_space<vmem>>, vector<16xf32>,
        %add3A_2815 = arith.addf %add3A_2777, %get3A_2814 : vector<16xf32>
        %add3A_2816 = arith.constant 48 : i32
        %add3A_2817 = arith.addi %select_n3A_2791, %add3A_2816 : i32
        %get3A_2818 = arith.constant 1 : i32
        %get3A_2819 = arith.index_cast %get3A_2818 : i32 to index
        %get3A_2820 = arith.index_cast %add3A_2787 : i32 to index
        %get3A_2821 = arith.index_cast %add3A_2817 : i32 to index
        %get3A_2822 = tpu.vector_load %arg9[%get3A_2819, %get3A_2820, %get3A_2821] {strides = array<i32>} : memref<2x200x128xf32, #tpu.memory_space<vmem>>, vector<16xf32>,
        %add3A_2823 = arith.addf %add3A_2785, %get3A_2822 : vector<16xf32>
        %add3A_2824 = arith.constant 5 : i32
        %add3A_2825 = arith.addi %mul3A_2634, %add3A_2824 : i32
        %lt3A_2826 = arith.cmpi slt, %add3A_2825, %scan3A_1267 : i32
        %jit3A_2827 = arith.constant 0 : i32
        %jit3A_2828 = arith.constant 64 : i32
        %select_n3A_2829 = arith.select %lt3A_2826, %jit3A_2827, %jit3A_2828 : i32
        %add3A_2830 = arith.constant 0 : i32
        %add3A_2831 = arith.addi %select_n3A_2829, %add3A_2830 : i32
        %get3A_2832 = arith.constant 1 : i32
        %get3A_2833 = arith.index_cast %get3A_2832 : i32 to index
        %get3A_2834 = arith.index_cast %add3A_2825 : i32 to index
        %get3A_2835 = arith.index_cast %add3A_2831 : i32 to index
        %get3A_2836 = tpu.vector_load %arg9[%get3A_2833, %get3A_2834, %get3A_2835] {strides = array<i32>} : memref<2x200x128xf32, #tpu.memory_space<vmem>>, vector<16xf32>,
        %add3A_2837 = arith.addf %add3A_2799, %get3A_2836 : vector<16xf32>
        %add3A_2838 = arith.constant 16 : i32
        %add3A_2839 = arith.addi %select_n3A_2829, %add3A_2838 : i32
        %get3A_2840 = arith.constant 1 : i32
        %get3A_2841 = arith.index_cast %get3A_2840 : i32 to index
        %get3A_2842 = arith.index_cast %add3A_2825 : i32 to index
        %get3A_2843 = arith.index_cast %add3A_2839 : i32 to index
        %get3A_2844 = tpu.vector_load %arg9[%get3A_2841, %get3A_2842, %get3A_2843] {strides = array<i32>} : memref<2x200x128xf32, #tpu.memory_space<vmem>>, vector<16xf32>,
        %add3A_2845 = arith.addf %add3A_2807, %get3A_2844 : vector<16xf32>
        %add3A_2846 = arith.constant 32 : i32
        %add3A_2847 = arith.addi %select_n3A_2829, %add3A_2846 : i32
        %get3A_2848 = arith.constant 1 : i32
        %get3A_2849 = arith.index_cast %get3A_2848 : i32 to index
        %get3A_2850 = arith.index_cast %add3A_2825 : i32 to index
        %get3A_2851 = arith.index_cast %add3A_2847 : i32 to index
        %get3A_2852 = tpu.vector_load %arg9[%get3A_2849, %get3A_2850, %get3A_2851] {strides = array<i32>} : memref<2x200x128xf32, #tpu.memory_space<vmem>>, vector<16xf32>,
        %add3A_2853 = arith.addf %add3A_2815, %get3A_2852 : vector<16xf32>
        %add3A_2854 = arith.constant 48 : i32
        %add3A_2855 = arith.addi %select_n3A_2829, %add3A_2854 : i32
        %get3A_2856 = arith.constant 1 : i32
        %get3A_2857 = arith.index_cast %get3A_2856 : i32 to index
        %get3A_2858 = arith.index_cast %add3A_2825 : i32 to index
        %get3A_2859 = arith.index_cast %add3A_2855 : i32 to index
        %get3A_2860 = tpu.vector_load %arg9[%get3A_2857, %get3A_2858, %get3A_2859] {strides = array<i32>} : memref<2x200x128xf32, #tpu.memory_space<vmem>>, vector<16xf32>,
        %add3A_2861 = arith.addf %add3A_2823, %get3A_2860 : vector<16xf32>
        %add3A_2862 = arith.constant 6 : i32
        %add3A_2863 = arith.addi %mul3A_2634, %add3A_2862 : i32
        %lt3A_2864 = arith.cmpi slt, %add3A_2863, %scan3A_1267 : i32
        %jit3A_2865 = arith.constant 0 : i32
        %jit3A_2866 = arith.constant 64 : i32
        %select_n3A_2867 = arith.select %lt3A_2864, %jit3A_2865, %jit3A_2866 : i32
        %add3A_2868 = arith.constant 0 : i32
        %add3A_2869 = arith.addi %select_n3A_2867, %add3A_2868 : i32
        %get3A_2870 = arith.constant 1 : i32
        %get3A_2871 = arith.index_cast %get3A_2870 : i32 to index
        %get3A_2872 = arith.index_cast %add3A_2863 : i32 to index
        %get3A_2873 = arith.index_cast %add3A_2869 : i32 to index
        %get3A_2874 = tpu.vector_load %arg9[%get3A_2871, %get3A_2872, %get3A_2873] {strides = array<i32>} : memref<2x200x128xf32, #tpu.memory_space<vmem>>, vector<16xf32>,
        %add3A_2875 = arith.addf %add3A_2837, %get3A_2874 : vector<16xf32>
        %add3A_2876 = arith.constant 16 : i32
        %add3A_2877 = arith.addi %select_n3A_2867, %add3A_2876 : i32
        %get3A_2878 = arith.constant 1 : i32
        %get3A_2879 = arith.index_cast %get3A_2878 : i32 to index
        %get3A_2880 = arith.index_cast %add3A_2863 : i32 to index
        %get3A_2881 = arith.index_cast %add3A_2877 : i32 to index
        %get3A_2882 = tpu.vector_load %arg9[%get3A_2879, %get3A_2880, %get3A_2881] {strides = array<i32>} : memref<2x200x128xf32, #tpu.memory_space<vmem>>, vector<16xf32>,
        %add3A_2883 = arith.addf %add3A_2845, %get3A_2882 : vector<16xf32>
        %add3A_2884 = arith.constant 32 : i32
        %add3A_2885 = arith.addi %select_n3A_2867, %add3A_2884 : i32
        %get3A_2886 = arith.constant 1 : i32
        %get3A_2887 = arith.index_cast %get3A_2886 : i32 to index
        %get3A_2888 = arith.index_cast %add3A_2863 : i32 to index
        %get3A_2889 = arith.index_cast %add3A_2885 : i32 to index
        %get3A_2890 = tpu.vector_load %arg9[%get3A_2887, %get3A_2888, %get3A_2889] {strides = array<i32>} : memref<2x200x128xf32, #tpu.memory_space<vmem>>, vector<16xf32>,
        %add3A_2891 = arith.addf %add3A_2853, %get3A_2890 : vector<16xf32>
        %add3A_2892 = arith.constant 48 : i32
        %add3A_2893 = arith.addi %select_n3A_2867, %add3A_2892 : i32
        %get3A_2894 = arith.constant 1 : i32
        %get3A_2895 = arith.index_cast %get3A_2894 : i32 to index
        %get3A_2896 = arith.index_cast %add3A_2863 : i32 to index
        %get3A_2897 = arith.index_cast %add3A_2893 : i32 to index
        %get3A_2898 = tpu.vector_load %arg9[%get3A_2895, %get3A_2896, %get3A_2897] {strides = array<i32>} : memref<2x200x128xf32, #tpu.memory_space<vmem>>, vector<16xf32>,
        %add3A_2899 = arith.addf %add3A_2861, %get3A_2898 : vector<16xf32>
        %add3A_2900 = arith.constant 7 : i32
        %add3A_2901 = arith.addi %mul3A_2634, %add3A_2900 : i32
        %lt3A_2902 = arith.cmpi slt, %add3A_2901, %scan3A_1267 : i32
        %jit3A_2903 = arith.constant 0 : i32
        %jit3A_2904 = arith.constant 64 : i32
        %select_n3A_2905 = arith.select %lt3A_2902, %jit3A_2903, %jit3A_2904 : i32
        %add3A_2906 = arith.constant 0 : i32
        %add3A_2907 = arith.addi %select_n3A_2905, %add3A_2906 : i32
        %get3A_2908 = arith.constant 1 : i32
        %get3A_2909 = arith.index_cast %get3A_2908 : i32 to index
        %get3A_2910 = arith.index_cast %add3A_2901 : i32 to index
        %get3A_2911 = arith.index_cast %add3A_2907 : i32 to index
        %get3A_2912 = tpu.vector_load %arg9[%get3A_2909, %get3A_2910, %get3A_2911] {strides = array<i32>} : memref<2x200x128xf32, #tpu.memory_space<vmem>>, vector<16xf32>,
        %add3A_2913 = arith.addf %add3A_2875, %get3A_2912 : vector<16xf32>
        %add3A_2914 = arith.constant 16 : i32
        %add3A_2915 = arith.addi %select_n3A_2905, %add3A_2914 : i32
        %get3A_2916 = arith.constant 1 : i32
        %get3A_2917 = arith.index_cast %get3A_2916 : i32 to index
        %get3A_2918 = arith.index_cast %add3A_2901 : i32 to index
        %get3A_2919 = arith.index_cast %add3A_2915 : i32 to index
        %get3A_2920 = tpu.vector_load %arg9[%get3A_2917, %get3A_2918, %get3A_2919] {strides = array<i32>} : memref<2x200x128xf32, #tpu.memory_space<vmem>>, vector<16xf32>,
        %add3A_2921 = arith.addf %add3A_2883, %get3A_2920 : vector<16xf32>
        %add3A_2922 = arith.constant 32 : i32
        %add3A_2923 = arith.addi %select_n3A_2905, %add3A_2922 : i32
        %get3A_2924 = arith.constant 1 : i32
        %get3A_2925 = arith.index_cast %get3A_2924 : i32 to index
        %get3A_2926 = arith.index_cast %add3A_2901 : i32 to index
        %get3A_2927 = arith.index_cast %add3A_2923 : i32 to index
        %get3A_2928 = tpu.vector_load %arg9[%get3A_2925, %get3A_2926, %get3A_2927] {strides = array<i32>} : memref<2x200x128xf32, #tpu.memory_space<vmem>>, vector<16xf32>,
        %add3A_2929 = arith.addf %add3A_2891, %get3A_2928 : vector<16xf32>
        %add3A_2930 = arith.constant 48 : i32
        %add3A_2931 = arith.addi %select_n3A_2905, %add3A_2930 : i32
        %get3A_2932 = arith.constant 1 : i32
        %get3A_2933 = arith.index_cast %get3A_2932 : i32 to index
        %get3A_2934 = arith.index_cast %add3A_2901 : i32 to index
        %get3A_2935 = arith.index_cast %add3A_2931 : i32 to index
        %get3A_2936 = tpu.vector_load %arg9[%get3A_2933, %get3A_2934, %get3A_2935] {strides = array<i32>} : memref<2x200x128xf32, #tpu.memory_space<vmem>>, vector<16xf32>,
        %add3A_2937 = arith.addf %add3A_2899, %get3A_2936 : vector<16xf32>
        scf.yield %add3A_2913, %add3A_2921, %add3A_2929, %add3A_2937 : vector<16xf32>, vector<16xf32>, vector<16xf32>, vector<16xf32>
      }
      %scan3A_1982 = arith.constant 25 : i32
      %mul3A_1983 = arith.constant 5.000000e-03 : f32
      %mul3A_1984 = vector.broadcast %mul3A_1983 : f32 to vector<16xf32>
      %mul3A_1985 = arith.mulf %scan3A_1981#0, %mul3A_1984 : vector<16xf32>
      %get3A_1986 = arith.constant 0 : index
      %get3A_1987 = tpu.vector_load %arg11[%get3A_1986] {strides = array<i32>} : memref<64xf32, #tpu.memory_space<vmem>>, vector<16xf32>,
      %add3A_1988 = arith.addf %mul3A_1985, %get3A_1987 : vector<16xf32>
      %swap3A_1989 = arith.index_cast %add3A_1974 : i32 to index
      %swap3A_1990 = arith.constant 0 : index
      %swap3A_1991 = tpu.vector_load %arg10[%swap3A_1989, %swap3A_1990] {strides = array<i32>} : memref<128x64xf32, #tpu.memory_space<vmem>>, vector<16xf32>,
      tpu.vector_store %arg10[%swap3A_1989, %swap3A_1990], %add3A_1988 {strides = array<i32>} : memref<128x64xf32, #tpu.memory_space<vmem>>, vector<16xf32>,
      %mul3A_1992 = arith.constant 5.000000e-03 : f32
      %mul3A_1993 = vector.broadcast %mul3A_1992 : f32 to vector<16xf32>
      %mul3A_1994 = arith.mulf %scan3A_1981#1, %mul3A_1993 : vector<16xf32>
      %get3A_1995 = arith.constant 16 : index
      %get3A_1996 = tpu.vector_load %arg11[%get3A_1995] {strides = array<i32>} : memref<64xf32, #tpu.memory_space<vmem>>, vector<16xf32>,
      %add3A_1997 = arith.addf %mul3A_1994, %get3A_1996 : vector<16xf32>
      %swap3A_1998 = arith.index_cast %add3A_1974 : i32 to index
      %swap3A_1999 = arith.constant 16 : index
      %swap3A_2000 = tpu.vector_load %arg10[%swap3A_1998, %swap3A_1999] {strides = array<i32>} : memref<128x64xf32, #tpu.memory_space<vmem>>, vector<16xf32>,
      tpu.vector_store %arg10[%swap3A_1998, %swap3A_1999], %add3A_1997 {strides = array<i32>} : memref<128x64xf32, #tpu.memory_space<vmem>>, vector<16xf32>,
      %mul3A_2001 = arith.constant 5.000000e-03 : f32
      %mul3A_2002 = vector.broadcast %mul3A_2001 : f32 to vector<16xf32>
      %mul3A_2003 = arith.mulf %scan3A_1981#2, %mul3A_2002 : vector<16xf32>
      %get3A_2004 = arith.constant 32 : index
      %get3A_2005 = tpu.vector_load %arg11[%get3A_2004] {strides = array<i32>} : memref<64xf32, #tpu.memory_space<vmem>>, vector<16xf32>,
      %add3A_2006 = arith.addf %mul3A_2003, %get3A_2005 : vector<16xf32>
      %swap3A_2007 = arith.index_cast %add3A_1974 : i32 to index
      %swap3A_2008 = arith.constant 32 : index
      %swap3A_2009 = tpu.vector_load %arg10[%swap3A_2007, %swap3A_2008] {strides = array<i32>} : memref<128x64xf32, #tpu.memory_space<vmem>>, vector<16xf32>,
      tpu.vector_store %arg10[%swap3A_2007, %swap3A_2008], %add3A_2006 {strides = array<i32>} : memref<128x64xf32, #tpu.memory_space<vmem>>, vector<16xf32>,
      %mul3A_2010 = arith.constant 5.000000e-03 : f32
      %mul3A_2011 = vector.broadcast %mul3A_2010 : f32 to vector<16xf32>
      %mul3A_2012 = arith.mulf %scan3A_1981#3, %mul3A_2011 : vector<16xf32>
      %get3A_2013 = arith.constant 48 : index
      %get3A_2014 = tpu.vector_load %arg11[%get3A_2013] {strides = array<i32>} : memref<64xf32, #tpu.memory_space<vmem>>, vector<16xf32>,
      %add3A_2015 = arith.addf %mul3A_2012, %get3A_2014 : vector<16xf32>
      %swap3A_2016 = arith.index_cast %add3A_1974 : i32 to index
      %swap3A_2017 = arith.constant 48 : index
      %swap3A_2018 = tpu.vector_load %arg10[%swap3A_2016, %swap3A_2017] {strides = array<i32>} : memref<128x64xf32, #tpu.memory_space<vmem>>, vector<16xf32>,
      tpu.vector_store %arg10[%swap3A_2016, %swap3A_2017], %add3A_2015 {strides = array<i32>} : memref<128x64xf32, #tpu.memory_space<vmem>>, vector<16xf32>,
      %add3A_2019 = arith.constant 3 : i32
      %add3A_2020 = arith.addi %mul3A_1269, %add3A_2019 : i32
      %min3A_2021 = arith.minsi %add3A_2020, %scan3A : i32
      %mul3A_2022 = arith.constant 200 : i32
      %mul3A_2023 = arith.muli %min3A_2021, %mul3A_2022 : i32
      %broadcast_in_dim3A_2024 = arith.constant 0 : i32
      %broadcast_in_dim3A_2025 = vector.broadcast %broadcast_in_dim3A_2024 : i32 to vector<16xi32>
      %add3A_2026 = arith.constant 0 : i32
      %add3A_2027 = arith.addi %mul3A_2023, %add3A_2026 : i32
      %get3A_2028 = arith.index_cast %add3A_2027 : i32 to index
      %get3A_2029 = tpu.vector_load %arg6[%get3A_2028] {strides = array<i32>} : memref<25616xi32, #tpu.memory_space<vmem>>, vector<16xi32>,
      %ge3A_2030 = arith.constant 512000 : i32
      %ge3A_2031 = vector.broadcast %ge3A_2030 : i32 to vector<16xi32>
      %ge3A_2032 = arith.cmpi sge, %get3A_2029, %ge3A_2031 : vector<16xi32>
      %sub3A_2033 = arith.constant 512000 : i32
      %sub3A_2034 = vector.broadcast %sub3A_2033 : i32 to vector<16xi32>
      %sub3A_2035 = arith.subi %get3A_2029, %sub3A_2034 : vector<16xi32>
      %select_n3A_2036 = arith.select %ge3A_2032, %sub3A_2035, %get3A_2029 : vector<16xi1>, vector<16xi32>
      %not3A_2037 = arith.constant dense<true> : vector<16xi1>
      %not3A_2038 = arith.xori %ge3A_2032, %not3A_2037 : vector<16xi1>
      %convert_element_type3A_2039 = arith.extui %not3A_2038 : vector<16xi1> to vector<16xi32>
      %broadcast_in_dim3A_2040 = arith.constant true
      %broadcast_in_dim3A_2041 = vector.broadcast %broadcast_in_dim3A_2040 : i1 to vector<16xi1>
      %masked_cumsum3A_2042 = tpu.scan <sum>, %convert_element_type3A_2039 masked %broadcast_in_dim3A_2041 : vector<16xi32>, vector<16xi1> -> vector<16xi32>
      %add3A_2043 = arith.addi %broadcast_in_dim3A_2025, %masked_cumsum3A_2042 : vector<16xi32>
      %sub3A_2044 = arith.constant 1 : i32
      %sub3A_2045 = vector.broadcast %sub3A_2044 : i32 to vector<16xi32>
      %sub3A_2046 = arith.subi %add3A_2043, %sub3A_2045 : vector<16xi32>
      tpu.vector_store_idx %arg8[%sub3A_2046], %select_n3A_2036 masked %not3A_2038 : memref<224xi32, #tpu.memory_space<vmem>>[vector<16xi32>], vector<16xi32>, vector<16xi1>
      %all_reduce_population_count3A_2047 = tpu.all_reduce %not3A_2038 {dim = 0 : i64, kind = #tpu.reduction_kind<sum>} : vector<16xi1> -> vector<16xi32>
      %add3A_2048 = arith.addi %broadcast_in_dim3A_2025, %all_reduce_population_count3A_2047 : vector<16xi32>
      %add3A_2049 = arith.constant 16 : i32
      %add3A_2050 = arith.addi %mul3A_2023, %add3A_2049 : i32
      %get3A_2051 = arith.index_cast %add3A_2050 : i32 to index
      %get3A_2052 = tpu.vector_load %arg6[%get3A_2051] {strides = array<i32>} : memref<25616xi32, #tpu.memory_space<vmem>>, vector<16xi32>,
      %ge3A_2053 = arith.constant 512000 : i32
      %ge3A_2054 = vector.broadcast %ge3A_2053 : i32 to vector<16xi32>
      %ge3A_2055 = arith.cmpi sge, %get3A_2052, %ge3A_2054 : vector<16xi32>
      %sub3A_2056 = arith.constant 512000 : i32
      %sub3A_2057 = vector.broadcast %sub3A_2056 : i32 to vector<16xi32>
      %sub3A_2058 = arith.subi %get3A_2052, %sub3A_2057 : vector<16xi32>
      %select_n3A_2059 = arith.select %ge3A_2055, %sub3A_2058, %get3A_2052 : vector<16xi1>, vector<16xi32>
      %not3A_2060 = arith.constant dense<true> : vector<16xi1>
      %not3A_2061 = arith.xori %ge3A_2055, %not3A_2060 : vector<16xi1>
      %convert_element_type3A_2062 = arith.extui %not3A_2061 : vector<16xi1> to vector<16xi32>
      %broadcast_in_dim3A_2063 = arith.constant true
      %broadcast_in_dim3A_2064 = vector.broadcast %broadcast_in_dim3A_2063 : i1 to vector<16xi1>
      %masked_cumsum3A_2065 = tpu.scan <sum>, %convert_element_type3A_2062 masked %broadcast_in_dim3A_2064 : vector<16xi32>, vector<16xi1> -> vector<16xi32>
      %add3A_2066 = arith.addi %add3A_2048, %masked_cumsum3A_2065 : vector<16xi32>
      %sub3A_2067 = arith.constant 1 : i32
      %sub3A_2068 = vector.broadcast %sub3A_2067 : i32 to vector<16xi32>
      %sub3A_2069 = arith.subi %add3A_2066, %sub3A_2068 : vector<16xi32>
      tpu.vector_store_idx %arg8[%sub3A_2069], %select_n3A_2059 masked %not3A_2061 : memref<224xi32, #tpu.memory_space<vmem>>[vector<16xi32>], vector<16xi32>, vector<16xi1>
      %all_reduce_population_count3A_2070 = tpu.all_reduce %not3A_2061 {dim = 0 : i64, kind = #tpu.reduction_kind<sum>} : vector<16xi1> -> vector<16xi32>
      %add3A_2071 = arith.addi %add3A_2048, %all_reduce_population_count3A_2070 : vector<16xi32>
      %add3A_2072 = arith.constant 32 : i32
      %add3A_2073 = arith.addi %mul3A_2023, %add3A_2072 : i32
      %get3A_2074 = arith.index_cast %add3A_2073 : i32 to index
      %get3A_2075 = tpu.vector_load %arg6[%get3A_2074] {strides = array<i32>} : memref<25616xi32, #tpu.memory_space<vmem>>, vector<16xi32>,
      %ge3A_2076 = arith.constant 512000 : i32
      %ge3A_2077 = vector.broadcast %ge3A_2076 : i32 to vector<16xi32>
      %ge3A_2078 = arith.cmpi sge, %get3A_2075, %ge3A_2077 : vector<16xi32>
      %sub3A_2079 = arith.constant 512000 : i32
      %sub3A_2080 = vector.broadcast %sub3A_2079 : i32 to vector<16xi32>
      %sub3A_2081 = arith.subi %get3A_2075, %sub3A_2080 : vector<16xi32>
      %select_n3A_2082 = arith.select %ge3A_2078, %sub3A_2081, %get3A_2075 : vector<16xi1>, vector<16xi32>
      %not3A_2083 = arith.constant dense<true> : vector<16xi1>
      %not3A_2084 = arith.xori %ge3A_2078, %not3A_2083 : vector<16xi1>
      %convert_element_type3A_2085 = arith.extui %not3A_2084 : vector<16xi1> to vector<16xi32>
      %broadcast_in_dim3A_2086 = arith.constant true
      %broadcast_in_dim3A_2087 = vector.broadcast %broadcast_in_dim3A_2086 : i1 to vector<16xi1>
      %masked_cumsum3A_2088 = tpu.scan <sum>, %convert_element_type3A_2085 masked %broadcast_in_dim3A_2087 : vector<16xi32>, vector<16xi1> -> vector<16xi32>
      %add3A_2089 = arith.addi %add3A_2071, %masked_cumsum3A_2088 : vector<16xi32>
      %sub3A_2090 = arith.constant 1 : i32
      %sub3A_2091 = vector.broadcast %sub3A_2090 : i32 to vector<16xi32>
      %sub3A_2092 = arith.subi %add3A_2089, %sub3A_2091 : vector<16xi32>
      tpu.vector_store_idx %arg8[%sub3A_2092], %select_n3A_2082 masked %not3A_2084 : memref<224xi32, #tpu.memory_space<vmem>>[vector<16xi32>], vector<16xi32>, vector<16xi1>
      %all_reduce_population_count3A_2093 = tpu.all_reduce %not3A_2084 {dim = 0 : i64, kind = #tpu.reduction_kind<sum>} : vector<16xi1> -> vector<16xi32>
      %add3A_2094 = arith.addi %add3A_2071, %all_reduce_population_count3A_2093 : vector<16xi32>
      %add3A_2095 = arith.constant 48 : i32
      %add3A_2096 = arith.addi %mul3A_2023, %add3A_2095 : i32
      %get3A_2097 = arith.index_cast %add3A_2096 : i32 to index
      %get3A_2098 = tpu.vector_load %arg6[%get3A_2097] {strides = array<i32>} : memref<25616xi32, #tpu.memory_space<vmem>>, vector<16xi32>,
      %ge3A_2099 = arith.constant 512000 : i32
      %ge3A_2100 = vector.broadcast %ge3A_2099 : i32 to vector<16xi32>
      %ge3A_2101 = arith.cmpi sge, %get3A_2098, %ge3A_2100 : vector<16xi32>
      %sub3A_2102 = arith.constant 512000 : i32
      %sub3A_2103 = vector.broadcast %sub3A_2102 : i32 to vector<16xi32>
      %sub3A_2104 = arith.subi %get3A_2098, %sub3A_2103 : vector<16xi32>
      %select_n3A_2105 = arith.select %ge3A_2101, %sub3A_2104, %get3A_2098 : vector<16xi1>, vector<16xi32>
      %not3A_2106 = arith.constant dense<true> : vector<16xi1>
      %not3A_2107 = arith.xori %ge3A_2101, %not3A_2106 : vector<16xi1>
      %convert_element_type3A_2108 = arith.extui %not3A_2107 : vector<16xi1> to vector<16xi32>
      %broadcast_in_dim3A_2109 = arith.constant true
      %broadcast_in_dim3A_2110 = vector.broadcast %broadcast_in_dim3A_2109 : i1 to vector<16xi1>
      %masked_cumsum3A_2111 = tpu.scan <sum>, %convert_element_type3A_2108 masked %broadcast_in_dim3A_2110 : vector<16xi32>, vector<16xi1> -> vector<16xi32>
      %add3A_2112 = arith.addi %add3A_2094, %masked_cumsum3A_2111 : vector<16xi32>
      %sub3A_2113 = arith.constant 1 : i32
      %sub3A_2114 = vector.broadcast %sub3A_2113 : i32 to vector<16xi32>
      %sub3A_2115 = arith.subi %add3A_2112, %sub3A_2114 : vector<16xi32>
      tpu.vector_store_idx %arg8[%sub3A_2115], %select_n3A_2105 masked %not3A_2107 : memref<224xi32, #tpu.memory_space<vmem>>[vector<16xi32>], vector<16xi32>, vector<16xi1>
      %all_reduce_population_count3A_2116 = tpu.all_reduce %not3A_2107 {dim = 0 : i64, kind = #tpu.reduction_kind<sum>} : vector<16xi1> -> vector<16xi32>
      %add3A_2117 = arith.addi %add3A_2094, %all_reduce_population_count3A_2116 : vector<16xi32>
      %add3A_2118 = arith.constant 64 : i32
      %add3A_2119 = arith.addi %mul3A_2023, %add3A_2118 : i32
      %get3A_2120 = arith.index_cast %add3A_2119 : i32 to index
      %get3A_2121 = tpu.vector_load %arg6[%get3A_2120] {strides = array<i32>} : memref<25616xi32, #tpu.memory_space<vmem>>, vector<16xi32>,
      %ge3A_2122 = arith.constant 512000 : i32
      %ge3A_2123 = vector.broadcast %ge3A_2122 : i32 to vector<16xi32>
      %ge3A_2124 = arith.cmpi sge, %get3A_2121, %ge3A_2123 : vector<16xi32>
      %sub3A_2125 = arith.constant 512000 : i32
      %sub3A_2126 = vector.broadcast %sub3A_2125 : i32 to vector<16xi32>
      %sub3A_2127 = arith.subi %get3A_2121, %sub3A_2126 : vector<16xi32>
      %select_n3A_2128 = arith.select %ge3A_2124, %sub3A_2127, %get3A_2121 : vector<16xi1>, vector<16xi32>
      %not3A_2129 = arith.constant dense<true> : vector<16xi1>
      %not3A_2130 = arith.xori %ge3A_2124, %not3A_2129 : vector<16xi1>
      %convert_element_type3A_2131 = arith.extui %not3A_2130 : vector<16xi1> to vector<16xi32>
      %broadcast_in_dim3A_2132 = arith.constant true
      %broadcast_in_dim3A_2133 = vector.broadcast %broadcast_in_dim3A_2132 : i1 to vector<16xi1>
      %masked_cumsum3A_2134 = tpu.scan <sum>, %convert_element_type3A_2131 masked %broadcast_in_dim3A_2133 : vector<16xi32>, vector<16xi1> -> vector<16xi32>
      %add3A_2135 = arith.addi %add3A_2117, %masked_cumsum3A_2134 : vector<16xi32>
      %sub3A_2136 = arith.constant 1 : i32
      %sub3A_2137 = vector.broadcast %sub3A_2136 : i32 to vector<16xi32>
      %sub3A_2138 = arith.subi %add3A_2135, %sub3A_2137 : vector<16xi32>
      tpu.vector_store_idx %arg8[%sub3A_2138], %select_n3A_2128 masked %not3A_2130 : memref<224xi32, #tpu.memory_space<vmem>>[vector<16xi32>], vector<16xi32>, vector<16xi1>
      %all_reduce_population_count3A_2139 = tpu.all_reduce %not3A_2130 {dim = 0 : i64, kind = #tpu.reduction_kind<sum>} : vector<16xi1> -> vector<16xi32>
      %add3A_2140 = arith.addi %add3A_2117, %all_reduce_population_count3A_2139 : vector<16xi32>
      %add3A_2141 = arith.constant 80 : i32
      %add3A_2142 = arith.addi %mul3A_2023, %add3A_2141 : i32
      %get3A_2143 = arith.index_cast %add3A_2142 : i32 to index
      %get3A_2144 = tpu.vector_load %arg6[%get3A_2143] {strides = array<i32>} : memref<25616xi32, #tpu.memory_space<vmem>>, vector<16xi32>,
      %ge3A_2145 = arith.constant 512000 : i32
      %ge3A_2146 = vector.broadcast %ge3A_2145 : i32 to vector<16xi32>
      %ge3A_2147 = arith.cmpi sge, %get3A_2144, %ge3A_2146 : vector<16xi32>
      %sub3A_2148 = arith.constant 512000 : i32
      %sub3A_2149 = vector.broadcast %sub3A_2148 : i32 to vector<16xi32>
      %sub3A_2150 = arith.subi %get3A_2144, %sub3A_2149 : vector<16xi32>
      %select_n3A_2151 = arith.select %ge3A_2147, %sub3A_2150, %get3A_2144 : vector<16xi1>, vector<16xi32>
      %not3A_2152 = arith.constant dense<true> : vector<16xi1>
      %not3A_2153 = arith.xori %ge3A_2147, %not3A_2152 : vector<16xi1>
      %convert_element_type3A_2154 = arith.extui %not3A_2153 : vector<16xi1> to vector<16xi32>
      %broadcast_in_dim3A_2155 = arith.constant true
      %broadcast_in_dim3A_2156 = vector.broadcast %broadcast_in_dim3A_2155 : i1 to vector<16xi1>
      %masked_cumsum3A_2157 = tpu.scan <sum>, %convert_element_type3A_2154 masked %broadcast_in_dim3A_2156 : vector<16xi32>, vector<16xi1> -> vector<16xi32>
      %add3A_2158 = arith.addi %add3A_2140, %masked_cumsum3A_2157 : vector<16xi32>
      %sub3A_2159 = arith.constant 1 : i32
      %sub3A_2160 = vector.broadcast %sub3A_2159 : i32 to vector<16xi32>
      %sub3A_2161 = arith.subi %add3A_2158, %sub3A_2160 : vector<16xi32>
      tpu.vector_store_idx %arg8[%sub3A_2161], %select_n3A_2151 masked %not3A_2153 : memref<224xi32, #tpu.memory_space<vmem>>[vector<16xi32>], vector<16xi32>, vector<16xi1>
      %all_reduce_population_count3A_2162 = tpu.all_reduce %not3A_2153 {dim = 0 : i64, kind = #tpu.reduction_kind<sum>} : vector<16xi1> -> vector<16xi32>
      %add3A_2163 = arith.addi %add3A_2140, %all_reduce_population_count3A_2162 : vector<16xi32>
      %add3A_2164 = arith.constant 96 : i32
      %add3A_2165 = arith.addi %mul3A_2023, %add3A_2164 : i32
      %get3A_2166 = arith.index_cast %add3A_2165 : i32 to index
      %get3A_2167 = tpu.vector_load %arg6[%get3A_2166] {strides = array<i32>} : memref<25616xi32, #tpu.memory_space<vmem>>, vector<16xi32>,
      %ge3A_2168 = arith.constant 512000 : i32
      %ge3A_2169 = vector.broadcast %ge3A_2168 : i32 to vector<16xi32>
      %ge3A_2170 = arith.cmpi sge, %get3A_2167, %ge3A_2169 : vector<16xi32>
      %sub3A_2171 = arith.constant 512000 : i32
      %sub3A_2172 = vector.broadcast %sub3A_2171 : i32 to vector<16xi32>
      %sub3A_2173 = arith.subi %get3A_2167, %sub3A_2172 : vector<16xi32>
      %select_n3A_2174 = arith.select %ge3A_2170, %sub3A_2173, %get3A_2167 : vector<16xi1>, vector<16xi32>
      %not3A_2175 = arith.constant dense<true> : vector<16xi1>
      %not3A_2176 = arith.xori %ge3A_2170, %not3A_2175 : vector<16xi1>
      %convert_element_type3A_2177 = arith.extui %not3A_2176 : vector<16xi1> to vector<16xi32>
      %broadcast_in_dim3A_2178 = arith.constant true
      %broadcast_in_dim3A_2179 = vector.broadcast %broadcast_in_dim3A_2178 : i1 to vector<16xi1>
      %masked_cumsum3A_2180 = tpu.scan <sum>, %convert_element_type3A_2177 masked %broadcast_in_dim3A_2179 : vector<16xi32>, vector<16xi1> -> vector<16xi32>
      %add3A_2181 = arith.addi %add3A_2163, %masked_cumsum3A_2180 : vector<16xi32>
      %sub3A_2182 = arith.constant 1 : i32
      %sub3A_2183 = vector.broadcast %sub3A_2182 : i32 to vector<16xi32>
      %sub3A_2184 = arith.subi %add3A_2181, %sub3A_2183 : vector<16xi32>
      tpu.vector_store_idx %arg8[%sub3A_2184], %select_n3A_2174 masked %not3A_2176 : memref<224xi32, #tpu.memory_space<vmem>>[vector<16xi32>], vector<16xi32>, vector<16xi1>
      %all_reduce_population_count3A_2185 = tpu.all_reduce %not3A_2176 {dim = 0 : i64, kind = #tpu.reduction_kind<sum>} : vector<16xi1> -> vector<16xi32>
      %add3A_2186 = arith.addi %add3A_2163, %all_reduce_population_count3A_2185 : vector<16xi32>
      %add3A_2187 = arith.constant 112 : i32
      %add3A_2188 = arith.addi %mul3A_2023, %add3A_2187 : i32
      %get3A_2189 = arith.index_cast %add3A_2188 : i32 to index
      %get3A_2190 = tpu.vector_load %arg6[%get3A_2189] {strides = array<i32>} : memref<25616xi32, #tpu.memory_space<vmem>>, vector<16xi32>,
      %ge3A_2191 = arith.constant 512000 : i32
      %ge3A_2192 = vector.broadcast %ge3A_2191 : i32 to vector<16xi32>
      %ge3A_2193 = arith.cmpi sge, %get3A_2190, %ge3A_2192 : vector<16xi32>
      %sub3A_2194 = arith.constant 512000 : i32
      %sub3A_2195 = vector.broadcast %sub3A_2194 : i32 to vector<16xi32>
      %sub3A_2196 = arith.subi %get3A_2190, %sub3A_2195 : vector<16xi32>
      %select_n3A_2197 = arith.select %ge3A_2193, %sub3A_2196, %get3A_2190 : vector<16xi1>, vector<16xi32>
      %not3A_2198 = arith.constant dense<true> : vector<16xi1>
      %not3A_2199 = arith.xori %ge3A_2193, %not3A_2198 : vector<16xi1>
      %convert_element_type3A_2200 = arith.extui %not3A_2199 : vector<16xi1> to vector<16xi32>
      %broadcast_in_dim3A_2201 = arith.constant true
      %broadcast_in_dim3A_2202 = vector.broadcast %broadcast_in_dim3A_2201 : i1 to vector<16xi1>
      %masked_cumsum3A_2203 = tpu.scan <sum>, %convert_element_type3A_2200 masked %broadcast_in_dim3A_2202 : vector<16xi32>, vector<16xi1> -> vector<16xi32>
      %add3A_2204 = arith.addi %add3A_2186, %masked_cumsum3A_2203 : vector<16xi32>
      %sub3A_2205 = arith.constant 1 : i32
      %sub3A_2206 = vector.broadcast %sub3A_2205 : i32 to vector<16xi32>
      %sub3A_2207 = arith.subi %add3A_2204, %sub3A_2206 : vector<16xi32>
      tpu.vector_store_idx %arg8[%sub3A_2207], %select_n3A_2197 masked %not3A_2199 : memref<224xi32, #tpu.memory_space<vmem>>[vector<16xi32>], vector<16xi32>, vector<16xi1>
      %all_reduce_population_count3A_2208 = tpu.all_reduce %not3A_2199 {dim = 0 : i64, kind = #tpu.reduction_kind<sum>} : vector<16xi1> -> vector<16xi32>
      %add3A_2209 = arith.addi %add3A_2186, %all_reduce_population_count3A_2208 : vector<16xi32>
      %add3A_2210 = arith.constant 128 : i32
      %add3A_2211 = arith.addi %mul3A_2023, %add3A_2210 : i32
      %get3A_2212 = arith.index_cast %add3A_2211 : i32 to index
      %get3A_2213 = tpu.vector_load %arg6[%get3A_2212] {strides = array<i32>} : memref<25616xi32, #tpu.memory_space<vmem>>, vector<16xi32>,
      %ge3A_2214 = arith.constant 512000 : i32
      %ge3A_2215 = vector.broadcast %ge3A_2214 : i32 to vector<16xi32>
      %ge3A_2216 = arith.cmpi sge, %get3A_2213, %ge3A_2215 : vector<16xi32>
      %sub3A_2217 = arith.constant 512000 : i32
      %sub3A_2218 = vector.broadcast %sub3A_2217 : i32 to vector<16xi32>
      %sub3A_2219 = arith.subi %get3A_2213, %sub3A_2218 : vector<16xi32>
      %select_n3A_2220 = arith.select %ge3A_2216, %sub3A_2219, %get3A_2213 : vector<16xi1>, vector<16xi32>
      %not3A_2221 = arith.constant dense<true> : vector<16xi1>
      %not3A_2222 = arith.xori %ge3A_2216, %not3A_2221 : vector<16xi1>
      %convert_element_type3A_2223 = arith.extui %not3A_2222 : vector<16xi1> to vector<16xi32>
      %broadcast_in_dim3A_2224 = arith.constant true
      %broadcast_in_dim3A_2225 = vector.broadcast %broadcast_in_dim3A_2224 : i1 to vector<16xi1>
      %masked_cumsum3A_2226 = tpu.scan <sum>, %convert_element_type3A_2223 masked %broadcast_in_dim3A_2225 : vector<16xi32>, vector<16xi1> -> vector<16xi32>
      %add3A_2227 = arith.addi %add3A_2209, %masked_cumsum3A_2226 : vector<16xi32>
      %sub3A_2228 = arith.constant 1 : i32
      %sub3A_2229 = vector.broadcast %sub3A_2228 : i32 to vector<16xi32>
      %sub3A_2230 = arith.subi %add3A_2227, %sub3A_2229 : vector<16xi32>
      tpu.vector_store_idx %arg8[%sub3A_2230], %select_n3A_2220 masked %not3A_2222 : memref<224xi32, #tpu.memory_space<vmem>>[vector<16xi32>], vector<16xi32>, vector<16xi1>
      %all_reduce_population_count3A_2231 = tpu.all_reduce %not3A_2222 {dim = 0 : i64, kind = #tpu.reduction_kind<sum>} : vector<16xi1> -> vector<16xi32>
      %add3A_2232 = arith.addi %add3A_2209, %all_reduce_population_count3A_2231 : vector<16xi32>
      %add3A_2233 = arith.constant 144 : i32
      %add3A_2234 = arith.addi %mul3A_2023, %add3A_2233 : i32
      %get3A_2235 = arith.index_cast %add3A_2234 : i32 to index
      %get3A_2236 = tpu.vector_load %arg6[%get3A_2235] {strides = array<i32>} : memref<25616xi32, #tpu.memory_space<vmem>>, vector<16xi32>,
      %ge3A_2237 = arith.constant 512000 : i32
      %ge3A_2238 = vector.broadcast %ge3A_2237 : i32 to vector<16xi32>
      %ge3A_2239 = arith.cmpi sge, %get3A_2236, %ge3A_2238 : vector<16xi32>
      %sub3A_2240 = arith.constant 512000 : i32
      %sub3A_2241 = vector.broadcast %sub3A_2240 : i32 to vector<16xi32>
      %sub3A_2242 = arith.subi %get3A_2236, %sub3A_2241 : vector<16xi32>
      %select_n3A_2243 = arith.select %ge3A_2239, %sub3A_2242, %get3A_2236 : vector<16xi1>, vector<16xi32>
      %not3A_2244 = arith.constant dense<true> : vector<16xi1>
      %not3A_2245 = arith.xori %ge3A_2239, %not3A_2244 : vector<16xi1>
      %convert_element_type3A_2246 = arith.extui %not3A_2245 : vector<16xi1> to vector<16xi32>
      %broadcast_in_dim3A_2247 = arith.constant true
      %broadcast_in_dim3A_2248 = vector.broadcast %broadcast_in_dim3A_2247 : i1 to vector<16xi1>
      %masked_cumsum3A_2249 = tpu.scan <sum>, %convert_element_type3A_2246 masked %broadcast_in_dim3A_2248 : vector<16xi32>, vector<16xi1> -> vector<16xi32>
      %add3A_2250 = arith.addi %add3A_2232, %masked_cumsum3A_2249 : vector<16xi32>
      %sub3A_2251 = arith.constant 1 : i32
      %sub3A_2252 = vector.broadcast %sub3A_2251 : i32 to vector<16xi32>
      %sub3A_2253 = arith.subi %add3A_2250, %sub3A_2252 : vector<16xi32>
      tpu.vector_store_idx %arg8[%sub3A_2253], %select_n3A_2243 masked %not3A_2245 : memref<224xi32, #tpu.memory_space<vmem>>[vector<16xi32>], vector<16xi32>, vector<16xi1>
      %all_reduce_population_count3A_2254 = tpu.all_reduce %not3A_2245 {dim = 0 : i64, kind = #tpu.reduction_kind<sum>} : vector<16xi1> -> vector<16xi32>
      %add3A_2255 = arith.addi %add3A_2232, %all_reduce_population_count3A_2254 : vector<16xi32>
      %add3A_2256 = arith.constant 160 : i32
      %add3A_2257 = arith.addi %mul3A_2023, %add3A_2256 : i32
      %get3A_2258 = arith.index_cast %add3A_2257 : i32 to index
      %get3A_2259 = tpu.vector_load %arg6[%get3A_2258] {strides = array<i32>} : memref<25616xi32, #tpu.memory_space<vmem>>, vector<16xi32>,
      %ge3A_2260 = arith.constant 512000 : i32
      %ge3A_2261 = vector.broadcast %ge3A_2260 : i32 to vector<16xi32>
      %ge3A_2262 = arith.cmpi sge, %get3A_2259, %ge3A_2261 : vector<16xi32>
      %sub3A_2263 = arith.constant 512000 : i32
      %sub3A_2264 = vector.broadcast %sub3A_2263 : i32 to vector<16xi32>
      %sub3A_2265 = arith.subi %get3A_2259, %sub3A_2264 : vector<16xi32>
      %select_n3A_2266 = arith.select %ge3A_2262, %sub3A_2265, %get3A_2259 : vector<16xi1>, vector<16xi32>
      %not3A_2267 = arith.constant dense<true> : vector<16xi1>
      %not3A_2268 = arith.xori %ge3A_2262, %not3A_2267 : vector<16xi1>
      %convert_element_type3A_2269 = arith.extui %not3A_2268 : vector<16xi1> to vector<16xi32>
      %broadcast_in_dim3A_2270 = arith.constant true
      %broadcast_in_dim3A_2271 = vector.broadcast %broadcast_in_dim3A_2270 : i1 to vector<16xi1>
      %masked_cumsum3A_2272 = tpu.scan <sum>, %convert_element_type3A_2269 masked %broadcast_in_dim3A_2271 : vector<16xi32>, vector<16xi1> -> vector<16xi32>
      %add3A_2273 = arith.addi %add3A_2255, %masked_cumsum3A_2272 : vector<16xi32>
      %sub3A_2274 = arith.constant 1 : i32
      %sub3A_2275 = vector.broadcast %sub3A_2274 : i32 to vector<16xi32>
      %sub3A_2276 = arith.subi %add3A_2273, %sub3A_2275 : vector<16xi32>
      tpu.vector_store_idx %arg8[%sub3A_2276], %select_n3A_2266 masked %not3A_2268 : memref<224xi32, #tpu.memory_space<vmem>>[vector<16xi32>], vector<16xi32>, vector<16xi1>
      %all_reduce_population_count3A_2277 = tpu.all_reduce %not3A_2268 {dim = 0 : i64, kind = #tpu.reduction_kind<sum>} : vector<16xi1> -> vector<16xi32>
      %add3A_2278 = arith.addi %add3A_2255, %all_reduce_population_count3A_2277 : vector<16xi32>
      %add3A_2279 = arith.constant 176 : i32
      %add3A_2280 = arith.addi %mul3A_2023, %add3A_2279 : i32
      %get3A_2281 = arith.index_cast %add3A_2280 : i32 to index
      %get3A_2282 = tpu.vector_load %arg6[%get3A_2281] {strides = array<i32>} : memref<25616xi32, #tpu.memory_space<vmem>>, vector<16xi32>,
      %ge3A_2283 = arith.constant 512000 : i32
      %ge3A_2284 = vector.broadcast %ge3A_2283 : i32 to vector<16xi32>
      %ge3A_2285 = arith.cmpi sge, %get3A_2282, %ge3A_2284 : vector<16xi32>
      %sub3A_2286 = arith.constant 512000 : i32
      %sub3A_2287 = vector.broadcast %sub3A_2286 : i32 to vector<16xi32>
      %sub3A_2288 = arith.subi %get3A_2282, %sub3A_2287 : vector<16xi32>
      %select_n3A_2289 = arith.select %ge3A_2285, %sub3A_2288, %get3A_2282 : vector<16xi1>, vector<16xi32>
      %not3A_2290 = arith.constant dense<true> : vector<16xi1>
      %not3A_2291 = arith.xori %ge3A_2285, %not3A_2290 : vector<16xi1>
      %convert_element_type3A_2292 = arith.extui %not3A_2291 : vector<16xi1> to vector<16xi32>
      %broadcast_in_dim3A_2293 = arith.constant true
      %broadcast_in_dim3A_2294 = vector.broadcast %broadcast_in_dim3A_2293 : i1 to vector<16xi1>
      %masked_cumsum3A_2295 = tpu.scan <sum>, %convert_element_type3A_2292 masked %broadcast_in_dim3A_2294 : vector<16xi32>, vector<16xi1> -> vector<16xi32>
      %add3A_2296 = arith.addi %add3A_2278, %masked_cumsum3A_2295 : vector<16xi32>
      %sub3A_2297 = arith.constant 1 : i32
      %sub3A_2298 = vector.broadcast %sub3A_2297 : i32 to vector<16xi32>
      %sub3A_2299 = arith.subi %add3A_2296, %sub3A_2298 : vector<16xi32>
      tpu.vector_store_idx %arg8[%sub3A_2299], %select_n3A_2289 masked %not3A_2291 : memref<224xi32, #tpu.memory_space<vmem>>[vector<16xi32>], vector<16xi32>, vector<16xi1>
      %all_reduce_population_count3A_2300 = tpu.all_reduce %not3A_2291 {dim = 0 : i64, kind = #tpu.reduction_kind<sum>} : vector<16xi1> -> vector<16xi32>
      %add3A_2301 = arith.addi %add3A_2278, %all_reduce_population_count3A_2300 : vector<16xi32>
      %add3A_2302 = arith.constant 192 : i32
      %add3A_2303 = arith.addi %mul3A_2023, %add3A_2302 : i32
      %get3A_2304 = arith.index_cast %add3A_2303 : i32 to index
      %get3A_2305 = tpu.vector_load %arg6[%get3A_2304] {strides = array<i32>} : memref<25616xi32, #tpu.memory_space<vmem>>, vector<16xi32>,
      %ge3A_2306 = arith.constant 512000 : i32
      %ge3A_2307 = vector.broadcast %ge3A_2306 : i32 to vector<16xi32>
      %ge3A_2308 = arith.cmpi sge, %get3A_2305, %ge3A_2307 : vector<16xi32>
      %sub3A_2309 = arith.constant 512000 : i32
      %sub3A_2310 = vector.broadcast %sub3A_2309 : i32 to vector<16xi32>
      %sub3A_2311 = arith.subi %get3A_2305, %sub3A_2310 : vector<16xi32>
      %select_n3A_2312 = arith.select %ge3A_2308, %sub3A_2311, %get3A_2305 : vector<16xi1>, vector<16xi32>
      %not3A_2313 = arith.constant dense<true> : vector<16xi1>
      %not3A_2314 = arith.xori %ge3A_2308, %not3A_2313 : vector<16xi1>
      %and3A_2315 = arith.andi %not3A_2314, %lt3A_4 : vector<16xi1>
      %convert_element_type3A_2316 = arith.extui %and3A_2315 : vector<16xi1> to vector<16xi32>
      %broadcast_in_dim3A_2317 = arith.constant true
      %broadcast_in_dim3A_2318 = vector.broadcast %broadcast_in_dim3A_2317 : i1 to vector<16xi1>
      %masked_cumsum3A_2319 = tpu.scan <sum>, %convert_element_type3A_2316 masked %broadcast_in_dim3A_2318 : vector<16xi32>, vector<16xi1> -> vector<16xi32>
      %add3A_2320 = arith.addi %add3A_2301, %masked_cumsum3A_2319 : vector<16xi32>
      %sub3A_2321 = arith.constant 1 : i32
      %sub3A_2322 = vector.broadcast %sub3A_2321 : i32 to vector<16xi32>
      %sub3A_2323 = arith.subi %add3A_2320, %sub3A_2322 : vector<16xi32>
      tpu.vector_store_idx %arg8[%sub3A_2323], %select_n3A_2312 masked %and3A_2315 : memref<224xi32, #tpu.memory_space<vmem>>[vector<16xi32>], vector<16xi32>, vector<16xi1>
      %all_reduce_population_count3A_2324 = tpu.all_reduce %and3A_2315 {dim = 0 : i64, kind = #tpu.reduction_kind<sum>} : vector<16xi1> -> vector<16xi32>
      %add3A_2325 = arith.addi %add3A_2301, %all_reduce_population_count3A_2324 : vector<16xi32>
      %slice3A_2326 = vector.extract_strided_slice %add3A_2325 {offsets = [0], sizes = [1], strides = [1]} : vector<16xi32> to vector<1xi32>
      %squeeze3A_2327 = vector.extract %slice3A_2326[0] : i32 from vector<1xi32>
      %add3A_2328 = arith.constant 0 : i32
      %add3A_2329 = arith.addi %mul3A_2023, %add3A_2328 : i32
      %get3A_2330 = arith.index_cast %add3A_2329 : i32 to index
      %get3A_2331 = tpu.vector_load %arg6[%get3A_2330] {strides = array<i32>} : memref<25616xi32, #tpu.memory_space<vmem>>, vector<16xi32>,
      %ge3A_2332 = arith.constant 512000 : i32
      %ge3A_2333 = vector.broadcast %ge3A_2332 : i32 to vector<16xi32>
      %ge3A_2334 = arith.cmpi sge, %get3A_2331, %ge3A_2333 : vector<16xi32>
      %sub3A_2335 = arith.constant 512000 : i32
      %sub3A_2336 = vector.broadcast %sub3A_2335 : i32 to vector<16xi32>
      %sub3A_2337 = arith.subi %get3A_2331, %sub3A_2336 : vector<16xi32>
      %select_n3A_2338 = arith.select %ge3A_2334, %sub3A_2337, %get3A_2331 : vector<16xi1>, vector<16xi32>
      %convert_element_type3A_2339 = arith.extui %ge3A_2334 : vector<16xi1> to vector<16xi32>
      %broadcast_in_dim3A_2340 = arith.constant true
      %broadcast_in_dim3A_2341 = vector.broadcast %broadcast_in_dim3A_2340 : i1 to vector<16xi1>
      %masked_cumsum3A_2342 = tpu.scan <sum>, %convert_element_type3A_2339 masked %broadcast_in_dim3A_2341 : vector<16xi32>, vector<16xi1> -> vector<16xi32>
      %add3A_2343 = arith.addi %add3A_2325, %masked_cumsum3A_2342 : vector<16xi32>
      %sub3A_2344 = arith.constant 1 : i32
      %sub3A_2345 = vector.broadcast %sub3A_2344 : i32 to vector<16xi32>
      %sub3A_2346 = arith.subi %add3A_2343, %sub3A_2345 : vector<16xi32>
      tpu.vector_store_idx %arg8[%sub3A_2346], %select_n3A_2338 masked %ge3A_2334 : memref<224xi32, #tpu.memory_space<vmem>>[vector<16xi32>], vector<16xi32>, vector<16xi1>
      %all_reduce_population_count3A_2347 = tpu.all_reduce %ge3A_2334 {dim = 0 : i64, kind = #tpu.reduction_kind<sum>} : vector<16xi1> -> vector<16xi32>
      %add3A_2348 = arith.addi %add3A_2325, %all_reduce_population_count3A_2347 : vector<16xi32>
      %add3A_2349 = arith.constant 16 : i32
      %add3A_2350 = arith.addi %mul3A_2023, %add3A_2349 : i32
      %get3A_2351 = arith.index_cast %add3A_2350 : i32 to index
      %get3A_2352 = tpu.vector_load %arg6[%get3A_2351] {strides = array<i32>} : memref<25616xi32, #tpu.memory_space<vmem>>, vector<16xi32>,
      %ge3A_2353 = arith.constant 512000 : i32
      %ge3A_2354 = vector.broadcast %ge3A_2353 : i32 to vector<16xi32>
      %ge3A_2355 = arith.cmpi sge, %get3A_2352, %ge3A_2354 : vector<16xi32>
      %sub3A_2356 = arith.constant 512000 : i32
      %sub3A_2357 = vector.broadcast %sub3A_2356 : i32 to vector<16xi32>
      %sub3A_2358 = arith.subi %get3A_2352, %sub3A_2357 : vector<16xi32>
      %select_n3A_2359 = arith.select %ge3A_2355, %sub3A_2358, %get3A_2352 : vector<16xi1>, vector<16xi32>
      %convert_element_type3A_2360 = arith.extui %ge3A_2355 : vector<16xi1> to vector<16xi32>
      %broadcast_in_dim3A_2361 = arith.constant true
      %broadcast_in_dim3A_2362 = vector.broadcast %broadcast_in_dim3A_2361 : i1 to vector<16xi1>
      %masked_cumsum3A_2363 = tpu.scan <sum>, %convert_element_type3A_2360 masked %broadcast_in_dim3A_2362 : vector<16xi32>, vector<16xi1> -> vector<16xi32>
      %add3A_2364 = arith.addi %add3A_2348, %masked_cumsum3A_2363 : vector<16xi32>
      %sub3A_2365 = arith.constant 1 : i32
      %sub3A_2366 = vector.broadcast %sub3A_2365 : i32 to vector<16xi32>
      %sub3A_2367 = arith.subi %add3A_2364, %sub3A_2366 : vector<16xi32>
      tpu.vector_store_idx %arg8[%sub3A_2367], %select_n3A_2359 masked %ge3A_2355 : memref<224xi32, #tpu.memory_space<vmem>>[vector<16xi32>], vector<16xi32>, vector<16xi1>
      %all_reduce_population_count3A_2368 = tpu.all_reduce %ge3A_2355 {dim = 0 : i64, kind = #tpu.reduction_kind<sum>} : vector<16xi1> -> vector<16xi32>
      %add3A_2369 = arith.addi %add3A_2348, %all_reduce_population_count3A_2368 : vector<16xi32>
      %add3A_2370 = arith.constant 32 : i32
      %add3A_2371 = arith.addi %mul3A_2023, %add3A_2370 : i32
      %get3A_2372 = arith.index_cast %add3A_2371 : i32 to index
      %get3A_2373 = tpu.vector_load %arg6[%get3A_2372] {strides = array<i32>} : memref<25616xi32, #tpu.memory_space<vmem>>, vector<16xi32>,
      %ge3A_2374 = arith.constant 512000 : i32
      %ge3A_2375 = vector.broadcast %ge3A_2374 : i32 to vector<16xi32>
      %ge3A_2376 = arith.cmpi sge, %get3A_2373, %ge3A_2375 : vector<16xi32>
      %sub3A_2377 = arith.constant 512000 : i32
      %sub3A_2378 = vector.broadcast %sub3A_2377 : i32 to vector<16xi32>
      %sub3A_2379 = arith.subi %get3A_2373, %sub3A_2378 : vector<16xi32>
      %select_n3A_2380 = arith.select %ge3A_2376, %sub3A_2379, %get3A_2373 : vector<16xi1>, vector<16xi32>
      %convert_element_type3A_2381 = arith.extui %ge3A_2376 : vector<16xi1> to vector<16xi32>
      %broadcast_in_dim3A_2382 = arith.constant true
      %broadcast_in_dim3A_2383 = vector.broadcast %broadcast_in_dim3A_2382 : i1 to vector<16xi1>
      %masked_cumsum3A_2384 = tpu.scan <sum>, %convert_element_type3A_2381 masked %broadcast_in_dim3A_2383 : vector<16xi32>, vector<16xi1> -> vector<16xi32>
      %add3A_2385 = arith.addi %add3A_2369, %masked_cumsum3A_2384 : vector<16xi32>
      %sub3A_2386 = arith.constant 1 : i32
      %sub3A_2387 = vector.broadcast %sub3A_2386 : i32 to vector<16xi32>
      %sub3A_2388 = arith.subi %add3A_2385, %sub3A_2387 : vector<16xi32>
      tpu.vector_store_idx %arg8[%sub3A_2388], %select_n3A_2380 masked %ge3A_2376 : memref<224xi32, #tpu.memory_space<vmem>>[vector<16xi32>], vector<16xi32>, vector<16xi1>
      %all_reduce_population_count3A_2389 = tpu.all_reduce %ge3A_2376 {dim = 0 : i64, kind = #tpu.reduction_kind<sum>} : vector<16xi1> -> vector<16xi32>
      %add3A_2390 = arith.addi %add3A_2369, %all_reduce_population_count3A_2389 : vector<16xi32>
      %add3A_2391 = arith.constant 48 : i32
      %add3A_2392 = arith.addi %mul3A_2023, %add3A_2391 : i32
      %get3A_2393 = arith.index_cast %add3A_2392 : i32 to index
      %get3A_2394 = tpu.vector_load %arg6[%get3A_2393] {strides = array<i32>} : memref<25616xi32, #tpu.memory_space<vmem>>, vector<16xi32>,
      %ge3A_2395 = arith.constant 512000 : i32
      %ge3A_2396 = vector.broadcast %ge3A_2395 : i32 to vector<16xi32>
      %ge3A_2397 = arith.cmpi sge, %get3A_2394, %ge3A_2396 : vector<16xi32>
      %sub3A_2398 = arith.constant 512000 : i32
      %sub3A_2399 = vector.broadcast %sub3A_2398 : i32 to vector<16xi32>
      %sub3A_2400 = arith.subi %get3A_2394, %sub3A_2399 : vector<16xi32>
      %select_n3A_2401 = arith.select %ge3A_2397, %sub3A_2400, %get3A_2394 : vector<16xi1>, vector<16xi32>
      %convert_element_type3A_2402 = arith.extui %ge3A_2397 : vector<16xi1> to vector<16xi32>
      %broadcast_in_dim3A_2403 = arith.constant true
      %broadcast_in_dim3A_2404 = vector.broadcast %broadcast_in_dim3A_2403 : i1 to vector<16xi1>
      %masked_cumsum3A_2405 = tpu.scan <sum>, %convert_element_type3A_2402 masked %broadcast_in_dim3A_2404 : vector<16xi32>, vector<16xi1> -> vector<16xi32>
      %add3A_2406 = arith.addi %add3A_2390, %masked_cumsum3A_2405 : vector<16xi32>
      %sub3A_2407 = arith.constant 1 : i32
      %sub3A_2408 = vector.broadcast %sub3A_2407 : i32 to vector<16xi32>
      %sub3A_2409 = arith.subi %add3A_2406, %sub3A_2408 : vector<16xi32>
      tpu.vector_store_idx %arg8[%sub3A_2409], %select_n3A_2401 masked %ge3A_2397 : memref<224xi32, #tpu.memory_space<vmem>>[vector<16xi32>], vector<16xi32>, vector<16xi1>
      %all_reduce_population_count3A_2410 = tpu.all_reduce %ge3A_2397 {dim = 0 : i64, kind = #tpu.reduction_kind<sum>} : vector<16xi1> -> vector<16xi32>
      %add3A_2411 = arith.addi %add3A_2390, %all_reduce_population_count3A_2410 : vector<16xi32>
      %add3A_2412 = arith.constant 64 : i32
      %add3A_2413 = arith.addi %mul3A_2023, %add3A_2412 : i32
      %get3A_2414 = arith.index_cast %add3A_2413 : i32 to index
      %get3A_2415 = tpu.vector_load %arg6[%get3A_2414] {strides = array<i32>} : memref<25616xi32, #tpu.memory_space<vmem>>, vector<16xi32>,
      %ge3A_2416 = arith.constant 512000 : i32
      %ge3A_2417 = vector.broadcast %ge3A_2416 : i32 to vector<16xi32>
      %ge3A_2418 = arith.cmpi sge, %get3A_2415, %ge3A_2417 : vector<16xi32>
      %sub3A_2419 = arith.constant 512000 : i32
      %sub3A_2420 = vector.broadcast %sub3A_2419 : i32 to vector<16xi32>
      %sub3A_2421 = arith.subi %get3A_2415, %sub3A_2420 : vector<16xi32>
      %select_n3A_2422 = arith.select %ge3A_2418, %sub3A_2421, %get3A_2415 : vector<16xi1>, vector<16xi32>
      %convert_element_type3A_2423 = arith.extui %ge3A_2418 : vector<16xi1> to vector<16xi32>
      %broadcast_in_dim3A_2424 = arith.constant true
      %broadcast_in_dim3A_2425 = vector.broadcast %broadcast_in_dim3A_2424 : i1 to vector<16xi1>
      %masked_cumsum3A_2426 = tpu.scan <sum>, %convert_element_type3A_2423 masked %broadcast_in_dim3A_2425 : vector<16xi32>, vector<16xi1> -> vector<16xi32>
      %add3A_2427 = arith.addi %add3A_2411, %masked_cumsum3A_2426 : vector<16xi32>
      %sub3A_2428 = arith.constant 1 : i32
      %sub3A_2429 = vector.broadcast %sub3A_2428 : i32 to vector<16xi32>
      %sub3A_2430 = arith.subi %add3A_2427, %sub3A_2429 : vector<16xi32>
      tpu.vector_store_idx %arg8[%sub3A_2430], %select_n3A_2422 masked %ge3A_2418 : memref<224xi32, #tpu.memory_space<vmem>>[vector<16xi32>], vector<16xi32>, vector<16xi1>
      %all_reduce_population_count3A_2431 = tpu.all_reduce %ge3A_2418 {dim = 0 : i64, kind = #tpu.reduction_kind<sum>} : vector<16xi1> -> vector<16xi32>
      %add3A_2432 = arith.addi %add3A_2411, %all_reduce_population_count3A_2431 : vector<16xi32>
      %add3A_2433 = arith.constant 80 : i32
      %add3A_2434 = arith.addi %mul3A_2023, %add3A_2433 : i32
      %get3A_2435 = arith.index_cast %add3A_2434 : i32 to index
      %get3A_2436 = tpu.vector_load %arg6[%get3A_2435] {strides = array<i32>} : memref<25616xi32, #tpu.memory_space<vmem>>, vector<16xi32>,
      %ge3A_2437 = arith.constant 512000 : i32
      %ge3A_2438 = vector.broadcast %ge3A_2437 : i32 to vector<16xi32>
      %ge3A_2439 = arith.cmpi sge, %get3A_2436, %ge3A_2438 : vector<16xi32>
      %sub3A_2440 = arith.constant 512000 : i32
      %sub3A_2441 = vector.broadcast %sub3A_2440 : i32 to vector<16xi32>
      %sub3A_2442 = arith.subi %get3A_2436, %sub3A_2441 : vector<16xi32>
      %select_n3A_2443 = arith.select %ge3A_2439, %sub3A_2442, %get3A_2436 : vector<16xi1>, vector<16xi32>
      %convert_element_type3A_2444 = arith.extui %ge3A_2439 : vector<16xi1> to vector<16xi32>
      %broadcast_in_dim3A_2445 = arith.constant true
      %broadcast_in_dim3A_2446 = vector.broadcast %broadcast_in_dim3A_2445 : i1 to vector<16xi1>
      %masked_cumsum3A_2447 = tpu.scan <sum>, %convert_element_type3A_2444 masked %broadcast_in_dim3A_2446 : vector<16xi32>, vector<16xi1> -> vector<16xi32>
      %add3A_2448 = arith.addi %add3A_2432, %masked_cumsum3A_2447 : vector<16xi32>
      %sub3A_2449 = arith.constant 1 : i32
      %sub3A_2450 = vector.broadcast %sub3A_2449 : i32 to vector<16xi32>
      %sub3A_2451 = arith.subi %add3A_2448, %sub3A_2450 : vector<16xi32>
      tpu.vector_store_idx %arg8[%sub3A_2451], %select_n3A_2443 masked %ge3A_2439 : memref<224xi32, #tpu.memory_space<vmem>>[vector<16xi32>], vector<16xi32>, vector<16xi1>
      %all_reduce_population_count3A_2452 = tpu.all_reduce %ge3A_2439 {dim = 0 : i64, kind = #tpu.reduction_kind<sum>} : vector<16xi1> -> vector<16xi32>
      %add3A_2453 = arith.addi %add3A_2432, %all_reduce_population_count3A_2452 : vector<16xi32>
      %add3A_2454 = arith.constant 96 : i32
      %add3A_2455 = arith.addi %mul3A_2023, %add3A_2454 : i32
      %get3A_2456 = arith.index_cast %add3A_2455 : i32 to index
      %get3A_2457 = tpu.vector_load %arg6[%get3A_2456] {strides = array<i32>} : memref<25616xi32, #tpu.memory_space<vmem>>, vector<16xi32>,
      %ge3A_2458 = arith.constant 512000 : i32
      %ge3A_2459 = vector.broadcast %ge3A_2458 : i32 to vector<16xi32>
      %ge3A_2460 = arith.cmpi sge, %get3A_2457, %ge3A_2459 : vector<16xi32>
      %sub3A_2461 = arith.constant 512000 : i32
      %sub3A_2462 = vector.broadcast %sub3A_2461 : i32 to vector<16xi32>
      %sub3A_2463 = arith.subi %get3A_2457, %sub3A_2462 : vector<16xi32>
      %select_n3A_2464 = arith.select %ge3A_2460, %sub3A_2463, %get3A_2457 : vector<16xi1>, vector<16xi32>
      %convert_element_type3A_2465 = arith.extui %ge3A_2460 : vector<16xi1> to vector<16xi32>
      %broadcast_in_dim3A_2466 = arith.constant true
      %broadcast_in_dim3A_2467 = vector.broadcast %broadcast_in_dim3A_2466 : i1 to vector<16xi1>
      %masked_cumsum3A_2468 = tpu.scan <sum>, %convert_element_type3A_2465 masked %broadcast_in_dim3A_2467 : vector<16xi32>, vector<16xi1> -> vector<16xi32>
      %add3A_2469 = arith.addi %add3A_2453, %masked_cumsum3A_2468 : vector<16xi32>
      %sub3A_2470 = arith.constant 1 : i32
      %sub3A_2471 = vector.broadcast %sub3A_2470 : i32 to vector<16xi32>
      %sub3A_2472 = arith.subi %add3A_2469, %sub3A_2471 : vector<16xi32>
      tpu.vector_store_idx %arg8[%sub3A_2472], %select_n3A_2464 masked %ge3A_2460 : memref<224xi32, #tpu.memory_space<vmem>>[vector<16xi32>], vector<16xi32>, vector<16xi1>
      %all_reduce_population_count3A_2473 = tpu.all_reduce %ge3A_2460 {dim = 0 : i64, kind = #tpu.reduction_kind<sum>} : vector<16xi1> -> vector<16xi32>
      %add3A_2474 = arith.addi %add3A_2453, %all_reduce_population_count3A_2473 : vector<16xi32>
      %add3A_2475 = arith.constant 112 : i32
      %add3A_2476 = arith.addi %mul3A_2023, %add3A_2475 : i32
      %get3A_2477 = arith.index_cast %add3A_2476 : i32 to index
      %get3A_2478 = tpu.vector_load %arg6[%get3A_2477] {strides = array<i32>} : memref<25616xi32, #tpu.memory_space<vmem>>, vector<16xi32>,
      %ge3A_2479 = arith.constant 512000 : i32
      %ge3A_2480 = vector.broadcast %ge3A_2479 : i32 to vector<16xi32>
      %ge3A_2481 = arith.cmpi sge, %get3A_2478, %ge3A_2480 : vector<16xi32>
      %sub3A_2482 = arith.constant 512000 : i32
      %sub3A_2483 = vector.broadcast %sub3A_2482 : i32 to vector<16xi32>
      %sub3A_2484 = arith.subi %get3A_2478, %sub3A_2483 : vector<16xi32>
      %select_n3A_2485 = arith.select %ge3A_2481, %sub3A_2484, %get3A_2478 : vector<16xi1>, vector<16xi32>
      %convert_element_type3A_2486 = arith.extui %ge3A_2481 : vector<16xi1> to vector<16xi32>
      %broadcast_in_dim3A_2487 = arith.constant true
      %broadcast_in_dim3A_2488 = vector.broadcast %broadcast_in_dim3A_2487 : i1 to vector<16xi1>
      %masked_cumsum3A_2489 = tpu.scan <sum>, %convert_element_type3A_2486 masked %broadcast_in_dim3A_2488 : vector<16xi32>, vector<16xi1> -> vector<16xi32>
      %add3A_2490 = arith.addi %add3A_2474, %masked_cumsum3A_2489 : vector<16xi32>
      %sub3A_2491 = arith.constant 1 : i32
      %sub3A_2492 = vector.broadcast %sub3A_2491 : i32 to vector<16xi32>
      %sub3A_2493 = arith.subi %add3A_2490, %sub3A_2492 : vector<16xi32>
      tpu.vector_store_idx %arg8[%sub3A_2493], %select_n3A_2485 masked %ge3A_2481 : memref<224xi32, #tpu.memory_space<vmem>>[vector<16xi32>], vector<16xi32>, vector<16xi1>
      %all_reduce_population_count3A_2494 = tpu.all_reduce %ge3A_2481 {dim = 0 : i64, kind = #tpu.reduction_kind<sum>} : vector<16xi1> -> vector<16xi32>
      %add3A_2495 = arith.addi %add3A_2474, %all_reduce_population_count3A_2494 : vector<16xi32>
      %add3A_2496 = arith.constant 128 : i32
      %add3A_2497 = arith.addi %mul3A_2023, %add3A_2496 : i32
      %get3A_2498 = arith.index_cast %add3A_2497 : i32 to index
      %get3A_2499 = tpu.vector_load %arg6[%get3A_2498] {strides = array<i32>} : memref<25616xi32, #tpu.memory_space<vmem>>, vector<16xi32>,
      %ge3A_2500 = arith.constant 512000 : i32
      %ge3A_2501 = vector.broadcast %ge3A_2500 : i32 to vector<16xi32>
      %ge3A_2502 = arith.cmpi sge, %get3A_2499, %ge3A_2501 : vector<16xi32>
      %sub3A_2503 = arith.constant 512000 : i32
      %sub3A_2504 = vector.broadcast %sub3A_2503 : i32 to vector<16xi32>
      %sub3A_2505 = arith.subi %get3A_2499, %sub3A_2504 : vector<16xi32>
      %select_n3A_2506 = arith.select %ge3A_2502, %sub3A_2505, %get3A_2499 : vector<16xi1>, vector<16xi32>
      %convert_element_type3A_2507 = arith.extui %ge3A_2502 : vector<16xi1> to vector<16xi32>
      %broadcast_in_dim3A_2508 = arith.constant true
      %broadcast_in_dim3A_2509 = vector.broadcast %broadcast_in_dim3A_2508 : i1 to vector<16xi1>
      %masked_cumsum3A_2510 = tpu.scan <sum>, %convert_element_type3A_2507 masked %broadcast_in_dim3A_2509 : vector<16xi32>, vector<16xi1> -> vector<16xi32>
      %add3A_2511 = arith.addi %add3A_2495, %masked_cumsum3A_2510 : vector<16xi32>
      %sub3A_2512 = arith.constant 1 : i32
      %sub3A_2513 = vector.broadcast %sub3A_2512 : i32 to vector<16xi32>
      %sub3A_2514 = arith.subi %add3A_2511, %sub3A_2513 : vector<16xi32>
      tpu.vector_store_idx %arg8[%sub3A_2514], %select_n3A_2506 masked %ge3A_2502 : memref<224xi32, #tpu.memory_space<vmem>>[vector<16xi32>], vector<16xi32>, vector<16xi1>
      %all_reduce_population_count3A_2515 = tpu.all_reduce %ge3A_2502 {dim = 0 : i64, kind = #tpu.reduction_kind<sum>} : vector<16xi1> -> vector<16xi32>
      %add3A_2516 = arith.addi %add3A_2495, %all_reduce_population_count3A_2515 : vector<16xi32>
      %add3A_2517 = arith.constant 144 : i32
      %add3A_2518 = arith.addi %mul3A_2023, %add3A_2517 : i32
      %get3A_2519 = arith.index_cast %add3A_2518 : i32 to index
      %get3A_2520 = tpu.vector_load %arg6[%get3A_2519] {strides = array<i32>} : memref<25616xi32, #tpu.memory_space<vmem>>, vector<16xi32>,
      %ge3A_2521 = arith.constant 512000 : i32
      %ge3A_2522 = vector.broadcast %ge3A_2521 : i32 to vector<16xi32>
      %ge3A_2523 = arith.cmpi sge, %get3A_2520, %ge3A_2522 : vector<16xi32>
      %sub3A_2524 = arith.constant 512000 : i32
      %sub3A_2525 = vector.broadcast %sub3A_2524 : i32 to vector<16xi32>
      %sub3A_2526 = arith.subi %get3A_2520, %sub3A_2525 : vector<16xi32>
      %select_n3A_2527 = arith.select %ge3A_2523, %sub3A_2526, %get3A_2520 : vector<16xi1>, vector<16xi32>
      %convert_element_type3A_2528 = arith.extui %ge3A_2523 : vector<16xi1> to vector<16xi32>
      %broadcast_in_dim3A_2529 = arith.constant true
      %broadcast_in_dim3A_2530 = vector.broadcast %broadcast_in_dim3A_2529 : i1 to vector<16xi1>
      %masked_cumsum3A_2531 = tpu.scan <sum>, %convert_element_type3A_2528 masked %broadcast_in_dim3A_2530 : vector<16xi32>, vector<16xi1> -> vector<16xi32>
      %add3A_2532 = arith.addi %add3A_2516, %masked_cumsum3A_2531 : vector<16xi32>
      %sub3A_2533 = arith.constant 1 : i32
      %sub3A_2534 = vector.broadcast %sub3A_2533 : i32 to vector<16xi32>
      %sub3A_2535 = arith.subi %add3A_2532, %sub3A_2534 : vector<16xi32>
      tpu.vector_store_idx %arg8[%sub3A_2535], %select_n3A_2527 masked %ge3A_2523 : memref<224xi32, #tpu.memory_space<vmem>>[vector<16xi32>], vector<16xi32>, vector<16xi1>
      %all_reduce_population_count3A_2536 = tpu.all_reduce %ge3A_2523 {dim = 0 : i64, kind = #tpu.reduction_kind<sum>} : vector<16xi1> -> vector<16xi32>
      %add3A_2537 = arith.addi %add3A_2516, %all_reduce_population_count3A_2536 : vector<16xi32>
      %add3A_2538 = arith.constant 160 : i32
      %add3A_2539 = arith.addi %mul3A_2023, %add3A_2538 : i32
      %get3A_2540 = arith.index_cast %add3A_2539 : i32 to index
      %get3A_2541 = tpu.vector_load %arg6[%get3A_2540] {strides = array<i32>} : memref<25616xi32, #tpu.memory_space<vmem>>, vector<16xi32>,
      %ge3A_2542 = arith.constant 512000 : i32
      %ge3A_2543 = vector.broadcast %ge3A_2542 : i32 to vector<16xi32>
      %ge3A_2544 = arith.cmpi sge, %get3A_2541, %ge3A_2543 : vector<16xi32>
      %sub3A_2545 = arith.constant 512000 : i32
      %sub3A_2546 = vector.broadcast %sub3A_2545 : i32 to vector<16xi32>
      %sub3A_2547 = arith.subi %get3A_2541, %sub3A_2546 : vector<16xi32>
      %select_n3A_2548 = arith.select %ge3A_2544, %sub3A_2547, %get3A_2541 : vector<16xi1>, vector<16xi32>
      %convert_element_type3A_2549 = arith.extui %ge3A_2544 : vector<16xi1> to vector<16xi32>
      %broadcast_in_dim3A_2550 = arith.constant true
      %broadcast_in_dim3A_2551 = vector.broadcast %broadcast_in_dim3A_2550 : i1 to vector<16xi1>
      %masked_cumsum3A_2552 = tpu.scan <sum>, %convert_element_type3A_2549 masked %broadcast_in_dim3A_2551 : vector<16xi32>, vector<16xi1> -> vector<16xi32>
      %add3A_2553 = arith.addi %add3A_2537, %masked_cumsum3A_2552 : vector<16xi32>
      %sub3A_2554 = arith.constant 1 : i32
      %sub3A_2555 = vector.broadcast %sub3A_2554 : i32 to vector<16xi32>
      %sub3A_2556 = arith.subi %add3A_2553, %sub3A_2555 : vector<16xi32>
      tpu.vector_store_idx %arg8[%sub3A_2556], %select_n3A_2548 masked %ge3A_2544 : memref<224xi32, #tpu.memory_space<vmem>>[vector<16xi32>], vector<16xi32>, vector<16xi1>
      %all_reduce_population_count3A_2557 = tpu.all_reduce %ge3A_2544 {dim = 0 : i64, kind = #tpu.reduction_kind<sum>} : vector<16xi1> -> vector<16xi32>
      %add3A_2558 = arith.addi %add3A_2537, %all_reduce_population_count3A_2557 : vector<16xi32>
      %add3A_2559 = arith.constant 176 : i32
      %add3A_2560 = arith.addi %mul3A_2023, %add3A_2559 : i32
      %get3A_2561 = arith.index_cast %add3A_2560 : i32 to index
      %get3A_2562 = tpu.vector_load %arg6[%get3A_2561] {strides = array<i32>} : memref<25616xi32, #tpu.memory_space<vmem>>, vector<16xi32>,
      %ge3A_2563 = arith.constant 512000 : i32
      %ge3A_2564 = vector.broadcast %ge3A_2563 : i32 to vector<16xi32>
      %ge3A_2565 = arith.cmpi sge, %get3A_2562, %ge3A_2564 : vector<16xi32>
      %sub3A_2566 = arith.constant 512000 : i32
      %sub3A_2567 = vector.broadcast %sub3A_2566 : i32 to vector<16xi32>
      %sub3A_2568 = arith.subi %get3A_2562, %sub3A_2567 : vector<16xi32>
      %select_n3A_2569 = arith.select %ge3A_2565, %sub3A_2568, %get3A_2562 : vector<16xi1>, vector<16xi32>
      %convert_element_type3A_2570 = arith.extui %ge3A_2565 : vector<16xi1> to vector<16xi32>
      %broadcast_in_dim3A_2571 = arith.constant true
      %broadcast_in_dim3A_2572 = vector.broadcast %broadcast_in_dim3A_2571 : i1 to vector<16xi1>
      %masked_cumsum3A_2573 = tpu.scan <sum>, %convert_element_type3A_2570 masked %broadcast_in_dim3A_2572 : vector<16xi32>, vector<16xi1> -> vector<16xi32>
      %add3A_2574 = arith.addi %add3A_2558, %masked_cumsum3A_2573 : vector<16xi32>
      %sub3A_2575 = arith.constant 1 : i32
      %sub3A_2576 = vector.broadcast %sub3A_2575 : i32 to vector<16xi32>
      %sub3A_2577 = arith.subi %add3A_2574, %sub3A_2576 : vector<16xi32>
      tpu.vector_store_idx %arg8[%sub3A_2577], %select_n3A_2569 masked %ge3A_2565 : memref<224xi32, #tpu.memory_space<vmem>>[vector<16xi32>], vector<16xi32>, vector<16xi1>
      %all_reduce_population_count3A_2578 = tpu.all_reduce %ge3A_2565 {dim = 0 : i64, kind = #tpu.reduction_kind<sum>} : vector<16xi1> -> vector<16xi32>
      %add3A_2579 = arith.addi %add3A_2558, %all_reduce_population_count3A_2578 : vector<16xi32>
      %add3A_2580 = arith.constant 192 : i32
      %add3A_2581 = arith.addi %mul3A_2023, %add3A_2580 : i32
      %get3A_2582 = arith.index_cast %add3A_2581 : i32 to index
      %get3A_2583 = tpu.vector_load %arg6[%get3A_2582] {strides = array<i32>} : memref<25616xi32, #tpu.memory_space<vmem>>, vector<16xi32>,
      %ge3A_2584 = arith.constant 512000 : i32
      %ge3A_2585 = vector.broadcast %ge3A_2584 : i32 to vector<16xi32>
      %ge3A_2586 = arith.cmpi sge, %get3A_2583, %ge3A_2585 : vector<16xi32>
      %sub3A_2587 = arith.constant 512000 : i32
      %sub3A_2588 = vector.broadcast %sub3A_2587 : i32 to vector<16xi32>
      %sub3A_2589 = arith.subi %get3A_2583, %sub3A_2588 : vector<16xi32>
      %select_n3A_2590 = arith.select %ge3A_2586, %sub3A_2589, %get3A_2583 : vector<16xi1>, vector<16xi32>
      %and3A_2591 = arith.andi %ge3A_2586, %lt3A_4 : vector<16xi1>
      %convert_element_type3A_2592 = arith.extui %and3A_2591 : vector<16xi1> to vector<16xi32>
      %broadcast_in_dim3A_2593 = arith.constant true
      %broadcast_in_dim3A_2594 = vector.broadcast %broadcast_in_dim3A_2593 : i1 to vector<16xi1>
      %masked_cumsum3A_2595 = tpu.scan <sum>, %convert_element_type3A_2592 masked %broadcast_in_dim3A_2594 : vector<16xi32>, vector<16xi1> -> vector<16xi32>
      %add3A_2596 = arith.addi %add3A_2579, %masked_cumsum3A_2595 : vector<16xi32>
      %sub3A_2597 = arith.constant 1 : i32
      %sub3A_2598 = vector.broadcast %sub3A_2597 : i32 to vector<16xi32>
      %sub3A_2599 = arith.subi %add3A_2596, %sub3A_2598 : vector<16xi32>
      tpu.vector_store_idx %arg8[%sub3A_2599], %select_n3A_2590 masked %and3A_2591 : memref<224xi32, #tpu.memory_space<vmem>>[vector<16xi32>], vector<16xi32>, vector<16xi1>
      %all_reduce_population_count3A_2600 = tpu.all_reduce %and3A_2591 {dim = 0 : i64, kind = #tpu.reduction_kind<sum>} : vector<16xi1> -> vector<16xi32>
      %add3A_2601 = arith.addi %add3A_2579, %all_reduce_population_count3A_2600 : vector<16xi32>
      %dma_start3A_2602 = arith.constant 1 : i32
      %dma_start3A_2603 = arith.constant 0 : i32
      %dma_start3A_2604 = arith.constant 0 : i32
      %dma_start3A_2605 = tpu.memref_slice %arg9[%dma_start3A_2602, %dma_start3A_2603, %dma_start3A_2604] : memref<2x200x128xf32, #tpu.memory_space<vmem>> -> memref<1x200x128xf32, #tpu.memory_space<vmem>>
      %dma_start3A_2606 = tpu.memref_squeeze %dma_start3A_2605 : memref<1x200x128xf32, #tpu.memory_space<vmem>> -> memref<200x128xf32, #tpu.memory_space<vmem>>
      %dma_start3A_2607 = arith.constant 0 : i32
      %dma_start3A_2608 = arith.constant 0 : i32
      %dma_start3A_2609 = tpu.memref_slice %dma_start3A_2606[%dma_start3A_2607, %dma_start3A_2608] : memref<200x128xf32, #tpu.memory_space<vmem>> -> memref<120x128xf32, #tpu.memory_space<vmem>>
      %dma_start3A_2610 = arith.constant 0 : i32
      %dma_start3A_2611 = tpu.memref_slice %arg8[%dma_start3A_2610] : memref<224xi32, #tpu.memory_space<vmem>> -> memref<120xi32, #tpu.memory_space<vmem>>
      %dma_start3A_2612 = arith.constant 0 : i32
      %dma_start3A_2613 = arith.constant 0 : i32
      %dma_start3A_2614 = tpu.memref_slice %arg3[%dma_start3A_2612, %dma_start3A_2613] : memref<512000x128xf32, #tpu.memory_space<hbm>> -> memref<512000x128xf32, #tpu.memory_space<hbm>>
      tpu.enqueue_indirect_dma source(%dma_start3A_2614 : memref<512000x128xf32, #tpu.memory_space<hbm>>) target(%dma_start3A_2609 : memref<120x128xf32, #tpu.memory_space<vmem>>) offsets(%dma_start3A_2611 : memref<120xi32, #tpu.memory_space<vmem>>) semaphore(%arg13 : memref<!tpu.dma_semaphore, #tpu.memory_space<semaphore_mem>>)
      %dma_start3A_2615 = arith.constant 1 : i32
      %dma_start3A_2616 = arith.constant 0 : i32
      %dma_start3A_2617 = arith.constant 0 : i32
      %dma_start3A_2618 = tpu.memref_slice %arg9[%dma_start3A_2615, %dma_start3A_2616, %dma_start3A_2617] : memref<2x200x128xf32, #tpu.memory_space<vmem>> -> memref<1x200x128xf32, #tpu.memory_space<vmem>>
      %dma_start3A_2619 = tpu.memref_squeeze %dma_start3A_2618 : memref<1x200x128xf32, #tpu.memory_space<vmem>> -> memref<200x128xf32, #tpu.memory_space<vmem>>
      %dma_start3A_2620 = arith.constant 120 : i32
      %dma_start3A_2621 = arith.constant 0 : i32
      %dma_start3A_2622 = tpu.memref_slice %dma_start3A_2619[%dma_start3A_2620, %dma_start3A_2621] : memref<200x128xf32, #tpu.memory_space<vmem>> -> memref<80x128xf32, #tpu.memory_space<vmem>>
      %dma_start3A_2623 = arith.constant 120 : i32
      %dma_start3A_2624 = tpu.memref_slice %arg8[%dma_start3A_2623] : memref<224xi32, #tpu.memory_space<vmem>> -> memref<80xi32, #tpu.memory_space<vmem>>
      %dma_start3A_2625 = arith.constant 0 : i32
      %dma_start3A_2626 = arith.constant 0 : i32
      %dma_start3A_2627 = tpu.memref_slice %arg3[%dma_start3A_2625, %dma_start3A_2626] : memref<512000x128xf32, #tpu.memory_space<hbm>> -> memref<512000x128xf32, #tpu.memory_space<hbm>>
      tpu.enqueue_indirect_dma source(%dma_start3A_2627 : memref<512000x128xf32, #tpu.memory_space<hbm>>) target(%dma_start3A_2622 : memref<80x128xf32, #tpu.memory_space<vmem>>) offsets(%dma_start3A_2624 : memref<80xi32, #tpu.memory_space<vmem>>) semaphore(%arg13 : memref<!tpu.dma_semaphore, #tpu.memory_space<semaphore_mem>>)
      scf.yield %squeeze3A_1646, %squeeze3A_2327 : i32, i32
    }
    %scan3A_1213 = arith.constant 64 : i32
    %dma_wait3A = arith.constant 0 : i32
    %dma_wait3A_1214 = arith.constant 0 : i32
    %dma_wait3A_1215 = arith.constant 0 : i32
    %dma_wait3A_1216 = tpu.memref_slice %arg9[%dma_wait3A, %dma_wait3A_1214, %dma_wait3A_1215] : memref<2x200x128xf32, #tpu.memory_space<vmem>> -> memref<1x200x128xf32, #tpu.memory_space<vmem>>
    %dma_wait3A_1217 = tpu.memref_squeeze %dma_wait3A_1216 : memref<1x200x128xf32, #tpu.memory_space<vmem>> -> memref<200x128xf32, #tpu.memory_space<vmem>>
    %dma_wait3A_1218 = arith.constant 0 : i32
    %dma_wait3A_1219 = arith.constant 0 : i32
    %dma_wait3A_1220 = tpu.memref_slice %dma_wait3A_1217[%dma_wait3A_1218, %dma_wait3A_1219] : memref<200x128xf32, #tpu.memory_space<vmem>> -> memref<120x128xf32, #tpu.memory_space<vmem>>
    %dma_wait3A_1221 = arith.constant 0 : i32
    %dma_wait3A_1222 = tpu.memref_slice %arg7[%dma_wait3A_1221] : memref<224xi32, #tpu.memory_space<vmem>> -> memref<120xi32, #tpu.memory_space<vmem>>
    %dma_wait3A_1223 = arith.constant 0 : i32
    %dma_wait3A_1224 = arith.constant 0 : i32
    %dma_wait3A_1225 = tpu.memref_slice %arg3[%dma_wait3A_1223, %dma_wait3A_1224] : memref<512000x128xf32, #tpu.memory_space<hbm>> -> memref<512000x128xf32, #tpu.memory_space<hbm>>
    tpu.wait_indirect_dma semaphore(%arg12 : memref<!tpu.dma_semaphore, #tpu.memory_space<semaphore_mem>>) src(%dma_wait3A_1225 : memref<512000x128xf32, #tpu.memory_space<hbm>>) dst(%dma_wait3A_1220 : memref<120x128xf32, #tpu.memory_space<vmem>>)
    %dma_wait3A_1226 = arith.constant 0 : i32
    %dma_wait3A_1227 = arith.constant 0 : i32
    %dma_wait3A_1228 = arith.constant 0 : i32
    %dma_wait3A_1229 = tpu.memref_slice %arg9[%dma_wait3A_1226, %dma_wait3A_1227, %dma_wait3A_1228] : memref<2x200x128xf32, #tpu.memory_space<vmem>> -> memref<1x200x128xf32, #tpu.memory_space<vmem>>
    %dma_wait3A_1230 = tpu.memref_squeeze %dma_wait3A_1229 : memref<1x200x128xf32, #tpu.memory_space<vmem>> -> memref<200x128xf32, #tpu.memory_space<vmem>>
    %dma_wait3A_1231 = arith.constant 120 : i32
    %dma_wait3A_1232 = arith.constant 0 : i32
    %dma_wait3A_1233 = tpu.memref_slice %dma_wait3A_1230[%dma_wait3A_1231, %dma_wait3A_1232] : memref<200x128xf32, #tpu.memory_space<vmem>> -> memref<80x128xf32, #tpu.memory_space<vmem>>
    %dma_wait3A_1234 = arith.constant 120 : i32
    %dma_wait3A_1235 = tpu.memref_slice %arg7[%dma_wait3A_1234] : memref<224xi32, #tpu.memory_space<vmem>> -> memref<80xi32, #tpu.memory_space<vmem>>
    %dma_wait3A_1236 = arith.constant 0 : i32
    %dma_wait3A_1237 = arith.constant 0 : i32
    %dma_wait3A_1238 = tpu.memref_slice %arg3[%dma_wait3A_1236, %dma_wait3A_1237] : memref<512000x128xf32, #tpu.memory_space<hbm>> -> memref<512000x128xf32, #tpu.memory_space<hbm>>
    tpu.wait_indirect_dma semaphore(%arg12 : memref<!tpu.dma_semaphore, #tpu.memory_space<semaphore_mem>>) src(%dma_wait3A_1238 : memref<512000x128xf32, #tpu.memory_space<hbm>>) dst(%dma_wait3A_1233 : memref<80x128xf32, #tpu.memory_space<vmem>>)
    %dma_wait3A_1239 = arith.constant 1 : i32
    %dma_wait3A_1240 = arith.constant 0 : i32
    %dma_wait3A_1241 = arith.constant 0 : i32
    %dma_wait3A_1242 = tpu.memref_slice %arg9[%dma_wait3A_1239, %dma_wait3A_1240, %dma_wait3A_1241] : memref<2x200x128xf32, #tpu.memory_space<vmem>> -> memref<1x200x128xf32, #tpu.memory_space<vmem>>
    %dma_wait3A_1243 = tpu.memref_squeeze %dma_wait3A_1242 : memref<1x200x128xf32, #tpu.memory_space<vmem>> -> memref<200x128xf32, #tpu.memory_space<vmem>>
    %dma_wait3A_1244 = arith.constant 0 : i32
    %dma_wait3A_1245 = arith.constant 0 : i32
    %dma_wait3A_1246 = tpu.memref_slice %dma_wait3A_1243[%dma_wait3A_1244, %dma_wait3A_1245] : memref<200x128xf32, #tpu.memory_space<vmem>> -> memref<120x128xf32, #tpu.memory_space<vmem>>
    %dma_wait3A_1247 = arith.constant 0 : i32
    %dma_wait3A_1248 = tpu.memref_slice %arg8[%dma_wait3A_1247] : memref<224xi32, #tpu.memory_space<vmem>> -> memref<120xi32, #tpu.memory_space<vmem>>
    %dma_wait3A_1249 = arith.constant 0 : i32
    %dma_wait3A_1250 = arith.constant 0 : i32
    %dma_wait3A_1251 = tpu.memref_slice %arg3[%dma_wait3A_1249, %dma_wait3A_1250] : memref<512000x128xf32, #tpu.memory_space<hbm>> -> memref<512000x128xf32, #tpu.memory_space<hbm>>
    tpu.wait_indirect_dma semaphore(%arg13 : memref<!tpu.dma_semaphore, #tpu.memory_space<semaphore_mem>>) src(%dma_wait3A_1251 : memref<512000x128xf32, #tpu.memory_space<hbm>>) dst(%dma_wait3A_1246 : memref<120x128xf32, #tpu.memory_space<vmem>>)
    %dma_wait3A_1252 = arith.constant 1 : i32
    %dma_wait3A_1253 = arith.constant 0 : i32
    %dma_wait3A_1254 = arith.constant 0 : i32
    %dma_wait3A_1255 = tpu.memref_slice %arg9[%dma_wait3A_1252, %dma_wait3A_1253, %dma_wait3A_1254] : memref<2x200x128xf32, #tpu.memory_space<vmem>> -> memref<1x200x128xf32, #tpu.memory_space<vmem>>
    %dma_wait3A_1256 = tpu.memref_squeeze %dma_wait3A_1255 : memref<1x200x128xf32, #tpu.memory_space<vmem>> -> memref<200x128xf32, #tpu.memory_space<vmem>>
    %dma_wait3A_1257 = arith.constant 120 : i32
    %dma_wait3A_1258 = arith.constant 0 : i32
    %dma_wait3A_1259 = tpu.memref_slice %dma_wait3A_1256[%dma_wait3A_1257, %dma_wait3A_1258] : memref<200x128xf32, #tpu.memory_space<vmem>> -> memref<80x128xf32, #tpu.memory_space<vmem>>
    %dma_wait3A_1260 = arith.constant 120 : i32
    %dma_wait3A_1261 = tpu.memref_slice %arg8[%dma_wait3A_1260] : memref<224xi32, #tpu.memory_space<vmem>> -> memref<80xi32, #tpu.memory_space<vmem>>
    %dma_wait3A_1262 = arith.constant 0 : i32
    %dma_wait3A_1263 = arith.constant 0 : i32
    %dma_wait3A_1264 = tpu.memref_slice %arg3[%dma_wait3A_1262, %dma_wait3A_1263] : memref<512000x128xf32, #tpu.memory_space<hbm>> -> memref<512000x128xf32, #tpu.memory_space<hbm>>
    tpu.wait_indirect_dma semaphore(%arg13 : memref<!tpu.dma_semaphore, #tpu.memory_space<semaphore_mem>>) src(%dma_wait3A_1264 : memref<512000x128xf32, #tpu.memory_space<hbm>>) dst(%dma_wait3A_1259 : memref<80x128xf32, #tpu.memory_space<vmem>>)
    "tpu.region"() ({
      %run_scoped3A = tpu.sem_alloc : memref<!tpu.dma_semaphore, #tpu.memory_space<semaphore_mem>>
      %dma_start3A_1265 = arith.constant 0 : i32
      %dma_start3A_1266 = tpu.memref_slice %arg5[%mul3A_2, %dma_start3A_1265] : memref<4096x64xf32, #tpu.memory_space<hbm>> -> memref<128x64xf32, #tpu.memory_space<hbm>>
      %dma_start3A_1267 = arith.constant 0 : i32
      %dma_start3A_1268 = tpu.memref_slice %arg5[%mul3A_2, %dma_start3A_1267] : memref<4096x64xf32, #tpu.memory_space<hbm>> -> memref<128x64xf32, #tpu.memory_space<hbm>>
      tpu.enqueue_dma source(%arg10 : memref<128x64xf32, #tpu.memory_space<vmem>>) target(%dma_start3A_1268 : memref<128x64xf32, #tpu.memory_space<hbm>>) target_semaphore(%run_scoped3A : memref<!tpu.dma_semaphore, #tpu.memory_space<semaphore_mem>>)
      %dma_wait3A_1269 = arith.constant 0 : i32
      %dma_wait3A_1270 = tpu.memref_slice %arg5[%mul3A_2, %dma_wait3A_1269] : memref<4096x64xf32, #tpu.memory_space<hbm>> -> memref<128x64xf32, #tpu.memory_space<hbm>>
      %dma_wait3A_1271 = arith.constant 0 : i32
      %dma_wait3A_1272 = tpu.memref_slice %arg5[%mul3A_2, %dma_wait3A_1271] : memref<4096x64xf32, #tpu.memory_space<hbm>> -> memref<128x64xf32, #tpu.memory_space<hbm>>
      tpu.wait_dma2 semaphore(%run_scoped3A : memref<!tpu.dma_semaphore, #tpu.memory_space<semaphore_mem>>) src(%arg10 : memref<128x64xf32, #tpu.memory_space<vmem>>) dst(%dma_wait3A_1272 : memref<128x64xf32, #tpu.memory_space<hbm>>)
      tpu.yield
    }) : () -> ()
    return
  }
}

</mosaic_0001>

<sc_bundles>
// kernel: _pool.3.cloned.1.call-start
scs
__scs_entry_jumppad:
0x0: {  	(pc) =	sbr.rel $0x88, $3  }
0x1: {  	(tag) =	ssettag $0x0;
	lr =	simm.s32 $0x1  }
0x2: {  	[smem:$0x3F9E] =	sst lr;
	_ =	strace $0xD0000000  }
0x3: {  	_ = 	snop  }
0x4: {  	_ = 	snop  }
0x5: {  	_ = 	snop  }
0x6: {  	_ = 	snop  }
0x7: {  	_ = 	snop  }
__scs_overlays_trampoline_lowered:
0x8: {  	[smem:$0x3FAD] =	sst s0  }
0x9: {  	[smem:$0x3FAE] =	sst s1  }
0xa: {  	[smem:$0x3FAF] =	sst s2  }
0xb: {  	[smem:$0x3FB0] =	sst s3  }
0xc: {  	[smem:$0x3FB1] =	sst s4  }
0xd: {  	[smem:$0x3FB2] =	sst s5  }
0xe: {  	[smem:$0x3FB3] =	sst s6  }
0xf: {  	[smem:$0x3FB4] =	sst s7  }
0x10: {  	[smem:$0x3FB5] =	sst s8  }
0x11: {  	[smem:$0x3FB6] =	sst s9;
	s0 =	simm.s32 @!p0 $0x0  }
0x12: {  	s1 =	sld [smem:$0x3F9C];
	s0 =	simm.s32 @p0 $0x1  }
0x13: {  	[smem:$0x3FB7] =	sst s0;
	s0 =	simm.s32 @!p1 $0x0  }
0x14: {  	s2 =	sld [smem:$0x3F9B];
	s0 =	simm.s32 @p1 $0x1  }
0x15: {  	[smem:$0x3FB8] =	sst s0;
	s0 =	simm.s32 @!p2 $0x0  }
0x16: {  	s3 =	sld [smem:$0x3FDB];
	s0 =	simm.s32 @p2 $0x1  }
0x17: {  	s4 =	simm.s32 $0x1BF5;
	[smem:$0x3FBA] =	sst s0  }
0x18: {  	s0 =	sld [smem:$0x3F9D];
	_ =	swait.ge [sflag:s4], $0x0  }
0x19: {  	s7 =	sld [smem:$0x3F9E]  }
0x1a: {  	s8 =	sadd.s32 $0xFFFFE003, lr  }
0x1b: {  	s9 =	sadd.s32 $0xFFFFFEF7, lr;
	s5 =	simm.s32 $0xFFFFFFFF;
	p2 =	slt.u32 s8, $0xFFFFF086  }
0x1c: {  	p1 =	slt.u32 s9, $0xF7A;
	s5 =	simm.s32 @!p2 $0x0  }
0x1d: {  	s5 =	simm.s32 @p1 $0x1;
	p0 =	seq.s32 s7, s2  }
0x1e: {  	s7 =	smul.u32 @!p0 $0xF7A, s2;
	p2 =	seq.s32 @!p0 s5, $0x0  }
0x1f: {  	s9 =	smul.u32 $0xF7A, s1;
	s8 =	simm.s32 @!p0 $0x1BF5;
	p2 =	por !p2, p0  }
0x20: {  	[sflag:s8] =	ssyncset.s32 @!p0 $0xFFFFF086;
	s6 =	sadd.s32 @!p0 s3, s7;
	s7 =	simm.s32 @!p0 $0x108  }
0x21: {  	s3 =	sadd.s32 s3, s9;
	s6 =	sadd.s32 @!p0 $0x88, s6;
	s7 =	simm.s32 @p2 $0x1082  }
0x22: {  	[simem:s7], [sflag:s8] =	dma.local @!p0 [hbm:s6], $0xF7A  }
0x23: {  	s9 =	sor.u32 $0xD0000000, s2;
	s6 =	simm.s32 $0x108;
	_ =	swait.ge @!p0 [sflag:s8], $0x0  }
0x24: {  	s3 =	sadd.s32 $0x88, s3;
	s6 =	simm.s32 @!p1 $0x1082;
	[sflag:s4] =	ssyncset.s32 $0xFFFFF086  }
0x25: {  	[simem:s6], [sflag:s4] =	dma.local [hbm:s3], $0xF7A  }
0x26: {  	[smem:$0x3F9E] =	sst s1;
	(tag) =	ssettag s2;
	_ =	strace s9  }
0x27: {  	s1 =	sld [smem:$0x3FAE]  }
0x28: {  	s2 =	sld [smem:$0x3FAF]  }
0x29: {  	s4 =	sld [smem:$0x3FB1]  }
0x2a: {  	p0 =	seq.s32 s5, $0x0;
	s5 =	sld [smem:$0x3FB2]  }
0x2b: {  	s6 =	sld [smem:$0x3FB3]  }
0x2c: {  	s7 =	sld [smem:$0x3FB4]  }
0x2d: {  	s3 =	simm.s32 $0x108;
	s8 =	sld [smem:$0x3FB5]  }
0x2e: {  	s3 =	simm.s32 @!p0 $0x1082;
	s9 =	sld [smem:$0x3FB6]  }
0x2f: {  	lr =	sadd.s32 s0, s3;
	s0 =	sld [smem:$0x3FAD]  }
0x30: {  	s3 =	sld [smem:$0x3FB0]  }
0x31: {  	[smem:$0x3FB9] =	sst s10  }
0x32: {  	s10 =	sld [smem:$0x3FB7];
	_ =	sdelay $0x3  }
0x33: {  	p0 =	seq.s32 s10, $0x1;
	s10 =	sld [smem:$0x3FB9];
	_ =	sdelay $0x3  }
0x34: {  	[smem:$0x3FB9] =	sst s10  }
0x35: {  	s10 =	sld [smem:$0x3FB8];
	_ =	sdelay $0x3  }
0x36: {  	p1 =	seq.s32 s10, $0x1;
	s10 =	sld [smem:$0x3FB9];
	_ =	sdelay $0x3  }
0x37: {  	[smem:$0x3FB9] =	sst s10  }
0x38: {  	s10 =	sld [smem:$0x3FBA]  }
0x39: {  	_ = 	snop;
	(pc) =	sbr.ind lr, $3  }
0x3a: {  	_ = 	snop  }
0x3b: {  	_ = 	snop  }
0x3c: {  	p2 =	seq.s32 s10, $0x1;
	s10 =	sld [smem:$0x3FB9]  }
0x3d: {  	_ =	shalt  }
0x3e: {  	_ =	shalt  }
0x3f: {  	_ =	shalt  }
0x40: {  	_ =	shalt  }
0x41: {  	_ =	shalt  }
0x42: {  	_ =	shalt  }
0x43: {  	_ =	shalt  }
0x44: {  	_ =	shalt  }
0x45: {  	_ =	shalt  }
0x46: {  	_ =	shalt  }
0x47: {  	_ =	shalt  }
0x48: {  	_ =	shalt  }
0x49: {  	_ =	shalt  }
0x4a: {  	_ =	shalt  }
0x4b: {  	_ =	shalt  }
0x4c: {  	_ =	shalt  }
0x4d: {  	_ =	shalt  }
0x4e: {  	_ =	shalt  }
0x4f: {  	_ =	shalt  }
0x50: {  	_ =	shalt  }
0x51: {  	_ =	shalt  }
0x52: {  	_ =	shalt  }
0x53: {  	_ =	shalt  }
0x54: {  	_ =	shalt  }
0x55: {  	_ =	shalt  }
0x56: {  	_ =	shalt  }
0x57: {  	_ =	shalt  }
0x58: {  	_ =	shalt  }
0x59: {  	_ =	shalt  }
0x5a: {  	_ =	shalt  }
0x5b: {  	_ =	shalt  }
0x5c: {  	_ =	shalt  }
0x5d: {  	_ =	shalt  }
0x5e: {  	_ =	shalt  }
0x5f: {  	_ =	shalt  }
0x60: {  	_ =	shalt  }
0x61: {  	_ =	shalt  }
0x62: {  	_ =	shalt  }
0x63: {  	_ =	shalt  }
0x64: {  	_ =	shalt  }
0x65: {  	_ =	shalt  }
0x66: {  	_ =	shalt  }
0x67: {  	_ =	shalt  }
0x68: {  	_ =	shalt  }
0x69: {  	_ =	shalt  }
0x6a: {  	_ =	shalt  }
0x6b: {  	_ =	shalt  }
0x6c: {  	_ =	shalt  }
0x6d: {  	_ =	shalt  }
0x6e: {  	_ =	shalt  }
0x6f: {  	_ =	shalt  }
0x70: {  	_ =	shalt  }
0x71: {  	_ =	shalt  }
0x72: {  	_ =	shalt  }
0x73: {  	_ =	shalt  }
0x74: {  	_ =	shalt  }
0x75: {  	_ =	shalt  }
0x76: {  	_ =	shalt  }
0x77: {  	_ =	shalt  }
0x78: {  	_ =	shalt  }
0x79: {  	_ =	shalt  }
0x7a: {  	_ =	shalt  }
0x7b: {  	_ =	shalt  }
0x7c: {  	_ =	shalt  }
0x7d: {  	_ =	shalt  }
0x7e: {  	_ =	shalt  }
0x7f: {  	_ =	shalt  }
0x80: {  	_ =	shalt  }
0x81: {  	_ =	shalt  }
0x82: {  	_ =	shalt  }
0x83: {  	_ =	shalt  }
0x84: {  	_ =	shalt  }
0x85: {  	_ =	shalt  }
0x86: {  	_ =	shalt  }
0x87: {  	_ =	shalt  }
.Lfunc_end0:
.L_simem_size_0:
called_computation_lowered:
.L_overlay_start_0:
0x88: {  	s2 =	sld [smem:$0x3FD9]  }
0x89: {  	s3 =	sld [smem:$0x3FFE];
	_ =	sdelay $0x1  }
0x8a: {  	s1 =	srdreg.scid  }
0x8b: {  	s0 =	sand.u32 $0x1, s1  }
0x8c: {  	s17 =	sshll.u32 s0, $0xA;
	s2 =	sadd.s32 s3, s2  }
0x8d: {  	s2 =	sadd.s32 s2, s17  }
0x8e: {  	[smem:$0x3FC5] =	sst s2  }
0x8f: {  	_ = 	snop  }
0x90: {  	s2 =	sld [smem:$0x3FC9]  }
0x91: {  	s18 =	sld [smem:$0x3FC8]  }
0x92: {  	s4 =	sld [smem:$0x3FC7];
	(tm) =	ssettm $0x1  }
0x93: {  	s5 =	sld [smem:$0x3FFB];
	_ =	sdelay $0x3  }
0x94: {  	_ =	strace s5  }
0x95: {  	s5 =	sld [smem:$0x3FFC];
	_ =	sdelay $0x3  }
0x96: {  	_ =	strace s5  }
0x97: {  	s5 =	sld [smem:$0x3FFD];
	_ =	sdelay $0x3  }
0x98: {  	_ =	strace s5  }
0x99: {  	_ =	strace $0x8FFFFFFF  }
0x9a: {  	s19 =	sld [smem:$0x3FDB];
	_ =	sdelay $0x1  }
0x9b: {  	s6 =	simm.s32 $_scs_section_size  }
0x9c: {  	s7 =	simm.s32 $_size__tile_overlayer_lowered;
	s8 =	simm.s32 $_tile_overlayer_lowered  }
0x9d: {  	s22 =	simm.s32 $0x1BFF;
	s21 =	sshll.u32 s8, $0x1;
	s5 =	sadd.s32 s6, s19  }
0x9e: {  	s9 =	simm.s32 $0x0;
	s20 =	sshll.u32 s7, $0x1;
	s7 =	sadd.s32 s21, s5  }
0x9f: {  	[timem:s9], [sflag:s22] =	dma.local [hbm:s7], s20  }
0xa0: {  	_ =	swait.ge [sflag:s22], s20  }
0xa1: {  	s6 =	ssub.s32 $0x0, s20;
	[sflag:s22] =	ssyncset.done $0x0  }
0xa2: {  	[sflag:s22] =	ssyncadd.s32 s6;
	_ =	sdelay $0x1  }
0xa3: {  	s23 =	simm.s32 $0x1B8B  }
0xa4: {  	_ =	swait.ge [sflag:s23], $0x1  }
0xa5: {  	[sflag:s23] =	ssyncset.done $0x0  }
0xa6: {  	s25 =	simm.s32 $0x1B8E;
	s24 =	sld [smem:$0x3FFE];
	[sflag:s23] =	ssyncadd.s32 $0xFFFFFFFF  }
0xa7: {  	s26 =	simm.s32 $execute0_lowered;
	[smem:$0x3FD2] =	sst s25  }
0xa8: {  	s7 =	sshll.u32 s26, $0x1;
	_ =	strace $0x80000046;
	[dreg:$0x1] =	wrdreg $0xFFFFFFFF  }
0xa9: {  	s28 =	simm.s32 $_size_execute0_lowered;
	s5 =	sadd.s32 s5, s7;
	[dreg:$0x0] =	wrdreg $0x0  }
0xaa: {  	s7 =	sshll.u32 s28, $0x1;
	[dreg:$0x2] =	wrdreg s5  }
0xab: {  	[dreg:$0x3] =	wrdreg s7  }
0xac: {  	[dreg:$0x4] =	wrdreg $0xC0  }
0xad: {  	_ =	task [dreg:s9], $0x5FFFF  }
0xae: {  	[dreg:$0x1] =	wrdreg $0xFFFFFFFF  }
0xaf: {  	[dreg:$0x0] =	wrdreg $0x60  }
0xb0: {  	[dreg:$0x2] =	wrdreg s2  }
0xb1: {  	[dreg:$0x3] =	wrdreg s18  }
0xb2: {  	[dreg:$0x4] =	wrdreg s4  }
0xb3: {  	[dreg:$0x5] =	wrdreg s24  }
0xb4: {  	[dreg:$0x6] =	wrdreg $0x9  }
0xb5: {  	_ =	task.clear_ibuf [dreg:s9], $0x7FFFF;
	_ =	strace $0x90000046  }
0xb6: {  	s29 =	simm.s32 $0x9;
	_ =	strace $0x80000048  }
0xb7: {  	_ =	swait.ge [sflag:s29], $0x1  }
0xb8: {  	[sflag:s29] =	ssyncadd.s32 $0xFFFFFFFF  }
0xb9: {  	_ =	strace $0x90000048  }
0xba: {  	_ =	sfence  }
0xbb: {  	s30 =	sld [smem:$0x0];
	_ =	sdelay $0x2  }
0xbc: {  	s31 =	sshll.u32 s1, $0xD;
	s1 =	sshrl.u32 s1, $0x2  }
0xbd: {  	s3 =	sand.u32 $0x4000, s31;
	s1 =	sadd.s32 s1, s30  }
0xbe: {  	s0 =	sor.u32 s3, s0;
	s1 =	sshll.u32 s1, $0x11  }
0xbf: {  	s0 =	sor.u32 s1, s0  }
0xc0: {  	s0 =	sadd.s32 $0x8F2B, s0  }
0xc1: {  	[sflag:s0] =	ssyncadd.remote.s32 $0x1  }
0xc2: {  	_ =	sfence.sel $0xFFFF  }
0xc3: {  	[dreg:$0x0] =	wrdreg $0xFFFFFFFF;
	(pc) =	sbr.abs _section_cstart, $3  }
0xc4: {  	[dreg:$0x1] =	wrdreg $0xFFFFFFFF  }
0xc5: {  	_ =	task.clear_ibuf [dreg:s9], $0x2FFFF;
	_ =	strace $0x9FFFFFFF  }
0xc6: {  	(tm) =	ssettm $0x7FFFFFFF  }
0xc7: {  	_ =	shalt  }
tec
execute0_lowered:
.L_overlay_start_1:
0x0: {  	(tag) =	ssettag $0x1  }
0x1: {  	s0 =	rddreg [dreg:$0x0]  }
0x2: {  	s1 =	rddreg [dreg:$0x1]  }
0x3: {  	s2 =	srdreg.scid;
	s4 =	stileid.u32  }
0x4: {  	s3 =	rddreg [dreg:$0x3];
	s8 =	simm.s32 $0x3;
	s10 =	simm.s32 $0x6480  }
0x5: {  	s11 =	simm.s32 $0x78;
	s12 =	simm.s32 $0x6680;
	s13 =	simm.s32 $0x50  }
0x6: {  	s14 =	simm.s32 $0x64F8;
	s15 =	simm.s32 $0xA280;
	s16 =	simm.s32 $0x6580  }
0x7: {  	s17 =	simm.s32 $0xCA80;
	s2 =	sand.u32 $0x1, s2;
	s5 =	sshll.u32 s4, $0x1  }
0x8: {  	s18 =	simm.s32 $0x65F8;
	s4 =	simm.s32 $0x0;
	s5 =	sor.u32 s2, s5  }
0x9: {  	s19 =	simm.s32 $0x10680;
	[smem:$0x7FF] =	sst s4;
	s6 =	smul.u32 $0xC80, s5  }
0xa: {  	s2 =	ssub.s32 $0x2, s2;
	_ =	strace $0x80000047;
	s5 =	sshll.u32 s5, $0xB  }
0xb: {  	s7 =	sshrl.u32 s2, $0x1;
	s3 =	sadd.s32 s5, s3;
	s0 =	sadd.s32 s0, s6  }
0xc: {  	s2 =	ssub.s32 s2, s7;
	s30 =	sadd.s32 $0x400, s3;
	[dreg:$0x5] =	wrdreg s0  }
0xd: {  	s20 =	simm.s32 $0x1;
	s31 =	smax.u32 s2, $0x1;
	[dreg:$0x6] =	wrdreg s30  }
0xe: {  	v0 =	vimm.s32 $0x0;
	vm0 =	vmmov $0xff;
	s21 =	simm.s32 $0x2;
	s23 =	simm.s32 $0x0;
	[dreg:$0x7] =	wrdreg s31  }
.LBB2_1:
0xf: {  	s0 =	rddreg [dreg:$0x5]  }
0x10: {  	[tilespmem:s4], [sflag:$0x3] =	stream.linear.gather [hbm4b:s0+s4], $0x6400, $0x38;
	[tilespmem:$0x16F00] =	vst v63  }
0x11: {  	_ =	swait.ge [sflag:s8], $0x6400  }
0x12: {  	[sflag:s8] =	ssyncset.done $0x0  }
0x13: {  	[sflag:s8] =	ssyncadd.s32 $0xFFFF9C00  }
0x14: {  	s2 =	simm.s32 $0x16E80;
	s31 =	rddreg [dreg:$0x2]  }
0x15: {  	[tilespmem:s2], [sflag:$0x3] =	stream.linear.gather [hbm4b:s31+s4], $0x80, $0x38;
	[tilespmem:$0x16F00] =	vst v63  }
0x16: {  	_ =	swait.ge [sflag:s8], $0x80  }
0x17: {  	[sflag:s8] =	ssyncset.done $0x0  }
0x18: {  	[sflag:s8] =	ssyncadd.s32 $0xFFFFFF80  }
0x19: {  	v1 =	vld [tilespmem:$0x0];
	_ =	sdelay $0x4  }
0x1a: {  	vm1 =	vlt.s32 v1, $0x7D000  }
0x1b: {  	v2 =	vsel vm1, $0x1, v0  }
0x1c: {  	(xrf0) =	vadd.scan.msk.s32 $0xffff, v2;
	_ =	sdelay $0x5  }
0x1d: {  	v2, _, _ =	vpop (xrf0)  }
0x1e: {  	v2 =	vadd.s32 $0xFFFFFFFF, v2;
	_ =	sdelay $0x2  }
0x1f: {  	v3 =	vadd.s32 $0xFFF83000, v1  }
0x20: {  	v1 =	vsel vm1, v1, v3  }
0x21: {  	[tilespmem:v2+s10+$0x0] =	vst.idx.msk vm1, v1  }
0x22: {  	v1 =	vld [tilespmem:$0x10];
	_ =	sdelay $0x4  }
0x23: {  	vm2 =	vlt.s32 v1, $0x7D000  }
0x24: {  	v2 =	vsel vm2, $0x1, v0  }
0x25: {  	(xrf0) =	vadd.scan.msk.s32 $0xffff, v2;
	_ =	sdelay $0x4  }
0x26: {  	v2 =	vmpcnt.ones.xlane vm1  }
0x27: {  	v3, _, _ =	vpop (xrf0)  }
0x28: {  	v3 =	vadd.s32 v3, v2  }
0x29: {  	v3 =	vadd.s32 $0xFFFFFFFF, v3;
	_ =	sdelay $0x2  }
0x2a: {  	v4 =	vadd.s32 $0xFFF83000, v1  }
0x2b: {  	v1 =	vsel vm2, v1, v4  }
0x2c: {  	[tilespmem:v3+s10+$0x0] =	vst.idx.msk vm2, v1  }
0x2d: {  	v1 =	vld [tilespmem:$0x20];
	_ =	sdelay $0x4  }
0x2e: {  	vm1 =	vlt.s32 v1, $0x7D000  }
0x2f: {  	v3 =	vsel vm1, $0x1, v0  }
0x30: {  	(xrf0) =	vadd.scan.msk.s32 $0xffff, v3;
	_ =	sdelay $0x1  }
0x31: {  	v3 =	vmpcnt.ones.xlane vm2;
	_ =	sdelay $0x3  }
0x32: {  	v2 =	vadd.s32 v2, v3;
	v3, _, _ =	vpop (xrf0)  }
0x33: {  	v3 =	vadd.s32 v3, v2  }
0x34: {  	v3 =	vadd.s32 $0xFFFFFFFF, v3;
	_ =	sdelay $0x2  }
0x35: {  	v25 =	vadd.s32 $0xFFF83000, v1  }
0x36: {  	v1 =	vsel vm1, v1, v25  }
0x37: {  	[tilespmem:v3+s10+$0x0] =	vst.idx.msk vm1, v1  }
0x38: {  	v1 =	vld [tilespmem:$0x30];
	_ =	sdelay $0x4  }
0x39: {  	vm2 =	vlt.s32 v1, $0x7D000  }
0x3a: {  	v3 =	vsel vm2, $0x1, v0  }
0x3b: {  	(xrf0) =	vadd.scan.msk.s32 $0xffff, v3;
	_ =	sdelay $0x1  }
0x3c: {  	v3 =	vmpcnt.ones.xlane vm1;
	_ =	sdelay $0x3  }
0x3d: {  	v2 =	vadd.s32 v2, v3;
	v3, _, _ =	vpop (xrf0)  }
0x3e: {  	v3 =	vadd.s32 v3, v2  }
0x3f: {  	v3 =	vadd.s32 $0xFFFFFFFF, v3;
	_ =	sdelay $0x2  }
0x40: {  	v26 =	vadd.s32 $0xFFF83000, v1  }
0x41: {  	v1 =	vsel vm2, v1, v26  }
0x42: {  	[tilespmem:v3+s10+$0x0] =	vst.idx.msk vm2, v1  }
0x43: {  	v1 =	vld [tilespmem:$0x40];
	_ =	sdelay $0x4  }
0x44: {  	vm1 =	vlt.s32 v1, $0x7D000  }
0x45: {  	v3 =	vsel vm1, $0x1, v0  }
0x46: {  	(xrf0) =	vadd.scan.msk.s32 $0xffff, v3;
	_ =	sdelay $0x1  }
0x47: {  	v3 =	vmpcnt.ones.xlane vm2;
	_ =	sdelay $0x3  }
0x48: {  	v2 =	vadd.s32 v2, v3;
	v3, _, _ =	vpop (xrf0)  }
0x49: {  	v3 =	vadd.s32 v3, v2  }
0x4a: {  	v3 =	vadd.s32 $0xFFFFFFFF, v3;
	_ =	sdelay $0x2  }
0x4b: {  	v27 =	vadd.s32 $0xFFF83000, v1  }
0x4c: {  	v1 =	vsel vm1, v1, v27  }
0x4d: {  	[tilespmem:v3+s10+$0x0] =	vst.idx.msk vm1, v1  }
0x4e: {  	v1 =	vld [tilespmem:$0x50];
	_ =	sdelay $0x4  }
0x4f: {  	vm2 =	vlt.s32 v1, $0x7D000  }
0x50: {  	v3 =	vsel vm2, $0x1, v0  }
0x51: {  	(xrf0) =	vadd.scan.msk.s32 $0xffff, v3;
	_ =	sdelay $0x1  }
0x52: {  	v3 =	vmpcnt.ones.xlane vm1;
	_ =	sdelay $0x3  }
0x53: {  	v2 =	vadd.s32 v2, v3;
	v3, _, _ =	vpop (xrf0)  }
0x54: {  	v3 =	vadd.s32 v3, v2  }
0x55: {  	v3 =	vadd.s32 $0xFFFFFFFF, v3;
	_ =	sdelay $0x2  }
0x56: {  	v28 =	vadd.s32 $0xFFF83000, v1  }
0x57: {  	v1 =	vsel vm2, v1, v28  }
0x58: {  	[tilespmem:v3+s10+$0x0] =	vst.idx.msk vm2, v1  }
0x59: {  	v1 =	vld [tilespmem:$0x60];
	_ =	sdelay $0x4  }
0x5a: {  	vm1 =	vlt.s32 v1, $0x7D000  }
0x5b: {  	v3 =	vsel vm1, $0x1, v0  }
0x5c: {  	(xrf0) =	vadd.scan.msk.s32 $0xffff, v3;
	_ =	sdelay $0x1  }
0x5d: {  	v3 =	vmpcnt.ones.xlane vm2;
	_ =	sdelay $0x3  }
0x5e: {  	v2 =	vadd.s32 v2, v3;
	v3, _, _ =	vpop (xrf0)  }
0x5f: {  	v3 =	vadd.s32 v3, v2  }
0x60: {  	v3 =	vadd.s32 $0xFFFFFFFF, v3;
	_ =	sdelay $0x2  }
0x61: {  	v29 =	vadd.s32 $0xFFF83000, v1  }
0x62: {  	v1 =	vsel vm1, v1, v29  }
0x63: {  	[tilespmem:v3+s10+$0x0] =	vst.idx.msk vm1, v1  }
0x64: {  	v1 =	vld [tilespmem:$0x70];
	_ =	sdelay $0x4  }
0x65: {  	vm2 =	vlt.s32 v1, $0x7D000  }
0x66: {  	v3 =	vsel vm2, $0x1, v0  }
0x67: {  	(xrf0) =	vadd.scan.msk.s32 $0xffff, v3;
	_ =	sdelay $0x1  }
0x68: {  	v3 =	vmpcnt.ones.xlane vm1;
	_ =	sdelay $0x3  }
0x69: {  	v2 =	vadd.s32 v2, v3;
	v3, _, _ =	vpop (xrf0)  }
0x6a: {  	v3 =	vadd.s32 v3, v2  }
0x6b: {  	v3 =	vadd.s32 $0xFFFFFFFF, v3;
	_ =	sdelay $0x2  }
0x6c: {  	v30 =	vadd.s32 $0xFFF83000, v1  }
0x6d: {  	v1 =	vsel vm2, v1, v30  }
0x6e: {  	[tilespmem:v3+s10+$0x0] =	vst.idx.msk vm2, v1  }
0x6f: {  	v1 =	vld [tilespmem:$0x80];
	_ =	sdelay $0x4  }
0x70: {  	vm1 =	vlt.s32 v1, $0x7D000  }
0x71: {  	v3 =	vsel vm1, $0x1, v0  }
0x72: {  	(xrf0) =	vadd.scan.msk.s32 $0xffff, v3;
	_ =	sdelay $0x1  }
0x73: {  	v3 =	vmpcnt.ones.xlane vm2;
	_ =	sdelay $0x3  }
0x74: {  	v2 =	vadd.s32 v2, v3;
	v3, _, _ =	vpop (xrf0)  }
0x75: {  	v3 =	vadd.s32 v3, v2  }
0x76: {  	v3 =	vadd.s32 $0xFFFFFFFF, v3;
	_ =	sdelay $0x2  }
0x77: {  	v31 =	vadd.s32 $0xFFF83000, v1  }
0x78: {  	v1 =	vsel vm1, v1, v31  }
0x79: {  	[tilespmem:v3+s10+$0x0] =	vst.idx.msk vm1, v1  }
0x7a: {  	v1 =	vld [tilespmem:$0x90];
	_ =	sdelay $0x4  }
0x7b: {  	vm2 =	vlt.s32 v1, $0x7D000  }
0x7c: {  	v3 =	vsel vm2, $0x1, v0  }
0x7d: {  	(xrf0) =	vadd.scan.msk.s32 $0xffff, v3;
	_ =	sdelay $0x1  }
0x7e: {  	v3 =	vmpcnt.ones.xlane vm1;
	_ =	sdelay $0x3  }
0x7f: {  	v2 =	vadd.s32 v2, v3;
	v3, _, _ =	vpop (xrf0)  }
0x80: {  	v3 =	vadd.s32 v3, v2  }
0x81: {  	v3 =	vadd.s32 $0xFFFFFFFF, v3;
	_ =	sdelay $0x2  }
0x82: {  	v32 =	vadd.s32 $0xFFF83000, v1  }
0x83: {  	v1 =	vsel vm2, v1, v32  }
0x84: {  	[tilespmem:v3+s10+$0x0] =	vst.idx.msk vm2, v1  }
0x85: {  	v1 =	vld [tilespmem:$0xA0];
	_ =	sdelay $0x4  }
0x86: {  	vm1 =	vlt.s32 v1, $0x7D000  }
0x87: {  	v3 =	vsel vm1, $0x1, v0  }
0x88: {  	(xrf0) =	vadd.scan.msk.s32 $0xffff, v3;
	_ =	sdelay $0x1  }
0x89: {  	v3 =	vmpcnt.ones.xlane vm2;
	_ =	sdelay $0x3  }
0x8a: {  	v2 =	vadd.s32 v2, v3;
	v3, _, _ =	vpop (xrf0)  }
0x8b: {  	v3 =	vadd.s32 v3, v2  }
0x8c: {  	v3 =	vadd.s32 $0xFFFFFFFF, v3;
	_ =	sdelay $0x2  }
0x8d: {  	v33 =	vadd.s32 $0xFFF83000, v1  }
0x8e: {  	v1 =	vsel vm1, v1, v33  }
0x8f: {  	[tilespmem:v3+s10+$0x0] =	vst.idx.msk vm1, v1  }
0x90: {  	v1 =	vld [tilespmem:$0xB0];
	_ =	sdelay $0x4  }
0x91: {  	vm2 =	vlt.s32 v1, $0x7D000  }
0x92: {  	v3 =	vsel vm2, $0x1, v0  }
0x93: {  	(xrf0) =	vadd.scan.msk.s32 $0xffff, v3;
	_ =	sdelay $0x1  }
0x94: {  	v3 =	vmpcnt.ones.xlane vm1;
	_ =	sdelay $0x3  }
0x95: {  	v2 =	vadd.s32 v2, v3;
	v3, _, _ =	vpop (xrf0)  }
0x96: {  	v3 =	vadd.s32 v3, v2  }
0x97: {  	v3 =	vadd.s32 $0xFFFFFFFF, v3;
	_ =	sdelay $0x2  }
0x98: {  	v34 =	vadd.s32 $0xFFF83000, v1  }
0x99: {  	v1 =	vsel vm2, v1, v34  }
0x9a: {  	[tilespmem:v3+s10+$0x0] =	vst.idx.msk vm2, v1  }
0x9b: {  	v1 =	vld [tilespmem:$0xC0];
	_ =	sdelay $0x4  }
0x9c: {  	vm1 =	vlt.s32 v1, $0x7D000  }
0x9d: {  	vm3 =	vmand vm1, vm0  }
0x9e: {  	v3 =	vsel vm3, $0x1, v0  }
0x9f: {  	(xrf0) =	vadd.scan.msk.s32 $0xffff, v3;
	_ =	sdelay $0x1  }
0xa0: {  	v3 =	vmpcnt.ones.xlane vm2;
	_ =	sdelay $0x3  }
0xa1: {  	v2 =	vadd.s32 v2, v3;
	v3, _, _ =	vpop (xrf0)  }
0xa2: {  	v3 =	vadd.s32 v3, v2  }
0xa3: {  	v3 =	vadd.s32 $0xFFFFFFFF, v3;
	_ =	sdelay $0x2  }
0xa4: {  	v35 =	vadd.s32 $0xFFF83000, v1  }
0xa5: {  	v1 =	vsel vm1, v1, v35  }
0xa6: {  	[tilespmem:v3+s10+$0x0] =	vst.idx.msk vm3, v1  }
0xa7: {  	v3 =	vld [tilespmem:$0x0];
	_ =	sdelay $0x4  }
0xa8: {  	vm1 =	vgt.s32 v3, $0x7CFFF  }
0xa9: {  	v1 =	vsel vm1, $0x1, v0  }
0xaa: {  	(xrf0) =	vadd.scan.msk.s32 $0xffff, v1;
	_ =	sdelay $0x2  }
0xab: {  	v1 =	vmpcnt.ones.xlane vm3;
	_ =	sdelay $0x1  }
0xac: {  	v1 =	vadd.s32 v2, v1  }
0xad: {  	v36 =	vadd.s32 $0xFFFFFFFF, v1;
	v2, _, _ =	vpop (xrf0)  }
0xae: {  	v2 =	vadd.s32 v2, v36;
	_ =	sdelay $0x2  }
0xaf: {  	v5 =	vadd.s32 $0xFFF83000, v3  }
0xb0: {  	v3 =	vsel vm1, v5, v3  }
0xb1: {  	[tilespmem:v2+s10+$0x0] =	vst.idx.msk vm1, v3  }
0xb2: {  	v2 =	vld [tilespmem:$0x10];
	_ =	sdelay $0x4  }
0xb3: {  	vm2 =	vgt.s32 v2, $0x7CFFF  }
0xb4: {  	v3 =	vsel vm2, $0x1, v0  }
0xb5: {  	(xrf0) =	vadd.scan.msk.s32 $0xffff, v3;
	_ =	sdelay $0x3  }
0xb6: {  	v3 =	vmpcnt.ones.xlane vm1;
	_ =	sdelay $0x1  }
0xb7: {  	v3 =	vadd.s32 v3, v36;
	v37, _, _ =	vpop (xrf0)  }
0xb8: {  	v4 =	vadd.s32 v37, v3;
	_ =	sdelay $0x2  }
0xb9: {  	v38 =	vadd.s32 $0xFFF83000, v2  }
0xba: {  	v2 =	vsel vm2, v38, v2  }
0xbb: {  	[tilespmem:v4+s10+$0x0] =	vst.idx.msk vm2, v2  }
0xbc: {  	v2 =	vld [tilespmem:$0x20];
	_ =	sdelay $0x4  }
0xbd: {  	vm1 =	vgt.s32 v2, $0x7CFFF  }
0xbe: {  	v39 =	vsel vm1, $0x1, v0  }
0xbf: {  	(xrf0) =	vadd.scan.msk.s32 $0xffff, v39;
	_ =	sdelay $0x3  }
0xc0: {  	v40 =	vmpcnt.ones.xlane vm2;
	_ =	sdelay $0x1  }
0xc1: {  	v3 =	vadd.s32 v40, v3;
	v41, _, _ =	vpop (xrf0)  }
0xc2: {  	v4 =	vadd.s32 v41, v3;
	_ =	sdelay $0x2  }
0xc3: {  	v42 =	vadd.s32 $0xFFF83000, v2  }
0xc4: {  	v2 =	vsel vm1, v42, v2  }
0xc5: {  	[tilespmem:v4+s10+$0x0] =	vst.idx.msk vm1, v2  }
0xc6: {  	v2 =	vld [tilespmem:$0x30];
	_ =	sdelay $0x4  }
0xc7: {  	vm2 =	vgt.s32 v2, $0x7CFFF  }
0xc8: {  	v43 =	vsel vm2, $0x1, v0  }
0xc9: {  	(xrf0) =	vadd.scan.msk.s32 $0xffff, v43;
	_ =	sdelay $0x3  }
0xca: {  	v44 =	vmpcnt.ones.xlane vm1;
	_ =	sdelay $0x1  }
0xcb: {  	v3 =	vadd.s32 v44, v3;
	v45, _, _ =	vpop (xrf0)  }
0xcc: {  	v4 =	vadd.s32 v45, v3;
	_ =	sdelay $0x2  }
0xcd: {  	v46 =	vadd.s32 $0xFFF83000, v2  }
0xce: {  	v2 =	vsel vm2, v46, v2  }
0xcf: {  	[tilespmem:v4+s10+$0x0] =	vst.idx.msk vm2, v2  }
0xd0: {  	v2 =	vld [tilespmem:$0x40];
	_ =	sdelay $0x4  }
0xd1: {  	vm1 =	vgt.s32 v2, $0x7CFFF  }
0xd2: {  	v47 =	vsel vm1, $0x1, v0  }
0xd3: {  	(xrf0) =	vadd.scan.msk.s32 $0xffff, v47;
	_ =	sdelay $0x3  }
0xd4: {  	v48 =	vmpcnt.ones.xlane vm2;
	_ =	sdelay $0x1  }
0xd5: {  	v3 =	vadd.s32 v48, v3;
	v49, _, _ =	vpop (xrf0)  }
0xd6: {  	v4 =	vadd.s32 v49, v3;
	_ =	sdelay $0x2  }
0xd7: {  	v50 =	vadd.s32 $0xFFF83000, v2  }
0xd8: {  	v2 =	vsel vm1, v50, v2  }
0xd9: {  	[tilespmem:v4+s10+$0x0] =	vst.idx.msk vm1, v2  }
0xda: {  	v2 =	vld [tilespmem:$0x50];
	_ =	sdelay $0x4  }
0xdb: {  	vm2 =	vgt.s32 v2, $0x7CFFF  }
0xdc: {  	v51 =	vsel vm2, $0x1, v0  }
0xdd: {  	(xrf0) =	vadd.scan.msk.s32 $0xffff, v51;
	_ =	sdelay $0x3  }
0xde: {  	v52 =	vmpcnt.ones.xlane vm1;
	_ =	sdelay $0x1  }
0xdf: {  	v3 =	vadd.s32 v52, v3;
	v53, _, _ =	vpop (xrf0)  }
0xe0: {  	v4 =	vadd.s32 v53, v3;
	_ =	sdelay $0x2  }
0xe1: {  	v54 =	vadd.s32 $0xFFF83000, v2  }
0xe2: {  	v2 =	vsel vm2, v54, v2  }
0xe3: {  	[tilespmem:v4+s10+$0x0] =	vst.idx.msk vm2, v2  }
0xe4: {  	v2 =	vld [tilespmem:$0x60];
	_ =	sdelay $0x4  }
0xe5: {  	vm1 =	vgt.s32 v2, $0x7CFFF  }
0xe6: {  	v55 =	vsel vm1, $0x1, v0  }
0xe7: {  	(xrf0) =	vadd.scan.msk.s32 $0xffff, v55;
	_ =	sdelay $0x3  }
0xe8: {  	v56 =	vmpcnt.ones.xlane vm2;
	_ =	sdelay $0x1  }
0xe9: {  	v3 =	vadd.s32 v56, v3;
	v57, _, _ =	vpop (xrf0)  }
0xea: {  	v4 =	vadd.s32 v57, v3;
	_ =	sdelay $0x2  }
0xeb: {  	v58 =	vadd.s32 $0xFFF83000, v2  }
0xec: {  	v2 =	vsel vm1, v58, v2  }
0xed: {  	[tilespmem:v4+s10+$0x0] =	vst.idx.msk vm1, v2  }
0xee: {  	v2 =	vld [tilespmem:$0x70];
	_ =	sdelay $0x4  }
0xef: {  	vm2 =	vgt.s32 v2, $0x7CFFF  }
0xf0: {  	v59 =	vsel vm2, $0x1, v0  }
0xf1: {  	(xrf0) =	vadd.scan.msk.s32 $0xffff, v59;
	_ =	sdelay $0x3  }
0xf2: {  	v60 =	vmpcnt.ones.xlane vm1;
	_ =	sdelay $0x1  }
0xf3: {  	v3 =	vadd.s32 v60, v3;
	v61, _, _ =	vpop (xrf0)  }
0xf4: {  	v4 =	vadd.s32 v61, v3;
	_ =	sdelay $0x2  }
0xf5: {  	v62 =	vadd.s32 $0xFFF83000, v2  }
0xf6: {  	v2 =	vsel vm2, v62, v2  }
0xf7: {  	[tilespmem:v4+s10+$0x0] =	vst.idx.msk vm2, v2  }
0xf8: {  	v2 =	vld [tilespmem:$0x80];
	_ =	sdelay $0x4  }
0xf9: {  	vm1 =	vgt.s32 v2, $0x7CFFF  }
0xfa: {  	v63 =	vsel vm1, $0x1, v0  }
0xfb: {  	(xrf0) =	vadd.scan.msk.s32 $0xffff, v63;
	_ =	sdelay $0x3  }
0xfc: {  	v8 =	vmpcnt.ones.xlane vm2;
	_ =	sdelay $0x1  }
0xfd: {  	v3 =	vadd.s32 v8, v3;
	v9, _, _ =	vpop (xrf0)  }
0xfe: {  	v4 =	vadd.s32 v9, v3;
	_ =	sdelay $0x2  }
0xff: {  	v10 =	vadd.s32 $0xFFF83000, v2  }
0x100: {  	v2 =	vsel vm1, v10, v2  }
0x101: {  	[tilespmem:v4+s10+$0x0] =	vst.idx.msk vm1, v2  }
0x102: {  	v2 =	vld [tilespmem:$0x90];
	_ =	sdelay $0x4  }
0x103: {  	vm2 =	vgt.s32 v2, $0x7CFFF  }
0x104: {  	v11 =	vsel vm2, $0x1, v0  }
0x105: {  	(xrf0) =	vadd.scan.msk.s32 $0xffff, v11;
	_ =	sdelay $0x3  }
0x106: {  	v12 =	vmpcnt.ones.xlane vm1;
	_ =	sdelay $0x1  }
0x107: {  	v3 =	vadd.s32 v12, v3;
	v13, _, _ =	vpop (xrf0)  }
0x108: {  	v4 =	vadd.s32 v13, v3;
	_ =	sdelay $0x2  }
0x109: {  	v14 =	vadd.s32 $0xFFF83000, v2  }
0x10a: {  	v2 =	vsel vm2, v14, v2  }
0x10b: {  	[tilespmem:v4+s10+$0x0] =	vst.idx.msk vm2, v2  }
0x10c: {  	v2 =	vld [tilespmem:$0xA0];
	_ =	sdelay $0x4  }
0x10d: {  	vm1 =	vgt.s32 v2, $0x7CFFF  }
0x10e: {  	v15 =	vsel vm1, $0x1, v0  }
0x10f: {  	(xrf0) =	vadd.scan.msk.s32 $0xffff, v15;
	_ =	sdelay $0x3  }
0x110: {  	v16 =	vmpcnt.ones.xlane vm2;
	_ =	sdelay $0x1  }
0x111: {  	v3 =	vadd.s32 v16, v3;
	v17, _, _ =	vpop (xrf0)  }
0x112: {  	v4 =	vadd.s32 v17, v3;
	_ =	sdelay $0x2  }
0x113: {  	v18 =	vadd.s32 $0xFFF83000, v2  }
0x114: {  	v2 =	vsel vm1, v18, v2  }
0x115: {  	[tilespmem:v4+s10+$0x0] =	vst.idx.msk vm1, v2  }
0x116: {  	v2 =	vld [tilespmem:$0xB0];
	_ =	sdelay $0x4  }
0x117: {  	vm2 =	vgt.s32 v2, $0x7CFFF  }
0x118: {  	v19 =	vsel vm2, $0x1, v0  }
0x119: {  	(xrf0) =	vadd.scan.msk.s32 $0xffff, v19;
	_ =	sdelay $0x3  }
0x11a: {  	v20 =	vmpcnt.ones.xlane vm1;
	_ =	sdelay $0x1  }
0x11b: {  	v3 =	vadd.s32 v20, v3;
	v21, _, _ =	vpop (xrf0)  }
0x11c: {  	v4 =	vadd.s32 v21, v3;
	_ =	sdelay $0x2  }
0x11d: {  	v22 =	vadd.s32 $0xFFF83000, v2  }
0x11e: {  	v2 =	vsel vm2, v22, v2  }
0x11f: {  	[tilespmem:v4+s10+$0x0] =	vst.idx.msk vm2, v2  }
0x120: {  	v2 =	vld [tilespmem:$0xC0];
	_ =	sdelay $0x4  }
0x121: {  	vm1 =	vgt.s32 v2, $0x7CFFF  }
0x122: {  	vm3 =	vmand vm1, vm0  }
0x123: {  	v23 =	vsel vm3, $0x1, v0  }
0x124: {  	(xrf0) =	vadd.scan.msk.s32 $0xffff, v23;
	_ =	sdelay $0x3  }
0x125: {  	v24 =	vmpcnt.ones.xlane vm2;
	_ =	sdelay $0x1  }
0x126: {  	v3 =	vadd.s32 v24, v3;
	v25, _, _ =	vpop (xrf0)  }
0x127: {  	v3 =	vadd.s32 v25, v3;
	_ =	sdelay $0x2  }
0x128: {  	v26 =	vadd.s32 $0xFFF83000, v2  }
0x129: {  	v2 =	vsel vm1, v26, v2  }
0x12a: {  	[tilespmem:v3+s10+$0x0] =	vst.idx.msk vm3, v2  }
0x12b: {  	[tilespmem:s12], [sflag:$0x1] =	stream.indirect.gather [hbm4b:s1+s11], $0x80, s10, s11, $0xb8;
	[tilespmem:$0x16F00] =	vst v63  }
0x12c: {  	_ = 	snop  }
0x12d: {  	[tilespmem:s15], [sflag:$0x1] =	stream.indirect.gather [hbm4b:s1+s13], $0x80, s14, s13, $0xb8;
	[tilespmem:$0x16F00] =	vst v63  }
0x12e: {  	v2 =	vld [tilespmem:$0xC8];
	_ =	sdelay $0x4  }
0x12f: {  	vm1 =	vlt.s32 v2, $0x7D000  }
0x130: {  	v3 =	vsel vm1, $0x1, v0  }
0x131: {  	(xrf0) =	vadd.scan.msk.s32 $0xffff, v3;
	_ =	sdelay $0x5  }
0x132: {  	v3, _, _ =	vpop (xrf0)  }
0x133: {  	v3 =	vadd.s32 $0xFFFFFFFF, v3;
	_ =	sdelay $0x2  }
0x134: {  	v27 =	vadd.s32 $0xFFF83000, v2  }
0x135: {  	v2 =	vsel vm1, v2, v27  }
0x136: {  	[tilespmem:v3+s16+$0x0] =	vst.idx.msk vm1, v2  }
0x137: {  	v2 =	vld [tilespmem:$0xD8];
	_ =	sdelay $0x4  }
0x138: {  	vm2 =	vlt.s32 v2, $0x7D000  }
0x139: {  	v3 =	vsel vm2, $0x1, v0  }
0x13a: {  	(xrf0) =	vadd.scan.msk.s32 $0xffff, v3;
	_ =	sdelay $0x4  }
0x13b: {  	v3 =	vmpcnt.ones.xlane vm1  }
0x13c: {  	v28, _, _ =	vpop (xrf0)  }
0x13d: {  	v4 =	vadd.s32 v28, v3  }
0x13e: {  	v4 =	vadd.s32 $0xFFFFFFFF, v4;
	_ =	sdelay $0x2  }
0x13f: {  	v29 =	vadd.s32 $0xFFF83000, v2  }
0x140: {  	v2 =	vsel vm2, v2, v29  }
0x141: {  	[tilespmem:v4+s16+$0x0] =	vst.idx.msk vm2, v2  }
0x142: {  	v2 =	vld [tilespmem:$0xE8];
	_ =	sdelay $0x4  }
0x143: {  	vm1 =	vlt.s32 v2, $0x7D000  }
0x144: {  	v30 =	vsel vm1, $0x1, v0  }
0x145: {  	(xrf0) =	vadd.scan.msk.s32 $0xffff, v30;
	_ =	sdelay $0x3  }
0x146: {  	v31 =	vmpcnt.ones.xlane vm2;
	_ =	sdelay $0x1  }
0x147: {  	v3 =	vadd.s32 v3, v31;
	v32, _, _ =	vpop (xrf0)  }
0x148: {  	v4 =	vadd.s32 v32, v3  }
0x149: {  	v4 =	vadd.s32 $0xFFFFFFFF, v4;
	_ =	sdelay $0x2  }
0x14a: {  	v33 =	vadd.s32 $0xFFF83000, v2  }
0x14b: {  	v2 =	vsel vm1, v2, v33  }
0x14c: {  	[tilespmem:v4+s16+$0x0] =	vst.idx.msk vm1, v2  }
0x14d: {  	v2 =	vld [tilespmem:$0xF8];
	_ =	sdelay $0x4  }
0x14e: {  	vm2 =	vlt.s32 v2, $0x7D000  }
0x14f: {  	v34 =	vsel vm2, $0x1, v0  }
0x150: {  	(xrf0) =	vadd.scan.msk.s32 $0xffff, v34;
	_ =	sdelay $0x3  }
0x151: {  	v35 =	vmpcnt.ones.xlane vm1;
	_ =	sdelay $0x1  }
0x152: {  	v3 =	vadd.s32 v3, v35;
	v36, _, _ =	vpop (xrf0)  }
0x153: {  	v4 =	vadd.s32 v36, v3  }
0x154: {  	v4 =	vadd.s32 $0xFFFFFFFF, v4;
	_ =	sdelay $0x2  }
0x155: {  	v37 =	vadd.s32 $0xFFF83000, v2  }
0x156: {  	v2 =	vsel vm2, v2, v37  }
0x157: {  	[tilespmem:v4+s16+$0x0] =	vst.idx.msk vm2, v2  }
0x158: {  	v2 =	vld [tilespmem:$0x108];
	_ =	sdelay $0x4  }
0x159: {  	vm1 =	vlt.s32 v2, $0x7D000  }
0x15a: {  	v38 =	vsel vm1, $0x1, v0  }
0x15b: {  	(xrf0) =	vadd.scan.msk.s32 $0xffff, v38;
	_ =	sdelay $0x3  }
0x15c: {  	v39 =	vmpcnt.ones.xlane vm2;
	_ =	sdelay $0x1  }
0x15d: {  	v3 =	vadd.s32 v3, v39;
	v40, _, _ =	vpop (xrf0)  }
0x15e: {  	v4 =	vadd.s32 v40, v3  }
0x15f: {  	v4 =	vadd.s32 $0xFFFFFFFF, v4;
	_ =	sdelay $0x2  }
0x160: {  	v41 =	vadd.s32 $0xFFF83000, v2  }
0x161: {  	v2 =	vsel vm1, v2, v41  }
0x162: {  	[tilespmem:v4+s16+$0x0] =	vst.idx.msk vm1, v2  }
0x163: {  	v2 =	vld [tilespmem:$0x118];
	_ =	sdelay $0x4  }
0x164: {  	vm2 =	vlt.s32 v2, $0x7D000  }
0x165: {  	v42 =	vsel vm2, $0x1, v0  }
0x166: {  	(xrf0) =	vadd.scan.msk.s32 $0xffff, v42;
	_ =	sdelay $0x3  }
0x167: {  	v43 =	vmpcnt.ones.xlane vm1;
	_ =	sdelay $0x1  }
0x168: {  	v3 =	vadd.s32 v3, v43;
	v44, _, _ =	vpop (xrf0)  }
0x169: {  	v4 =	vadd.s32 v44, v3  }
0x16a: {  	v4 =	vadd.s32 $0xFFFFFFFF, v4;
	_ =	sdelay $0x2  }
0x16b: {  	v45 =	vadd.s32 $0xFFF83000, v2  }
0x16c: {  	v2 =	vsel vm2, v2, v45  }
0x16d: {  	[tilespmem:v4+s16+$0x0] =	vst.idx.msk vm2, v2  }
0x16e: {  	v2 =	vld [tilespmem:$0x128];
	_ =	sdelay $0x4  }
0x16f: {  	vm1 =	vlt.s32 v2, $0x7D000  }
0x170: {  	v46 =	vsel vm1, $0x1, v0  }
0x171: {  	(xrf0) =	vadd.scan.msk.s32 $0xffff, v46;
	_ =	sdelay $0x3  }
0x172: {  	v47 =	vmpcnt.ones.xlane vm2;
	_ =	sdelay $0x1  }
0x173: {  	v3 =	vadd.s32 v3, v47;
	v48, _, _ =	vpop (xrf0)  }
0x174: {  	v4 =	vadd.s32 v48, v3  }
0x175: {  	v4 =	vadd.s32 $0xFFFFFFFF, v4;
	_ =	sdelay $0x2  }
0x176: {  	v49 =	vadd.s32 $0xFFF83000, v2  }
0x177: {  	v2 =	vsel vm1, v2, v49  }
0x178: {  	[tilespmem:v4+s16+$0x0] =	vst.idx.msk vm1, v2  }
0x179: {  	v2 =	vld [tilespmem:$0x138];
	_ =	sdelay $0x4  }
0x17a: {  	vm2 =	vlt.s32 v2, $0x7D000  }
0x17b: {  	v50 =	vsel vm2, $0x1, v0  }
0x17c: {  	(xrf0) =	vadd.scan.msk.s32 $0xffff, v50;
	_ =	sdelay $0x3  }
0x17d: {  	v51 =	vmpcnt.ones.xlane vm1;
	_ =	sdelay $0x1  }
0x17e: {  	v3 =	vadd.s32 v3, v51;
	v52, _, _ =	vpop (xrf0)  }
0x17f: {  	v4 =	vadd.s32 v52, v3  }
0x180: {  	v4 =	vadd.s32 $0xFFFFFFFF, v4;
	_ =	sdelay $0x2  }
0x181: {  	v53 =	vadd.s32 $0xFFF83000, v2  }
0x182: {  	v2 =	vsel vm2, v2, v53  }
0x183: {  	[tilespmem:v4+s16+$0x0] =	vst.idx.msk vm2, v2  }
0x184: {  	v2 =	vld [tilespmem:$0x148];
	_ =	sdelay $0x4  }
0x185: {  	vm1 =	vlt.s32 v2, $0x7D000  }
0x186: {  	v54 =	vsel vm1, $0x1, v0  }
0x187: {  	(xrf0) =	vadd.scan.msk.s32 $0xffff, v54;
	_ =	sdelay $0x3  }
0x188: {  	v55 =	vmpcnt.ones.xlane vm2;
	_ =	sdelay $0x1  }
0x189: {  	v3 =	vadd.s32 v3, v55;
	v56, _, _ =	vpop (xrf0)  }
0x18a: {  	v4 =	vadd.s32 v56, v3  }
0x18b: {  	v4 =	vadd.s32 $0xFFFFFFFF, v4;
	_ =	sdelay $0x2  }
0x18c: {  	v57 =	vadd.s32 $0xFFF83000, v2  }
0x18d: {  	v2 =	vsel vm1, v2, v57  }
0x18e: {  	[tilespmem:v4+s16+$0x0] =	vst.idx.msk vm1, v2  }
0x18f: {  	v2 =	vld [tilespmem:$0x158];
	_ =	sdelay $0x4  }
0x190: {  	vm2 =	vlt.s32 v2, $0x7D000  }
0x191: {  	v58 =	vsel vm2, $0x1, v0  }
0x192: {  	(xrf0) =	vadd.scan.msk.s32 $0xffff, v58;
	_ =	sdelay $0x3  }
0x193: {  	v59 =	vmpcnt.ones.xlane vm1;
	_ =	sdelay $0x1  }
0x194: {  	v3 =	vadd.s32 v3, v59;
	v60, _, _ =	vpop (xrf0)  }
0x195: {  	v4 =	vadd.s32 v60, v3  }
0x196: {  	v4 =	vadd.s32 $0xFFFFFFFF, v4;
	_ =	sdelay $0x2  }
0x197: {  	v61 =	vadd.s32 $0xFFF83000, v2  }
0x198: {  	v2 =	vsel vm2, v2, v61  }
0x199: {  	[tilespmem:v4+s16+$0x0] =	vst.idx.msk vm2, v2  }
0x19a: {  	v2 =	vld [tilespmem:$0x168];
	_ =	sdelay $0x4  }
0x19b: {  	vm1 =	vlt.s32 v2, $0x7D000  }
0x19c: {  	v62 =	vsel vm1, $0x1, v0  }
0x19d: {  	(xrf0) =	vadd.scan.msk.s32 $0xffff, v62;
	_ =	sdelay $0x3  }
0x19e: {  	v63 =	vmpcnt.ones.xlane vm2;
	_ =	sdelay $0x1  }
0x19f: {  	v3 =	vadd.s32 v3, v63;
	v8, _, _ =	vpop (xrf0)  }
0x1a0: {  	v4 =	vadd.s32 v8, v3  }
0x1a1: {  	v4 =	vadd.s32 $0xFFFFFFFF, v4;
	_ =	sdelay $0x2  }
0x1a2: {  	v9 =	vadd.s32 $0xFFF83000, v2  }
0x1a3: {  	v2 =	vsel vm1, v2, v9  }
0x1a4: {  	[tilespmem:v4+s16+$0x0] =	vst.idx.msk vm1, v2  }
0x1a5: {  	v2 =	vld [tilespmem:$0x178];
	_ =	sdelay $0x4  }
0x1a6: {  	vm2 =	vlt.s32 v2, $0x7D000  }
0x1a7: {  	v10 =	vsel vm2, $0x1, v0  }
0x1a8: {  	(xrf0) =	vadd.scan.msk.s32 $0xffff, v10;
	_ =	sdelay $0x3  }
0x1a9: {  	v11 =	vmpcnt.ones.xlane vm1;
	_ =	sdelay $0x1  }
0x1aa: {  	v3 =	vadd.s32 v3, v11;
	v12, _, _ =	vpop (xrf0)  }
0x1ab: {  	v4 =	vadd.s32 v12, v3  }
0x1ac: {  	v4 =	vadd.s32 $0xFFFFFFFF, v4;
	_ =	sdelay $0x2  }
0x1ad: {  	v13 =	vadd.s32 $0xFFF83000, v2  }
0x1ae: {  	v2 =	vsel vm2, v2, v13  }
0x1af: {  	[tilespmem:v4+s16+$0x0] =	vst.idx.msk vm2, v2  }
0x1b0: {  	v2 =	vld [tilespmem:$0x188];
	_ =	sdelay $0x4  }
0x1b1: {  	vm1 =	vlt.s32 v2, $0x7D000  }
0x1b2: {  	vm3 =	vmand vm1, vm0  }
0x1b3: {  	v14 =	vsel vm3, $0x1, v0  }
0x1b4: {  	(xrf0) =	vadd.scan.msk.s32 $0xffff, v14;
	_ =	sdelay $0x3  }
0x1b5: {  	v15 =	vmpcnt.ones.xlane vm2;
	_ =	sdelay $0x1  }
0x1b6: {  	v3 =	vadd.s32 v3, v15;
	v16, _, _ =	vpop (xrf0)  }
0x1b7: {  	v4 =	vadd.s32 v16, v3  }
0x1b8: {  	v4 =	vadd.s32 $0xFFFFFFFF, v4;
	_ =	sdelay $0x2  }
0x1b9: {  	v17 =	vadd.s32 $0xFFF83000, v2  }
0x1ba: {  	v2 =	vsel vm1, v2, v17  }
0x1bb: {  	[tilespmem:v4+s16+$0x0] =	vst.idx.msk vm3, v2  }
0x1bc: {  	v4 =	vld [tilespmem:$0xC8];
	_ =	sdelay $0x4  }
0x1bd: {  	vm1 =	vgt.s32 v4, $0x7CFFF  }
0x1be: {  	v2 =	vsel vm1, $0x1, v0  }
0x1bf: {  	(xrf0) =	vadd.scan.msk.s32 $0xffff, v2;
	_ =	sdelay $0x2  }
0x1c0: {  	v2 =	vmpcnt.ones.xlane vm3;
	_ =	sdelay $0x1  }
0x1c1: {  	v2 =	vadd.s32 v3, v2  }
0x1c2: {  	v18 =	vadd.s32 $0xFFFFFFFF, v2;
	v3, _, _ =	vpop (xrf0)  }
0x1c3: {  	v3 =	vadd.s32 v3, v18;
	_ =	sdelay $0x2  }
0x1c4: {  	v6 =	vadd.s32 $0xFFF83000, v4  }
0x1c5: {  	v4 =	vsel vm1, v6, v4  }
0x1c6: {  	[tilespmem:v3+s16+$0x0] =	vst.idx.msk vm1, v4  }
0x1c7: {  	v3 =	vld [tilespmem:$0xD8];
	_ =	sdelay $0x4  }
0x1c8: {  	vm2 =	vgt.s32 v3, $0x7CFFF  }
0x1c9: {  	v19 =	vsel vm2, $0x1, v0  }
0x1ca: {  	(xrf0) =	vadd.scan.msk.s32 $0xffff, v19;
	_ =	sdelay $0x3  }
0x1cb: {  	v20 =	vmpcnt.ones.xlane vm1;
	_ =	sdelay $0x1  }
0x1cc: {  	v4 =	vadd.s32 v20, v18;
	v21, _, _ =	vpop (xrf0)  }
0x1cd: {  	v5 =	vadd.s32 v21, v4;
	_ =	sdelay $0x2  }
0x1ce: {  	v22 =	vadd.s32 $0xFFF83000, v3  }
0x1cf: {  	v3 =	vsel vm2, v22, v3  }
0x1d0: {  	[tilespmem:v5+s16+$0x0] =	vst.idx.msk vm2, v3  }
0x1d1: {  	v3 =	vld [tilespmem:$0xE8];
	_ =	sdelay $0x4  }
0x1d2: {  	vm1 =	vgt.s32 v3, $0x7CFFF  }
0x1d3: {  	v23 =	vsel vm1, $0x1, v0  }
0x1d4: {  	(xrf0) =	vadd.scan.msk.s32 $0xffff, v23;
	_ =	sdelay $0x3  }
0x1d5: {  	v24 =	vmpcnt.ones.xlane vm2;
	_ =	sdelay $0x1  }
0x1d6: {  	v4 =	vadd.s32 v24, v4;
	v25, _, _ =	vpop (xrf0)  }
0x1d7: {  	v5 =	vadd.s32 v25, v4;
	_ =	sdelay $0x2  }
0x1d8: {  	v26 =	vadd.s32 $0xFFF83000, v3  }
0x1d9: {  	v3 =	vsel vm1, v26, v3  }
0x1da: {  	[tilespmem:v5+s16+$0x0] =	vst.idx.msk vm1, v3  }
0x1db: {  	v3 =	vld [tilespmem:$0xF8];
	_ =	sdelay $0x4  }
0x1dc: {  	vm2 =	vgt.s32 v3, $0x7CFFF  }
0x1dd: {  	v27 =	vsel vm2, $0x1, v0  }
0x1de: {  	(xrf0) =	vadd.scan.msk.s32 $0xffff, v27;
	_ =	sdelay $0x3  }
0x1df: {  	v28 =	vmpcnt.ones.xlane vm1;
	_ =	sdelay $0x1  }
0x1e0: {  	v4 =	vadd.s32 v28, v4;
	v29, _, _ =	vpop (xrf0)  }
0x1e1: {  	v5 =	vadd.s32 v29, v4;
	_ =	sdelay $0x2  }
0x1e2: {  	v30 =	vadd.s32 $0xFFF83000, v3  }
0x1e3: {  	v3 =	vsel vm2, v30, v3  }
0x1e4: {  	[tilespmem:v5+s16+$0x0] =	vst.idx.msk vm2, v3  }
0x1e5: {  	v3 =	vld [tilespmem:$0x108];
	_ =	sdelay $0x4  }
0x1e6: {  	vm1 =	vgt.s32 v3, $0x7CFFF  }
0x1e7: {  	v31 =	vsel vm1, $0x1, v0  }
0x1e8: {  	(xrf0) =	vadd.scan.msk.s32 $0xffff, v31;
	_ =	sdelay $0x3  }
0x1e9: {  	v32 =	vmpcnt.ones.xlane vm2;
	_ =	sdelay $0x1  }
0x1ea: {  	v4 =	vadd.s32 v32, v4;
	v33, _, _ =	vpop (xrf0)  }
0x1eb: {  	v5 =	vadd.s32 v33, v4;
	_ =	sdelay $0x2  }
0x1ec: {  	v34 =	vadd.s32 $0xFFF83000, v3  }
0x1ed: {  	v3 =	vsel vm1, v34, v3  }
0x1ee: {  	[tilespmem:v5+s16+$0x0] =	vst.idx.msk vm1, v3  }
0x1ef: {  	v3 =	vld [tilespmem:$0x118];
	_ =	sdelay $0x4  }
0x1f0: {  	vm2 =	vgt.s32 v3, $0x7CFFF  }
0x1f1: {  	v35 =	vsel vm2, $0x1, v0  }
0x1f2: {  	(xrf0) =	vadd.scan.msk.s32 $0xffff, v35;
	_ =	sdelay $0x3  }
0x1f3: {  	v36 =	vmpcnt.ones.xlane vm1;
	_ =	sdelay $0x1  }
0x1f4: {  	v4 =	vadd.s32 v36, v4;
	v37, _, _ =	vpop (xrf0)  }
0x1f5: {  	v5 =	vadd.s32 v37, v4;
	_ =	sdelay $0x2  }
0x1f6: {  	v38 =	vadd.s32 $0xFFF83000, v3  }
0x1f7: {  	v3 =	vsel vm2, v38, v3  }
0x1f8: {  	[tilespmem:v5+s16+$0x0] =	vst.idx.msk vm2, v3  }
0x1f9: {  	v3 =	vld [tilespmem:$0x128];
	_ =	sdelay $0x4  }
0x1fa: {  	vm1 =	vgt.s32 v3, $0x7CFFF  }
0x1fb: {  	v39 =	vsel vm1, $0x1, v0  }
0x1fc: {  	(xrf0) =	vadd.scan.msk.s32 $0xffff, v39;
	_ =	sdelay $0x3  }
0x1fd: {  	v40 =	vmpcnt.ones.xlane vm2;
	_ =	sdelay $0x1  }
0x1fe: {  	v4 =	vadd.s32 v40, v4;
	v41, _, _ =	vpop (xrf0)  }
0x1ff: {  	v5 =	vadd.s32 v41, v4;
	_ =	sdelay $0x2  }
0x200: {  	v42 =	vadd.s32 $0xFFF83000, v3  }
0x201: {  	v3 =	vsel vm1, v42, v3  }
0x202: {  	[tilespmem:v5+s16+$0x0] =	vst.idx.msk vm1, v3  }
0x203: {  	v3 =	vld [tilespmem:$0x138];
	_ =	sdelay $0x4  }
0x204: {  	vm2 =	vgt.s32 v3, $0x7CFFF  }
0x205: {  	v43 =	vsel vm2, $0x1, v0  }
0x206: {  	(xrf0) =	vadd.scan.msk.s32 $0xffff, v43;
	_ =	sdelay $0x3  }
0x207: {  	v44 =	vmpcnt.ones.xlane vm1;
	_ =	sdelay $0x1  }
0x208: {  	v4 =	vadd.s32 v44, v4;
	v45, _, _ =	vpop (xrf0)  }
0x209: {  	v5 =	vadd.s32 v45, v4;
	_ =	sdelay $0x2  }
0x20a: {  	v46 =	vadd.s32 $0xFFF83000, v3  }
0x20b: {  	v3 =	vsel vm2, v46, v3  }
0x20c: {  	[tilespmem:v5+s16+$0x0] =	vst.idx.msk vm2, v3  }
0x20d: {  	v3 =	vld [tilespmem:$0x148];
	_ =	sdelay $0x4  }
0x20e: {  	vm1 =	vgt.s32 v3, $0x7CFFF  }
0x20f: {  	v47 =	vsel vm1, $0x1, v0  }
0x210: {  	(xrf0) =	vadd.scan.msk.s32 $0xffff, v47;
	_ =	sdelay $0x3  }
0x211: {  	v48 =	vmpcnt.ones.xlane vm2;
	_ =	sdelay $0x1  }
0x212: {  	v4 =	vadd.s32 v48, v4;
	v49, _, _ =	vpop (xrf0)  }
0x213: {  	v5 =	vadd.s32 v49, v4;
	_ =	sdelay $0x2  }
0x214: {  	v50 =	vadd.s32 $0xFFF83000, v3  }
0x215: {  	v3 =	vsel vm1, v50, v3  }
0x216: {  	[tilespmem:v5+s16+$0x0] =	vst.idx.msk vm1, v3  }
0x217: {  	v3 =	vld [tilespmem:$0x158];
	_ =	sdelay $0x4  }
0x218: {  	vm2 =	vgt.s32 v3, $0x7CFFF  }
0x219: {  	v51 =	vsel vm2, $0x1, v0  }
0x21a: {  	(xrf0) =	vadd.scan.msk.s32 $0xffff, v51;
	_ =	sdelay $0x3  }
0x21b: {  	v52 =	vmpcnt.ones.xlane vm1;
	_ =	sdelay $0x1  }
0x21c: {  	v4 =	vadd.s32 v52, v4;
	v53, _, _ =	vpop (xrf0)  }
0x21d: {  	v5 =	vadd.s32 v53, v4;
	_ =	sdelay $0x2  }
0x21e: {  	v54 =	vadd.s32 $0xFFF83000, v3  }
0x21f: {  	v3 =	vsel vm2, v54, v3  }
0x220: {  	[tilespmem:v5+s16+$0x0] =	vst.idx.msk vm2, v3  }
0x221: {  	v3 =	vld [tilespmem:$0x168];
	_ =	sdelay $0x4  }
0x222: {  	vm1 =	vgt.s32 v3, $0x7CFFF  }
0x223: {  	v55 =	vsel vm1, $0x1, v0  }
0x224: {  	(xrf0) =	vadd.scan.msk.s32 $0xffff, v55;
	_ =	sdelay $0x3  }
0x225: {  	v56 =	vmpcnt.ones.xlane vm2;
	_ =	sdelay $0x1  }
0x226: {  	v4 =	vadd.s32 v56, v4;
	v57, _, _ =	vpop (xrf0)  }
0x227: {  	v5 =	vadd.s32 v57, v4;
	_ =	sdelay $0x2  }
0x228: {  	v58 =	vadd.s32 $0xFFF83000, v3  }
0x229: {  	v3 =	vsel vm1, v58, v3  }
0x22a: {  	[tilespmem:v5+s16+$0x0] =	vst.idx.msk vm1, v3  }
0x22b: {  	v3 =	vld [tilespmem:$0x178];
	_ =	sdelay $0x4  }
0x22c: {  	vm2 =	vgt.s32 v3, $0x7CFFF  }
0x22d: {  	v59 =	vsel vm2, $0x1, v0  }
0x22e: {  	(xrf0) =	vadd.scan.msk.s32 $0xffff, v59;
	_ =	sdelay $0x3  }
0x22f: {  	v60 =	vmpcnt.ones.xlane vm1;
	_ =	sdelay $0x1  }
0x230: {  	v4 =	vadd.s32 v60, v4;
	v61, _, _ =	vpop (xrf0)  }
0x231: {  	v5 =	vadd.s32 v61, v4;
	_ =	sdelay $0x2  }
0x232: {  	v62 =	vadd.s32 $0xFFF83000, v3  }
0x233: {  	v3 =	vsel vm2, v62, v3  }
0x234: {  	[tilespmem:v5+s16+$0x0] =	vst.idx.msk vm2, v3  }
0x235: {  	v3 =	vld [tilespmem:$0x188];
	_ =	sdelay $0x4  }
0x236: {  	(v2sf) =	vpush v1, $0x0;
	vm1 =	vgt.s32 v3, $0x7CFFF  }
0x237: {  	vm3 =	vmand vm1, vm0  }
0x238: {  	(v2sf) =	vpush v2, $0x0;
	v63 =	vsel vm3, $0x1, v0  }
0x239: {  	(xrf0) =	vadd.scan.msk.s32 $0xffff, v63;
	_ =	sdelay $0x3  }
0x23a: {  	v1 =	vmpcnt.ones.xlane vm2;
	_ =	sdelay $0x1  }
0x23b: {  	v1 =	vadd.s32 v1, v4;
	v2, _, _ =	vpop (xrf0)  }
0x23c: {  	v1 =	vadd.s32 v2, v1;
	_ =	sdelay $0x2  }
0x23d: {  	v2 =	vadd.s32 $0xFFF83000, v3  }
0x23e: {  	v2 =	vsel vm1, v2, v3  }
0x23f: {  	s28 =	spop (v2sf);
	[tilespmem:v1+s16+$0x0] =	vst.idx.msk vm3, v2  }
0x240: {  	[tilespmem:s17], [sflag:$0x2] =	stream.indirect.gather [hbm4b:s1+s11], $0x80, s16, s11, $0xb8;
	[tilespmem:$0x16F00] =	vst v63  }
0x241: {  	s24 =	simm.s32 $0x0;
	s25 =	spop (v2sf)  }
0x242: {  	[tilespmem:s19], [sflag:$0x2] =	stream.indirect.gather [hbm4b:s1+s13], $0x80, s18, s13, $0xb8;
	[tilespmem:$0x16F00] =	vst v63  }
.LBB2_2:
0x243: {  	_ =	swait.ge [sflag:s20], $0x3C00  }
0x244: {  	[sflag:s20] =	ssyncset.done $0x0  }
0x245: {  	[sflag:s20] =	ssyncadd.s32 $0xFFFFC400  }
0x246: {  	p0 =	sgt.s32 s28, $0x7;
	s0 =	simm.s32 $0x0;
	_ =	swait.ge [sflag:s20], $0x2800  }
0x247: {  	s0 =	simm.s32 @!p0 $0x40;
	p0 =	sgt.s32 s28, $0x6;
	[sflag:s20] =	ssyncset.done $0x0  }
0x248: {  	s26 =	sadd.s32 $0x0, s0;
	s0 =	simm.s32 $0x0;
	[sflag:s20] =	ssyncadd.s32 $0xFFFFD800  }
0x249: {  	s0 =	simm.s32 @!p0 $0x40;
	v3 =	vld [tilespmem:s26+$0x6A00]  }
0x24a: {  	p0 =	sgt.s32 s28, $0x5;
	s29 =	sadd.s32 $0x0, s0;
	s0 =	simm.s32 $0x0;
	v1 =	vld [tilespmem:s26+$0x6A10]  }
0x24b: {  	s0 =	simm.s32 @!p0 $0x40;
	v4 =	vld [tilespmem:s29+$0x6980]  }
0x24c: {  	p0 =	sgt.s32 s28, $0x4;
	s30 =	sadd.s32 $0x0, s0;
	v2 =	vld [tilespmem:s29+$0x6990];
	s0 =	simm.s32 $0x0  }
0x24d: {  	s0 =	simm.s32 @!p0 $0x40;
	v6 =	vld [tilespmem:s30+$0x6900]  }
0x24e: {  	s2 =	simm.s32 $0x0;
	p0 =	sgt.s32 s28, $0x3;
	v5 =	vld [tilespmem:s30+$0x6910];
	s0 =	sadd.s32 $0x0, s0  }
0x24f: {  	s2 =	simm.s32 @!p0 $0x40;
	v8 =	vld [tilespmem:s0+$0x6880]  }
0x250: {  	p0 =	sgt.s32 s28, $0x2;
	s3 =	sadd.s32 $0x0, s2;
	v7 =	vld [tilespmem:s0+$0x6890];
	s2 =	simm.s32 $0x0  }
0x251: {  	s2 =	simm.s32 @!p0 $0x40;
	v11 =	vld [tilespmem:s3+$0x6800]  }
0x252: {  	p0 =	sgt.s32 s28, $0x1;
	v10 =	vld [tilespmem:s3+$0x6810];
	s22 =	sadd.s32 $0x0, s2;
	s2 =	simm.s32 $0x0  }
0x253: {  	s2 =	simm.s32 @!p0 $0x40;
	v16 =	vld [tilespmem:s22+$0x6780]  }
0x254: {  	p0 =	sgt.s32 s28, $0x0;
	v15 =	vld [tilespmem:s22+$0x6790];
	s5 =	sadd.s32 $0x0, s2;
	s2 =	simm.s32 $0x0  }
0x255: {  	v14 =	vimm.f32 $0.0e+00;
	s2 =	simm.s32 @!p0 $0x40;
	v18 =	vld [tilespmem:s5+$0x6700]  }
0x256: {  	s31 =	simm.s32 $0x7;
	v13 =	vimm.f32 $0.0e+00;
	v12 =	vimm.f32 $0.0e+00;
	v9 =	vimm.f32 $0.0e+00;
	v17 =	vld [tilespmem:s5+$0x6710];
	s6 =	sadd.s32 $0x0, s2;
	s2 =	simm.s32 $0x1000  }
.LBB2_3:
0x257: {  	p0 =	sne.s32 s2, $0x18000;
	v19 =	vld [tilespmem:s6+$0x6680]  }
0x258: {  	v20 =	vld [tilespmem:s6+$0x6690]  }
0x259: {  	v21 =	vld [tilespmem:s6+$0x66A0]  }
0x25a: {  	v22 =	vld [tilespmem:s6+$0x66B0]  }
0x25b: {  	v23 =	vld [tilespmem:s5+$0x6720]  }
0x25c: {  	v24 =	vld [tilespmem:s5+$0x6730]  }
0x25d: {  	v25 =	vld [tilespmem:s22+$0x67A0]  }
0x25e: {  	v14 =	vadd.f32 v19, v14;
	v13 =	vadd.f32 v20, v13;
	v19 =	vld [tilespmem:s22+$0x67B0]  }
0x25f: {  	v12 =	vadd.f32 v21, v12;
	v9 =	vadd.f32 v22, v9;
	v20 =	vld [tilespmem:s3+$0x6820]  }
0x260: {  	v14 =	vadd.f32 v18, v14;
	v13 =	vadd.f32 v17, v13;
	v17 =	vld [tilespmem:s3+$0x6830]  }
0x261: {  	v12 =	vadd.f32 v23, v12;
	v9 =	vadd.f32 v24, v9;
	v18 =	vld [tilespmem:s0+$0x68A0]  }
0x262: {  	v14 =	vadd.f32 v16, v14;
	v13 =	vadd.f32 v15, v13;
	v15 =	vld [tilespmem:s0+$0x68B0]  }
0x263: {  	v12 =	vadd.f32 v25, v12;
	v9 =	vadd.f32 v19, v9;
	v16 =	vld [tilespmem:s30+$0x6920]  }
0x264: {  	v11 =	vadd.f32 v11, v14;
	v10 =	vadd.f32 v10, v13;
	v13 =	vld [tilespmem:s30+$0x6930]  }
0x265: {  	s31 =	sadd.s32 $0x8, s31;
	v12 =	vadd.f32 v20, v12;
	v9 =	vadd.f32 v17, v9;
	v14 =	vld [tilespmem:s29+$0x69A0]  }
0x266: {  	p1 =	slt.s32 s31, s28;
	s3 =	simm.s32 $0x0;
	v8 =	vadd.f32 v8, v11;
	v7 =	vadd.f32 v7, v10;
	v10 =	vld [tilespmem:s29+$0x69B0]  }
0x267: {  	s9 =	sshra.s32 s2, $0x2;
	s3 =	simm.s32 @!p1 $0x40;
	s0 =	sadd.s32 $0xFFFFFFFF, s31;
	v11 =	vadd.f32 v18, v12;
	v9 =	vadd.f32 v15, v9;
	v12 =	vld [tilespmem:s26+$0x6A20]  }
0x268: {  	p1 =	slt.s32 s0, s28;
	v6 =	vadd.f32 v6, v8;
	v5 =	vadd.f32 v5, v7;
	v7 =	vld [tilespmem:s26+$0x6A30];
	s26 =	sadd.s32 s9, s3;
	s3 =	simm.s32 $0x0  }
0x269: {  	s0 =	sadd.s32 $0xFFFFFFFE, s31;
	v11 =	vadd.f32 v16, v11;
	s3 =	simm.s32 @!p1 $0x40;
	v8 =	vld [tilespmem:s26+$0x6A00];
	v9 =	vadd.f32 v13, v9  }
0x26a: {  	v6 =	vadd.f32 v4, v6;
	p1 =	slt.s32 s0, s28;
	v5 =	vadd.f32 v2, v5;
	s29 =	sadd.s32 s9, s3;
	v15 =	vld [tilespmem:s26+$0x6A10];
	s3 =	simm.s32 $0x0  }
0x26b: {  	s0 =	sadd.s32 $0xFFFFFFFD, s31;
	v11 =	vadd.f32 v14, v11;
	s3 =	simm.s32 @!p1 $0x40;
	v4 =	vld [tilespmem:s29+$0x6980];
	v9 =	vadd.f32 v10, v9  }
0x26c: {  	v14 =	vadd.f32 v3, v6;
	p1 =	slt.s32 s0, s28;
	v13 =	vadd.f32 v1, v5;
	s30 =	sadd.s32 s9, s3;
	v2 =	vld [tilespmem:s29+$0x6990];
	s3 =	simm.s32 $0x0  }
0x26d: {  	s0 =	sadd.s32 $0xFFFFFFFC, s31;
	v12 =	vadd.f32 v12, v11;
	s3 =	simm.s32 @!p1 $0x40;
	v6 =	vld [tilespmem:s30+$0x6900];
	v9 =	vadd.f32 v7, v9  }
0x26e: {  	s5 =	simm.s32 $0x0;
	p1 =	slt.s32 s0, s28;
	s0 =	sadd.s32 s9, s3;
	v5 =	vld [tilespmem:s30+$0x6910];
	v3 =	vmov v8  }
0x26f: {  	s6 =	simm.s32 $0x0;
	s3 =	sadd.s32 $0xFFFFFFFB, s31;
	s5 =	simm.s32 @!p1 $0x40;
	v8 =	vld [tilespmem:s0+$0x6880];
	v1 =	vmov v15  }
0x270: {  	p1 =	slt.s32 s3, s28;
	s3 =	sadd.s32 s9, s5;
	s5 =	sadd.s32 $0xFFFFFFFA, s31;
	v7 =	vld [tilespmem:s0+$0x6890]  }
0x271: {  	s6 =	simm.s32 @!p1 $0x40;
	p1 =	slt.s32 s5, s28;
	v11 =	vld [tilespmem:s3+$0x6800]  }
.Ltmp0:
0x272: {  	s22 =	sadd.s32 s9, s6;
	s6 =	simm.s32 $0x0;
	v10 =	vld [tilespmem:s3+$0x6810];
	(pc) =	sbr.rel @p0 .LBB2_3-.Ltmp0, $4  }
0x273: {  	s5 =	sadd.s32 $0xFFFFFFF9, s31;
	s6 =	simm.s32 @!p1 $0x40;
	v16 =	vld [tilespmem:s22+$0x6780]  }
0x274: {  	p1 =	slt.s32 s5, s28;
	s5 =	sadd.s32 s9, s6;
	s6 =	simm.s32 $0x0;
	v15 =	vld [tilespmem:s22+$0x6790]  }
0x275: {  	s6 =	simm.s32 @!p1 $0x40;
	v18 =	vld [tilespmem:s5+$0x6700]  }
0x276: {  	s2 =	sadd.s32 $0x1000, s2;
	s6 =	sadd.s32 s9, s6;
	v17 =	vld [tilespmem:s5+$0x6710]  }
0x277: {  	v19 =	vld [tilespmem:s6+$0x6680];
	_ =	sdelay $0x4  }
0x278: {  	v14 =	vadd.f32 v19, v14;
	_ =	sdelay $0x1  }
0x279: {  	v19 =	vld [tilespmem:s6+$0x6690];
	v14 =	vadd.f32 v18, v14;
	_ =	sdelay $0x1  }
0x27a: {  	v20 =	vld [tilespmem:s6+$0x66B0];
	v14 =	vadd.f32 v16, v14  }
0x27b: {  	v21 =	vld [tilespmem:s5+$0x6730]  }
0x27c: {  	v22 =	vld [tilespmem:s30+$0x6920];
	v11 =	vadd.f32 v11, v14  }
0x27d: {  	v18 =	vld [tilespmem:s6+$0x66A0];
	v13 =	vadd.f32 v19, v13  }
0x27e: {  	v16 =	vld [tilespmem:s5+$0x6720];
	v8 =	vadd.f32 v8, v11  }
0x27f: {  	v19 =	vld [tilespmem:s22+$0x67B0];
	v13 =	vadd.f32 v17, v13  }
0x280: {  	v14 =	vld [tilespmem:s22+$0x67A0];
	v6 =	vadd.f32 v6, v8  }
0x281: {  	v17 =	vld [tilespmem:s3+$0x6830];
	v13 =	vadd.f32 v15, v13  }
0x282: {  	v11 =	vld [tilespmem:s3+$0x6820];
	v4 =	vadd.f32 v4, v6  }
0x283: {  	v10 =	vadd.f32 v10, v13;
	v6 =	vld [tilespmem:$0x16E80]  }
0x284: {  	v15 =	vld [tilespmem:s0+$0x68B0];
	v3 =	vadd.f32 v3, v4  }
0x285: {  	v8 =	vld [tilespmem:s0+$0x68A0];
	v7 =	vadd.f32 v7, v10  }
0x286: {  	v13 =	vld [tilespmem:s29+$0x69A0];
	v4 =	vadd.f32 v18, v12;
	v3 =	vmul.f32 $4.999999890e-03, v3  }
0x287: {  	v10 =	vld [tilespmem:s29+$0x69B0];
	v5 =	vadd.f32 v5, v7  }
0x288: {  	s9 =	sshll.u32 s24, $0x8;
	v4 =	vadd.f32 v16, v4;
	v16 =	vld [tilespmem:s26+$0x6A20];
	v3 =	vadd.f32 v6, v3  }
0x289: {  	v6 =	vld [tilespmem:s26+$0x6A30];
	s26 =	sand.u32 $0x3FFFFF00, s9  }
0x28a: {  	v12 =	vld [tilespmem:s30+$0x6930];
	v2 =	vadd.f32 v2, v5;
	v4 =	vadd.f32 v14, v4;
	[tilespmem:s26+$0x12E80] =	vst v3  }
0x28b: {  	v3 =	vld [tilespmem:$0x16E90]  }
0x28c: {  	v1 =	vadd.f32 v1, v2;
	v4 =	vadd.f32 v11, v4  }
0x28d: {  	v2 =	vadd.f32 v20, v9  }
0x28e: {  	v1 =	vmul.f32 $4.999999890e-03, v1;
	v4 =	vadd.f32 v8, v4  }
0x28f: {  	v2 =	vadd.f32 v21, v2  }
0x290: {  	v4 =	vadd.f32 v22, v4;
	v1 =	vadd.f32 v3, v1;
	_ =	sdelay $0x1  }
0x291: {  	v2 =	vadd.f32 v19, v2;
	v3 =	vadd.f32 v13, v4;
	[tilespmem:s26+$0x12E90] =	vst v1  }
0x292: {  	v1 =	vld [tilespmem:$0x16EA0]  }
0x293: {  	v2 =	vadd.f32 v17, v2;
	v3 =	vadd.f32 v16, v3;
	_ =	sdelay $0x1  }
0x294: {  	v2 =	vadd.f32 v15, v2;
	v3 =	vmul.f32 $4.999999890e-03, v3;
	_ =	sdelay $0x1  }
0x295: {  	v2 =	vadd.f32 v12, v2;
	v1 =	vadd.f32 v1, v3;
	_ =	sdelay $0x1  }
0x296: {  	v2 =	vadd.f32 v10, v2;
	[tilespmem:s26+$0x12EA0] =	vst v1  }
0x297: {  	v1 =	vld [tilespmem:$0x16EB0]  }
0x298: {  	v2 =	vadd.f32 v6, v2;
	_ =	sdelay $0x1  }
0x299: {  	v2 =	vmul.f32 $4.999999890e-03, v2  }
0x29a: {  	s28 =	sshll.u32 s24, $0x1  }
0x29b: {  	s22 =	smin.u32 s28, $0x7D;
	v1 =	vadd.f32 v1, v2  }
0x29c: {  	s29 =	smul.u32 $0xC8, s22  }
0x29d: {  	[tilespmem:s26+$0x12EB0] =	vst v1  }
0x29e: {  	v1 =	vld [tilespmem:s29+$0x190];
	_ =	sdelay $0x4  }
0x29f: {  	vm1 =	vlt.s32 v1, $0x7D000  }
0x2a0: {  	v2 =	vsel vm1, $0x1, v0  }
0x2a1: {  	(xrf0) =	vadd.scan.msk.s32 $0xffff, v2;
	_ =	sdelay $0x5  }
0x2a2: {  	v2, _, _ =	vpop (xrf0)  }
0x2a3: {  	v2 =	vadd.s32 $0xFFFFFFFF, v2;
	_ =	sdelay $0x2  }
0x2a4: {  	v3 =	vadd.s32 $0xFFF83000, v1  }
0x2a5: {  	v1 =	vsel vm1, v1, v3  }
0x2a6: {  	[tilespmem:v2+s10+$0x0] =	vst.idx.msk vm1, v1  }
0x2a7: {  	v1 =	vld [tilespmem:s29+$0x1A0];
	_ =	sdelay $0x4  }
0x2a8: {  	vm2 =	vlt.s32 v1, $0x7D000  }
0x2a9: {  	v2 =	vsel vm2, $0x1, v0  }
0x2aa: {  	(xrf0) =	vadd.scan.msk.s32 $0xffff, v2;
	_ =	sdelay $0x4  }
0x2ab: {  	v2 =	vmpcnt.ones.xlane vm1  }
0x2ac: {  	v3, _, _ =	vpop (xrf0)  }
0x2ad: {  	v3 =	vadd.s32 v3, v2  }
0x2ae: {  	v3 =	vadd.s32 $0xFFFFFFFF, v3;
	_ =	sdelay $0x2  }
0x2af: {  	v4 =	vadd.s32 $0xFFF83000, v1  }
0x2b0: {  	v1 =	vsel vm2, v1, v4  }
0x2b1: {  	[tilespmem:v3+s10+$0x0] =	vst.idx.msk vm2, v1  }
0x2b2: {  	v1 =	vld [tilespmem:s29+$0x1B0];
	_ =	sdelay $0x4  }
0x2b3: {  	vm1 =	vlt.s32 v1, $0x7D000  }
0x2b4: {  	v3 =	vsel vm1, $0x1, v0  }
0x2b5: {  	(xrf0) =	vadd.scan.msk.s32 $0xffff, v3;
	_ =	sdelay $0x1  }
0x2b6: {  	v3 =	vmpcnt.ones.xlane vm2;
	_ =	sdelay $0x3  }
0x2b7: {  	v2 =	vadd.s32 v2, v3;
	v3, _, _ =	vpop (xrf0)  }
0x2b8: {  	v3 =	vadd.s32 v3, v2  }
0x2b9: {  	v3 =	vadd.s32 $0xFFFFFFFF, v3;
	_ =	sdelay $0x2  }
0x2ba: {  	v4 =	vadd.s32 $0xFFF83000, v1  }
0x2bb: {  	v1 =	vsel vm1, v1, v4  }
0x2bc: {  	[tilespmem:v3+s10+$0x0] =	vst.idx.msk vm1, v1  }
0x2bd: {  	v1 =	vld [tilespmem:s29+$0x1C0];
	_ =	sdelay $0x4  }
0x2be: {  	vm2 =	vlt.s32 v1, $0x7D000  }
0x2bf: {  	v3 =	vsel vm2, $0x1, v0  }
0x2c0: {  	(xrf0) =	vadd.scan.msk.s32 $0xffff, v3;
	_ =	sdelay $0x1  }
0x2c1: {  	v3 =	vmpcnt.ones.xlane vm1;
	_ =	sdelay $0x3  }
0x2c2: {  	v2 =	vadd.s32 v2, v3;
	v3, _, _ =	vpop (xrf0)  }
0x2c3: {  	v3 =	vadd.s32 v3, v2  }
0x2c4: {  	v3 =	vadd.s32 $0xFFFFFFFF, v3;
	_ =	sdelay $0x2  }
0x2c5: {  	v4 =	vadd.s32 $0xFFF83000, v1  }
0x2c6: {  	v1 =	vsel vm2, v1, v4  }
0x2c7: {  	[tilespmem:v3+s10+$0x0] =	vst.idx.msk vm2, v1  }
0x2c8: {  	v1 =	vld [tilespmem:s29+$0x1D0];
	_ =	sdelay $0x4  }
0x2c9: {  	vm1 =	vlt.s32 v1, $0x7D000  }
0x2ca: {  	v3 =	vsel vm1, $0x1, v0  }
0x2cb: {  	(xrf0) =	vadd.scan.msk.s32 $0xffff, v3;
	_ =	sdelay $0x1  }
0x2cc: {  	v3 =	vmpcnt.ones.xlane vm2;
	_ =	sdelay $0x3  }
0x2cd: {  	v2 =	vadd.s32 v2, v3;
	v3, _, _ =	vpop (xrf0)  }
0x2ce: {  	v3 =	vadd.s32 v3, v2  }
0x2cf: {  	v3 =	vadd.s32 $0xFFFFFFFF, v3;
	_ =	sdelay $0x2  }
0x2d0: {  	v4 =	vadd.s32 $0xFFF83000, v1  }
0x2d1: {  	v1 =	vsel vm1, v1, v4  }
0x2d2: {  	[tilespmem:v3+s10+$0x0] =	vst.idx.msk vm1, v1  }
0x2d3: {  	v1 =	vld [tilespmem:s29+$0x1E0];
	_ =	sdelay $0x4  }
0x2d4: {  	vm2 =	vlt.s32 v1, $0x7D000  }
0x2d5: {  	v3 =	vsel vm2, $0x1, v0  }
0x2d6: {  	(xrf0) =	vadd.scan.msk.s32 $0xffff, v3;
	_ =	sdelay $0x1  }
0x2d7: {  	v3 =	vmpcnt.ones.xlane vm1;
	_ =	sdelay $0x3  }
0x2d8: {  	v2 =	vadd.s32 v2, v3;
	v3, _, _ =	vpop (xrf0)  }
0x2d9: {  	v3 =	vadd.s32 v3, v2  }
0x2da: {  	v3 =	vadd.s32 $0xFFFFFFFF, v3;
	_ =	sdelay $0x2  }
0x2db: {  	v4 =	vadd.s32 $0xFFF83000, v1  }
0x2dc: {  	v1 =	vsel vm2, v1, v4  }
0x2dd: {  	[tilespmem:v3+s10+$0x0] =	vst.idx.msk vm2, v1  }
0x2de: {  	v1 =	vld [tilespmem:s29+$0x1F0];
	_ =	sdelay $0x4  }
0x2df: {  	vm1 =	vlt.s32 v1, $0x7D000  }
0x2e0: {  	v3 =	vsel vm1, $0x1, v0  }
0x2e1: {  	(xrf0) =	vadd.scan.msk.s32 $0xffff, v3;
	_ =	sdelay $0x1  }
0x2e2: {  	v3 =	vmpcnt.ones.xlane vm2;
	_ =	sdelay $0x3  }
0x2e3: {  	v2 =	vadd.s32 v2, v3;
	v3, _, _ =	vpop (xrf0)  }
0x2e4: {  	v3 =	vadd.s32 v3, v2  }
0x2e5: {  	v3 =	vadd.s32 $0xFFFFFFFF, v3;
	_ =	sdelay $0x2  }
0x2e6: {  	v4 =	vadd.s32 $0xFFF83000, v1  }
0x2e7: {  	v1 =	vsel vm1, v1, v4  }
0x2e8: {  	[tilespmem:v3+s10+$0x0] =	vst.idx.msk vm1, v1  }
0x2e9: {  	v1 =	vld [tilespmem:s29+$0x200];
	_ =	sdelay $0x4  }
0x2ea: {  	vm2 =	vlt.s32 v1, $0x7D000  }
0x2eb: {  	v3 =	vsel vm2, $0x1, v0  }
0x2ec: {  	(xrf0) =	vadd.scan.msk.s32 $0xffff, v3;
	_ =	sdelay $0x1  }
0x2ed: {  	v3 =	vmpcnt.ones.xlane vm1;
	_ =	sdelay $0x3  }
0x2ee: {  	v2 =	vadd.s32 v2, v3;
	v3, _, _ =	vpop (xrf0)  }
0x2ef: {  	v3 =	vadd.s32 v3, v2  }
0x2f0: {  	v3 =	vadd.s32 $0xFFFFFFFF, v3;
	_ =	sdelay $0x2  }
0x2f1: {  	v4 =	vadd.s32 $0xFFF83000, v1  }
0x2f2: {  	v1 =	vsel vm2, v1, v4  }
0x2f3: {  	[tilespmem:v3+s10+$0x0] =	vst.idx.msk vm2, v1  }
0x2f4: {  	v1 =	vld [tilespmem:s29+$0x210];
	_ =	sdelay $0x4  }
0x2f5: {  	vm1 =	vlt.s32 v1, $0x7D000  }
0x2f6: {  	v3 =	vsel vm1, $0x1, v0  }
0x2f7: {  	(xrf0) =	vadd.scan.msk.s32 $0xffff, v3;
	_ =	sdelay $0x1  }
0x2f8: {  	v3 =	vmpcnt.ones.xlane vm2;
	_ =	sdelay $0x3  }
0x2f9: {  	v2 =	vadd.s32 v2, v3;
	v3, _, _ =	vpop (xrf0)  }
0x2fa: {  	v3 =	vadd.s32 v3, v2  }
0x2fb: {  	v3 =	vadd.s32 $0xFFFFFFFF, v3;
	_ =	sdelay $0x2  }
0x2fc: {  	v4 =	vadd.s32 $0xFFF83000, v1  }
0x2fd: {  	v1 =	vsel vm1, v1, v4  }
0x2fe: {  	[tilespmem:v3+s10+$0x0] =	vst.idx.msk vm1, v1  }
0x2ff: {  	v1 =	vld [tilespmem:s29+$0x220];
	_ =	sdelay $0x4  }
0x300: {  	vm2 =	vlt.s32 v1, $0x7D000  }
0x301: {  	v3 =	vsel vm2, $0x1, v0  }
0x302: {  	(xrf0) =	vadd.scan.msk.s32 $0xffff, v3;
	_ =	sdelay $0x1  }
0x303: {  	v3 =	vmpcnt.ones.xlane vm1;
	_ =	sdelay $0x3  }
0x304: {  	v2 =	vadd.s32 v2, v3;
	v3, _, _ =	vpop (xrf0)  }
0x305: {  	v3 =	vadd.s32 v3, v2  }
0x306: {  	v3 =	vadd.s32 $0xFFFFFFFF, v3;
	_ =	sdelay $0x2  }
0x307: {  	v4 =	vadd.s32 $0xFFF83000, v1  }
0x308: {  	v1 =	vsel vm2, v1, v4  }
0x309: {  	[tilespmem:v3+s10+$0x0] =	vst.idx.msk vm2, v1  }
0x30a: {  	v1 =	vld [tilespmem:s29+$0x230];
	_ =	sdelay $0x4  }
0x30b: {  	vm1 =	vlt.s32 v1, $0x7D000  }
0x30c: {  	v3 =	vsel vm1, $0x1, v0  }
0x30d: {  	(xrf0) =	vadd.scan.msk.s32 $0xffff, v3;
	_ =	sdelay $0x1  }
0x30e: {  	v3 =	vmpcnt.ones.xlane vm2;
	_ =	sdelay $0x3  }
0x30f: {  	v2 =	vadd.s32 v2, v3;
	v3, _, _ =	vpop (xrf0)  }
0x310: {  	v3 =	vadd.s32 v3, v2  }
0x311: {  	v3 =	vadd.s32 $0xFFFFFFFF, v3;
	_ =	sdelay $0x2  }
0x312: {  	v4 =	vadd.s32 $0xFFF83000, v1  }
0x313: {  	v1 =	vsel vm1, v1, v4  }
0x314: {  	[tilespmem:v3+s10+$0x0] =	vst.idx.msk vm1, v1  }
0x315: {  	v1 =	vld [tilespmem:s29+$0x240];
	_ =	sdelay $0x4  }
0x316: {  	vm2 =	vlt.s32 v1, $0x7D000  }
0x317: {  	v3 =	vsel vm2, $0x1, v0  }
0x318: {  	(xrf0) =	vadd.scan.msk.s32 $0xffff, v3;
	_ =	sdelay $0x1  }
0x319: {  	v3 =	vmpcnt.ones.xlane vm1;
	_ =	sdelay $0x3  }
0x31a: {  	v2 =	vadd.s32 v2, v3;
	v3, _, _ =	vpop (xrf0)  }
0x31b: {  	v3 =	vadd.s32 v3, v2  }
0x31c: {  	v3 =	vadd.s32 $0xFFFFFFFF, v3;
	_ =	sdelay $0x2  }
0x31d: {  	v4 =	vadd.s32 $0xFFF83000, v1  }
0x31e: {  	v1 =	vsel vm2, v1, v4  }
0x31f: {  	[tilespmem:v3+s10+$0x0] =	vst.idx.msk vm2, v1  }
0x320: {  	v1 =	vld [tilespmem:s29+$0x250];
	_ =	sdelay $0x4  }
0x321: {  	vm1 =	vlt.s32 v1, $0x7D000  }
0x322: {  	vm3 =	vmand vm1, vm0  }
0x323: {  	v3 =	vsel vm3, $0x1, v0  }
0x324: {  	(xrf0) =	vadd.scan.msk.s32 $0xffff, v3;
	_ =	sdelay $0x1  }
0x325: {  	v3 =	vmpcnt.ones.xlane vm2;
	_ =	sdelay $0x3  }
0x326: {  	v2 =	vadd.s32 v2, v3;
	v3, _, _ =	vpop (xrf0)  }
0x327: {  	v3 =	vadd.s32 v3, v2  }
0x328: {  	v3 =	vadd.s32 $0xFFFFFFFF, v3;
	_ =	sdelay $0x2  }
0x329: {  	v4 =	vadd.s32 $0xFFF83000, v1  }
0x32a: {  	v1 =	vsel vm1, v1, v4  }
0x32b: {  	[tilespmem:v3+s10+$0x0] =	vst.idx.msk vm3, v1  }
0x32c: {  	v3 =	vld [tilespmem:s29+$0x190];
	_ =	sdelay $0x4  }
0x32d: {  	vm1 =	vgt.s32 v3, $0x7CFFF  }
0x32e: {  	v1 =	vsel vm1, $0x1, v0  }
0x32f: {  	(xrf0) =	vadd.scan.msk.s32 $0xffff, v1;
	_ =	sdelay $0x2  }
0x330: {  	v1 =	vmpcnt.ones.xlane vm3;
	_ =	sdelay $0x1  }
0x331: {  	v1 =	vadd.s32 v2, v1  }
0x332: {  	v4 =	vadd.s32 $0xFFFFFFFF, v1;
	v2, _, _ =	vpop (xrf0)  }
0x333: {  	v2 =	vadd.s32 v2, v4;
	_ =	sdelay $0x2  }
0x334: {  	v5 =	vadd.s32 $0xFFF83000, v3  }
0x335: {  	v3 =	vsel vm1, v5, v3  }
0x336: {  	[tilespmem:v2+s10+$0x0] =	vst.idx.msk vm1, v3  }
0x337: {  	v2 =	vld [tilespmem:s29+$0x1A0];
	_ =	sdelay $0x4  }
0x338: {  	vm2 =	vgt.s32 v2, $0x7CFFF  }
0x339: {  	v3 =	vsel vm2, $0x1, v0  }
0x33a: {  	(xrf0) =	vadd.scan.msk.s32 $0xffff, v3;
	_ =	sdelay $0x3  }
0x33b: {  	v3 =	vmpcnt.ones.xlane vm1;
	_ =	sdelay $0x1  }
0x33c: {  	v3 =	vadd.s32 v3, v4;
	v5, _, _ =	vpop (xrf0)  }
0x33d: {  	v4 =	vadd.s32 v5, v3;
	_ =	sdelay $0x2  }
0x33e: {  	v5 =	vadd.s32 $0xFFF83000, v2  }
0x33f: {  	v2 =	vsel vm2, v5, v2  }
0x340: {  	[tilespmem:v4+s10+$0x0] =	vst.idx.msk vm2, v2  }
0x341: {  	v2 =	vld [tilespmem:s29+$0x1B0];
	_ =	sdelay $0x4  }
0x342: {  	vm1 =	vgt.s32 v2, $0x7CFFF  }
0x343: {  	v4 =	vsel vm1, $0x1, v0  }
0x344: {  	(xrf0) =	vadd.scan.msk.s32 $0xffff, v4;
	_ =	sdelay $0x3  }
0x345: {  	v4 =	vmpcnt.ones.xlane vm2;
	_ =	sdelay $0x1  }
0x346: {  	v3 =	vadd.s32 v4, v3;
	v5, _, _ =	vpop (xrf0)  }
0x347: {  	v4 =	vadd.s32 v5, v3;
	_ =	sdelay $0x2  }
0x348: {  	v5 =	vadd.s32 $0xFFF83000, v2  }
0x349: {  	v2 =	vsel vm1, v5, v2  }
0x34a: {  	[tilespmem:v4+s10+$0x0] =	vst.idx.msk vm1, v2  }
0x34b: {  	v2 =	vld [tilespmem:s29+$0x1C0];
	_ =	sdelay $0x4  }
0x34c: {  	vm2 =	vgt.s32 v2, $0x7CFFF  }
0x34d: {  	v4 =	vsel vm2, $0x1, v0  }
0x34e: {  	(xrf0) =	vadd.scan.msk.s32 $0xffff, v4;
	_ =	sdelay $0x3  }
0x34f: {  	v4 =	vmpcnt.ones.xlane vm1;
	_ =	sdelay $0x1  }
0x350: {  	v3 =	vadd.s32 v4, v3;
	v5, _, _ =	vpop (xrf0)  }
0x351: {  	v4 =	vadd.s32 v5, v3;
	_ =	sdelay $0x2  }
0x352: {  	v5 =	vadd.s32 $0xFFF83000, v2  }
0x353: {  	v2 =	vsel vm2, v5, v2  }
0x354: {  	[tilespmem:v4+s10+$0x0] =	vst.idx.msk vm2, v2  }
0x355: {  	v2 =	vld [tilespmem:s29+$0x1D0];
	_ =	sdelay $0x4  }
0x356: {  	vm1 =	vgt.s32 v2, $0x7CFFF  }
0x357: {  	v4 =	vsel vm1, $0x1, v0  }
0x358: {  	(xrf0) =	vadd.scan.msk.s32 $0xffff, v4;
	_ =	sdelay $0x3  }
0x359: {  	v4 =	vmpcnt.ones.xlane vm2;
	_ =	sdelay $0x1  }
0x35a: {  	v3 =	vadd.s32 v4, v3;
	v5, _, _ =	vpop (xrf0)  }
0x35b: {  	v4 =	vadd.s32 v5, v3;
	_ =	sdelay $0x2  }
0x35c: {  	v5 =	vadd.s32 $0xFFF83000, v2  }
0x35d: {  	v2 =	vsel vm1, v5, v2  }
0x35e: {  	[tilespmem:v4+s10+$0x0] =	vst.idx.msk vm1, v2  }
0x35f: {  	v2 =	vld [tilespmem:s29+$0x1E0];
	_ =	sdelay $0x4  }
0x360: {  	vm2 =	vgt.s32 v2, $0x7CFFF  }
0x361: {  	v4 =	vsel vm2, $0x1, v0  }
0x362: {  	(xrf0) =	vadd.scan.msk.s32 $0xffff, v4;
	_ =	sdelay $0x3  }
0x363: {  	v4 =	vmpcnt.ones.xlane vm1;
	_ =	sdelay $0x1  }
0x364: {  	v3 =	vadd.s32 v4, v3;
	v5, _, _ =	vpop (xrf0)  }
0x365: {  	v4 =	vadd.s32 v5, v3;
	_ =	sdelay $0x2  }
0x366: {  	v5 =	vadd.s32 $0xFFF83000, v2  }
0x367: {  	v2 =	vsel vm2, v5, v2  }
0x368: {  	[tilespmem:v4+s10+$0x0] =	vst.idx.msk vm2, v2  }
0x369: {  	v2 =	vld [tilespmem:s29+$0x1F0];
	_ =	sdelay $0x4  }
0x36a: {  	vm1 =	vgt.s32 v2, $0x7CFFF  }
0x36b: {  	v4 =	vsel vm1, $0x1, v0  }
0x36c: {  	(xrf0) =	vadd.scan.msk.s32 $0xffff, v4;
	_ =	sdelay $0x3  }
0x36d: {  	v4 =	vmpcnt.ones.xlane vm2;
	_ =	sdelay $0x1  }
0x36e: {  	v3 =	vadd.s32 v4, v3;
	v5, _, _ =	vpop (xrf0)  }
0x36f: {  	v4 =	vadd.s32 v5, v3;
	_ =	sdelay $0x2  }
0x370: {  	v5 =	vadd.s32 $0xFFF83000, v2  }
0x371: {  	v2 =	vsel vm1, v5, v2  }
0x372: {  	[tilespmem:v4+s10+$0x0] =	vst.idx.msk vm1, v2  }
0x373: {  	v2 =	vld [tilespmem:s29+$0x200];
	_ =	sdelay $0x4  }
0x374: {  	vm2 =	vgt.s32 v2, $0x7CFFF  }
0x375: {  	v4 =	vsel vm2, $0x1, v0  }
0x376: {  	(xrf0) =	vadd.scan.msk.s32 $0xffff, v4;
	_ =	sdelay $0x3  }
0x377: {  	v4 =	vmpcnt.ones.xlane vm1;
	_ =	sdelay $0x1  }
0x378: {  	v3 =	vadd.s32 v4, v3;
	v5, _, _ =	vpop (xrf0)  }
0x379: {  	v4 =	vadd.s32 v5, v3;
	_ =	sdelay $0x2  }
0x37a: {  	v5 =	vadd.s32 $0xFFF83000, v2  }
0x37b: {  	v2 =	vsel vm2, v5, v2  }
0x37c: {  	[tilespmem:v4+s10+$0x0] =	vst.idx.msk vm2, v2  }
0x37d: {  	v2 =	vld [tilespmem:s29+$0x210];
	_ =	sdelay $0x4  }
0x37e: {  	vm1 =	vgt.s32 v2, $0x7CFFF  }
0x37f: {  	v4 =	vsel vm1, $0x1, v0  }
0x380: {  	(xrf0) =	vadd.scan.msk.s32 $0xffff, v4;
	_ =	sdelay $0x3  }
0x381: {  	v4 =	vmpcnt.ones.xlane vm2;
	_ =	sdelay $0x1  }
0x382: {  	v3 =	vadd.s32 v4, v3;
	v5, _, _ =	vpop (xrf0)  }
0x383: {  	v4 =	vadd.s32 v5, v3;
	_ =	sdelay $0x2  }
0x384: {  	v5 =	vadd.s32 $0xFFF83000, v2  }
0x385: {  	v2 =	vsel vm1, v5, v2  }
0x386: {  	[tilespmem:v4+s10+$0x0] =	vst.idx.msk vm1, v2  }
0x387: {  	v2 =	vld [tilespmem:s29+$0x220];
	_ =	sdelay $0x4  }
0x388: {  	vm2 =	vgt.s32 v2, $0x7CFFF  }
0x389: {  	v4 =	vsel vm2, $0x1, v0  }
0x38a: {  	(xrf0) =	vadd.scan.msk.s32 $0xffff, v4;
	_ =	sdelay $0x3  }
0x38b: {  	v4 =	vmpcnt.ones.xlane vm1;
	_ =	sdelay $0x1  }
0x38c: {  	v3 =	vadd.s32 v4, v3;
	v5, _, _ =	vpop (xrf0)  }
0x38d: {  	v4 =	vadd.s32 v5, v3;
	_ =	sdelay $0x2  }
0x38e: {  	v5 =	vadd.s32 $0xFFF83000, v2  }
0x38f: {  	v2 =	vsel vm2, v5, v2  }
0x390: {  	[tilespmem:v4+s10+$0x0] =	vst.idx.msk vm2, v2  }
0x391: {  	v2 =	vld [tilespmem:s29+$0x230];
	_ =	sdelay $0x4  }
0x392: {  	vm1 =	vgt.s32 v2, $0x7CFFF  }
0x393: {  	v4 =	vsel vm1, $0x1, v0  }
0x394: {  	(xrf0) =	vadd.scan.msk.s32 $0xffff, v4;
	_ =	sdelay $0x3  }
0x395: {  	v4 =	vmpcnt.ones.xlane vm2;
	_ =	sdelay $0x1  }
0x396: {  	v3 =	vadd.s32 v4, v3;
	v5, _, _ =	vpop (xrf0)  }
0x397: {  	v4 =	vadd.s32 v5, v3;
	_ =	sdelay $0x2  }
0x398: {  	v5 =	vadd.s32 $0xFFF83000, v2  }
0x399: {  	v2 =	vsel vm1, v5, v2  }
0x39a: {  	[tilespmem:v4+s10+$0x0] =	vst.idx.msk vm1, v2  }
0x39b: {  	v2 =	vld [tilespmem:s29+$0x240];
	_ =	sdelay $0x4  }
0x39c: {  	vm2 =	vgt.s32 v2, $0x7CFFF  }
0x39d: {  	v4 =	vsel vm2, $0x1, v0  }
0x39e: {  	(xrf0) =	vadd.scan.msk.s32 $0xffff, v4;
	_ =	sdelay $0x3  }
0x39f: {  	v4 =	vmpcnt.ones.xlane vm1;
	_ =	sdelay $0x1  }
0x3a0: {  	v3 =	vadd.s32 v4, v3;
	v5, _, _ =	vpop (xrf0)  }
0x3a1: {  	v4 =	vadd.s32 v5, v3;
	_ =	sdelay $0x2  }
0x3a2: {  	v5 =	vadd.s32 $0xFFF83000, v2  }
0x3a3: {  	v2 =	vsel vm2, v5, v2  }
0x3a4: {  	[tilespmem:v4+s10+$0x0] =	vst.idx.msk vm2, v2  }
0x3a5: {  	v2 =	vld [tilespmem:s29+$0x250];
	_ =	sdelay $0x4  }
0x3a6: {  	vm1 =	vgt.s32 v2, $0x7CFFF  }
0x3a7: {  	vm3 =	vmand vm1, vm0  }
0x3a8: {  	v4 =	vsel vm3, $0x1, v0  }
0x3a9: {  	(xrf0) =	vadd.scan.msk.s32 $0xffff, v4;
	_ =	sdelay $0x3  }
0x3aa: {  	v4 =	vmpcnt.ones.xlane vm2;
	_ =	sdelay $0x1  }
0x3ab: {  	v3 =	vadd.s32 v4, v3;
	v5, _, _ =	vpop (xrf0)  }
0x3ac: {  	v3 =	vadd.s32 v5, v3;
	_ =	sdelay $0x2  }
0x3ad: {  	v4 =	vadd.s32 $0xFFF83000, v2  }
0x3ae: {  	v2 =	vsel vm1, v4, v2  }
0x3af: {  	[tilespmem:v3+s10+$0x0] =	vst.idx.msk vm3, v2  }
0x3b0: {  	[tilespmem:s12], [sflag:$0x1] =	stream.indirect.gather [hbm4b:s1+s11], $0x80, s10, s11, $0xb8;
	[tilespmem:$0x16F00] =	vst v63  }
0x3b1: {  	_ = 	snop  }
0x3b2: {  	[tilespmem:s15], [sflag:$0x1] =	stream.indirect.gather [hbm4b:s1+s13], $0x80, s14, s13, $0xb8;
	[tilespmem:$0x16F00] =	vst v63  }
0x3b3: {  	_ =	swait.ge [sflag:s21], $0x3C00  }
0x3b4: {  	[sflag:s21] =	ssyncset.done $0x0  }
0x3b5: {  	[sflag:s21] =	ssyncadd.s32 $0xFFFFC400  }
0x3b6: {  	p0 =	sgt.s32 s25, $0x7;
	s0 =	simm.s32 $0x0;
	_ =	swait.ge [sflag:s21], $0x2800  }
0x3b7: {  	s0 =	simm.s32 @!p0 $0x40;
	p0 =	sgt.s32 s25, $0x6;
	[sflag:s21] =	ssyncset.done $0x0  }
0x3b8: {  	s29 =	sadd.s32 $0x0, s0;
	s0 =	simm.s32 $0x0;
	[sflag:s21] =	ssyncadd.s32 $0xFFFFD800  }
0x3b9: {  	s0 =	simm.s32 @!p0 $0x40;
	v4 =	vld [tilespmem:s29+$0xCE00]  }
0x3ba: {  	p0 =	sgt.s32 s25, $0x5;
	s30 =	sadd.s32 $0x0, s0;
	s0 =	simm.s32 $0x0;
	v2 =	vld [tilespmem:s29+$0xCE10]  }
0x3bb: {  	s0 =	simm.s32 @!p0 $0x40;
	v5 =	vld [tilespmem:s30+$0xCD80]  }
0x3bc: {  	p0 =	sgt.s32 s25, $0x4;
	s31 =	sadd.s32 $0x0, s0;
	s0 =	simm.s32 $0x0;
	v3 =	vld [tilespmem:s30+$0xCD90]  }
0x3bd: {  	s0 =	simm.s32 @!p0 $0x40;
	v7 =	vld [tilespmem:s31+$0xCD00]  }
0x3be: {  	p0 =	sgt.s32 s25, $0x3;
	s3 =	sadd.s32 $0x0, s0;
	s0 =	simm.s32 $0x0;
	v6 =	vld [tilespmem:s31+$0xCD10]  }
0x3bf: {  	s0 =	simm.s32 @!p0 $0x40;
	v9 =	vld [tilespmem:s3+$0xCC80]  }
0x3c0: {  	p0 =	sgt.s32 s25, $0x2;
	s9 =	sadd.s32 $0x0, s0;
	s0 =	simm.s32 $0x0;
	v8 =	vld [tilespmem:s3+$0xCC90]  }
0x3c1: {  	s0 =	simm.s32 @!p0 $0x40;
	v12 =	vld [tilespmem:s9+$0xCC00]  }
0x3c2: {  	p0 =	sgt.s32 s25, $0x1;
	s5 =	sadd.s32 $0x0, s0;
	s0 =	simm.s32 $0x0;
	v11 =	vld [tilespmem:s9+$0xCC10]  }
0x3c3: {  	s0 =	simm.s32 @!p0 $0x40;
	v17 =	vld [tilespmem:s5+$0xCB80]  }
0x3c4: {  	p0 =	sgt.s32 s25, $0x0;
	s6 =	sadd.s32 $0x0, s0;
	s0 =	simm.s32 $0x0;
	v16 =	vld [tilespmem:s5+$0xCB90]  }
0x3c5: {  	v14 =	vimm.f32 $0.0e+00;
	s0 =	simm.s32 @!p0 $0x40;
	v19 =	vld [tilespmem:s6+$0xCB00]  }
0x3c6: {  	s2 =	simm.s32 $0x7;
	v13 =	vimm.f32 $0.0e+00;
	v15 =	vimm.f32 $0.0e+00;
	v10 =	vimm.f32 $0.0e+00;
	s22 =	sadd.s32 $0x0, s0;
	s0 =	simm.s32 $0x1000;
	v18 =	vld [tilespmem:s6+$0xCB10]  }
.LBB2_5:
0x3c7: {  	p0 =	sne.s32 s0, $0x18000;
	v20 =	vld [tilespmem:s22+$0xCA80]  }
0x3c8: {  	v21 =	vld [tilespmem:s22+$0xCA90]  }
0x3c9: {  	v22 =	vld [tilespmem:s22+$0xCAA0]  }
0x3ca: {  	v23 =	vld [tilespmem:s22+$0xCAB0]  }
0x3cb: {  	v24 =	vld [tilespmem:s6+$0xCB20]  }
0x3cc: {  	v25 =	vld [tilespmem:s6+$0xCB30]  }
0x3cd: {  	v26 =	vld [tilespmem:s5+$0xCBA0]  }
0x3ce: {  	v15 =	vadd.f32 v20, v15;
	v14 =	vadd.f32 v21, v14;
	v20 =	vld [tilespmem:s5+$0xCBB0]  }
0x3cf: {  	v13 =	vadd.f32 v22, v13;
	v10 =	vadd.f32 v23, v10;
	v21 =	vld [tilespmem:s9+$0xCC20]  }
0x3d0: {  	v15 =	vadd.f32 v19, v15;
	v14 =	vadd.f32 v18, v14;
	v18 =	vld [tilespmem:s9+$0xCC30]  }
0x3d1: {  	v13 =	vadd.f32 v24, v13;
	v10 =	vadd.f32 v25, v10;
	v19 =	vld [tilespmem:s3+$0xCCA0]  }
0x3d2: {  	v15 =	vadd.f32 v17, v15;
	v14 =	vadd.f32 v16, v14;
	v16 =	vld [tilespmem:s3+$0xCCB0]  }
0x3d3: {  	v13 =	vadd.f32 v26, v13;
	v10 =	vadd.f32 v20, v10;
	v17 =	vld [tilespmem:s31+$0xCD20]  }
0x3d4: {  	v12 =	vadd.f32 v12, v15;
	v11 =	vadd.f32 v11, v14;
	v14 =	vld [tilespmem:s31+$0xCD30]  }
0x3d5: {  	s2 =	sadd.s32 $0x8, s2;
	v13 =	vadd.f32 v21, v13;
	v10 =	vadd.f32 v18, v10;
	v15 =	vld [tilespmem:s30+$0xCDA0]  }
0x3d6: {  	p1 =	slt.s32 s2, s25;
	s5 =	simm.s32 $0x0;
	v9 =	vadd.f32 v9, v12;
	v8 =	vadd.f32 v8, v11;
	v11 =	vld [tilespmem:s30+$0xCDB0]  }
0x3d7: {  	s22 =	sshra.s32 s0, $0x2;
	s5 =	simm.s32 @!p1 $0x40;
	s3 =	sadd.s32 $0xFFFFFFFF, s2;
	v12 =	vadd.f32 v19, v13;
	v10 =	vadd.f32 v16, v10;
	v13 =	vld [tilespmem:s29+$0xCE20]  }
0x3d8: {  	p1 =	slt.s32 s3, s25;
	v7 =	vadd.f32 v7, v9;
	v6 =	vadd.f32 v6, v8;
	v8 =	vld [tilespmem:s29+$0xCE30];
	s29 =	sadd.s32 s22, s5;
	s5 =	simm.s32 $0x0  }
0x3d9: {  	s3 =	sadd.s32 $0xFFFFFFFE, s2;
	v12 =	vadd.f32 v17, v12;
	s5 =	simm.s32 @!p1 $0x40;
	v9 =	vld [tilespmem:s29+$0xCE00];
	v10 =	vadd.f32 v14, v10  }
0x3da: {  	v7 =	vadd.f32 v5, v7;
	p1 =	slt.s32 s3, s25;
	v6 =	vadd.f32 v3, v6;
	s30 =	sadd.s32 s22, s5;
	v16 =	vld [tilespmem:s29+$0xCE10];
	s5 =	simm.s32 $0x0  }
0x3db: {  	s3 =	sadd.s32 $0xFFFFFFFD, s2;
	v12 =	vadd.f32 v15, v12;
	s5 =	simm.s32 @!p1 $0x40;
	v5 =	vld [tilespmem:s30+$0xCD80];
	v10 =	vadd.f32 v11, v10  }
0x3dc: {  	v15 =	vadd.f32 v4, v7;
	p1 =	slt.s32 s3, s25;
	v14 =	vadd.f32 v2, v6;
	s31 =	sadd.s32 s22, s5;
	v3 =	vld [tilespmem:s30+$0xCD90];
	s5 =	simm.s32 $0x0  }
0x3dd: {  	s3 =	sadd.s32 $0xFFFFFFFC, s2;
	v13 =	vadd.f32 v13, v12;
	s5 =	simm.s32 @!p1 $0x40;
	v7 =	vld [tilespmem:s31+$0xCD00];
	v10 =	vadd.f32 v8, v10  }
0x3de: {  	s6 =	simm.s32 $0x0;
	p1 =	slt.s32 s3, s25;
	s3 =	sadd.s32 s22, s5;
	v6 =	vld [tilespmem:s31+$0xCD10];
	v4 =	vmov v9  }
0x3df: {  	s5 =	sadd.s32 $0xFFFFFFFB, s2;
	s6 =	simm.s32 @!p1 $0x40;
	v9 =	vld [tilespmem:s3+$0xCC80];
	v2 =	vmov v16  }
0x3e0: {  	p1 =	slt.s32 s5, s25;
	s9 =	sadd.s32 s22, s6;
	s6 =	simm.s32 $0x0;
	v8 =	vld [tilespmem:s3+$0xCC90]  }
0x3e1: {  	s7 =	simm.s32 $0x0;
	s5 =	sadd.s32 $0xFFFFFFFA, s2;
	s6 =	simm.s32 @!p1 $0x40;
	v12 =	vld [tilespmem:s9+$0xCC00]  }
.Ltmp1:
0x3e2: {  	p1 =	slt.s32 s5, s25;
	s5 =	sadd.s32 s22, s6;
	v11 =	vld [tilespmem:s9+$0xCC10];
	(pc) =	sbr.rel @p0 .LBB2_5-.Ltmp1, $4  }
0x3e3: {  	s6 =	sadd.s32 $0xFFFFFFF9, s2;
	s7 =	simm.s32 @!p1 $0x40;
	v17 =	vld [tilespmem:s5+$0xCB80]  }
0x3e4: {  	p1 =	slt.s32 s6, s25;
	s6 =	sadd.s32 s22, s7;
	s7 =	simm.s32 $0x0;
	v16 =	vld [tilespmem:s5+$0xCB90]  }
0x3e5: {  	s7 =	simm.s32 @!p1 $0x40;
	v19 =	vld [tilespmem:s6+$0xCB00]  }
0x3e6: {  	s0 =	sadd.s32 $0x1000, s0;
	s22 =	sadd.s32 s22, s7;
	v18 =	vld [tilespmem:s6+$0xCB10]  }
0x3e7: {  	v20 =	vld [tilespmem:s22+$0xCA80];
	_ =	sdelay $0x4  }
0x3e8: {  	v15 =	vadd.f32 v20, v15;
	_ =	sdelay $0x1  }
0x3e9: {  	v49 =	vld [tilespmem:s22+$0xCA90];
	v15 =	vadd.f32 v19, v15;
	_ =	sdelay $0x1  }
0x3ea: {  	v50 =	vld [tilespmem:s22+$0xCAA0];
	v15 =	vadd.f32 v17, v15  }
0x3eb: {  	v21 =	vld [tilespmem:s22+$0xCAB0]  }
0x3ec: {  	v51 =	vld [tilespmem:s6+$0xCB20];
	v12 =	vadd.f32 v12, v15  }
0x3ed: {  	v22 =	vld [tilespmem:s6+$0xCB30];
	v14 =	vadd.f32 v49, v14  }
0x3ee: {  	v52 =	vld [tilespmem:s5+$0xCBA0];
	v9 =	vadd.f32 v9, v12  }
0x3ef: {  	v53 =	vld [tilespmem:s5+$0xCBB0];
	v14 =	vadd.f32 v18, v14  }
0x3f0: {  	v54 =	vld [tilespmem:s9+$0xCC20];
	v7 =	vadd.f32 v7, v9  }
0x3f1: {  	v55 =	vld [tilespmem:s9+$0xCC30];
	v14 =	vadd.f32 v16, v14  }
0x3f2: {  	v56 =	vld [tilespmem:s3+$0xCCA0];
	v5 =	vadd.f32 v5, v7  }
0x3f3: {  	v58 =	vld [tilespmem:$0x16E80];
	v11 =	vadd.f32 v11, v14  }
0x3f4: {  	v57 =	vld [tilespmem:s3+$0xCCB0];
	v4 =	vadd.f32 v4, v5  }
0x3f5: {  	v23 =	vld [tilespmem:s31+$0xCD20];
	v8 =	vadd.f32 v8, v11  }
0x3f6: {  	v60 =	vld [tilespmem:s31+$0xCD30];
	v59 =	vadd.f32 v50, v13;
	v4 =	vmul.f32 $4.999999890e-03, v4  }
0x3f7: {  	v61 =	vld [tilespmem:s30+$0xCDA0];
	v6 =	vadd.f32 v6, v8  }
0x3f8: {  	v62 =	vld [tilespmem:s30+$0xCDB0];
	v5 =	vadd.f32 v51, v59;
	v4 =	vadd.f32 v58, v4  }
0x3f9: {  	v63 =	vld [tilespmem:s29+$0xCE20]  }
0x3fa: {  	v24 =	vld [tilespmem:s29+$0xCE30];
	v3 =	vadd.f32 v3, v6;
	v5 =	vadd.f32 v52, v5;
	[tilespmem:s26+$0x12F00] =	vst v4  }
0x3fb: {  	v4 =	vld [tilespmem:$0x16E90]  }
0x3fc: {  	v2 =	vadd.f32 v2, v3;
	v5 =	vadd.f32 v54, v5  }
0x3fd: {  	v3 =	vadd.f32 v21, v10  }
0x3fe: {  	v2 =	vmul.f32 $4.999999890e-03, v2;
	v5 =	vadd.f32 v56, v5  }
0x3ff: {  	v3 =	vadd.f32 v22, v3  }
0x400: {  	v5 =	vadd.f32 v23, v5;
	v2 =	vadd.f32 v4, v2;
	_ =	sdelay $0x1  }
0x401: {  	v3 =	vadd.f32 v53, v3;
	v25 =	vadd.f32 v61, v5;
	[tilespmem:s26+$0x12F10] =	vst v2  }
0x402: {  	v2 =	vld [tilespmem:$0x16EA0]  }
0x403: {  	v3 =	vadd.f32 v55, v3;
	v4 =	vadd.f32 v63, v25;
	_ =	sdelay $0x1  }
0x404: {  	v3 =	vadd.f32 v57, v3;
	v4 =	vmul.f32 $4.999999890e-03, v4;
	_ =	sdelay $0x1  }
0x405: {  	v3 =	vadd.f32 v60, v3;
	v2 =	vadd.f32 v2, v4;
	_ =	sdelay $0x1  }
0x406: {  	v3 =	vadd.f32 v62, v3;
	[tilespmem:s26+$0x12F20] =	vst v2  }
0x407: {  	v2 =	vld [tilespmem:$0x16EB0]  }
0x408: {  	v3 =	vadd.f32 v24, v3;
	_ =	sdelay $0x1  }
0x409: {  	v3 =	vmul.f32 $4.999999890e-03, v3;
	_ =	sdelay $0x1  }
0x40a: {  	s0 =	smin.u32 s28, $0x7C;
	v2 =	vadd.f32 v2, v3  }
0x40b: {  	s25 =	smul.u32 $0xC8, s0  }
0x40c: {  	[tilespmem:s26+$0x12F30] =	vst v2  }
0x40d: {  	v2 =	vld [tilespmem:s25+$0x258];
	_ =	sdelay $0x4  }
0x40e: {  	vm1 =	vlt.s32 v2, $0x7D000  }
0x40f: {  	v3 =	vsel vm1, $0x1, v0  }
0x410: {  	(xrf0) =	vadd.scan.msk.s32 $0xffff, v3;
	_ =	sdelay $0x5  }
0x411: {  	v3, _, _ =	vpop (xrf0)  }
0x412: {  	v3 =	vadd.s32 $0xFFFFFFFF, v3;
	_ =	sdelay $0x2  }
0x413: {  	v26 =	vadd.s32 $0xFFF83000, v2  }
0x414: {  	v2 =	vsel vm1, v2, v26  }
0x415: {  	[tilespmem:v3+s16+$0x0] =	vst.idx.msk vm1, v2  }
0x416: {  	v2 =	vld [tilespmem:s25+$0x268];
	_ =	sdelay $0x4  }
0x417: {  	vm2 =	vlt.s32 v2, $0x7D000  }
0x418: {  	v3 =	vsel vm2, $0x1, v0  }
0x419: {  	(xrf0) =	vadd.scan.msk.s32 $0xffff, v3;
	_ =	sdelay $0x4  }
0x41a: {  	v3 =	vmpcnt.ones.xlane vm1  }
0x41b: {  	v27, _, _ =	vpop (xrf0)  }
0x41c: {  	v4 =	vadd.s32 v27, v3  }
0x41d: {  	v4 =	vadd.s32 $0xFFFFFFFF, v4;
	_ =	sdelay $0x2  }
0x41e: {  	v28 =	vadd.s32 $0xFFF83000, v2  }
0x41f: {  	v2 =	vsel vm2, v2, v28  }
0x420: {  	[tilespmem:v4+s16+$0x0] =	vst.idx.msk vm2, v2  }
0x421: {  	v2 =	vld [tilespmem:s25+$0x278];
	_ =	sdelay $0x4  }
0x422: {  	vm1 =	vlt.s32 v2, $0x7D000  }
0x423: {  	v29 =	vsel vm1, $0x1, v0  }
0x424: {  	(xrf0) =	vadd.scan.msk.s32 $0xffff, v29;
	_ =	sdelay $0x3  }
0x425: {  	v30 =	vmpcnt.ones.xlane vm2;
	_ =	sdelay $0x1  }
0x426: {  	v3 =	vadd.s32 v3, v30;
	v31, _, _ =	vpop (xrf0)  }
0x427: {  	v4 =	vadd.s32 v31, v3  }
0x428: {  	v4 =	vadd.s32 $0xFFFFFFFF, v4;
	_ =	sdelay $0x2  }
0x429: {  	v32 =	vadd.s32 $0xFFF83000, v2  }
0x42a: {  	v2 =	vsel vm1, v2, v32  }
0x42b: {  	[tilespmem:v4+s16+$0x0] =	vst.idx.msk vm1, v2  }
0x42c: {  	v2 =	vld [tilespmem:s25+$0x288];
	_ =	sdelay $0x4  }
0x42d: {  	vm2 =	vlt.s32 v2, $0x7D000  }
0x42e: {  	v33 =	vsel vm2, $0x1, v0  }
0x42f: {  	(xrf0) =	vadd.scan.msk.s32 $0xffff, v33;
	_ =	sdelay $0x3  }
0x430: {  	v34 =	vmpcnt.ones.xlane vm1;
	_ =	sdelay $0x1  }
0x431: {  	v3 =	vadd.s32 v3, v34;
	v35, _, _ =	vpop (xrf0)  }
0x432: {  	v4 =	vadd.s32 v35, v3  }
0x433: {  	v4 =	vadd.s32 $0xFFFFFFFF, v4;
	_ =	sdelay $0x2  }
0x434: {  	v36 =	vadd.s32 $0xFFF83000, v2  }
0x435: {  	v2 =	vsel vm2, v2, v36  }
0x436: {  	[tilespmem:v4+s16+$0x0] =	vst.idx.msk vm2, v2  }
0x437: {  	v2 =	vld [tilespmem:s25+$0x298];
	_ =	sdelay $0x4  }
0x438: {  	vm1 =	vlt.s32 v2, $0x7D000  }
0x439: {  	v37 =	vsel vm1, $0x1, v0  }
0x43a: {  	(xrf0) =	vadd.scan.msk.s32 $0xffff, v37;
	_ =	sdelay $0x3  }
0x43b: {  	v38 =	vmpcnt.ones.xlane vm2;
	_ =	sdelay $0x1  }
0x43c: {  	v3 =	vadd.s32 v3, v38;
	v39, _, _ =	vpop (xrf0)  }
0x43d: {  	v4 =	vadd.s32 v39, v3  }
0x43e: {  	v4 =	vadd.s32 $0xFFFFFFFF, v4;
	_ =	sdelay $0x2  }
0x43f: {  	v40 =	vadd.s32 $0xFFF83000, v2  }
0x440: {  	v2 =	vsel vm1, v2, v40  }
0x441: {  	[tilespmem:v4+s16+$0x0] =	vst.idx.msk vm1, v2  }
0x442: {  	v2 =	vld [tilespmem:s25+$0x2A8];
	_ =	sdelay $0x4  }
0x443: {  	vm2 =	vlt.s32 v2, $0x7D000  }
0x444: {  	v41 =	vsel vm2, $0x1, v0  }
0x445: {  	(xrf0) =	vadd.scan.msk.s32 $0xffff, v41;
	_ =	sdelay $0x3  }
0x446: {  	v42 =	vmpcnt.ones.xlane vm1;
	_ =	sdelay $0x1  }
0x447: {  	v3 =	vadd.s32 v3, v42;
	v43, _, _ =	vpop (xrf0)  }
0x448: {  	v4 =	vadd.s32 v43, v3  }
0x449: {  	v4 =	vadd.s32 $0xFFFFFFFF, v4;
	_ =	sdelay $0x2  }
0x44a: {  	v44 =	vadd.s32 $0xFFF83000, v2  }
0x44b: {  	v2 =	vsel vm2, v2, v44  }
0x44c: {  	[tilespmem:v4+s16+$0x0] =	vst.idx.msk vm2, v2  }
0x44d: {  	v2 =	vld [tilespmem:s25+$0x2B8];
	_ =	sdelay $0x4  }
0x44e: {  	vm1 =	vlt.s32 v2, $0x7D000  }
0x44f: {  	v45 =	vsel vm1, $0x1, v0  }
0x450: {  	(xrf0) =	vadd.scan.msk.s32 $0xffff, v45;
	_ =	sdelay $0x3  }
0x451: {  	v46 =	vmpcnt.ones.xlane vm2;
	_ =	sdelay $0x1  }
0x452: {  	v3 =	vadd.s32 v3, v46;
	v47, _, _ =	vpop (xrf0)  }
0x453: {  	v4 =	vadd.s32 v47, v3  }
0x454: {  	v4 =	vadd.s32 $0xFFFFFFFF, v4;
	_ =	sdelay $0x2  }
0x455: {  	v48 =	vadd.s32 $0xFFF83000, v2  }
0x456: {  	v2 =	vsel vm1, v2, v48  }
0x457: {  	[tilespmem:v4+s16+$0x0] =	vst.idx.msk vm1, v2  }
0x458: {  	v2 =	vld [tilespmem:s25+$0x2C8];
	_ =	sdelay $0x4  }
0x459: {  	vm2 =	vlt.s32 v2, $0x7D000  }
0x45a: {  	v49 =	vsel vm2, $0x1, v0  }
0x45b: {  	(xrf0) =	vadd.scan.msk.s32 $0xffff, v49;
	_ =	sdelay $0x3  }
0x45c: {  	v50 =	vmpcnt.ones.xlane vm1;
	_ =	sdelay $0x1  }
0x45d: {  	v3 =	vadd.s32 v3, v50;
	v51, _, _ =	vpop (xrf0)  }
0x45e: {  	v4 =	vadd.s32 v51, v3  }
0x45f: {  	v4 =	vadd.s32 $0xFFFFFFFF, v4;
	_ =	sdelay $0x2  }
0x460: {  	v52 =	vadd.s32 $0xFFF83000, v2  }
0x461: {  	v2 =	vsel vm2, v2, v52  }
0x462: {  	[tilespmem:v4+s16+$0x0] =	vst.idx.msk vm2, v2  }
0x463: {  	v2 =	vld [tilespmem:s25+$0x2D8];
	_ =	sdelay $0x4  }
0x464: {  	vm1 =	vlt.s32 v2, $0x7D000  }
0x465: {  	v53 =	vsel vm1, $0x1, v0  }
0x466: {  	(xrf0) =	vadd.scan.msk.s32 $0xffff, v53;
	_ =	sdelay $0x3  }
0x467: {  	v54 =	vmpcnt.ones.xlane vm2;
	_ =	sdelay $0x1  }
0x468: {  	v3 =	vadd.s32 v3, v54;
	v55, _, _ =	vpop (xrf0)  }
0x469: {  	v4 =	vadd.s32 v55, v3  }
0x46a: {  	v4 =	vadd.s32 $0xFFFFFFFF, v4;
	_ =	sdelay $0x2  }
0x46b: {  	v56 =	vadd.s32 $0xFFF83000, v2  }
0x46c: {  	v2 =	vsel vm1, v2, v56  }
0x46d: {  	[tilespmem:v4+s16+$0x0] =	vst.idx.msk vm1, v2  }
0x46e: {  	v2 =	vld [tilespmem:s25+$0x2E8];
	_ =	sdelay $0x4  }
0x46f: {  	vm2 =	vlt.s32 v2, $0x7D000  }
0x470: {  	v57 =	vsel vm2, $0x1, v0  }
0x471: {  	(xrf0) =	vadd.scan.msk.s32 $0xffff, v57;
	_ =	sdelay $0x3  }
0x472: {  	v58 =	vmpcnt.ones.xlane vm1;
	_ =	sdelay $0x1  }
0x473: {  	v3 =	vadd.s32 v3, v58;
	v59, _, _ =	vpop (xrf0)  }
0x474: {  	v4 =	vadd.s32 v59, v3  }
0x475: {  	v4 =	vadd.s32 $0xFFFFFFFF, v4;
	_ =	sdelay $0x2  }
0x476: {  	v60 =	vadd.s32 $0xFFF83000, v2  }
0x477: {  	v2 =	vsel vm2, v2, v60  }
0x478: {  	[tilespmem:v4+s16+$0x0] =	vst.idx.msk vm2, v2  }
0x479: {  	v2 =	vld [tilespmem:s25+$0x2F8];
	_ =	sdelay $0x4  }
0x47a: {  	vm1 =	vlt.s32 v2, $0x7D000  }
0x47b: {  	v61 =	vsel vm1, $0x1, v0  }
0x47c: {  	(xrf0) =	vadd.scan.msk.s32 $0xffff, v61;
	_ =	sdelay $0x3  }
0x47d: {  	v62 =	vmpcnt.ones.xlane vm2;
	_ =	sdelay $0x1  }
0x47e: {  	v3 =	vadd.s32 v3, v62;
	v63, _, _ =	vpop (xrf0)  }
0x47f: {  	v4 =	vadd.s32 v63, v3  }
0x480: {  	v4 =	vadd.s32 $0xFFFFFFFF, v4;
	_ =	sdelay $0x2  }
0x481: {  	v8 =	vadd.s32 $0xFFF83000, v2  }
0x482: {  	v2 =	vsel vm1, v2, v8  }
0x483: {  	[tilespmem:v4+s16+$0x0] =	vst.idx.msk vm1, v2  }
0x484: {  	v2 =	vld [tilespmem:s25+$0x308];
	_ =	sdelay $0x4  }
0x485: {  	vm2 =	vlt.s32 v2, $0x7D000  }
0x486: {  	v9 =	vsel vm2, $0x1, v0  }
0x487: {  	(xrf0) =	vadd.scan.msk.s32 $0xffff, v9;
	_ =	sdelay $0x3  }
0x488: {  	v10 =	vmpcnt.ones.xlane vm1;
	_ =	sdelay $0x1  }
0x489: {  	v3 =	vadd.s32 v3, v10;
	v11, _, _ =	vpop (xrf0)  }
0x48a: {  	v4 =	vadd.s32 v11, v3  }
0x48b: {  	v4 =	vadd.s32 $0xFFFFFFFF, v4;
	_ =	sdelay $0x2  }
0x48c: {  	v12 =	vadd.s32 $0xFFF83000, v2  }
0x48d: {  	v2 =	vsel vm2, v2, v12  }
0x48e: {  	[tilespmem:v4+s16+$0x0] =	vst.idx.msk vm2, v2  }
0x48f: {  	v2 =	vld [tilespmem:s25+$0x318];
	_ =	sdelay $0x4  }
0x490: {  	vm1 =	vlt.s32 v2, $0x7D000  }
0x491: {  	vm3 =	vmand vm1, vm0  }
0x492: {  	v13 =	vsel vm3, $0x1, v0  }
0x493: {  	(xrf0) =	vadd.scan.msk.s32 $0xffff, v13;
	_ =	sdelay $0x3  }
0x494: {  	v14 =	vmpcnt.ones.xlane vm2;
	_ =	sdelay $0x1  }
0x495: {  	v3 =	vadd.s32 v3, v14;
	v15, _, _ =	vpop (xrf0)  }
0x496: {  	v4 =	vadd.s32 v15, v3  }
0x497: {  	v4 =	vadd.s32 $0xFFFFFFFF, v4;
	_ =	sdelay $0x2  }
0x498: {  	v16 =	vadd.s32 $0xFFF83000, v2  }
0x499: {  	v2 =	vsel vm1, v2, v16  }
0x49a: {  	[tilespmem:v4+s16+$0x0] =	vst.idx.msk vm3, v2  }
0x49b: {  	v4 =	vld [tilespmem:s25+$0x258];
	_ =	sdelay $0x4  }
0x49c: {  	vm1 =	vgt.s32 v4, $0x7CFFF  }
0x49d: {  	v2 =	vsel vm1, $0x1, v0  }
0x49e: {  	(xrf0) =	vadd.scan.msk.s32 $0xffff, v2;
	_ =	sdelay $0x2  }
0x49f: {  	v2 =	vmpcnt.ones.xlane vm3;
	_ =	sdelay $0x1  }
0x4a0: {  	v2 =	vadd.s32 v3, v2  }
0x4a1: {  	v17 =	vadd.s32 $0xFFFFFFFF, v2;
	v3, _, _ =	vpop (xrf0)  }
0x4a2: {  	v3 =	vadd.s32 v3, v17;
	_ =	sdelay $0x2  }
0x4a3: {  	v18 =	vadd.s32 $0xFFF83000, v4  }
0x4a4: {  	v4 =	vsel vm1, v18, v4  }
0x4a5: {  	[tilespmem:v3+s16+$0x0] =	vst.idx.msk vm1, v4  }
0x4a6: {  	v3 =	vld [tilespmem:s25+$0x268];
	_ =	sdelay $0x4  }
0x4a7: {  	vm2 =	vgt.s32 v3, $0x7CFFF  }
0x4a8: {  	v19 =	vsel vm2, $0x1, v0  }
0x4a9: {  	(xrf0) =	vadd.scan.msk.s32 $0xffff, v19;
	_ =	sdelay $0x3  }
0x4aa: {  	v20 =	vmpcnt.ones.xlane vm1;
	_ =	sdelay $0x1  }
0x4ab: {  	v4 =	vadd.s32 v20, v17;
	v21, _, _ =	vpop (xrf0)  }
0x4ac: {  	v5 =	vadd.s32 v21, v4;
	_ =	sdelay $0x2  }
0x4ad: {  	v22 =	vadd.s32 $0xFFF83000, v3  }
0x4ae: {  	v3 =	vsel vm2, v22, v3  }
0x4af: {  	[tilespmem:v5+s16+$0x0] =	vst.idx.msk vm2, v3  }
0x4b0: {  	v3 =	vld [tilespmem:s25+$0x278];
	_ =	sdelay $0x4  }
0x4b1: {  	vm1 =	vgt.s32 v3, $0x7CFFF  }
0x4b2: {  	v23 =	vsel vm1, $0x1, v0  }
0x4b3: {  	(xrf0) =	vadd.scan.msk.s32 $0xffff, v23;
	_ =	sdelay $0x3  }
0x4b4: {  	v24 =	vmpcnt.ones.xlane vm2;
	_ =	sdelay $0x1  }
0x4b5: {  	v4 =	vadd.s32 v24, v4;
	v25, _, _ =	vpop (xrf0)  }
0x4b6: {  	v5 =	vadd.s32 v25, v4;
	_ =	sdelay $0x2  }
0x4b7: {  	v26 =	vadd.s32 $0xFFF83000, v3  }
0x4b8: {  	v3 =	vsel vm1, v26, v3  }
0x4b9: {  	[tilespmem:v5+s16+$0x0] =	vst.idx.msk vm1, v3  }
0x4ba: {  	v3 =	vld [tilespmem:s25+$0x288];
	_ =	sdelay $0x4  }
0x4bb: {  	vm2 =	vgt.s32 v3, $0x7CFFF  }
0x4bc: {  	v27 =	vsel vm2, $0x1, v0  }
0x4bd: {  	(xrf0) =	vadd.scan.msk.s32 $0xffff, v27;
	_ =	sdelay $0x3  }
0x4be: {  	v28 =	vmpcnt.ones.xlane vm1;
	_ =	sdelay $0x1  }
0x4bf: {  	v4 =	vadd.s32 v28, v4;
	v29, _, _ =	vpop (xrf0)  }
0x4c0: {  	v5 =	vadd.s32 v29, v4;
	_ =	sdelay $0x2  }
0x4c1: {  	v30 =	vadd.s32 $0xFFF83000, v3  }
0x4c2: {  	v3 =	vsel vm2, v30, v3  }
0x4c3: {  	[tilespmem:v5+s16+$0x0] =	vst.idx.msk vm2, v3  }
0x4c4: {  	v3 =	vld [tilespmem:s25+$0x298];
	_ =	sdelay $0x4  }
0x4c5: {  	vm1 =	vgt.s32 v3, $0x7CFFF  }
0x4c6: {  	v31 =	vsel vm1, $0x1, v0  }
0x4c7: {  	(xrf0) =	vadd.scan.msk.s32 $0xffff, v31;
	_ =	sdelay $0x3  }
0x4c8: {  	v32 =	vmpcnt.ones.xlane vm2;
	_ =	sdelay $0x1  }
0x4c9: {  	v4 =	vadd.s32 v32, v4;
	v33, _, _ =	vpop (xrf0)  }
0x4ca: {  	v5 =	vadd.s32 v33, v4;
	_ =	sdelay $0x2  }
0x4cb: {  	v34 =	vadd.s32 $0xFFF83000, v3  }
0x4cc: {  	v3 =	vsel vm1, v34, v3  }
0x4cd: {  	[tilespmem:v5+s16+$0x0] =	vst.idx.msk vm1, v3  }
0x4ce: {  	v3 =	vld [tilespmem:s25+$0x2A8];
	_ =	sdelay $0x4  }
0x4cf: {  	vm2 =	vgt.s32 v3, $0x7CFFF  }
0x4d0: {  	v35 =	vsel vm2, $0x1, v0  }
0x4d1: {  	(xrf0) =	vadd.scan.msk.s32 $0xffff, v35;
	_ =	sdelay $0x3  }
0x4d2: {  	v36 =	vmpcnt.ones.xlane vm1;
	_ =	sdelay $0x1  }
0x4d3: {  	v4 =	vadd.s32 v36, v4;
	v37, _, _ =	vpop (xrf0)  }
0x4d4: {  	v5 =	vadd.s32 v37, v4;
	_ =	sdelay $0x2  }
0x4d5: {  	v38 =	vadd.s32 $0xFFF83000, v3  }
0x4d6: {  	v3 =	vsel vm2, v38, v3  }
0x4d7: {  	[tilespmem:v5+s16+$0x0] =	vst.idx.msk vm2, v3  }
0x4d8: {  	v3 =	vld [tilespmem:s25+$0x2B8];
	_ =	sdelay $0x4  }
0x4d9: {  	vm1 =	vgt.s32 v3, $0x7CFFF  }
0x4da: {  	v39 =	vsel vm1, $0x1, v0  }
0x4db: {  	(xrf0) =	vadd.scan.msk.s32 $0xffff, v39;
	_ =	sdelay $0x3  }
0x4dc: {  	v40 =	vmpcnt.ones.xlane vm2;
	_ =	sdelay $0x1  }
0x4dd: {  	v4 =	vadd.s32 v40, v4;
	v41, _, _ =	vpop (xrf0)  }
0x4de: {  	v5 =	vadd.s32 v41, v4;
	_ =	sdelay $0x2  }
0x4df: {  	v42 =	vadd.s32 $0xFFF83000, v3  }
0x4e0: {  	v3 =	vsel vm1, v42, v3  }
0x4e1: {  	[tilespmem:v5+s16+$0x0] =	vst.idx.msk vm1, v3  }
0x4e2: {  	v3 =	vld [tilespmem:s25+$0x2C8];
	_ =	sdelay $0x4  }
0x4e3: {  	vm2 =	vgt.s32 v3, $0x7CFFF  }
0x4e4: {  	v43 =	vsel vm2, $0x1, v0  }
0x4e5: {  	(xrf0) =	vadd.scan.msk.s32 $0xffff, v43;
	_ =	sdelay $0x3  }
0x4e6: {  	v44 =	vmpcnt.ones.xlane vm1;
	_ =	sdelay $0x1  }
0x4e7: {  	v4 =	vadd.s32 v44, v4;
	v45, _, _ =	vpop (xrf0)  }
0x4e8: {  	v5 =	vadd.s32 v45, v4;
	_ =	sdelay $0x2  }
0x4e9: {  	v46 =	vadd.s32 $0xFFF83000, v3  }
0x4ea: {  	v3 =	vsel vm2, v46, v3  }
0x4eb: {  	[tilespmem:v5+s16+$0x0] =	vst.idx.msk vm2, v3  }
0x4ec: {  	v3 =	vld [tilespmem:s25+$0x2D8];
	_ =	sdelay $0x4  }
0x4ed: {  	vm1 =	vgt.s32 v3, $0x7CFFF  }
0x4ee: {  	v47 =	vsel vm1, $0x1, v0  }
0x4ef: {  	(xrf0) =	vadd.scan.msk.s32 $0xffff, v47;
	_ =	sdelay $0x3  }
0x4f0: {  	v48 =	vmpcnt.ones.xlane vm2;
	_ =	sdelay $0x1  }
0x4f1: {  	v4 =	vadd.s32 v48, v4;
	v49, _, _ =	vpop (xrf0)  }
0x4f2: {  	v5 =	vadd.s32 v49, v4;
	_ =	sdelay $0x2  }
0x4f3: {  	v50 =	vadd.s32 $0xFFF83000, v3  }
0x4f4: {  	v3 =	vsel vm1, v50, v3  }
0x4f5: {  	[tilespmem:v5+s16+$0x0] =	vst.idx.msk vm1, v3  }
0x4f6: {  	v3 =	vld [tilespmem:s25+$0x2E8];
	_ =	sdelay $0x4  }
0x4f7: {  	vm2 =	vgt.s32 v3, $0x7CFFF  }
0x4f8: {  	v51 =	vsel vm2, $0x1, v0  }
0x4f9: {  	(xrf0) =	vadd.scan.msk.s32 $0xffff, v51;
	_ =	sdelay $0x3  }
0x4fa: {  	v52 =	vmpcnt.ones.xlane vm1;
	_ =	sdelay $0x1  }
0x4fb: {  	v4 =	vadd.s32 v52, v4;
	v53, _, _ =	vpop (xrf0)  }
0x4fc: {  	v5 =	vadd.s32 v53, v4;
	_ =	sdelay $0x2  }
0x4fd: {  	v54 =	vadd.s32 $0xFFF83000, v3  }
0x4fe: {  	v3 =	vsel vm2, v54, v3  }
0x4ff: {  	[tilespmem:v5+s16+$0x0] =	vst.idx.msk vm2, v3  }
0x500: {  	v3 =	vld [tilespmem:s25+$0x2F8];
	_ =	sdelay $0x4  }
0x501: {  	vm1 =	vgt.s32 v3, $0x7CFFF  }
0x502: {  	v55 =	vsel vm1, $0x1, v0  }
0x503: {  	(xrf0) =	vadd.scan.msk.s32 $0xffff, v55;
	_ =	sdelay $0x3  }
0x504: {  	v56 =	vmpcnt.ones.xlane vm2;
	_ =	sdelay $0x1  }
0x505: {  	v4 =	vadd.s32 v56, v4;
	v57, _, _ =	vpop (xrf0)  }
0x506: {  	v5 =	vadd.s32 v57, v4;
	_ =	sdelay $0x2  }
0x507: {  	v58 =	vadd.s32 $0xFFF83000, v3  }
0x508: {  	v3 =	vsel vm1, v58, v3  }
0x509: {  	[tilespmem:v5+s16+$0x0] =	vst.idx.msk vm1, v3  }
0x50a: {  	v3 =	vld [tilespmem:s25+$0x308];
	_ =	sdelay $0x4  }
0x50b: {  	vm2 =	vgt.s32 v3, $0x7CFFF  }
0x50c: {  	v59 =	vsel vm2, $0x1, v0  }
0x50d: {  	(xrf0) =	vadd.scan.msk.s32 $0xffff, v59;
	_ =	sdelay $0x3  }
0x50e: {  	v60 =	vmpcnt.ones.xlane vm1;
	_ =	sdelay $0x1  }
0x50f: {  	v4 =	vadd.s32 v60, v4;
	v61, _, _ =	vpop (xrf0)  }
0x510: {  	v5 =	vadd.s32 v61, v4;
	_ =	sdelay $0x2  }
0x511: {  	v62 =	vadd.s32 $0xFFF83000, v3  }
0x512: {  	v3 =	vsel vm2, v62, v3  }
0x513: {  	[tilespmem:v5+s16+$0x0] =	vst.idx.msk vm2, v3  }
0x514: {  	v3 =	vld [tilespmem:s25+$0x318];
	_ =	sdelay $0x4  }
0x515: {  	(v2sf) =	vpush v1, $0x0;
	vm1 =	vgt.s32 v3, $0x7CFFF  }
0x516: {  	vm3 =	vmand vm1, vm0  }
0x517: {  	(v2sf) =	vpush v2, $0x0;
	v63 =	vsel vm3, $0x1, v0  }
0x518: {  	(xrf0) =	vadd.scan.msk.s32 $0xffff, v63;
	_ =	sdelay $0x3  }
0x519: {  	v1 =	vmpcnt.ones.xlane vm2;
	_ =	sdelay $0x1  }
0x51a: {  	v1 =	vadd.s32 v1, v4;
	v2, _, _ =	vpop (xrf0)  }
0x51b: {  	v1 =	vadd.s32 v2, v1;
	_ =	sdelay $0x1  }
0x51c: {  	s24 =	sadd.s32 $0x1, s24  }
0x51d: {  	p0 =	sne.s32 s24, $0x40;
	v2 =	vadd.s32 $0xFFF83000, v3  }
.Ltmp2:
0x51e: {  	v2 =	vsel vm1, v2, v3;
	(pc) =	sbr.rel @p0 .LBB2_2-.Ltmp2, $4  }
0x51f: {  	s28 =	spop (v2sf);
	[tilespmem:v1+s16+$0x0] =	vst.idx.msk vm3, v2  }
0x520: {  	[tilespmem:s17], [sflag:$0x2] =	stream.indirect.gather [hbm4b:s1+s11], $0x80, s16, s11, $0xb8;
	[tilespmem:$0x16F00] =	vst v63  }
0x521: {  	s25 =	spop (v2sf)  }
0x522: {  	[tilespmem:s19], [sflag:$0x2] =	stream.indirect.gather [hbm4b:s1+s13], $0x80, s18, s13, $0xb8;
	[tilespmem:$0x16F00] =	vst v63  }
0x523: {  	_ =	swait.ge [sflag:s20], $0x3C00  }
0x524: {  	[sflag:s20] =	ssyncset.done $0x0  }
0x525: {  	[sflag:s20] =	ssyncadd.s32 $0xFFFFC400  }
0x526: {  	_ =	swait.ge [sflag:s20], $0x2800  }
0x527: {  	[sflag:s20] =	ssyncset.done $0x0  }
0x528: {  	[sflag:s20] =	ssyncadd.s32 $0xFFFFD800  }
0x529: {  	_ =	swait.ge [sflag:s21], $0x3C00  }
0x52a: {  	[sflag:s21] =	ssyncset.done $0x0  }
0x52b: {  	[sflag:s21] =	ssyncadd.s32 $0xFFFFC400  }
0x52c: {  	_ =	swait.ge [sflag:s21], $0x2800  }
0x52d: {  	[sflag:s21] =	ssyncset.done $0x0  }
0x52e: {  	s2 =	simm.s32 $0x12E80;
	s0 =	rddreg [dreg:$0x6];
	[sflag:s21] =	ssyncadd.s32 $0xFFFFD800  }
0x52f: {  	[hbm4b:s0+s4] =	stream.linear.scatter [tilespmem:s2], [sflag:$0x3], $0x4000, $0x38;
	[tilespmem:$0x16F00] =	vst v63  }
0x530: {  	_ =	swait.ge [sflag:s8], $0x4000  }
0x531: {  	s23 =	sadd.s32 $0x1, s23;
	s31 =	rddreg [dreg:$0x7]  }
0x532: {  	p0 =	sne.s32 s23, s31  }
.Ltmp3:
0x533: {  	_ = 	snop;
	(pc) =	sbr.rel @p0 .LBB2_1-.Ltmp3, $3  }
0x534: {  	_ =	sdelay $0x1  }
0x535: {  	[sflag:s8] =	ssyncset.done $0x0  }
0x536: {  	[sflag:s8] =	ssyncadd.s32 $0xFFFFC000  }
0x537: {  	_ =	sfence.sel $0x180000  }
0x538: {  	[bflag:$0x0] =	sbarrier.arrive $0xFFFF  }
0x539: {  	_ =	strace $0x90000047  }
0x53a: {  	s0 =	stileid.u32;
	[bflag:$0x2] =	sbarrier.arrive $0xFFFF  }
0x53b: {  	p0 =	sne.s32 s0, $0x0;
	s0 =	rddreg [dreg:$0x4]  }
0x53c: {  	s0 =	sadd.s32 @!p0 $0x100000, s0  }
0x53d: {  	[sflag:s0] =	ssyncadd.tile.s32 @!p0 $0x1;
	_ =	shalt  }
.Lfunc_end2:
_tile_overlayer_lowered:
.L_overlay_start_2:
0x53e: {  	(tag) =	ssettag $0x2  }
0x53f: {  	s0 =	rddreg [dreg:$0x0];
	s2 =	stileid.u32  }
0x540: {  	s1 =	rddreg [dreg:$0x1];
	p0 =	sne.s32 s2, $0x0  }
0x541: {  	s3 =	rddreg [dreg:$0x2];
	[bflag:$0x3] =	sbarrier.arrive $0xFFFF;
	s2 =	simm.s32 @!p0 $0x1C03  }
0x542: {  	[timem:s3], [sflag:s2] =	dma.local @!p0 [hbm:s0], s1  }
0x543: {  	s0 =	simm.s32 @!p0 $0x3  }
0x544: {  	_ =	swait.ge @!p0 [sflag:s0], s1  }
0x545: {  	s1 =	ssub.s32 @!p0 $0x0, s1;
	[sflag:s0] =	ssyncset.done @!p0 $0x0  }
0x546: {  	[sflag:s0] =	ssyncadd.s32 @!p0 s1  }
0x547: {  	[bflag:$0x3] =	sbarrier.arrive $0xFFFF  }
0x548: {  	_ =	shalt  }

</sc_bundles>
